<compile_context>
chip_gen: v7x
topology: tpu7x:2x2x1
jax: 0.10.2.dev20260603
libtpu: 0.0.44.dev20260713+nightly
codegen_flags: <defaults>
</compile_context>

<pallas_src>
import functools

import jax
import jax.numpy as jnp
from jax import lax
from jax.experimental import pallas as pl
from jax.experimental.pallas import tpu as pltpu
from jax.experimental.pallas import tpu_sc as plsc

N = 10000
E = 320000
D = 128
ED = 64
HD = 128

NB = 1000
EB = 2560

_NC = 2
_NS = 16
_NW = _NC * _NS
_EPW = E // _NW
_NPS = N // _NS

_SC_MESH = dict(core_axis_name="c", subcore_axis_name="s")


def _sc_hist(idx_hbm, w_hbm, out_hbm, idxbuf, wbuf, acc):
    cid = lax.axis_index("c")
    sid = lax.axis_index("s")
    wid = sid * _NC + cid
    base = wid * _EPW
    pltpu.sync_copy(idx_hbm.at[pl.ds(base, _EPW)], idxbuf)
    pltpu.sync_copy(w_hbm.at[pl.ds(base, _EPW)], wbuf)
    zeros = jnp.zeros((16,), jnp.float32)

    def _zero(i, _):
        acc[pl.ds(i * 16, 16)] = zeros
        return 0
    lax.fori_loop(0, N // 16, _zero, 0)

    def _accum(j, _):
        s16 = idxbuf[pl.ds(j * 16, 16)]
        w16 = wbuf[pl.ds(j * 16, 16)]
        plsc.addupdate_scatter(acc, [s16], w16)
        return 0
    lax.fori_loop(0, _EPW // 16, _accum, 0)
    pltpu.sync_copy(acc, out_hbm.at[wid])


def _histogram(dst, w):
    k = pl.kernel(
        _sc_hist,
        out_type=jax.ShapeDtypeStruct((_NW, N), jnp.float32),
        mesh=plsc.VectorSubcoreMesh(**_SC_MESH),
        compiler_params=pltpu.CompilerParams(needs_layout_passes=False),
        scratch_types=[
            pltpu.VMEM((_EPW,), jnp.int32),
            pltpu.VMEM((_EPW,), jnp.float32),
            pltpu.VMEM((N,), jnp.float32),
        ],
    )
    return k(dst, w)


_SCHUNK = 200
_NPAD = 10240
_NHALF = _NPAD // 2
_ACCR = _NHALF + 8
_EPT = E // _NS
_TROWS2 = _NHALF // _NS
_TROWS = _NPAD // _NS
_ZROWS = 32
_RMI = _SCHUNK // 16
_SEG = 4000


def _zero_spmem_half(zbuf, acc_sh, sid):
    zeros = jnp.zeros((16,), jnp.float32)

    def _zero(i, _):
        zbuf[i // 8, pl.ds((i % 8) * 16, 16)] = zeros
        return 0
    lax.fori_loop(0, _ZROWS * 8, _zero, 0)
    stripe = sid * _TROWS2
    for kk in range(_TROWS2 // _ZROWS):
        pltpu.sync_copy(zbuf, acc_sh.at[pl.ds(stripe + kk * _ZROWS, _ZROWS)])

    @pl.when(sid == 0)
    def _():
        pltpu.sync_copy(zbuf.at[pl.ds(0, 8)], acc_sh.at[pl.ds(_NHALF, 8)])


def _remap_chunk(dstbuf, off, lo, ibuf):
    def _rm(j, _):
        d16 = dstbuf[pl.ds(off + j * 16, 16)]
        v = d16 - lo
        oob = (v < 0) | (v >= _NHALF)
        ibuf[pl.ds(j * 16, 16)] = jnp.where(oob, _NHALF, v)
        return 0
    lax.fori_loop(0, _RMI, _rm, 0)


def _copyout_half(acc_sh, out_hbm, cid, sid):
    stripe = sid * _TROWS2
    for kk in range(_TROWS2 // _ZROWS):
        r0 = stripe + kk * _ZROWS
        pltpu.sync_copy(acc_sh.at[pl.ds(r0, _ZROWS)],
                        out_hbm.at[pl.ds(cid * _NHALF + r0, _ZROWS)])


def _sc_scatter(dst_hbm, msg_hbm, out_hbm, idxbuf, rows, zbuf, acc_sh, sem):
    cid = lax.axis_index("c")
    sid = lax.axis_index("s")
    wid = sid * _NC + cid
    zeros = jnp.zeros((16,), jnp.float32)

    def _zero(i, _):
        zbuf[i // 8, pl.ds((i % 8) * 16, 16)] = zeros
        return 0
    lax.fori_loop(0, _ZROWS * 8, _zero, 0)
    stripe = sid * _TROWS
    for kk in range(_TROWS // _ZROWS):
        pltpu.sync_copy(zbuf, acc_sh.at[pl.ds(stripe + kk * _ZROWS, _ZROWS)])
    plsc.subcore_barrier()

    def _chunk(ch, _):
        base = wid * _EPW + ch * _SCHUNK
        d = pltpu.async_copy(msg_hbm.at[pl.ds(base, _SCHUNK)], rows, sem)
        pltpu.sync_copy(dst_hbm.at[pl.ds(base, _SCHUNK)], idxbuf)
        d.wait()
        pltpu.sync_copy(rows, acc_sh.at[idxbuf], add=True)
        return 0
    lax.fori_loop(0, _EPW // _SCHUNK, _chunk, 0)
    plsc.subcore_barrier()
    for kk in range(_TROWS // _ZROWS):
        r0 = stripe + kk * _ZROWS
        pltpu.sync_copy(acc_sh.at[pl.ds(r0, _ZROWS)],
                        out_hbm.at[cid, pl.ds(r0, _ZROWS)])


_GCHUNK = 200


def _sc_gather_body(gch, tabA_hbm, tabB_hbm, src_hbm, dst_hbm,
                    gA_hbm, gB_hbm,
                    srcbuf, dstbuf, rowsA, rowsB, semA, semB):
    cid = lax.axis_index("c")
    sid = lax.axis_index("s")
    wid = sid * _NC + cid
    base = wid * _EPW
    pltpu.sync_copy(src_hbm.at[pl.ds(base, _EPW)], srcbuf)
    pltpu.sync_copy(dst_hbm.at[pl.ds(base, _EPW)], dstbuf)

    def _chunk(ch, _):
        off = ch * gch
        a = pltpu.async_copy(tabA_hbm.at[srcbuf.at[pl.ds(off, gch)]],
                             rowsA, semA)
        b = pltpu.async_copy(tabB_hbm.at[dstbuf.at[pl.ds(off, gch)]],
                             rowsB, semB)
        a.wait()
        b.wait()
        pltpu.sync_copy(rowsA, gA_hbm.at[pl.ds(base + off, gch)])
        pltpu.sync_copy(rowsB, gB_hbm.at[pl.ds(base + off, gch)])
        return 0
    lax.fori_loop(0, _EPW // gch, _chunk, 0)


def _gather_pass(tabA, tabB, src, dst):
    ka = tabA.shape[1]
    kb = tabB.shape[1]
    gch = 400 if ka + kb <= 2 * D else _GCHUNK
    k = pl.kernel(
        functools.partial(_sc_gather_body, gch),
        out_type=[
            jax.ShapeDtypeStruct((E, ka), jnp.float32),
            jax.ShapeDtypeStruct((E, kb), jnp.float32),
        ],
        mesh=plsc.VectorSubcoreMesh(**_SC_MESH),
        compiler_params=pltpu.CompilerParams(needs_layout_passes=False),
        scratch_types=[
            pltpu.VMEM((_EPW,), jnp.int32),
            pltpu.VMEM((_EPW,), jnp.int32),
            pltpu.VMEM((gch, ka), jnp.float32),
            pltpu.VMEM((gch, kb), jnp.float32),
            pltpu.SemaphoreType.DMA,
            pltpu.SemaphoreType.DMA,
        ],
    )
    return k(tabA, tabB, src, dst)


_G1CH = 400


def _sc_gather1_body(tab_hbm, src_hbm, g_hbm, srcbuf, rows, sem):
    cid = lax.axis_index("c")
    sid = lax.axis_index("s")
    wid = sid * _NC + cid
    base = wid * _EPW
    pltpu.sync_copy(src_hbm.at[pl.ds(base, _EPW)], srcbuf)

    def _chunk(ch, _):
        off = ch * _G1CH
        pltpu.async_copy(tab_hbm.at[srcbuf.at[pl.ds(off, _G1CH)]],
                         rows, sem).wait()
        pltpu.sync_copy(rows, g_hbm.at[pl.ds(base + off, _G1CH)])
        return 0
    lax.fori_loop(0, _EPW // _G1CH, _chunk, 0)


def _gather_one(tab, src):
    ka = tab.shape[1]
    k = pl.kernel(
        _sc_gather1_body,
        out_type=jax.ShapeDtypeStruct((E, ka), jnp.float32),
        mesh=plsc.VectorSubcoreMesh(**_SC_MESH),
        compiler_params=pltpu.CompilerParams(needs_layout_passes=False),
        scratch_types=[
            pltpu.VMEM((_EPW,), jnp.int32),
            pltpu.VMEM((_G1CH, ka), jnp.float32),
            pltpu.SemaphoreType.DMA,
        ],
    )
    return k(tab, src)


def _sc_coef_body(dinv_hbm, src_hbm, ew_hbm, coef_hbm,
                  srcbuf, ewbuf, dinvbuf, coefbuf):
    cid = lax.axis_index("c")
    sid = lax.axis_index("s")
    wid = sid * _NC + cid
    base = wid * _EPW
    pltpu.sync_copy(src_hbm.at[pl.ds(base, _EPW)], srcbuf)
    pltpu.sync_copy(ew_hbm.at[pl.ds(base, _EPW)], ewbuf)
    pltpu.sync_copy(dinv_hbm, dinvbuf)

    def _coef(j, _):
        s16 = srcbuf[pl.ds(j * 16, 16)]
        w16 = ewbuf[pl.ds(j * 16, 16)]
        coefbuf[pl.ds(j * 16, 16)] = plsc.load_gather(dinvbuf, [s16]) * w16
        return 0
    lax.fori_loop(0, _EPW // 16, _coef, 0)
    pltpu.sync_copy(coefbuf, coef_hbm.at[pl.ds(base, _EPW)])


def _coef_pass(dinv, src, ew):
    k = pl.kernel(
        _sc_coef_body,
        out_type=jax.ShapeDtypeStruct((E,), jnp.float32),
        mesh=plsc.VectorSubcoreMesh(**_SC_MESH),
        compiler_params=pltpu.CompilerParams(needs_layout_passes=False),
        scratch_types=[
            pltpu.VMEM((_EPW,), jnp.int32),
            pltpu.VMEM((_EPW,), jnp.float32),
            pltpu.VMEM((N,), jnp.float32),
            pltpu.VMEM((_EPW,), jnp.float32),
        ],
    )
    return k(dinv, src, ew)


def _scatter_rows(dst, msg):
    k = pl.kernel(
        _sc_scatter,
        out_type=jax.ShapeDtypeStruct((_NC, _NPAD, D), jnp.float32),
        mesh=plsc.VectorSubcoreMesh(**_SC_MESH),
        compiler_params=pltpu.CompilerParams(needs_layout_passes=False),
        scratch_types=[
            pltpu.VMEM((_SCHUNK,), jnp.int32),
            pltpu.VMEM((_SCHUNK, D), jnp.float32),
            pltpu.VMEM((_ZROWS, D), jnp.float32),
            pltpu.VMEM_SHARED((_NPAD, D), jnp.float32),
            pltpu.SemaphoreType.DMA,
        ],
    )
    return k(dst, msg)


def _erf(z):
    return jax.lax.erf(z)


def _gelu(x):
    return 0.5 * x * (1.0 + _erf(x * 0.7071067811865476))


def _ln(x, g, b):
    m = jnp.mean(x, axis=-1, keepdims=True)
    v = jnp.mean((x - m) ** 2, axis=-1, keepdims=True)
    return (x - m) * jax.lax.rsqrt(v + 1e-5) * g + b


def _ka_body(x_ref, w_ref, deg_ref, tab_ref, xw1s_ref, dinv_ref):
    xc = jnp.dot(x_ref[:], w_ref[:], preferred_element_type=jnp.float32)
    dinv = jax.lax.rsqrt(deg_ref[:] + 1.0)
    tab_ref[:] = xc[:, D:]
    xw1s_ref[:] = xc[:, :D] * dinv
    dinv_ref[:] = dinv


def _node_matmul_dinv(x, wcat, deg):
    ko = wcat.shape[1]
    return pl.pallas_call(
        _ka_body,
        grid=(N // NB,),
        in_specs=[
            pl.BlockSpec((NB, D), lambda i: (i, 0)),
            pl.BlockSpec((D, ko), lambda i: (0, 0)),
            pl.BlockSpec((NB, 1), lambda i: (i, 0)),
        ],
        out_specs=[
            pl.BlockSpec((NB, ko - D), lambda i: (i, 0)),
            pl.BlockSpec((NB, D), lambda i: (i, 0)),
            pl.BlockSpec((NB, 1), lambda i: (i, 0)),
        ],
        out_shape=[
            jax.ShapeDtypeStruct((N, ko - D), jnp.float32),
            jax.ShapeDtypeStruct((N, D), jnp.float32),
            jax.ShapeDtypeStruct((N, 1), jnp.float32),
        ],
    )(x, wcat, deg)


def _kb_body(xs_ref, xd_ref, we2_ref, wu1c_ref,
             be1_ref, be2_ref, bu1_ref, ec_ref):
    e1 = jax.nn.relu(xs_ref[:, :ED] + xd_ref[:, ED:] + be1_ref[:])
    e = jnp.dot(e1, we2_ref[:], preferred_element_type=jnp.float32) + be2_ref[:]
    ec_ref[:] = jnp.dot(e, wu1c_ref[:], preferred_element_type=jnp.float32) + bu1_ref[:]


def _edge_pass1(gS, gD1, We2, Wu1c, be1, be2, bu1):
    return pl.pallas_call(
        _kb_body,
        grid=(E // EB,),
        in_specs=[
            pl.BlockSpec((EB, 2 * ED), lambda i: (i, 0)),
            pl.BlockSpec((EB, 2 * ED), lambda i: (i, 0)),
            pl.BlockSpec((ED, ED), lambda i: (0, 0)),
            pl.BlockSpec((ED, HD), lambda i: (0, 0)),
            pl.BlockSpec((1, ED), lambda i: (0, 0)),
            pl.BlockSpec((1, ED), lambda i: (0, 0)),
            pl.BlockSpec((1, HD), lambda i: (0, 0)),
        ],
        out_specs=pl.BlockSpec((EB, HD), lambda i: (i, 0)),
        out_shape=jax.ShapeDtypeStruct((E, HD), jnp.float32),
    )(gS, gD1, We2, Wu1c,
      be1.reshape(1, ED), be2.reshape(1, ED), bu1.reshape(1, HD))


def _kc_body(acc_ref, xw_ref, dinv_ref, b_ref, g_ref, bt_ref, w_ref,
             tabc_ref, tabd_ref):
    dinv = dinv_ref[:]
    pre = dinv * (acc_ref[0] + acc_ref[1] + xw_ref[:]) + b_ref[:]
    h = _ln(_gelu(pre), g_ref[:], bt_ref[:])
    hcat = jnp.dot(h, w_ref[:], preferred_element_type=jnp.float32)
    tabc_ref[:] = hcat[:, :2 * D]
    tabd_ref[:] = hcat[:, 2 * D:]


def _node_pass2(acc, xw1s, dinv, b1, g1, bt1, wcat2):
    return pl.pallas_call(
        _kc_body,
        grid=(N // NB,),
        in_specs=[
            pl.BlockSpec((_NC, NB, D), lambda i: (0, i, 0)),
            pl.BlockSpec((NB, D), lambda i: (i, 0)),
            pl.BlockSpec((NB, 1), lambda i: (i, 0)),
            pl.BlockSpec((1, D), lambda i: (0, 0)),
            pl.BlockSpec((1, D), lambda i: (0, 0)),
            pl.BlockSpec((1, D), lambda i: (0, 0)),
            pl.BlockSpec((D, 3 * D), lambda i: (0, 0)),
        ],
        out_specs=[
            pl.BlockSpec((NB, 2 * D), lambda i: (i, 0)),
            pl.BlockSpec((NB, D), lambda i: (i, 0)),
        ],
        out_shape=[
            jax.ShapeDtypeStruct((N, 2 * D), jnp.float32),
            jax.ShapeDtypeStruct((N, D), jnp.float32),
        ],
    )(acc, xw1s, dinv, b1.reshape(1, D), g1.reshape(1, D), bt1.reshape(1, D),
      wcat2)


def _kd_body(has_ref, hbd_ref, ec_ref, wu2_ref, bu2_ref, ge_ref, bte_ref,
             ww_ref, bw_ref, ew_ref):
    u1 = jax.nn.relu(has_ref[:] + hbd_ref[:] + ec_ref[:])
    u = jnp.dot(u1, wu2_ref[:], preferred_element_type=jnp.float32) + bu2_ref[:]
    e2 = _ln(u, ge_ref[:], bte_ref[:])
    logit = jnp.sum(e2 * ww_ref[:], axis=-1, keepdims=True) + bw_ref[:]
    ew_ref[:] = jax.nn.sigmoid(logit)


def _edge_pass2(gC, hbd, ec, Wu2, bu2, ge, bte, Ww, bw):
    return pl.pallas_call(
        _kd_body,
        grid=(E // EB,),
        in_specs=[
            pl.BlockSpec((EB, HD), lambda i: (i, 1)),
            pl.BlockSpec((EB, HD), lambda i: (i, 0)),
            pl.BlockSpec((EB, HD), lambda i: (i, 0)),
            pl.BlockSpec((HD, ED), lambda i: (0, 0)),
            pl.BlockSpec((1, ED), lambda i: (0, 0)),
            pl.BlockSpec((1, ED), lambda i: (0, 0)),
            pl.BlockSpec((1, ED), lambda i: (0, 0)),
            pl.BlockSpec((1, ED), lambda i: (0, 0)),
            pl.BlockSpec((1, 1), lambda i: (0, 0)),
        ],
        out_specs=pl.BlockSpec((EB, 1), lambda i: (i, 0)),
        out_shape=jax.ShapeDtypeStruct((E, 1), jnp.float32),
    )(gC, hbd, ec, Wu2, bu2.reshape(1, ED), ge.reshape(1, ED),
      bte.reshape(1, ED), Ww.reshape(1, ED), bw.reshape(1, 1))


def _kg_body(g2w_ref, m2_ref, msg_ref):
    msg_ref[:] = g2w_ref[:] * m2_ref[:]


def _edge_scale2(gC, m2):
    return pl.pallas_call(
        _kg_body,
        grid=(E // EB,),
        in_specs=[
            pl.BlockSpec((EB, D), lambda i: (i, 0)),
            pl.BlockSpec((EB, 1), lambda i: (i, 0)),
        ],
        out_specs=pl.BlockSpec((EB, D), lambda i: (i, 0)),
        out_shape=jax.ShapeDtypeStruct((E, D), jnp.float32),
    )(gC, m2)


def _kf_body(deg_ref, hw_ref, dinv_ref, hws_ref):
    dinv = jax.lax.rsqrt(deg_ref[:] + 1.0)
    dinv_ref[:] = dinv
    hws_ref[:] = hw_ref[:] * dinv


def _dinv2_scale(deg, tabC):
    return pl.pallas_call(
        _kf_body,
        grid=(N // NB,),
        in_specs=[
            pl.BlockSpec((NB, 1), lambda i: (i, 0)),
            pl.BlockSpec((NB, D), lambda i: (i, 0)),
        ],
        out_specs=[
            pl.BlockSpec((NB, 1), lambda i: (i, 0)),
            pl.BlockSpec((NB, D), lambda i: (i, 0)),
        ],
        out_shape=[
            jax.ShapeDtypeStruct((N, 1), jnp.float32),
            jax.ShapeDtypeStruct((N, D), jnp.float32),
        ],
    )(deg, tabC)


def _ke_body(acc_ref, hws_ref, dinv_ref, b_ref, g_ref, bt_ref, h2_ref):
    pre = dinv_ref[:] * (acc_ref[0] + acc_ref[1] + hws_ref[:]) + b_ref[:]
    h2_ref[:] = _ln(_gelu(pre), g_ref[:], bt_ref[:])


def _node_final(acc, hws, dinv, b2, g2, bt2):
    return pl.pallas_call(
        _ke_body,
        grid=(N // NB,),
        in_specs=[
            pl.BlockSpec((_NC, NB, D), lambda i: (0, i, 0)),
            pl.BlockSpec((NB, D), lambda i: (i, 0)),
            pl.BlockSpec((NB, 1), lambda i: (i, 0)),
            pl.BlockSpec((1, D), lambda i: (0, 0)),
            pl.BlockSpec((1, D), lambda i: (0, 0)),
            pl.BlockSpec((1, D), lambda i: (0, 0)),
        ],
        out_specs=pl.BlockSpec((NB, D), lambda i: (i, 0)),
        out_shape=jax.ShapeDtypeStruct((N, D), jnp.float32),
    )(acc, hws, dinv, b2.reshape(1, D), g2.reshape(1, D), bt2.reshape(1, D))


def kernel(x, edge_index, W1, b1, g1, bt1, W2, b2, g2, bt2, We1, be1, We2,
           be2, Wu1, bu1, Wu2, bu2, ge, bte, Ww, bw):
    src = edge_index[0]
    dst = edge_index[1]

    We1a, We1b = We1[:D], We1[D:]
    Wu1a, Wu1b, Wu1c = Wu1[:D], Wu1[D:2 * D], Wu1[2 * D:]

    ones_e = jnp.ones((E,), jnp.float32)
    deg1 = _histogram(dst, ones_e).sum(axis=0)

    wcat = jnp.concatenate([W1, We1a, We1b], axis=1)
    tabAB, xw1s, dinv1 = _node_matmul_dinv(x, wcat, deg1.reshape(N, 1))

    gX = _gather_one(xw1s, src)
    acc1 = _scatter_rows(dst, gX)

    gS, gD1 = _gather_pass(tabAB, tabAB, src, dst)
    ec = _edge_pass1(gS, gD1, We2, Wu1c, be1, be2, bu1)

    wcat2 = jnp.concatenate([W2, Wu1a, Wu1b], axis=1)
    tabC, tabD = _node_pass2(acc1, xw1s, dinv1, b1, g1, bt1, wcat2)

    gC, gDD = _gather_pass(tabC, tabD, src, dst)

    ew = _edge_pass2(gC, gDD, ec, Wu2, bu2, ge, bte, Ww, bw)
    ewf = ew[:, 0]

    deg2 = _histogram(dst, ewf).sum(axis=0)
    dinv2, h1w2s = _dinv2_scale(deg2.reshape(N, 1), tabC)
    m2 = _coef_pass(dinv2[:, 0], src, ewf)

    msg2 = _edge_scale2(gC, m2.reshape(E, 1))
    acc2 = _scatter_rows(dst, msg2)

    h2 = _node_final(acc2, h1w2s, dinv2, b2, g2, bt2)
    return h2

# --- scband reference (transcript-rebuilt; emitter-appended) ---
"""Pipeline reference for scband-vi-te-58342835749147 (READ-ONLY COPY).

The authoritative reference and input builder live on the scoring server;
editing this copy changes nothing except your own understanding.
"""

import jax, jax.numpy as jnp
import numpy as np

N = 10000
E = 320000
D = 128
ED = 64
HD = 128

def _ln(x, g, b):
    m = jnp.mean(x, axis=-1, keepdims=True)
    v = jnp.var(x, axis=-1, keepdims=True)
    return (x - m) / jnp.sqrt(v + 1e-5) * g + b

def _gcn(x, src, dst, W, b, ew=None):
    n = x.shape[0]
    loop = jnp.arange(n, dtype=src.dtype)
    s = jnp.concatenate([src, loop])
    d = jnp.concatenate([dst, loop])
    if ew is None:
        w = jnp.ones(s.shape[0], dtype=x.dtype)
    else:
        w = jnp.concatenate([ew, jnp.ones(n, dtype=x.dtype)])
    deg = jnp.zeros(n, dtype=x.dtype).at[d].add(w)
    dinv = jnp.where(deg > 0, 1.0 / jnp.sqrt(jnp.maximum(deg, 1e-12)), 0.0)
    coef = dinv[s] * dinv[d] * w
    xw = x @ W
    msg = xw[s] * coef[:, None]
    out = jnp.zeros_like(xw).at[d].add(msg) + b
    return out

def setup_inputs(seed: int = 0):
    key = jax.random.key(seed)
    ks = jax.random.split(key, 16)
    def lin(k, fi, fo):
        return jax.random.normal(k, (fi, fo), dtype=jnp.float32) / np.sqrt(fi).astype(np.float32)
    inp = {}
    inp["x"] = jax.random.normal(ks[0], (N, D), dtype=jnp.float32)
    inp["edge_index"] = jax.random.randint(ks[1], (2, E), 0, N, dtype=jnp.int32)
    inp["W1"] = lin(ks[2], D, D)
    inp["b1"] = jnp.zeros((D,), jnp.float32)
    inp["g1"] = jnp.ones((D,), jnp.float32)
    inp["bt1"] = jnp.zeros((D,), jnp.float32)
    inp["W2"] = lin(ks[3], D, D)
    inp["b2"] = jnp.zeros((D,), jnp.float32)
    inp["g2"] = jnp.ones((D,), jnp.float32)
    inp["bt2"] = jnp.zeros((D,), jnp.float32)
    inp["We1"] = lin(ks[4], 2 * D, ED)
    inp["be1"] = jnp.zeros((ED,), jnp.float32)
    inp["We2"] = lin(ks[5], ED, ED)
    inp["be2"] = jnp.zeros((ED,), jnp.float32)
    inp["Wu1"] = lin(ks[6], 2 * D + ED, HD)
    inp["bu1"] = jnp.zeros((HD,), jnp.float32)
    inp["Wu2"] = lin(ks[7], HD, ED)
    inp["bu2"] = jnp.zeros((ED,), jnp.float32)
    inp["ge"] = jnp.ones((ED,), jnp.float32)
    inp["bte"] = jnp.zeros((ED,), jnp.float32)
    inp["Ww"] = lin(ks[8], ED, 1)
    inp["bw"] = jnp.zeros((1,), jnp.float32)
    return inp

def reference(x, edge_index, W1, b1, g1, bt1, W2, b2, g2, bt2, We1, be1, We2, be2, Wu1, bu1, Wu2, bu2, ge, bte, Ww, bw):
    src = edge_index[0]
    dst = edge_index[1]
    # edge_init_mlp on gathered endpoint features
    e = jnp.concatenate([x[src], x[dst]], axis=-1)
    e = jax.nn.relu(e @ We1 + be1) @ We2 + be2
    # GCN layer 1 + GELU + LayerNorm
    h1 = _gcn(x, src, dst, W1, b1)
    h1 = jax.nn.gelu(h1, approximate=False)
    h1 = _ln(h1, g1, bt1)
    # edge_update_mlp on updated node features + edge features
    u = jnp.concatenate([h1[src], h1[dst], e], axis=-1)
    u = jax.nn.relu(u @ Wu1 + bu1) @ Wu2 + bu2
    e2 = _ln(u, ge, bte)
    # edge_to_weight -> scalar edge weight per edge
    ew = jax.nn.sigmoid(e2 @ Ww + bw)[:, 0]
    # GCN layer 2 with learned edge weights + GELU + LayerNorm
    h2 = _gcn(h1, src, dst, W2, b2, ew)
    h2 = jax.nn.gelu(h2, approximate=False)
    h2 = _ln(h2, g2, bt2)
    return h2

if __name__ == "__main__":
    import jax
    _d = setup_inputs()
    print(jax.jit(kernel)(*tuple(_d.values())))

</pallas_src>

<mosaic_0001>
#map = affine_map<(d0, d1) -> (0, 0)>
#map1 = affine_map<(d0, d1) -> (0)>
module attributes {stable_mosaic.version = 14 : i64} {
  func.func @_sc_gather_body(%arg0: i32, %arg1: i32, %arg2: memref<10000x128xf32, #tpu.memory_space<hbm>>, %arg3: memref<10000x128xf32, #tpu.memory_space<hbm>>, %arg4: memref<320000xi32, #tpu.memory_space<hbm>>, %arg5: memref<320000xi32, #tpu.memory_space<hbm>>, %arg6: memref<320000x128xf32, #tpu.memory_space<hbm>>, %arg7: memref<320000x128xf32, #tpu.memory_space<hbm>>, %arg8: memref<10000xi32, #tpu.memory_space<vmem>>, %arg9: memref<10000xi32, #tpu.memory_space<vmem>>, %arg10: memref<400x128xf32, #tpu.memory_space<vmem>>, %arg11: memref<400x128xf32, #tpu.memory_space<vmem>>, %arg12: memref<!tpu.dma_semaphore, #tpu.memory_space<semaphore_mem>>, %arg13: memref<!tpu.dma_semaphore, #tpu.memory_space<semaphore_mem>>) attributes {dimension_semantics = [#tpu.dimension_semantics<core_parallel>, #tpu.dimension_semantics<subcore_parallel>], iteration_bounds = array<i64: 2, 16>, scalar_prefetch = 0 : i64, scratch_operands = 6 : i64, tpu.core_type = #tpu.core_type<sc_vector_subcore>, window_params = [{transform_indices = #map}, {transform_indices = #map}, {transform_indices = #map1}, {transform_indices = #map1}, {transform_indices = #map}, {transform_indices = #map}]} {
    %mul3A = arith.constant 2 : i32
    %mul3A_0 = arith.muli %arg1, %mul3A : i32
    %add3A = arith.addi %mul3A_0, %arg0 : i32
    %mul3A_1 = arith.constant 10000 : i32
    %mul3A_2 = arith.muli %add3A, %mul3A_1 : i32
    "tpu.region"() ({
      %run_scoped3A = tpu.sem_alloc : memref<!tpu.dma_semaphore, #tpu.memory_space<semaphore_mem>>
      %dma_start3A = tpu.memref_slice %arg4[%mul3A_2] : memref<320000xi32, #tpu.memory_space<hbm>> -> memref<10000xi32, #tpu.memory_space<hbm>>
      %dma_start3A_9 = tpu.memref_slice %arg4[%mul3A_2] : memref<320000xi32, #tpu.memory_space<hbm>> -> memref<10000xi32, #tpu.memory_space<hbm>>
      tpu.enqueue_dma source(%dma_start3A_9 : memref<10000xi32, #tpu.memory_space<hbm>>) target(%arg8 : memref<10000xi32, #tpu.memory_space<vmem>>) target_semaphore(%run_scoped3A : memref<!tpu.dma_semaphore, #tpu.memory_space<semaphore_mem>>)
      %dma_wait3A = tpu.memref_slice %arg4[%mul3A_2] : memref<320000xi32, #tpu.memory_space<hbm>> -> memref<10000xi32, #tpu.memory_space<hbm>>
      %dma_wait3A_10 = tpu.memref_slice %arg4[%mul3A_2] : memref<320000xi32, #tpu.memory_space<hbm>> -> memref<10000xi32, #tpu.memory_space<hbm>>
      tpu.wait_dma2 semaphore(%run_scoped3A : memref<!tpu.dma_semaphore, #tpu.memory_space<semaphore_mem>>) src(%dma_wait3A_10 : memref<10000xi32, #tpu.memory_space<hbm>>) dst(%arg8 : memref<10000xi32, #tpu.memory_space<vmem>>)
      tpu.yield
    }) : () -> ()
    "tpu.region"() ({
      %run_scoped3A = tpu.sem_alloc : memref<!tpu.dma_semaphore, #tpu.memory_space<semaphore_mem>>
      %dma_start3A = tpu.memref_slice %arg5[%mul3A_2] : memref<320000xi32, #tpu.memory_space<hbm>> -> memref<10000xi32, #tpu.memory_space<hbm>>
      %dma_start3A_9 = tpu.memref_slice %arg5[%mul3A_2] : memref<320000xi32, #tpu.memory_space<hbm>> -> memref<10000xi32, #tpu.memory_space<hbm>>
      tpu.enqueue_dma source(%dma_start3A_9 : memref<10000xi32, #tpu.memory_space<hbm>>) target(%arg9 : memref<10000xi32, #tpu.memory_space<vmem>>) target_semaphore(%run_scoped3A : memref<!tpu.dma_semaphore, #tpu.memory_space<semaphore_mem>>)
      %dma_wait3A = tpu.memref_slice %arg5[%mul3A_2] : memref<320000xi32, #tpu.memory_space<hbm>> -> memref<10000xi32, #tpu.memory_space<hbm>>
      %dma_wait3A_10 = tpu.memref_slice %arg5[%mul3A_2] : memref<320000xi32, #tpu.memory_space<hbm>> -> memref<10000xi32, #tpu.memory_space<hbm>>
      tpu.wait_dma2 semaphore(%run_scoped3A : memref<!tpu.dma_semaphore, #tpu.memory_space<semaphore_mem>>) src(%dma_wait3A_10 : memref<10000xi32, #tpu.memory_space<hbm>>) dst(%arg9 : memref<10000xi32, #tpu.memory_space<vmem>>)
      tpu.yield
    }) : () -> ()
    %scan3A = arith.constant 0 : i32
    %scan3A_3 = arith.constant 0 : i32
    %scan3A_4 = arith.constant 25 : i32
    %scan3A_5 = arith.addi %scan3A_3, %scan3A_4 : i32
    %scan3A_6 = arith.constant 1 : i32
    %scan3A_7 = scf.for %scan3A_9 = %scan3A_3 to %scan3A_5 step %scan3A_6 iter_args(%scan3A_10 = %scan3A) -> (i32)  : i32 {
      %mul3A_11 = arith.constant 400 : i32
      %mul3A_12 = arith.muli %scan3A_9, %mul3A_11 : i32
      %dma_start3A = tpu.memref_slice %arg8[%mul3A_12] : memref<10000xi32, #tpu.memory_space<vmem>> -> memref<400xi32, #tpu.memory_space<vmem>>
      %dma_start3A_13 = arith.constant 0 : i32
      %dma_start3A_14 = arith.constant 0 : i32
      %dma_start3A_15 = tpu.memref_slice %arg2[%dma_start3A_13, %dma_start3A_14] : memref<10000x128xf32, #tpu.memory_space<hbm>> -> memref<10000x128xf32, #tpu.memory_space<hbm>>
      tpu.enqueue_indirect_dma source(%dma_start3A_15 : memref<10000x128xf32, #tpu.memory_space<hbm>>) target(%arg10 : memref<400x128xf32, #tpu.memory_space<vmem>>) offsets(%dma_start3A : memref<400xi32, #tpu.memory_space<vmem>>) semaphore(%arg12 : memref<!tpu.dma_semaphore, #tpu.memory_space<semaphore_mem>>)
      %dma_start3A_16 = tpu.memref_slice %arg9[%mul3A_12] : memref<10000xi32, #tpu.memory_space<vmem>> -> memref<400xi32, #tpu.memory_space<vmem>>
      %dma_start3A_17 = arith.constant 0 : i32
      %dma_start3A_18 = arith.constant 0 : i32
      %dma_start3A_19 = tpu.memref_slice %arg3[%dma_start3A_17, %dma_start3A_18] : memref<10000x128xf32, #tpu.memory_space<hbm>> -> memref<10000x128xf32, #tpu.memory_space<hbm>>
      tpu.enqueue_indirect_dma source(%dma_start3A_19 : memref<10000x128xf32, #tpu.memory_space<hbm>>) target(%arg11 : memref<400x128xf32, #tpu.memory_space<vmem>>) offsets(%dma_start3A_16 : memref<400xi32, #tpu.memory_space<vmem>>) semaphore(%arg13 : memref<!tpu.dma_semaphore, #tpu.memory_space<semaphore_mem>>)
      %dma_wait3A = tpu.memref_slice %arg8[%mul3A_12] : memref<10000xi32, #tpu.memory_space<vmem>> -> memref<400xi32, #tpu.memory_space<vmem>>
      %dma_wait3A_20 = arith.constant 0 : i32
      %dma_wait3A_21 = arith.constant 0 : i32
      %dma_wait3A_22 = tpu.memref_slice %arg2[%dma_wait3A_20, %dma_wait3A_21] : memref<10000x128xf32, #tpu.memory_space<hbm>> -> memref<10000x128xf32, #tpu.memory_space<hbm>>
      tpu.wait_indirect_dma semaphore(%arg12 : memref<!tpu.dma_semaphore, #tpu.memory_space<semaphore_mem>>) src(%dma_wait3A_22 : memref<10000x128xf32, #tpu.memory_space<hbm>>) dst(%arg10 : memref<400x128xf32, #tpu.memory_space<vmem>>)
      %dma_wait3A_23 = tpu.memref_slice %arg9[%mul3A_12] : memref<10000xi32, #tpu.memory_space<vmem>> -> memref<400xi32, #tpu.memory_space<vmem>>
      %dma_wait3A_24 = arith.constant 0 : i32
      %dma_wait3A_25 = arith.constant 0 : i32
      %dma_wait3A_26 = tpu.memref_slice %arg3[%dma_wait3A_24, %dma_wait3A_25] : memref<10000x128xf32, #tpu.memory_space<hbm>> -> memref<10000x128xf32, #tpu.memory_space<hbm>>
      tpu.wait_indirect_dma semaphore(%arg13 : memref<!tpu.dma_semaphore, #tpu.memory_space<semaphore_mem>>) src(%dma_wait3A_26 : memref<10000x128xf32, #tpu.memory_space<hbm>>) dst(%arg11 : memref<400x128xf32, #tpu.memory_space<vmem>>)
      %add3A_27 = arith.addi %mul3A_2, %mul3A_12 : i32
      "tpu.region"() ({
        %run_scoped3A = tpu.sem_alloc : memref<!tpu.dma_semaphore, #tpu.memory_space<semaphore_mem>>
        %dma_start3A_30 = arith.constant 0 : i32
        %dma_start3A_31 = tpu.memref_slice %arg6[%add3A_27, %dma_start3A_30] : memref<320000x128xf32, #tpu.memory_space<hbm>> -> memref<400x128xf32, #tpu.memory_space<hbm>>
        %dma_start3A_32 = arith.constant 0 : i32
        %dma_start3A_33 = tpu.memref_slice %arg6[%add3A_27, %dma_start3A_32] : memref<320000x128xf32, #tpu.memory_space<hbm>> -> memref<400x128xf32, #tpu.memory_space<hbm>>
        tpu.enqueue_dma source(%arg10 : memref<400x128xf32, #tpu.memory_space<vmem>>) target(%dma_start3A_33 : memref<400x128xf32, #tpu.memory_space<hbm>>) target_semaphore(%run_scoped3A : memref<!tpu.dma_semaphore, #tpu.memory_space<semaphore_mem>>)
        %dma_wait3A_34 = arith.constant 0 : i32
        %dma_wait3A_35 = tpu.memref_slice %arg6[%add3A_27, %dma_wait3A_34] : memref<320000x128xf32, #tpu.memory_space<hbm>> -> memref<400x128xf32, #tpu.memory_space<hbm>>
        %dma_wait3A_36 = arith.constant 0 : i32
        %dma_wait3A_37 = tpu.memref_slice %arg6[%add3A_27, %dma_wait3A_36] : memref<320000x128xf32, #tpu.memory_space<hbm>> -> memref<400x128xf32, #tpu.memory_space<hbm>>
        tpu.wait_dma2 semaphore(%run_scoped3A : memref<!tpu.dma_semaphore, #tpu.memory_space<semaphore_mem>>) src(%arg10 : memref<400x128xf32, #tpu.memory_space<vmem>>) dst(%dma_wait3A_37 : memref<400x128xf32, #tpu.memory_space<hbm>>)
        tpu.yield
      }) : () -> ()
      %add3A_28 = arith.addi %mul3A_2, %mul3A_12 : i32
      "tpu.region"() ({
        %run_scoped3A = tpu.sem_alloc : memref<!tpu.dma_semaphore, #tpu.memory_space<semaphore_mem>>
        %dma_start3A_30 = arith.constant 0 : i32
        %dma_start3A_31 = tpu.memref_slice %arg7[%add3A_28, %dma_start3A_30] : memref<320000x128xf32, #tpu.memory_space<hbm>> -> memref<400x128xf32, #tpu.memory_space<hbm>>
        %dma_start3A_32 = arith.constant 0 : i32
        %dma_start3A_33 = tpu.memref_slice %arg7[%add3A_28, %dma_start3A_32] : memref<320000x128xf32, #tpu.memory_space<hbm>> -> memref<400x128xf32, #tpu.memory_space<hbm>>
        tpu.enqueue_dma source(%arg11 : memref<400x128xf32, #tpu.memory_space<vmem>>) target(%dma_start3A_33 : memref<400x128xf32, #tpu.memory_space<hbm>>) target_semaphore(%run_scoped3A : memref<!tpu.dma_semaphore, #tpu.memory_space<semaphore_mem>>)
        %dma_wait3A_34 = arith.constant 0 : i32
        %dma_wait3A_35 = tpu.memref_slice %arg7[%add3A_28, %dma_wait3A_34] : memref<320000x128xf32, #tpu.memory_space<hbm>> -> memref<400x128xf32, #tpu.memory_space<hbm>>
        %dma_wait3A_36 = arith.constant 0 : i32
        %dma_wait3A_37 = tpu.memref_slice %arg7[%add3A_28, %dma_wait3A_36] : memref<320000x128xf32, #tpu.memory_space<hbm>> -> memref<400x128xf32, #tpu.memory_space<hbm>>
        tpu.wait_dma2 semaphore(%run_scoped3A : memref<!tpu.dma_semaphore, #tpu.memory_space<semaphore_mem>>) src(%arg11 : memref<400x128xf32, #tpu.memory_space<vmem>>) dst(%dma_wait3A_37 : memref<400x128xf32, #tpu.memory_space<hbm>>)
        tpu.yield
      }) : () -> ()
      %scan3A_29 = arith.constant 0 : i32
      scf.yield %scan3A_29 : i32
    }
    %scan3A_8 = arith.constant 25 : i32
    return
  }
}

#map = affine_map<(d0, d1) -> (0)>
#map1 = affine_map<(d0, d1) -> (0, 0)>
module attributes {stable_mosaic.version = 14 : i64} {
  func.func @_sc_hist(%arg0: i32, %arg1: i32, %arg2: memref<320000xi32, #tpu.memory_space<hbm>>, %arg3: memref<320000xf32, #tpu.memory_space<hbm>>, %arg4: memref<32x10000xf32, #tpu.memory_space<hbm>>, %arg5: memref<10000xi32, #tpu.memory_space<vmem>>, %arg6: memref<10000xf32, #tpu.memory_space<vmem>>, %arg7: memref<10000xf32, #tpu.memory_space<vmem>>) attributes {dimension_semantics = [#tpu.dimension_semantics<core_parallel>, #tpu.dimension_semantics<subcore_parallel>], iteration_bounds = array<i64: 2, 16>, scalar_prefetch = 0 : i64, scratch_operands = 3 : i64, tpu.core_type = #tpu.core_type<sc_vector_subcore>, window_params = [{transform_indices = #map}, {transform_indices = #map}, {transform_indices = #map1}]} {
    %mul3A = arith.constant 2 : i32
    %mul3A_0 = arith.muli %arg1, %mul3A : i32
    %add3A = arith.addi %mul3A_0, %arg0 : i32
    %mul3A_1 = arith.constant 10000 : i32
    %mul3A_2 = arith.muli %add3A, %mul3A_1 : i32
    "tpu.region"() ({
      %run_scoped3A = tpu.sem_alloc : memref<!tpu.dma_semaphore, #tpu.memory_space<semaphore_mem>>
      %dma_start3A = tpu.memref_slice %arg2[%mul3A_2] : memref<320000xi32, #tpu.memory_space<hbm>> -> memref<10000xi32, #tpu.memory_space<hbm>>
      %dma_start3A_17 = tpu.memref_slice %arg2[%mul3A_2] : memref<320000xi32, #tpu.memory_space<hbm>> -> memref<10000xi32, #tpu.memory_space<hbm>>
      tpu.enqueue_dma source(%dma_start3A_17 : memref<10000xi32, #tpu.memory_space<hbm>>) target(%arg5 : memref<10000xi32, #tpu.memory_space<vmem>>) target_semaphore(%run_scoped3A : memref<!tpu.dma_semaphore, #tpu.memory_space<semaphore_mem>>)
      %dma_wait3A = tpu.memref_slice %arg2[%mul3A_2] : memref<320000xi32, #tpu.memory_space<hbm>> -> memref<10000xi32, #tpu.memory_space<hbm>>
      %dma_wait3A_18 = tpu.memref_slice %arg2[%mul3A_2] : memref<320000xi32, #tpu.memory_space<hbm>> -> memref<10000xi32, #tpu.memory_space<hbm>>
      tpu.wait_dma2 semaphore(%run_scoped3A : memref<!tpu.dma_semaphore, #tpu.memory_space<semaphore_mem>>) src(%dma_wait3A_18 : memref<10000xi32, #tpu.memory_space<hbm>>) dst(%arg5 : memref<10000xi32, #tpu.memory_space<vmem>>)
      tpu.yield
    }) : () -> ()
    "tpu.region"() ({
      %run_scoped3A = tpu.sem_alloc : memref<!tpu.dma_semaphore, #tpu.memory_space<semaphore_mem>>
      %dma_start3A = tpu.memref_slice %arg3[%mul3A_2] : memref<320000xf32, #tpu.memory_space<hbm>> -> memref<10000xf32, #tpu.memory_space<hbm>>
      %dma_start3A_17 = tpu.memref_slice %arg3[%mul3A_2] : memref<320000xf32, #tpu.memory_space<hbm>> -> memref<10000xf32, #tpu.memory_space<hbm>>
      tpu.enqueue_dma source(%dma_start3A_17 : memref<10000xf32, #tpu.memory_space<hbm>>) target(%arg6 : memref<10000xf32, #tpu.memory_space<vmem>>) target_semaphore(%run_scoped3A : memref<!tpu.dma_semaphore, #tpu.memory_space<semaphore_mem>>)
      %dma_wait3A = tpu.memref_slice %arg3[%mul3A_2] : memref<320000xf32, #tpu.memory_space<hbm>> -> memref<10000xf32, #tpu.memory_space<hbm>>
      %dma_wait3A_18 = tpu.memref_slice %arg3[%mul3A_2] : memref<320000xf32, #tpu.memory_space<hbm>> -> memref<10000xf32, #tpu.memory_space<hbm>>
      tpu.wait_dma2 semaphore(%run_scoped3A : memref<!tpu.dma_semaphore, #tpu.memory_space<semaphore_mem>>) src(%dma_wait3A_18 : memref<10000xf32, #tpu.memory_space<hbm>>) dst(%arg6 : memref<10000xf32, #tpu.memory_space<vmem>>)
      tpu.yield
    }) : () -> ()
    %broadcast_in_dim3A = arith.constant 0.000000e+00 : f32
    %broadcast_in_dim3A_3 = vector.broadcast %broadcast_in_dim3A : f32 to vector<16xf32>
    %scan3A = arith.constant 0 : i32
    %scan3A_4 = arith.constant 0 : i32
    %scan3A_5 = arith.constant 625 : i32
    %scan3A_6 = arith.addi %scan3A_4, %scan3A_5 : i32
    %scan3A_7 = arith.constant 1 : i32
    %scan3A_8 = scf.for %scan3A_17 = %scan3A_4 to %scan3A_6 step %scan3A_7 iter_args(%scan3A_18 = %scan3A) -> (i32)  : i32 {
      %mul3A_19 = arith.constant 16 : i32
      %mul3A_20 = arith.muli %scan3A_17, %mul3A_19 : i32
      %swap3A = arith.index_cast %mul3A_20 : i32 to index
      %swap3A_21 = tpu.vector_load %arg7[%swap3A] {strides = array<i32>} : memref<10000xf32, #tpu.memory_space<vmem>>, vector<16xf32>,
      tpu.vector_store %arg7[%swap3A], %broadcast_in_dim3A_3 {strides = array<i32>} : memref<10000xf32, #tpu.memory_space<vmem>>, vector<16xf32>,
      %scan3A_22 = arith.constant 0 : i32
      scf.yield %scan3A_22 : i32
    }
    %scan3A_9 = arith.constant 625 : i32
    %scan3A_10 = arith.constant 0 : i32
    %scan3A_11 = arith.constant 0 : i32
    %scan3A_12 = arith.constant 625 : i32
    %scan3A_13 = arith.addi %scan3A_11, %scan3A_12 : i32
    %scan3A_14 = arith.constant 1 : i32
    %scan3A_15 = scf.for %scan3A_17 = %scan3A_11 to %scan3A_13 step %scan3A_14 iter_args(%scan3A_18 = %scan3A_10) -> (i32)  : i32 {
      %mul3A_19 = arith.constant 16 : i32
      %mul3A_20 = arith.muli %scan3A_17, %mul3A_19 : i32
      %get3A = arith.index_cast %mul3A_20 : i32 to index
      %get3A_21 = tpu.vector_load %arg5[%get3A] {strides = array<i32>} : memref<10000xi32, #tpu.memory_space<vmem>>, vector<16xi32>,
      %mul3A_22 = arith.constant 16 : i32
      %mul3A_23 = arith.muli %scan3A_17, %mul3A_22 : i32
      %get3A_24 = arith.index_cast %mul3A_23 : i32 to index
      %get3A_25 = tpu.vector_load %arg6[%get3A_24] {strides = array<i32>} : memref<10000xf32, #tpu.memory_space<vmem>>, vector<16xf32>,
      tpu.vector_store_idx %arg7[%get3A_21], %get3A_25 {add = true} : memref<10000xf32, #tpu.memory_space<vmem>>[vector<16xi32>], vector<16xf32>,
      %scan3A_26 = arith.constant 0 : i32
      scf.yield %scan3A_26 : i32
    }
    %scan3A_16 = arith.constant 625 : i32
    "tpu.region"() ({
      %run_scoped3A = tpu.sem_alloc : memref<!tpu.dma_semaphore, #tpu.memory_space<semaphore_mem>>
      %dma_start3A = arith.constant 0 : i32
      %dma_start3A_17 = tpu.memref_slice %arg4[%add3A, %dma_start3A] : memref<32x10000xf32, #tpu.memory_space<hbm>> -> memref<1x10000xf32, #tpu.memory_space<hbm>>
      %dma_start3A_18 = tpu.memref_squeeze %dma_start3A_17 : memref<1x10000xf32, #tpu.memory_space<hbm>> -> memref<10000xf32, #tpu.memory_space<hbm>>
      %dma_start3A_19 = arith.constant 0 : i32
      %dma_start3A_20 = tpu.memref_slice %arg4[%add3A, %dma_start3A_19] : memref<32x10000xf32, #tpu.memory_space<hbm>> -> memref<1x10000xf32, #tpu.memory_space<hbm>>
      %dma_start3A_21 = tpu.memref_squeeze %dma_start3A_20 : memref<1x10000xf32, #tpu.memory_space<hbm>> -> memref<10000xf32, #tpu.memory_space<hbm>>
      tpu.enqueue_dma source(%arg7 : memref<10000xf32, #tpu.memory_space<vmem>>) target(%dma_start3A_21 : memref<10000xf32, #tpu.memory_space<hbm>>) target_semaphore(%run_scoped3A : memref<!tpu.dma_semaphore, #tpu.memory_space<semaphore_mem>>)
      %dma_wait3A = arith.constant 0 : i32
      %dma_wait3A_22 = tpu.memref_slice %arg4[%add3A, %dma_wait3A] : memref<32x10000xf32, #tpu.memory_space<hbm>> -> memref<1x10000xf32, #tpu.memory_space<hbm>>
      %dma_wait3A_23 = tpu.memref_squeeze %dma_wait3A_22 : memref<1x10000xf32, #tpu.memory_space<hbm>> -> memref<10000xf32, #tpu.memory_space<hbm>>
      %dma_wait3A_24 = arith.constant 0 : i32
      %dma_wait3A_25 = tpu.memref_slice %arg4[%add3A, %dma_wait3A_24] : memref<32x10000xf32, #tpu.memory_space<hbm>> -> memref<1x10000xf32, #tpu.memory_space<hbm>>
      %dma_wait3A_26 = tpu.memref_squeeze %dma_wait3A_25 : memref<1x10000xf32, #tpu.memory_space<hbm>> -> memref<10000xf32, #tpu.memory_space<hbm>>
      tpu.wait_dma2 semaphore(%run_scoped3A : memref<!tpu.dma_semaphore, #tpu.memory_space<semaphore_mem>>) src(%arg7 : memref<10000xf32, #tpu.memory_space<vmem>>) dst(%dma_wait3A_26 : memref<10000xf32, #tpu.memory_space<hbm>>)
      tpu.yield
    }) : () -> ()
    return
  }
}

#map = affine_map<(d0, d1) -> (0)>
#map1 = affine_map<(d0, d1) -> (0, 0)>
#map2 = affine_map<(d0, d1) -> (0, 0, 0)>
module attributes {stable_mosaic.version = 14 : i64} {
  func.func @_sc_scatter(%arg0: i32, %arg1: i32, %arg2: memref<320000xi32, #tpu.memory_space<hbm>>, %arg3: memref<320000x128xf32, #tpu.memory_space<hbm>>, %arg4: memref<2x10240x128xf32, #tpu.memory_space<hbm>>, %arg5: memref<200xi32, #tpu.memory_space<vmem>>, %arg6: memref<200x128xf32, #tpu.memory_space<vmem>>, %arg7: memref<32x128xf32, #tpu.memory_space<vmem>>, %arg8: memref<10240x128xf32, #tpu.memory_space<vmem_shared>>, %arg9: memref<!tpu.dma_semaphore, #tpu.memory_space<semaphore_mem>>) attributes {dimension_semantics = [#tpu.dimension_semantics<core_parallel>, #tpu.dimension_semantics<subcore_parallel>], iteration_bounds = array<i64: 2, 16>, scalar_prefetch = 0 : i64, scratch_operands = 5 : i64, tpu.core_type = #tpu.core_type<sc_vector_subcore>, window_params = [{transform_indices = #map}, {transform_indices = #map1}, {transform_indices = #map2}]} {
    %mul3A = arith.constant 2 : i32
    %mul3A_0 = arith.muli %arg1, %mul3A : i32
    %add3A = arith.addi %mul3A_0, %arg0 : i32
    %broadcast_in_dim3A = arith.constant 0.000000e+00 : f32
    %broadcast_in_dim3A_1 = vector.broadcast %broadcast_in_dim3A : f32 to vector<16xf32>
    %scan3A = arith.constant 0 : i32
    %scan3A_2 = arith.constant 0 : i32
    %scan3A_3 = arith.constant 256 : i32
    %scan3A_4 = arith.addi %scan3A_2, %scan3A_3 : i32
    %scan3A_5 = arith.constant 1 : i32
    %scan3A_6 = scf.for %scan3A_98 = %scan3A_2 to %scan3A_4 step %scan3A_5 iter_args(%scan3A_99 = %scan3A) -> (i32)  : i32 {
      %jit3A = arith.constant 8 : i32
      %div3A = arith.divsi %scan3A_98, %jit3A : i32
      %sign3A = arith.constant 0 : i32
      %sign3A_100 = arith.cmpi sgt, %scan3A_98, %sign3A : i32
      %sign3A_101 = arith.extui %sign3A_100 : i1 to i32
      %sign3A_102 = arith.constant 0 : i32
      %sign3A_103 = arith.cmpi slt, %scan3A_98, %sign3A_102 : i32
      %sign3A_104 = arith.extui %sign3A_103 : i1 to i32
      %sign3A_105 = arith.subi %sign3A_101, %sign3A_104 : i32
      %sign3A_106 = arith.constant 0 : i32
      %sign3A_107 = arith.cmpi sgt, %jit3A, %sign3A_106 : i32
      %sign3A_108 = arith.extui %sign3A_107 : i1 to i32
      %sign3A_109 = arith.constant 0 : i32
      %sign3A_110 = arith.cmpi slt, %jit3A, %sign3A_109 : i32
      %sign3A_111 = arith.extui %sign3A_110 : i1 to i32
      %sign3A_112 = arith.subi %sign3A_108, %sign3A_111 : i32
      %ne3A = arith.cmpi ne, %sign3A_105, %sign3A_112 : i32
      %rem3A = arith.remsi %scan3A_98, %jit3A : i32
      %ne3A_113 = arith.constant 0 : i32
      %ne3A_114 = arith.cmpi ne, %rem3A, %ne3A_113 : i32
      %and3A = arith.andi %ne3A, %ne3A_114 : i1
      %sub3A = arith.constant 1 : i32
      %sub3A_115 = arith.subi %div3A, %sub3A : i32
      %select_n3A = arith.select %and3A, %sub3A_115, %div3A : i32
      %jit3A_116 = arith.constant 8 : i32
      %eq3A = arith.constant 0 : i32
      %eq3A_117 = arith.cmpi eq, %jit3A_116, %eq3A : i32
      %jit3A_118 = arith.constant 1 : i32
      %select_n3A_119 = arith.select %eq3A_117, %jit3A_118, %jit3A_116 : i32
      %rem3A_120 = arith.remsi %scan3A_98, %select_n3A_119 : i32
      %ne3A_121 = arith.constant 0 : i32
      %ne3A_122 = arith.cmpi ne, %rem3A_120, %ne3A_121 : i32
      %lt3A = arith.constant 0 : i32
      %lt3A_123 = arith.cmpi slt, %rem3A_120, %lt3A : i32
      %lt3A_124 = arith.constant 0 : i32
      %lt3A_125 = arith.cmpi slt, %select_n3A_119, %lt3A_124 : i32
      %ne3A_126 = arith.xori %lt3A_123, %lt3A_125 : i1
      %and3A_127 = arith.andi %ne3A_126, %ne3A_122 : i1
      %add3A_128 = arith.addi %rem3A_120, %select_n3A_119 : i32
      %select_n3A_129 = arith.select %and3A_127, %add3A_128, %rem3A_120 : i32
      %mul3A_130 = arith.constant 16 : i32
      %mul3A_131 = arith.muli %select_n3A_129, %mul3A_130 : i32
      %swap3A = arith.index_cast %select_n3A : i32 to index
      %swap3A_132 = arith.index_cast %mul3A_131 : i32 to index
      %swap3A_133 = tpu.vector_load %arg7[%swap3A, %swap3A_132] {strides = array<i32>} : memref<32x128xf32, #tpu.memory_space<vmem>>, vector<16xf32>,
      tpu.vector_store %arg7[%swap3A, %swap3A_132], %broadcast_in_dim3A_1 {strides = array<i32>} : memref<32x128xf32, #tpu.memory_space<vmem>>, vector<16xf32>,
      %scan3A_134 = arith.constant 0 : i32
      scf.yield %scan3A_134 : i32
    }
    %scan3A_7 = arith.constant 256 : i32
    %mul3A_8 = arith.constant 640 : i32
    %mul3A_9 = arith.muli %arg1, %mul3A_8 : i32
    %add3A_10 = arith.constant 0 : i32
    %add3A_11 = arith.addi %mul3A_9, %add3A_10 : i32
    "tpu.region"() ({
      %run_scoped3A = tpu.sem_alloc : memref<!tpu.dma_semaphore, #tpu.memory_space<semaphore_mem>>
      %dma_start3A = arith.constant 0 : i32
      %dma_start3A_98 = tpu.memref_slice %arg8[%add3A_11, %dma_start3A] : memref<10240x128xf32, #tpu.memory_space<vmem_shared>> -> memref<32x128xf32, #tpu.memory_space<vmem_shared>>
      %dma_start3A_99 = arith.constant 0 : i32
      %dma_start3A_100 = tpu.memref_slice %arg8[%add3A_11, %dma_start3A_99] : memref<10240x128xf32, #tpu.memory_space<vmem_shared>> -> memref<32x128xf32, #tpu.memory_space<vmem_shared>>
      tpu.enqueue_dma source(%arg7 : memref<32x128xf32, #tpu.memory_space<vmem>>) target(%dma_start3A_100 : memref<32x128xf32, #tpu.memory_space<vmem_shared>>) target_semaphore(%run_scoped3A : memref<!tpu.dma_semaphore, #tpu.memory_space<semaphore_mem>>)
      %dma_wait3A = arith.constant 0 : i32
      %dma_wait3A_101 = tpu.memref_slice %arg8[%add3A_11, %dma_wait3A] : memref<10240x128xf32, #tpu.memory_space<vmem_shared>> -> memref<32x128xf32, #tpu.memory_space<vmem_shared>>
      %dma_wait3A_102 = arith.constant 0 : i32
      %dma_wait3A_103 = tpu.memref_slice %arg8[%add3A_11, %dma_wait3A_102] : memref<10240x128xf32, #tpu.memory_space<vmem_shared>> -> memref<32x128xf32, #tpu.memory_space<vmem_shared>>
      tpu.wait_dma2 semaphore(%run_scoped3A : memref<!tpu.dma_semaphore, #tpu.memory_space<semaphore_mem>>) src(%arg7 : memref<32x128xf32, #tpu.memory_space<vmem>>) dst(%dma_wait3A_103 : memref<32x128xf32, #tpu.memory_space<vmem_shared>>)
      tpu.yield
    }) : () -> ()
    %add3A_12 = arith.constant 32 : i32
    %add3A_13 = arith.addi %mul3A_9, %add3A_12 : i32
    "tpu.region"() ({
      %run_scoped3A = tpu.sem_alloc : memref<!tpu.dma_semaphore, #tpu.memory_space<semaphore_mem>>
      %dma_start3A = arith.constant 0 : i32
      %dma_start3A_98 = tpu.memref_slice %arg8[%add3A_13, %dma_start3A] : memref<10240x128xf32, #tpu.memory_space<vmem_shared>> -> memref<32x128xf32, #tpu.memory_space<vmem_shared>>
      %dma_start3A_99 = arith.constant 0 : i32
      %dma_start3A_100 = tpu.memref_slice %arg8[%add3A_13, %dma_start3A_99] : memref<10240x128xf32, #tpu.memory_space<vmem_shared>> -> memref<32x128xf32, #tpu.memory_space<vmem_shared>>
      tpu.enqueue_dma source(%arg7 : memref<32x128xf32, #tpu.memory_space<vmem>>) target(%dma_start3A_100 : memref<32x128xf32, #tpu.memory_space<vmem_shared>>) target_semaphore(%run_scoped3A : memref<!tpu.dma_semaphore, #tpu.memory_space<semaphore_mem>>)
      %dma_wait3A = arith.constant 0 : i32
      %dma_wait3A_101 = tpu.memref_slice %arg8[%add3A_13, %dma_wait3A] : memref<10240x128xf32, #tpu.memory_space<vmem_shared>> -> memref<32x128xf32, #tpu.memory_space<vmem_shared>>
      %dma_wait3A_102 = arith.constant 0 : i32
      %dma_wait3A_103 = tpu.memref_slice %arg8[%add3A_13, %dma_wait3A_102] : memref<10240x128xf32, #tpu.memory_space<vmem_shared>> -> memref<32x128xf32, #tpu.memory_space<vmem_shared>>
      tpu.wait_dma2 semaphore(%run_scoped3A : memref<!tpu.dma_semaphore, #tpu.memory_space<semaphore_mem>>) src(%arg7 : memref<32x128xf32, #tpu.memory_space<vmem>>) dst(%dma_wait3A_103 : memref<32x128xf32, #tpu.memory_space<vmem_shared>>)
      tpu.yield
    }) : () -> ()
    %add3A_14 = arith.constant 64 : i32
    %add3A_15 = arith.addi %mul3A_9, %add3A_14 : i32
    "tpu.region"() ({
      %run_scoped3A = tpu.sem_alloc : memref<!tpu.dma_semaphore, #tpu.memory_space<semaphore_mem>>
      %dma_start3A = arith.constant 0 : i32
      %dma_start3A_98 = tpu.memref_slice %arg8[%add3A_15, %dma_start3A] : memref<10240x128xf32, #tpu.memory_space<vmem_shared>> -> memref<32x128xf32, #tpu.memory_space<vmem_shared>>
      %dma_start3A_99 = arith.constant 0 : i32
      %dma_start3A_100 = tpu.memref_slice %arg8[%add3A_15, %dma_start3A_99] : memref<10240x128xf32, #tpu.memory_space<vmem_shared>> -> memref<32x128xf32, #tpu.memory_space<vmem_shared>>
      tpu.enqueue_dma source(%arg7 : memref<32x128xf32, #tpu.memory_space<vmem>>) target(%dma_start3A_100 : memref<32x128xf32, #tpu.memory_space<vmem_shared>>) target_semaphore(%run_scoped3A : memref<!tpu.dma_semaphore, #tpu.memory_space<semaphore_mem>>)
      %dma_wait3A = arith.constant 0 : i32
      %dma_wait3A_101 = tpu.memref_slice %arg8[%add3A_15, %dma_wait3A] : memref<10240x128xf32, #tpu.memory_space<vmem_shared>> -> memref<32x128xf32, #tpu.memory_space<vmem_shared>>
      %dma_wait3A_102 = arith.constant 0 : i32
      %dma_wait3A_103 = tpu.memref_slice %arg8[%add3A_15, %dma_wait3A_102] : memref<10240x128xf32, #tpu.memory_space<vmem_shared>> -> memref<32x128xf32, #tpu.memory_space<vmem_shared>>
      tpu.wait_dma2 semaphore(%run_scoped3A : memref<!tpu.dma_semaphore, #tpu.memory_space<semaphore_mem>>) src(%arg7 : memref<32x128xf32, #tpu.memory_space<vmem>>) dst(%dma_wait3A_103 : memref<32x128xf32, #tpu.memory_space<vmem_shared>>)
      tpu.yield
    }) : () -> ()
    %add3A_16 = arith.constant 96 : i32
    %add3A_17 = arith.addi %mul3A_9, %add3A_16 : i32
    "tpu.region"() ({
      %run_scoped3A = tpu.sem_alloc : memref<!tpu.dma_semaphore, #tpu.memory_space<semaphore_mem>>
      %dma_start3A = arith.constant 0 : i32
      %dma_start3A_98 = tpu.memref_slice %arg8[%add3A_17, %dma_start3A] : memref<10240x128xf32, #tpu.memory_space<vmem_shared>> -> memref<32x128xf32, #tpu.memory_space<vmem_shared>>
      %dma_start3A_99 = arith.constant 0 : i32
      %dma_start3A_100 = tpu.memref_slice %arg8[%add3A_17, %dma_start3A_99] : memref<10240x128xf32, #tpu.memory_space<vmem_shared>> -> memref<32x128xf32, #tpu.memory_space<vmem_shared>>
      tpu.enqueue_dma source(%arg7 : memref<32x128xf32, #tpu.memory_space<vmem>>) target(%dma_start3A_100 : memref<32x128xf32, #tpu.memory_space<vmem_shared>>) target_semaphore(%run_scoped3A : memref<!tpu.dma_semaphore, #tpu.memory_space<semaphore_mem>>)
      %dma_wait3A = arith.constant 0 : i32
      %dma_wait3A_101 = tpu.memref_slice %arg8[%add3A_17, %dma_wait3A] : memref<10240x128xf32, #tpu.memory_space<vmem_shared>> -> memref<32x128xf32, #tpu.memory_space<vmem_shared>>
      %dma_wait3A_102 = arith.constant 0 : i32
      %dma_wait3A_103 = tpu.memref_slice %arg8[%add3A_17, %dma_wait3A_102] : memref<10240x128xf32, #tpu.memory_space<vmem_shared>> -> memref<32x128xf32, #tpu.memory_space<vmem_shared>>
      tpu.wait_dma2 semaphore(%run_scoped3A : memref<!tpu.dma_semaphore, #tpu.memory_space<semaphore_mem>>) src(%arg7 : memref<32x128xf32, #tpu.memory_space<vmem>>) dst(%dma_wait3A_103 : memref<32x128xf32, #tpu.memory_space<vmem_shared>>)
      tpu.yield
    }) : () -> ()
    %add3A_18 = arith.constant 128 : i32
    %add3A_19 = arith.addi %mul3A_9, %add3A_18 : i32
    "tpu.region"() ({
      %run_scoped3A = tpu.sem_alloc : memref<!tpu.dma_semaphore, #tpu.memory_space<semaphore_mem>>
      %dma_start3A = arith.constant 0 : i32
      %dma_start3A_98 = tpu.memref_slice %arg8[%add3A_19, %dma_start3A] : memref<10240x128xf32, #tpu.memory_space<vmem_shared>> -> memref<32x128xf32, #tpu.memory_space<vmem_shared>>
      %dma_start3A_99 = arith.constant 0 : i32
      %dma_start3A_100 = tpu.memref_slice %arg8[%add3A_19, %dma_start3A_99] : memref<10240x128xf32, #tpu.memory_space<vmem_shared>> -> memref<32x128xf32, #tpu.memory_space<vmem_shared>>
      tpu.enqueue_dma source(%arg7 : memref<32x128xf32, #tpu.memory_space<vmem>>) target(%dma_start3A_100 : memref<32x128xf32, #tpu.memory_space<vmem_shared>>) target_semaphore(%run_scoped3A : memref<!tpu.dma_semaphore, #tpu.memory_space<semaphore_mem>>)
      %dma_wait3A = arith.constant 0 : i32
      %dma_wait3A_101 = tpu.memref_slice %arg8[%add3A_19, %dma_wait3A] : memref<10240x128xf32, #tpu.memory_space<vmem_shared>> -> memref<32x128xf32, #tpu.memory_space<vmem_shared>>
      %dma_wait3A_102 = arith.constant 0 : i32
      %dma_wait3A_103 = tpu.memref_slice %arg8[%add3A_19, %dma_wait3A_102] : memref<10240x128xf32, #tpu.memory_space<vmem_shared>> -> memref<32x128xf32, #tpu.memory_space<vmem_shared>>
      tpu.wait_dma2 semaphore(%run_scoped3A : memref<!tpu.dma_semaphore, #tpu.memory_space<semaphore_mem>>) src(%arg7 : memref<32x128xf32, #tpu.memory_space<vmem>>) dst(%dma_wait3A_103 : memref<32x128xf32, #tpu.memory_space<vmem_shared>>)
      tpu.yield
    }) : () -> ()
    %add3A_20 = arith.constant 160 : i32
    %add3A_21 = arith.addi %mul3A_9, %add3A_20 : i32
    "tpu.region"() ({
      %run_scoped3A = tpu.sem_alloc : memref<!tpu.dma_semaphore, #tpu.memory_space<semaphore_mem>>
      %dma_start3A = arith.constant 0 : i32
      %dma_start3A_98 = tpu.memref_slice %arg8[%add3A_21, %dma_start3A] : memref<10240x128xf32, #tpu.memory_space<vmem_shared>> -> memref<32x128xf32, #tpu.memory_space<vmem_shared>>
      %dma_start3A_99 = arith.constant 0 : i32
      %dma_start3A_100 = tpu.memref_slice %arg8[%add3A_21, %dma_start3A_99] : memref<10240x128xf32, #tpu.memory_space<vmem_shared>> -> memref<32x128xf32, #tpu.memory_space<vmem_shared>>
      tpu.enqueue_dma source(%arg7 : memref<32x128xf32, #tpu.memory_space<vmem>>) target(%dma_start3A_100 : memref<32x128xf32, #tpu.memory_space<vmem_shared>>) target_semaphore(%run_scoped3A : memref<!tpu.dma_semaphore, #tpu.memory_space<semaphore_mem>>)
      %dma_wait3A = arith.constant 0 : i32
      %dma_wait3A_101 = tpu.memref_slice %arg8[%add3A_21, %dma_wait3A] : memref<10240x128xf32, #tpu.memory_space<vmem_shared>> -> memref<32x128xf32, #tpu.memory_space<vmem_shared>>
      %dma_wait3A_102 = arith.constant 0 : i32
      %dma_wait3A_103 = tpu.memref_slice %arg8[%add3A_21, %dma_wait3A_102] : memref<10240x128xf32, #tpu.memory_space<vmem_shared>> -> memref<32x128xf32, #tpu.memory_space<vmem_shared>>
      tpu.wait_dma2 semaphore(%run_scoped3A : memref<!tpu.dma_semaphore, #tpu.memory_space<semaphore_mem>>) src(%arg7 : memref<32x128xf32, #tpu.memory_space<vmem>>) dst(%dma_wait3A_103 : memref<32x128xf32, #tpu.memory_space<vmem_shared>>)
      tpu.yield
    }) : () -> ()
    %add3A_22 = arith.constant 192 : i32
    %add3A_23 = arith.addi %mul3A_9, %add3A_22 : i32
    "tpu.region"() ({
      %run_scoped3A = tpu.sem_alloc : memref<!tpu.dma_semaphore, #tpu.memory_space<semaphore_mem>>
      %dma_start3A = arith.constant 0 : i32
      %dma_start3A_98 = tpu.memref_slice %arg8[%add3A_23, %dma_start3A] : memref<10240x128xf32, #tpu.memory_space<vmem_shared>> -> memref<32x128xf32, #tpu.memory_space<vmem_shared>>
      %dma_start3A_99 = arith.constant 0 : i32
      %dma_start3A_100 = tpu.memref_slice %arg8[%add3A_23, %dma_start3A_99] : memref<10240x128xf32, #tpu.memory_space<vmem_shared>> -> memref<32x128xf32, #tpu.memory_space<vmem_shared>>
      tpu.enqueue_dma source(%arg7 : memref<32x128xf32, #tpu.memory_space<vmem>>) target(%dma_start3A_100 : memref<32x128xf32, #tpu.memory_space<vmem_shared>>) target_semaphore(%run_scoped3A : memref<!tpu.dma_semaphore, #tpu.memory_space<semaphore_mem>>)
      %dma_wait3A = arith.constant 0 : i32
      %dma_wait3A_101 = tpu.memref_slice %arg8[%add3A_23, %dma_wait3A] : memref<10240x128xf32, #tpu.memory_space<vmem_shared>> -> memref<32x128xf32, #tpu.memory_space<vmem_shared>>
      %dma_wait3A_102 = arith.constant 0 : i32
      %dma_wait3A_103 = tpu.memref_slice %arg8[%add3A_23, %dma_wait3A_102] : memref<10240x128xf32, #tpu.memory_space<vmem_shared>> -> memref<32x128xf32, #tpu.memory_space<vmem_shared>>
      tpu.wait_dma2 semaphore(%run_scoped3A : memref<!tpu.dma_semaphore, #tpu.memory_space<semaphore_mem>>) src(%arg7 : memref<32x128xf32, #tpu.memory_space<vmem>>) dst(%dma_wait3A_103 : memref<32x128xf32, #tpu.memory_space<vmem_shared>>)
      tpu.yield
    }) : () -> ()
    %add3A_24 = arith.constant 224 : i32
    %add3A_25 = arith.addi %mul3A_9, %add3A_24 : i32
    "tpu.region"() ({
      %run_scoped3A = tpu.sem_alloc : memref<!tpu.dma_semaphore, #tpu.memory_space<semaphore_mem>>
      %dma_start3A = arith.constant 0 : i32
      %dma_start3A_98 = tpu.memref_slice %arg8[%add3A_25, %dma_start3A] : memref<10240x128xf32, #tpu.memory_space<vmem_shared>> -> memref<32x128xf32, #tpu.memory_space<vmem_shared>>
      %dma_start3A_99 = arith.constant 0 : i32
      %dma_start3A_100 = tpu.memref_slice %arg8[%add3A_25, %dma_start3A_99] : memref<10240x128xf32, #tpu.memory_space<vmem_shared>> -> memref<32x128xf32, #tpu.memory_space<vmem_shared>>
      tpu.enqueue_dma source(%arg7 : memref<32x128xf32, #tpu.memory_space<vmem>>) target(%dma_start3A_100 : memref<32x128xf32, #tpu.memory_space<vmem_shared>>) target_semaphore(%run_scoped3A : memref<!tpu.dma_semaphore, #tpu.memory_space<semaphore_mem>>)
      %dma_wait3A = arith.constant 0 : i32
      %dma_wait3A_101 = tpu.memref_slice %arg8[%add3A_25, %dma_wait3A] : memref<10240x128xf32, #tpu.memory_space<vmem_shared>> -> memref<32x128xf32, #tpu.memory_space<vmem_shared>>
      %dma_wait3A_102 = arith.constant 0 : i32
      %dma_wait3A_103 = tpu.memref_slice %arg8[%add3A_25, %dma_wait3A_102] : memref<10240x128xf32, #tpu.memory_space<vmem_shared>> -> memref<32x128xf32, #tpu.memory_space<vmem_shared>>
      tpu.wait_dma2 semaphore(%run_scoped3A : memref<!tpu.dma_semaphore, #tpu.memory_space<semaphore_mem>>) src(%arg7 : memref<32x128xf32, #tpu.memory_space<vmem>>) dst(%dma_wait3A_103 : memref<32x128xf32, #tpu.memory_space<vmem_shared>>)
      tpu.yield
    }) : () -> ()
    %add3A_26 = arith.constant 256 : i32
    %add3A_27 = arith.addi %mul3A_9, %add3A_26 : i32
    "tpu.region"() ({
      %run_scoped3A = tpu.sem_alloc : memref<!tpu.dma_semaphore, #tpu.memory_space<semaphore_mem>>
      %dma_start3A = arith.constant 0 : i32
      %dma_start3A_98 = tpu.memref_slice %arg8[%add3A_27, %dma_start3A] : memref<10240x128xf32, #tpu.memory_space<vmem_shared>> -> memref<32x128xf32, #tpu.memory_space<vmem_shared>>
      %dma_start3A_99 = arith.constant 0 : i32
      %dma_start3A_100 = tpu.memref_slice %arg8[%add3A_27, %dma_start3A_99] : memref<10240x128xf32, #tpu.memory_space<vmem_shared>> -> memref<32x128xf32, #tpu.memory_space<vmem_shared>>
      tpu.enqueue_dma source(%arg7 : memref<32x128xf32, #tpu.memory_space<vmem>>) target(%dma_start3A_100 : memref<32x128xf32, #tpu.memory_space<vmem_shared>>) target_semaphore(%run_scoped3A : memref<!tpu.dma_semaphore, #tpu.memory_space<semaphore_mem>>)
      %dma_wait3A = arith.constant 0 : i32
      %dma_wait3A_101 = tpu.memref_slice %arg8[%add3A_27, %dma_wait3A] : memref<10240x128xf32, #tpu.memory_space<vmem_shared>> -> memref<32x128xf32, #tpu.memory_space<vmem_shared>>
      %dma_wait3A_102 = arith.constant 0 : i32
      %dma_wait3A_103 = tpu.memref_slice %arg8[%add3A_27, %dma_wait3A_102] : memref<10240x128xf32, #tpu.memory_space<vmem_shared>> -> memref<32x128xf32, #tpu.memory_space<vmem_shared>>
      tpu.wait_dma2 semaphore(%run_scoped3A : memref<!tpu.dma_semaphore, #tpu.memory_space<semaphore_mem>>) src(%arg7 : memref<32x128xf32, #tpu.memory_space<vmem>>) dst(%dma_wait3A_103 : memref<32x128xf32, #tpu.memory_space<vmem_shared>>)
      tpu.yield
    }) : () -> ()
    %add3A_28 = arith.constant 288 : i32
    %add3A_29 = arith.addi %mul3A_9, %add3A_28 : i32
    "tpu.region"() ({
      %run_scoped3A = tpu.sem_alloc : memref<!tpu.dma_semaphore, #tpu.memory_space<semaphore_mem>>
      %dma_start3A = arith.constant 0 : i32
      %dma_start3A_98 = tpu.memref_slice %arg8[%add3A_29, %dma_start3A] : memref<10240x128xf32, #tpu.memory_space<vmem_shared>> -> memref<32x128xf32, #tpu.memory_space<vmem_shared>>
      %dma_start3A_99 = arith.constant 0 : i32
      %dma_start3A_100 = tpu.memref_slice %arg8[%add3A_29, %dma_start3A_99] : memref<10240x128xf32, #tpu.memory_space<vmem_shared>> -> memref<32x128xf32, #tpu.memory_space<vmem_shared>>
      tpu.enqueue_dma source(%arg7 : memref<32x128xf32, #tpu.memory_space<vmem>>) target(%dma_start3A_100 : memref<32x128xf32, #tpu.memory_space<vmem_shared>>) target_semaphore(%run_scoped3A : memref<!tpu.dma_semaphore, #tpu.memory_space<semaphore_mem>>)
      %dma_wait3A = arith.constant 0 : i32
      %dma_wait3A_101 = tpu.memref_slice %arg8[%add3A_29, %dma_wait3A] : memref<10240x128xf32, #tpu.memory_space<vmem_shared>> -> memref<32x128xf32, #tpu.memory_space<vmem_shared>>
      %dma_wait3A_102 = arith.constant 0 : i32
      %dma_wait3A_103 = tpu.memref_slice %arg8[%add3A_29, %dma_wait3A_102] : memref<10240x128xf32, #tpu.memory_space<vmem_shared>> -> memref<32x128xf32, #tpu.memory_space<vmem_shared>>
      tpu.wait_dma2 semaphore(%run_scoped3A : memref<!tpu.dma_semaphore, #tpu.memory_space<semaphore_mem>>) src(%arg7 : memref<32x128xf32, #tpu.memory_space<vmem>>) dst(%dma_wait3A_103 : memref<32x128xf32, #tpu.memory_space<vmem_shared>>)
      tpu.yield
    }) : () -> ()
    %add3A_30 = arith.constant 320 : i32
    %add3A_31 = arith.addi %mul3A_9, %add3A_30 : i32
    "tpu.region"() ({
      %run_scoped3A = tpu.sem_alloc : memref<!tpu.dma_semaphore, #tpu.memory_space<semaphore_mem>>
      %dma_start3A = arith.constant 0 : i32
      %dma_start3A_98 = tpu.memref_slice %arg8[%add3A_31, %dma_start3A] : memref<10240x128xf32, #tpu.memory_space<vmem_shared>> -> memref<32x128xf32, #tpu.memory_space<vmem_shared>>
      %dma_start3A_99 = arith.constant 0 : i32
      %dma_start3A_100 = tpu.memref_slice %arg8[%add3A_31, %dma_start3A_99] : memref<10240x128xf32, #tpu.memory_space<vmem_shared>> -> memref<32x128xf32, #tpu.memory_space<vmem_shared>>
      tpu.enqueue_dma source(%arg7 : memref<32x128xf32, #tpu.memory_space<vmem>>) target(%dma_start3A_100 : memref<32x128xf32, #tpu.memory_space<vmem_shared>>) target_semaphore(%run_scoped3A : memref<!tpu.dma_semaphore, #tpu.memory_space<semaphore_mem>>)
      %dma_wait3A = arith.constant 0 : i32
      %dma_wait3A_101 = tpu.memref_slice %arg8[%add3A_31, %dma_wait3A] : memref<10240x128xf32, #tpu.memory_space<vmem_shared>> -> memref<32x128xf32, #tpu.memory_space<vmem_shared>>
      %dma_wait3A_102 = arith.constant 0 : i32
      %dma_wait3A_103 = tpu.memref_slice %arg8[%add3A_31, %dma_wait3A_102] : memref<10240x128xf32, #tpu.memory_space<vmem_shared>> -> memref<32x128xf32, #tpu.memory_space<vmem_shared>>
      tpu.wait_dma2 semaphore(%run_scoped3A : memref<!tpu.dma_semaphore, #tpu.memory_space<semaphore_mem>>) src(%arg7 : memref<32x128xf32, #tpu.memory_space<vmem>>) dst(%dma_wait3A_103 : memref<32x128xf32, #tpu.memory_space<vmem_shared>>)
      tpu.yield
    }) : () -> ()
    %add3A_32 = arith.constant 352 : i32
    %add3A_33 = arith.addi %mul3A_9, %add3A_32 : i32
    "tpu.region"() ({
      %run_scoped3A = tpu.sem_alloc : memref<!tpu.dma_semaphore, #tpu.memory_space<semaphore_mem>>
      %dma_start3A = arith.constant 0 : i32
      %dma_start3A_98 = tpu.memref_slice %arg8[%add3A_33, %dma_start3A] : memref<10240x128xf32, #tpu.memory_space<vmem_shared>> -> memref<32x128xf32, #tpu.memory_space<vmem_shared>>
      %dma_start3A_99 = arith.constant 0 : i32
      %dma_start3A_100 = tpu.memref_slice %arg8[%add3A_33, %dma_start3A_99] : memref<10240x128xf32, #tpu.memory_space<vmem_shared>> -> memref<32x128xf32, #tpu.memory_space<vmem_shared>>
      tpu.enqueue_dma source(%arg7 : memref<32x128xf32, #tpu.memory_space<vmem>>) target(%dma_start3A_100 : memref<32x128xf32, #tpu.memory_space<vmem_shared>>) target_semaphore(%run_scoped3A : memref<!tpu.dma_semaphore, #tpu.memory_space<semaphore_mem>>)
      %dma_wait3A = arith.constant 0 : i32
      %dma_wait3A_101 = tpu.memref_slice %arg8[%add3A_33, %dma_wait3A] : memref<10240x128xf32, #tpu.memory_space<vmem_shared>> -> memref<32x128xf32, #tpu.memory_space<vmem_shared>>
      %dma_wait3A_102 = arith.constant 0 : i32
      %dma_wait3A_103 = tpu.memref_slice %arg8[%add3A_33, %dma_wait3A_102] : memref<10240x128xf32, #tpu.memory_space<vmem_shared>> -> memref<32x128xf32, #tpu.memory_space<vmem_shared>>
      tpu.wait_dma2 semaphore(%run_scoped3A : memref<!tpu.dma_semaphore, #tpu.memory_space<semaphore_mem>>) src(%arg7 : memref<32x128xf32, #tpu.memory_space<vmem>>) dst(%dma_wait3A_103 : memref<32x128xf32, #tpu.memory_space<vmem_shared>>)
      tpu.yield
    }) : () -> ()
    %add3A_34 = arith.constant 384 : i32
    %add3A_35 = arith.addi %mul3A_9, %add3A_34 : i32
    "tpu.region"() ({
      %run_scoped3A = tpu.sem_alloc : memref<!tpu.dma_semaphore, #tpu.memory_space<semaphore_mem>>
      %dma_start3A = arith.constant 0 : i32
      %dma_start3A_98 = tpu.memref_slice %arg8[%add3A_35, %dma_start3A] : memref<10240x128xf32, #tpu.memory_space<vmem_shared>> -> memref<32x128xf32, #tpu.memory_space<vmem_shared>>
      %dma_start3A_99 = arith.constant 0 : i32
      %dma_start3A_100 = tpu.memref_slice %arg8[%add3A_35, %dma_start3A_99] : memref<10240x128xf32, #tpu.memory_space<vmem_shared>> -> memref<32x128xf32, #tpu.memory_space<vmem_shared>>
      tpu.enqueue_dma source(%arg7 : memref<32x128xf32, #tpu.memory_space<vmem>>) target(%dma_start3A_100 : memref<32x128xf32, #tpu.memory_space<vmem_shared>>) target_semaphore(%run_scoped3A : memref<!tpu.dma_semaphore, #tpu.memory_space<semaphore_mem>>)
      %dma_wait3A = arith.constant 0 : i32
      %dma_wait3A_101 = tpu.memref_slice %arg8[%add3A_35, %dma_wait3A] : memref<10240x128xf32, #tpu.memory_space<vmem_shared>> -> memref<32x128xf32, #tpu.memory_space<vmem_shared>>
      %dma_wait3A_102 = arith.constant 0 : i32
      %dma_wait3A_103 = tpu.memref_slice %arg8[%add3A_35, %dma_wait3A_102] : memref<10240x128xf32, #tpu.memory_space<vmem_shared>> -> memref<32x128xf32, #tpu.memory_space<vmem_shared>>
      tpu.wait_dma2 semaphore(%run_scoped3A : memref<!tpu.dma_semaphore, #tpu.memory_space<semaphore_mem>>) src(%arg7 : memref<32x128xf32, #tpu.memory_space<vmem>>) dst(%dma_wait3A_103 : memref<32x128xf32, #tpu.memory_space<vmem_shared>>)
      tpu.yield
    }) : () -> ()
    %add3A_36 = arith.constant 416 : i32
    %add3A_37 = arith.addi %mul3A_9, %add3A_36 : i32
    "tpu.region"() ({
      %run_scoped3A = tpu.sem_alloc : memref<!tpu.dma_semaphore, #tpu.memory_space<semaphore_mem>>
      %dma_start3A = arith.constant 0 : i32
      %dma_start3A_98 = tpu.memref_slice %arg8[%add3A_37, %dma_start3A] : memref<10240x128xf32, #tpu.memory_space<vmem_shared>> -> memref<32x128xf32, #tpu.memory_space<vmem_shared>>
      %dma_start3A_99 = arith.constant 0 : i32
      %dma_start3A_100 = tpu.memref_slice %arg8[%add3A_37, %dma_start3A_99] : memref<10240x128xf32, #tpu.memory_space<vmem_shared>> -> memref<32x128xf32, #tpu.memory_space<vmem_shared>>
      tpu.enqueue_dma source(%arg7 : memref<32x128xf32, #tpu.memory_space<vmem>>) target(%dma_start3A_100 : memref<32x128xf32, #tpu.memory_space<vmem_shared>>) target_semaphore(%run_scoped3A : memref<!tpu.dma_semaphore, #tpu.memory_space<semaphore_mem>>)
      %dma_wait3A = arith.constant 0 : i32
      %dma_wait3A_101 = tpu.memref_slice %arg8[%add3A_37, %dma_wait3A] : memref<10240x128xf32, #tpu.memory_space<vmem_shared>> -> memref<32x128xf32, #tpu.memory_space<vmem_shared>>
      %dma_wait3A_102 = arith.constant 0 : i32
      %dma_wait3A_103 = tpu.memref_slice %arg8[%add3A_37, %dma_wait3A_102] : memref<10240x128xf32, #tpu.memory_space<vmem_shared>> -> memref<32x128xf32, #tpu.memory_space<vmem_shared>>
      tpu.wait_dma2 semaphore(%run_scoped3A : memref<!tpu.dma_semaphore, #tpu.memory_space<semaphore_mem>>) src(%arg7 : memref<32x128xf32, #tpu.memory_space<vmem>>) dst(%dma_wait3A_103 : memref<32x128xf32, #tpu.memory_space<vmem_shared>>)
      tpu.yield
    }) : () -> ()
    %add3A_38 = arith.constant 448 : i32
    %add3A_39 = arith.addi %mul3A_9, %add3A_38 : i32
    "tpu.region"() ({
      %run_scoped3A = tpu.sem_alloc : memref<!tpu.dma_semaphore, #tpu.memory_space<semaphore_mem>>
      %dma_start3A = arith.constant 0 : i32
      %dma_start3A_98 = tpu.memref_slice %arg8[%add3A_39, %dma_start3A] : memref<10240x128xf32, #tpu.memory_space<vmem_shared>> -> memref<32x128xf32, #tpu.memory_space<vmem_shared>>
      %dma_start3A_99 = arith.constant 0 : i32
      %dma_start3A_100 = tpu.memref_slice %arg8[%add3A_39, %dma_start3A_99] : memref<10240x128xf32, #tpu.memory_space<vmem_shared>> -> memref<32x128xf32, #tpu.memory_space<vmem_shared>>
      tpu.enqueue_dma source(%arg7 : memref<32x128xf32, #tpu.memory_space<vmem>>) target(%dma_start3A_100 : memref<32x128xf32, #tpu.memory_space<vmem_shared>>) target_semaphore(%run_scoped3A : memref<!tpu.dma_semaphore, #tpu.memory_space<semaphore_mem>>)
      %dma_wait3A = arith.constant 0 : i32
      %dma_wait3A_101 = tpu.memref_slice %arg8[%add3A_39, %dma_wait3A] : memref<10240x128xf32, #tpu.memory_space<vmem_shared>> -> memref<32x128xf32, #tpu.memory_space<vmem_shared>>
      %dma_wait3A_102 = arith.constant 0 : i32
      %dma_wait3A_103 = tpu.memref_slice %arg8[%add3A_39, %dma_wait3A_102] : memref<10240x128xf32, #tpu.memory_space<vmem_shared>> -> memref<32x128xf32, #tpu.memory_space<vmem_shared>>
      tpu.wait_dma2 semaphore(%run_scoped3A : memref<!tpu.dma_semaphore, #tpu.memory_space<semaphore_mem>>) src(%arg7 : memref<32x128xf32, #tpu.memory_space<vmem>>) dst(%dma_wait3A_103 : memref<32x128xf32, #tpu.memory_space<vmem_shared>>)
      tpu.yield
    }) : () -> ()
    %add3A_40 = arith.constant 480 : i32
    %add3A_41 = arith.addi %mul3A_9, %add3A_40 : i32
    "tpu.region"() ({
      %run_scoped3A = tpu.sem_alloc : memref<!tpu.dma_semaphore, #tpu.memory_space<semaphore_mem>>
      %dma_start3A = arith.constant 0 : i32
      %dma_start3A_98 = tpu.memref_slice %arg8[%add3A_41, %dma_start3A] : memref<10240x128xf32, #tpu.memory_space<vmem_shared>> -> memref<32x128xf32, #tpu.memory_space<vmem_shared>>
      %dma_start3A_99 = arith.constant 0 : i32
      %dma_start3A_100 = tpu.memref_slice %arg8[%add3A_41, %dma_start3A_99] : memref<10240x128xf32, #tpu.memory_space<vmem_shared>> -> memref<32x128xf32, #tpu.memory_space<vmem_shared>>
      tpu.enqueue_dma source(%arg7 : memref<32x128xf32, #tpu.memory_space<vmem>>) target(%dma_start3A_100 : memref<32x128xf32, #tpu.memory_space<vmem_shared>>) target_semaphore(%run_scoped3A : memref<!tpu.dma_semaphore, #tpu.memory_space<semaphore_mem>>)
      %dma_wait3A = arith.constant 0 : i32
      %dma_wait3A_101 = tpu.memref_slice %arg8[%add3A_41, %dma_wait3A] : memref<10240x128xf32, #tpu.memory_space<vmem_shared>> -> memref<32x128xf32, #tpu.memory_space<vmem_shared>>
      %dma_wait3A_102 = arith.constant 0 : i32
      %dma_wait3A_103 = tpu.memref_slice %arg8[%add3A_41, %dma_wait3A_102] : memref<10240x128xf32, #tpu.memory_space<vmem_shared>> -> memref<32x128xf32, #tpu.memory_space<vmem_shared>>
      tpu.wait_dma2 semaphore(%run_scoped3A : memref<!tpu.dma_semaphore, #tpu.memory_space<semaphore_mem>>) src(%arg7 : memref<32x128xf32, #tpu.memory_space<vmem>>) dst(%dma_wait3A_103 : memref<32x128xf32, #tpu.memory_space<vmem_shared>>)
      tpu.yield
    }) : () -> ()
    %add3A_42 = arith.constant 512 : i32
    %add3A_43 = arith.addi %mul3A_9, %add3A_42 : i32
    "tpu.region"() ({
      %run_scoped3A = tpu.sem_alloc : memref<!tpu.dma_semaphore, #tpu.memory_space<semaphore_mem>>
      %dma_start3A = arith.constant 0 : i32
      %dma_start3A_98 = tpu.memref_slice %arg8[%add3A_43, %dma_start3A] : memref<10240x128xf32, #tpu.memory_space<vmem_shared>> -> memref<32x128xf32, #tpu.memory_space<vmem_shared>>
      %dma_start3A_99 = arith.constant 0 : i32
      %dma_start3A_100 = tpu.memref_slice %arg8[%add3A_43, %dma_start3A_99] : memref<10240x128xf32, #tpu.memory_space<vmem_shared>> -> memref<32x128xf32, #tpu.memory_space<vmem_shared>>
      tpu.enqueue_dma source(%arg7 : memref<32x128xf32, #tpu.memory_space<vmem>>) target(%dma_start3A_100 : memref<32x128xf32, #tpu.memory_space<vmem_shared>>) target_semaphore(%run_scoped3A : memref<!tpu.dma_semaphore, #tpu.memory_space<semaphore_mem>>)
      %dma_wait3A = arith.constant 0 : i32
      %dma_wait3A_101 = tpu.memref_slice %arg8[%add3A_43, %dma_wait3A] : memref<10240x128xf32, #tpu.memory_space<vmem_shared>> -> memref<32x128xf32, #tpu.memory_space<vmem_shared>>
      %dma_wait3A_102 = arith.constant 0 : i32
      %dma_wait3A_103 = tpu.memref_slice %arg8[%add3A_43, %dma_wait3A_102] : memref<10240x128xf32, #tpu.memory_space<vmem_shared>> -> memref<32x128xf32, #tpu.memory_space<vmem_shared>>
      tpu.wait_dma2 semaphore(%run_scoped3A : memref<!tpu.dma_semaphore, #tpu.memory_space<semaphore_mem>>) src(%arg7 : memref<32x128xf32, #tpu.memory_space<vmem>>) dst(%dma_wait3A_103 : memref<32x128xf32, #tpu.memory_space<vmem_shared>>)
      tpu.yield
    }) : () -> ()
    %add3A_44 = arith.constant 544 : i32
    %add3A_45 = arith.addi %mul3A_9, %add3A_44 : i32
    "tpu.region"() ({
      %run_scoped3A = tpu.sem_alloc : memref<!tpu.dma_semaphore, #tpu.memory_space<semaphore_mem>>
      %dma_start3A = arith.constant 0 : i32
      %dma_start3A_98 = tpu.memref_slice %arg8[%add3A_45, %dma_start3A] : memref<10240x128xf32, #tpu.memory_space<vmem_shared>> -> memref<32x128xf32, #tpu.memory_space<vmem_shared>>
      %dma_start3A_99 = arith.constant 0 : i32
      %dma_start3A_100 = tpu.memref_slice %arg8[%add3A_45, %dma_start3A_99] : memref<10240x128xf32, #tpu.memory_space<vmem_shared>> -> memref<32x128xf32, #tpu.memory_space<vmem_shared>>
      tpu.enqueue_dma source(%arg7 : memref<32x128xf32, #tpu.memory_space<vmem>>) target(%dma_start3A_100 : memref<32x128xf32, #tpu.memory_space<vmem_shared>>) target_semaphore(%run_scoped3A : memref<!tpu.dma_semaphore, #tpu.memory_space<semaphore_mem>>)
      %dma_wait3A = arith.constant 0 : i32
      %dma_wait3A_101 = tpu.memref_slice %arg8[%add3A_45, %dma_wait3A] : memref<10240x128xf32, #tpu.memory_space<vmem_shared>> -> memref<32x128xf32, #tpu.memory_space<vmem_shared>>
      %dma_wait3A_102 = arith.constant 0 : i32
      %dma_wait3A_103 = tpu.memref_slice %arg8[%add3A_45, %dma_wait3A_102] : memref<10240x128xf32, #tpu.memory_space<vmem_shared>> -> memref<32x128xf32, #tpu.memory_space<vmem_shared>>
      tpu.wait_dma2 semaphore(%run_scoped3A : memref<!tpu.dma_semaphore, #tpu.memory_space<semaphore_mem>>) src(%arg7 : memref<32x128xf32, #tpu.memory_space<vmem>>) dst(%dma_wait3A_103 : memref<32x128xf32, #tpu.memory_space<vmem_shared>>)
      tpu.yield
    }) : () -> ()
    %add3A_46 = arith.constant 576 : i32
    %add3A_47 = arith.addi %mul3A_9, %add3A_46 : i32
    "tpu.region"() ({
      %run_scoped3A = tpu.sem_alloc : memref<!tpu.dma_semaphore, #tpu.memory_space<semaphore_mem>>
      %dma_start3A = arith.constant 0 : i32
      %dma_start3A_98 = tpu.memref_slice %arg8[%add3A_47, %dma_start3A] : memref<10240x128xf32, #tpu.memory_space<vmem_shared>> -> memref<32x128xf32, #tpu.memory_space<vmem_shared>>
      %dma_start3A_99 = arith.constant 0 : i32
      %dma_start3A_100 = tpu.memref_slice %arg8[%add3A_47, %dma_start3A_99] : memref<10240x128xf32, #tpu.memory_space<vmem_shared>> -> memref<32x128xf32, #tpu.memory_space<vmem_shared>>
      tpu.enqueue_dma source(%arg7 : memref<32x128xf32, #tpu.memory_space<vmem>>) target(%dma_start3A_100 : memref<32x128xf32, #tpu.memory_space<vmem_shared>>) target_semaphore(%run_scoped3A : memref<!tpu.dma_semaphore, #tpu.memory_space<semaphore_mem>>)
      %dma_wait3A = arith.constant 0 : i32
      %dma_wait3A_101 = tpu.memref_slice %arg8[%add3A_47, %dma_wait3A] : memref<10240x128xf32, #tpu.memory_space<vmem_shared>> -> memref<32x128xf32, #tpu.memory_space<vmem_shared>>
      %dma_wait3A_102 = arith.constant 0 : i32
      %dma_wait3A_103 = tpu.memref_slice %arg8[%add3A_47, %dma_wait3A_102] : memref<10240x128xf32, #tpu.memory_space<vmem_shared>> -> memref<32x128xf32, #tpu.memory_space<vmem_shared>>
      tpu.wait_dma2 semaphore(%run_scoped3A : memref<!tpu.dma_semaphore, #tpu.memory_space<semaphore_mem>>) src(%arg7 : memref<32x128xf32, #tpu.memory_space<vmem>>) dst(%dma_wait3A_103 : memref<32x128xf32, #tpu.memory_space<vmem_shared>>)
      tpu.yield
    }) : () -> ()
    %add3A_48 = arith.constant 608 : i32
    %add3A_49 = arith.addi %mul3A_9, %add3A_48 : i32
    "tpu.region"() ({
      %run_scoped3A = tpu.sem_alloc : memref<!tpu.dma_semaphore, #tpu.memory_space<semaphore_mem>>
      %dma_start3A = arith.constant 0 : i32
      %dma_start3A_98 = tpu.memref_slice %arg8[%add3A_49, %dma_start3A] : memref<10240x128xf32, #tpu.memory_space<vmem_shared>> -> memref<32x128xf32, #tpu.memory_space<vmem_shared>>
      %dma_start3A_99 = arith.constant 0 : i32
      %dma_start3A_100 = tpu.memref_slice %arg8[%add3A_49, %dma_start3A_99] : memref<10240x128xf32, #tpu.memory_space<vmem_shared>> -> memref<32x128xf32, #tpu.memory_space<vmem_shared>>
      tpu.enqueue_dma source(%arg7 : memref<32x128xf32, #tpu.memory_space<vmem>>) target(%dma_start3A_100 : memref<32x128xf32, #tpu.memory_space<vmem_shared>>) target_semaphore(%run_scoped3A : memref<!tpu.dma_semaphore, #tpu.memory_space<semaphore_mem>>)
      %dma_wait3A = arith.constant 0 : i32
      %dma_wait3A_101 = tpu.memref_slice %arg8[%add3A_49, %dma_wait3A] : memref<10240x128xf32, #tpu.memory_space<vmem_shared>> -> memref<32x128xf32, #tpu.memory_space<vmem_shared>>
      %dma_wait3A_102 = arith.constant 0 : i32
      %dma_wait3A_103 = tpu.memref_slice %arg8[%add3A_49, %dma_wait3A_102] : memref<10240x128xf32, #tpu.memory_space<vmem_shared>> -> memref<32x128xf32, #tpu.memory_space<vmem_shared>>
      tpu.wait_dma2 semaphore(%run_scoped3A : memref<!tpu.dma_semaphore, #tpu.memory_space<semaphore_mem>>) src(%arg7 : memref<32x128xf32, #tpu.memory_space<vmem>>) dst(%dma_wait3A_103 : memref<32x128xf32, #tpu.memory_space<vmem_shared>>)
      tpu.yield
    }) : () -> ()
    %barrier3A = arith.constant 0 : index
    tpu.barrier barrier_id(%barrier3A)
    %scan3A_50 = arith.constant 0 : i32
    %scan3A_51 = arith.constant 0 : i32
    %scan3A_52 = arith.constant 50 : i32
    %scan3A_53 = arith.addi %scan3A_51, %scan3A_52 : i32
    %scan3A_54 = arith.constant 1 : i32
    %scan3A_55 = scf.for %scan3A_98 = %scan3A_51 to %scan3A_53 step %scan3A_54 iter_args(%scan3A_99 = %scan3A_50) -> (i32)  : i32 {
      %mul3A_100 = arith.constant 10000 : i32
      %mul3A_101 = arith.muli %add3A, %mul3A_100 : i32
      %mul3A_102 = arith.constant 200 : i32
      %mul3A_103 = arith.muli %scan3A_98, %mul3A_102 : i32
      %add3A_104 = arith.addi %mul3A_101, %mul3A_103 : i32
      %dma_start3A = arith.constant 0 : i32
      %dma_start3A_105 = tpu.memref_slice %arg3[%add3A_104, %dma_start3A] : memref<320000x128xf32, #tpu.memory_space<hbm>> -> memref<200x128xf32, #tpu.memory_space<hbm>>
      %dma_start3A_106 = arith.constant 0 : i32
      %dma_start3A_107 = tpu.memref_slice %arg3[%add3A_104, %dma_start3A_106] : memref<320000x128xf32, #tpu.memory_space<hbm>> -> memref<200x128xf32, #tpu.memory_space<hbm>>
      tpu.enqueue_dma source(%dma_start3A_107 : memref<200x128xf32, #tpu.memory_space<hbm>>) target(%arg6 : memref<200x128xf32, #tpu.memory_space<vmem>>) target_semaphore(%arg9 : memref<!tpu.dma_semaphore, #tpu.memory_space<semaphore_mem>>)
      "tpu.region"() ({
        %run_scoped3A = tpu.sem_alloc : memref<!tpu.dma_semaphore, #tpu.memory_space<semaphore_mem>>
        %dma_start3A_112 = tpu.memref_slice %arg2[%add3A_104] : memref<320000xi32, #tpu.memory_space<hbm>> -> memref<200xi32, #tpu.memory_space<hbm>>
        %dma_start3A_113 = tpu.memref_slice %arg2[%add3A_104] : memref<320000xi32, #tpu.memory_space<hbm>> -> memref<200xi32, #tpu.memory_space<hbm>>
        tpu.enqueue_dma source(%dma_start3A_113 : memref<200xi32, #tpu.memory_space<hbm>>) target(%arg5 : memref<200xi32, #tpu.memory_space<vmem>>) target_semaphore(%run_scoped3A : memref<!tpu.dma_semaphore, #tpu.memory_space<semaphore_mem>>)
        %dma_wait3A_114 = tpu.memref_slice %arg2[%add3A_104] : memref<320000xi32, #tpu.memory_space<hbm>> -> memref<200xi32, #tpu.memory_space<hbm>>
        %dma_wait3A_115 = tpu.memref_slice %arg2[%add3A_104] : memref<320000xi32, #tpu.memory_space<hbm>> -> memref<200xi32, #tpu.memory_space<hbm>>
        tpu.wait_dma2 semaphore(%run_scoped3A : memref<!tpu.dma_semaphore, #tpu.memory_space<semaphore_mem>>) src(%dma_wait3A_115 : memref<200xi32, #tpu.memory_space<hbm>>) dst(%arg5 : memref<200xi32, #tpu.memory_space<vmem>>)
        tpu.yield
      }) : () -> ()
      %dma_wait3A = arith.constant 0 : i32
      %dma_wait3A_108 = tpu.memref_slice %arg3[%add3A_104, %dma_wait3A] : memref<320000x128xf32, #tpu.memory_space<hbm>> -> memref<200x128xf32, #tpu.memory_space<hbm>>
      %dma_wait3A_109 = arith.constant 0 : i32
      %dma_wait3A_110 = tpu.memref_slice %arg3[%add3A_104, %dma_wait3A_109] : memref<320000x128xf32, #tpu.memory_space<hbm>> -> memref<200x128xf32, #tpu.memory_space<hbm>>
      tpu.wait_dma2 semaphore(%arg9 : memref<!tpu.dma_semaphore, #tpu.memory_space<semaphore_mem>>) src(%dma_wait3A_110 : memref<200x128xf32, #tpu.memory_space<hbm>>) dst(%arg6 : memref<200x128xf32, #tpu.memory_space<vmem>>)
      "tpu.region"() ({
        %run_scoped3A = tpu.sem_alloc : memref<!tpu.dma_semaphore, #tpu.memory_space<semaphore_mem>>
        %dma_start3A_112 = arith.constant 0 : i32
        %dma_start3A_113 = arith.constant 0 : i32
        %dma_start3A_114 = tpu.memref_slice %arg8[%dma_start3A_112, %dma_start3A_113] : memref<10240x128xf32, #tpu.memory_space<vmem_shared>> -> memref<10240x128xf32, #tpu.memory_space<vmem_shared>>
        tpu.enqueue_indirect_dma source(%arg6 : memref<200x128xf32, #tpu.memory_space<vmem>>) target(%dma_start3A_114 : memref<10240x128xf32, #tpu.memory_space<vmem_shared>>) offsets(%arg5 : memref<200xi32, #tpu.memory_space<vmem>>) semaphore(%run_scoped3A : memref<!tpu.dma_semaphore, #tpu.memory_space<semaphore_mem>>) {add = true}
        %dma_wait3A_115 = arith.constant 0 : i32
        %dma_wait3A_116 = arith.constant 0 : i32
        %dma_wait3A_117 = tpu.memref_slice %arg8[%dma_wait3A_115, %dma_wait3A_116] : memref<10240x128xf32, #tpu.memory_space<vmem_shared>> -> memref<10240x128xf32, #tpu.memory_space<vmem_shared>>
        tpu.wait_indirect_dma semaphore(%run_scoped3A : memref<!tpu.dma_semaphore, #tpu.memory_space<semaphore_mem>>) src(%arg6 : memref<200x128xf32, #tpu.memory_space<vmem>>) dst(%dma_wait3A_117 : memref<10240x128xf32, #tpu.memory_space<vmem_shared>>)
        tpu.yield
      }) : () -> ()
      %scan3A_111 = arith.constant 0 : i32
      scf.yield %scan3A_111 : i32
    }
    %scan3A_56 = arith.constant 50 : i32
    %barrier3A_57 = arith.constant 0 : index
    tpu.barrier barrier_id(%barrier3A_57)
    %add3A_58 = arith.constant 0 : i32
    %add3A_59 = arith.addi %mul3A_9, %add3A_58 : i32
    "tpu.region"() ({
      %run_scoped3A = tpu.sem_alloc : memref<!tpu.dma_semaphore, #tpu.memory_space<semaphore_mem>>
      %dma_start3A = arith.constant 0 : i32
      %dma_start3A_98 = tpu.memref_slice %arg4[%arg0, %add3A_59, %dma_start3A] : memref<2x10240x128xf32, #tpu.memory_space<hbm>> -> memref<1x32x128xf32, #tpu.memory_space<hbm>>
      %dma_start3A_99 = tpu.memref_squeeze %dma_start3A_98 : memref<1x32x128xf32, #tpu.memory_space<hbm>> -> memref<32x128xf32, #tpu.memory_space<hbm>>
      %dma_start3A_100 = arith.constant 0 : i32
      %dma_start3A_101 = tpu.memref_slice %arg8[%add3A_59, %dma_start3A_100] : memref<10240x128xf32, #tpu.memory_space<vmem_shared>> -> memref<32x128xf32, #tpu.memory_space<vmem_shared>>
      tpu.enqueue_dma source(%dma_start3A_101 : memref<32x128xf32, #tpu.memory_space<vmem_shared>>) target(%dma_start3A_99 : memref<32x128xf32, #tpu.memory_space<hbm>>) target_semaphore(%run_scoped3A : memref<!tpu.dma_semaphore, #tpu.memory_space<semaphore_mem>>)
      %dma_wait3A = arith.constant 0 : i32
      %dma_wait3A_102 = tpu.memref_slice %arg4[%arg0, %add3A_59, %dma_wait3A] : memref<2x10240x128xf32, #tpu.memory_space<hbm>> -> memref<1x32x128xf32, #tpu.memory_space<hbm>>
      %dma_wait3A_103 = tpu.memref_squeeze %dma_wait3A_102 : memref<1x32x128xf32, #tpu.memory_space<hbm>> -> memref<32x128xf32, #tpu.memory_space<hbm>>
      %dma_wait3A_104 = arith.constant 0 : i32
      %dma_wait3A_105 = tpu.memref_slice %arg8[%add3A_59, %dma_wait3A_104] : memref<10240x128xf32, #tpu.memory_space<vmem_shared>> -> memref<32x128xf32, #tpu.memory_space<vmem_shared>>
      tpu.wait_dma2 semaphore(%run_scoped3A : memref<!tpu.dma_semaphore, #tpu.memory_space<semaphore_mem>>) src(%dma_wait3A_105 : memref<32x128xf32, #tpu.memory_space<vmem_shared>>) dst(%dma_wait3A_103 : memref<32x128xf32, #tpu.memory_space<hbm>>)
      tpu.yield
    }) : () -> ()
    %add3A_60 = arith.constant 32 : i32
    %add3A_61 = arith.addi %mul3A_9, %add3A_60 : i32
    "tpu.region"() ({
      %run_scoped3A = tpu.sem_alloc : memref<!tpu.dma_semaphore, #tpu.memory_space<semaphore_mem>>
      %dma_start3A = arith.constant 0 : i32
      %dma_start3A_98 = tpu.memref_slice %arg4[%arg0, %add3A_61, %dma_start3A] : memref<2x10240x128xf32, #tpu.memory_space<hbm>> -> memref<1x32x128xf32, #tpu.memory_space<hbm>>
      %dma_start3A_99 = tpu.memref_squeeze %dma_start3A_98 : memref<1x32x128xf32, #tpu.memory_space<hbm>> -> memref<32x128xf32, #tpu.memory_space<hbm>>
      %dma_start3A_100 = arith.constant 0 : i32
      %dma_start3A_101 = tpu.memref_slice %arg8[%add3A_61, %dma_start3A_100] : memref<10240x128xf32, #tpu.memory_space<vmem_shared>> -> memref<32x128xf32, #tpu.memory_space<vmem_shared>>
      tpu.enqueue_dma source(%dma_start3A_101 : memref<32x128xf32, #tpu.memory_space<vmem_shared>>) target(%dma_start3A_99 : memref<32x128xf32, #tpu.memory_space<hbm>>) target_semaphore(%run_scoped3A : memref<!tpu.dma_semaphore, #tpu.memory_space<semaphore_mem>>)
      %dma_wait3A = arith.constant 0 : i32
      %dma_wait3A_102 = tpu.memref_slice %arg4[%arg0, %add3A_61, %dma_wait3A] : memref<2x10240x128xf32, #tpu.memory_space<hbm>> -> memref<1x32x128xf32, #tpu.memory_space<hbm>>
      %dma_wait3A_103 = tpu.memref_squeeze %dma_wait3A_102 : memref<1x32x128xf32, #tpu.memory_space<hbm>> -> memref<32x128xf32, #tpu.memory_space<hbm>>
      %dma_wait3A_104 = arith.constant 0 : i32
      %dma_wait3A_105 = tpu.memref_slice %arg8[%add3A_61, %dma_wait3A_104] : memref<10240x128xf32, #tpu.memory_space<vmem_shared>> -> memref<32x128xf32, #tpu.memory_space<vmem_shared>>
      tpu.wait_dma2 semaphore(%run_scoped3A : memref<!tpu.dma_semaphore, #tpu.memory_space<semaphore_mem>>) src(%dma_wait3A_105 : memref<32x128xf32, #tpu.memory_space<vmem_shared>>) dst(%dma_wait3A_103 : memref<32x128xf32, #tpu.memory_space<hbm>>)
      tpu.yield
    }) : () -> ()
    %add3A_62 = arith.constant 64 : i32
    %add3A_63 = arith.addi %mul3A_9, %add3A_62 : i32
    "tpu.region"() ({
      %run_scoped3A = tpu.sem_alloc : memref<!tpu.dma_semaphore, #tpu.memory_space<semaphore_mem>>
      %dma_start3A = arith.constant 0 : i32
      %dma_start3A_98 = tpu.memref_slice %arg4[%arg0, %add3A_63, %dma_start3A] : memref<2x10240x128xf32, #tpu.memory_space<hbm>> -> memref<1x32x128xf32, #tpu.memory_space<hbm>>
      %dma_start3A_99 = tpu.memref_squeeze %dma_start3A_98 : memref<1x32x128xf32, #tpu.memory_space<hbm>> -> memref<32x128xf32, #tpu.memory_space<hbm>>
      %dma_start3A_100 = arith.constant 0 : i32
      %dma_start3A_101 = tpu.memref_slice %arg8[%add3A_63, %dma_start3A_100] : memref<10240x128xf32, #tpu.memory_space<vmem_shared>> -> memref<32x128xf32, #tpu.memory_space<vmem_shared>>
      tpu.enqueue_dma source(%dma_start3A_101 : memref<32x128xf32, #tpu.memory_space<vmem_shared>>) target(%dma_start3A_99 : memref<32x128xf32, #tpu.memory_space<hbm>>) target_semaphore(%run_scoped3A : memref<!tpu.dma_semaphore, #tpu.memory_space<semaphore_mem>>)
      %dma_wait3A = arith.constant 0 : i32
      %dma_wait3A_102 = tpu.memref_slice %arg4[%arg0, %add3A_63, %dma_wait3A] : memref<2x10240x128xf32, #tpu.memory_space<hbm>> -> memref<1x32x128xf32, #tpu.memory_space<hbm>>
      %dma_wait3A_103 = tpu.memref_squeeze %dma_wait3A_102 : memref<1x32x128xf32, #tpu.memory_space<hbm>> -> memref<32x128xf32, #tpu.memory_space<hbm>>
      %dma_wait3A_104 = arith.constant 0 : i32
      %dma_wait3A_105 = tpu.memref_slice %arg8[%add3A_63, %dma_wait3A_104] : memref<10240x128xf32, #tpu.memory_space<vmem_shared>> -> memref<32x128xf32, #tpu.memory_space<vmem_shared>>
      tpu.wait_dma2 semaphore(%run_scoped3A : memref<!tpu.dma_semaphore, #tpu.memory_space<semaphore_mem>>) src(%dma_wait3A_105 : memref<32x128xf32, #tpu.memory_space<vmem_shared>>) dst(%dma_wait3A_103 : memref<32x128xf32, #tpu.memory_space<hbm>>)
      tpu.yield
    }) : () -> ()
    %add3A_64 = arith.constant 96 : i32
    %add3A_65 = arith.addi %mul3A_9, %add3A_64 : i32
    "tpu.region"() ({
      %run_scoped3A = tpu.sem_alloc : memref<!tpu.dma_semaphore, #tpu.memory_space<semaphore_mem>>
      %dma_start3A = arith.constant 0 : i32
      %dma_start3A_98 = tpu.memref_slice %arg4[%arg0, %add3A_65, %dma_start3A] : memref<2x10240x128xf32, #tpu.memory_space<hbm>> -> memref<1x32x128xf32, #tpu.memory_space<hbm>>
      %dma_start3A_99 = tpu.memref_squeeze %dma_start3A_98 : memref<1x32x128xf32, #tpu.memory_space<hbm>> -> memref<32x128xf32, #tpu.memory_space<hbm>>
      %dma_start3A_100 = arith.constant 0 : i32
      %dma_start3A_101 = tpu.memref_slice %arg8[%add3A_65, %dma_start3A_100] : memref<10240x128xf32, #tpu.memory_space<vmem_shared>> -> memref<32x128xf32, #tpu.memory_space<vmem_shared>>
      tpu.enqueue_dma source(%dma_start3A_101 : memref<32x128xf32, #tpu.memory_space<vmem_shared>>) target(%dma_start3A_99 : memref<32x128xf32, #tpu.memory_space<hbm>>) target_semaphore(%run_scoped3A : memref<!tpu.dma_semaphore, #tpu.memory_space<semaphore_mem>>)
      %dma_wait3A = arith.constant 0 : i32
      %dma_wait3A_102 = tpu.memref_slice %arg4[%arg0, %add3A_65, %dma_wait3A] : memref<2x10240x128xf32, #tpu.memory_space<hbm>> -> memref<1x32x128xf32, #tpu.memory_space<hbm>>
      %dma_wait3A_103 = tpu.memref_squeeze %dma_wait3A_102 : memref<1x32x128xf32, #tpu.memory_space<hbm>> -> memref<32x128xf32, #tpu.memory_space<hbm>>
      %dma_wait3A_104 = arith.constant 0 : i32
      %dma_wait3A_105 = tpu.memref_slice %arg8[%add3A_65, %dma_wait3A_104] : memref<10240x128xf32, #tpu.memory_space<vmem_shared>> -> memref<32x128xf32, #tpu.memory_space<vmem_shared>>
      tpu.wait_dma2 semaphore(%run_scoped3A : memref<!tpu.dma_semaphore, #tpu.memory_space<semaphore_mem>>) src(%dma_wait3A_105 : memref<32x128xf32, #tpu.memory_space<vmem_shared>>) dst(%dma_wait3A_103 : memref<32x128xf32, #tpu.memory_space<hbm>>)
      tpu.yield
    }) : () -> ()
    %add3A_66 = arith.constant 128 : i32
    %add3A_67 = arith.addi %mul3A_9, %add3A_66 : i32
    "tpu.region"() ({
      %run_scoped3A = tpu.sem_alloc : memref<!tpu.dma_semaphore, #tpu.memory_space<semaphore_mem>>
      %dma_start3A = arith.constant 0 : i32
      %dma_start3A_98 = tpu.memref_slice %arg4[%arg0, %add3A_67, %dma_start3A] : memref<2x10240x128xf32, #tpu.memory_space<hbm>> -> memref<1x32x128xf32, #tpu.memory_space<hbm>>
      %dma_start3A_99 = tpu.memref_squeeze %dma_start3A_98 : memref<1x32x128xf32, #tpu.memory_space<hbm>> -> memref<32x128xf32, #tpu.memory_space<hbm>>
      %dma_start3A_100 = arith.constant 0 : i32
      %dma_start3A_101 = tpu.memref_slice %arg8[%add3A_67, %dma_start3A_100] : memref<10240x128xf32, #tpu.memory_space<vmem_shared>> -> memref<32x128xf32, #tpu.memory_space<vmem_shared>>
      tpu.enqueue_dma source(%dma_start3A_101 : memref<32x128xf32, #tpu.memory_space<vmem_shared>>) target(%dma_start3A_99 : memref<32x128xf32, #tpu.memory_space<hbm>>) target_semaphore(%run_scoped3A : memref<!tpu.dma_semaphore, #tpu.memory_space<semaphore_mem>>)
      %dma_wait3A = arith.constant 0 : i32
      %dma_wait3A_102 = tpu.memref_slice %arg4[%arg0, %add3A_67, %dma_wait3A] : memref<2x10240x128xf32, #tpu.memory_space<hbm>> -> memref<1x32x128xf32, #tpu.memory_space<hbm>>
      %dma_wait3A_103 = tpu.memref_squeeze %dma_wait3A_102 : memref<1x32x128xf32, #tpu.memory_space<hbm>> -> memref<32x128xf32, #tpu.memory_space<hbm>>
      %dma_wait3A_104 = arith.constant 0 : i32
      %dma_wait3A_105 = tpu.memref_slice %arg8[%add3A_67, %dma_wait3A_104] : memref<10240x128xf32, #tpu.memory_space<vmem_shared>> -> memref<32x128xf32, #tpu.memory_space<vmem_shared>>
      tpu.wait_dma2 semaphore(%run_scoped3A : memref<!tpu.dma_semaphore, #tpu.memory_space<semaphore_mem>>) src(%dma_wait3A_105 : memref<32x128xf32, #tpu.memory_space<vmem_shared>>) dst(%dma_wait3A_103 : memref<32x128xf32, #tpu.memory_space<hbm>>)
      tpu.yield
    }) : () -> ()
    %add3A_68 = arith.constant 160 : i32
    %add3A_69 = arith.addi %mul3A_9, %add3A_68 : i32
    "tpu.region"() ({
      %run_scoped3A = tpu.sem_alloc : memref<!tpu.dma_semaphore, #tpu.memory_space<semaphore_mem>>
      %dma_start3A = arith.constant 0 : i32
      %dma_start3A_98 = tpu.memref_slice %arg4[%arg0, %add3A_69, %dma_start3A] : memref<2x10240x128xf32, #tpu.memory_space<hbm>> -> memref<1x32x128xf32, #tpu.memory_space<hbm>>
      %dma_start3A_99 = tpu.memref_squeeze %dma_start3A_98 : memref<1x32x128xf32, #tpu.memory_space<hbm>> -> memref<32x128xf32, #tpu.memory_space<hbm>>
      %dma_start3A_100 = arith.constant 0 : i32
      %dma_start3A_101 = tpu.memref_slice %arg8[%add3A_69, %dma_start3A_100] : memref<10240x128xf32, #tpu.memory_space<vmem_shared>> -> memref<32x128xf32, #tpu.memory_space<vmem_shared>>
      tpu.enqueue_dma source(%dma_start3A_101 : memref<32x128xf32, #tpu.memory_space<vmem_shared>>) target(%dma_start3A_99 : memref<32x128xf32, #tpu.memory_space<hbm>>) target_semaphore(%run_scoped3A : memref<!tpu.dma_semaphore, #tpu.memory_space<semaphore_mem>>)
      %dma_wait3A = arith.constant 0 : i32
      %dma_wait3A_102 = tpu.memref_slice %arg4[%arg0, %add3A_69, %dma_wait3A] : memref<2x10240x128xf32, #tpu.memory_space<hbm>> -> memref<1x32x128xf32, #tpu.memory_space<hbm>>
      %dma_wait3A_103 = tpu.memref_squeeze %dma_wait3A_102 : memref<1x32x128xf32, #tpu.memory_space<hbm>> -> memref<32x128xf32, #tpu.memory_space<hbm>>
      %dma_wait3A_104 = arith.constant 0 : i32
      %dma_wait3A_105 = tpu.memref_slice %arg8[%add3A_69, %dma_wait3A_104] : memref<10240x128xf32, #tpu.memory_space<vmem_shared>> -> memref<32x128xf32, #tpu.memory_space<vmem_shared>>
      tpu.wait_dma2 semaphore(%run_scoped3A : memref<!tpu.dma_semaphore, #tpu.memory_space<semaphore_mem>>) src(%dma_wait3A_105 : memref<32x128xf32, #tpu.memory_space<vmem_shared>>) dst(%dma_wait3A_103 : memref<32x128xf32, #tpu.memory_space<hbm>>)
      tpu.yield
    }) : () -> ()
    %add3A_70 = arith.constant 192 : i32
    %add3A_71 = arith.addi %mul3A_9, %add3A_70 : i32
    "tpu.region"() ({
      %run_scoped3A = tpu.sem_alloc : memref<!tpu.dma_semaphore, #tpu.memory_space<semaphore_mem>>
      %dma_start3A = arith.constant 0 : i32
      %dma_start3A_98 = tpu.memref_slice %arg4[%arg0, %add3A_71, %dma_start3A] : memref<2x10240x128xf32, #tpu.memory_space<hbm>> -> memref<1x32x128xf32, #tpu.memory_space<hbm>>
      %dma_start3A_99 = tpu.memref_squeeze %dma_start3A_98 : memref<1x32x128xf32, #tpu.memory_space<hbm>> -> memref<32x128xf32, #tpu.memory_space<hbm>>
      %dma_start3A_100 = arith.constant 0 : i32
      %dma_start3A_101 = tpu.memref_slice %arg8[%add3A_71, %dma_start3A_100] : memref<10240x128xf32, #tpu.memory_space<vmem_shared>> -> memref<32x128xf32, #tpu.memory_space<vmem_shared>>
      tpu.enqueue_dma source(%dma_start3A_101 : memref<32x128xf32, #tpu.memory_space<vmem_shared>>) target(%dma_start3A_99 : memref<32x128xf32, #tpu.memory_space<hbm>>) target_semaphore(%run_scoped3A : memref<!tpu.dma_semaphore, #tpu.memory_space<semaphore_mem>>)
      %dma_wait3A = arith.constant 0 : i32
      %dma_wait3A_102 = tpu.memref_slice %arg4[%arg0, %add3A_71, %dma_wait3A] : memref<2x10240x128xf32, #tpu.memory_space<hbm>> -> memref<1x32x128xf32, #tpu.memory_space<hbm>>
      %dma_wait3A_103 = tpu.memref_squeeze %dma_wait3A_102 : memref<1x32x128xf32, #tpu.memory_space<hbm>> -> memref<32x128xf32, #tpu.memory_space<hbm>>
      %dma_wait3A_104 = arith.constant 0 : i32
      %dma_wait3A_105 = tpu.memref_slice %arg8[%add3A_71, %dma_wait3A_104] : memref<10240x128xf32, #tpu.memory_space<vmem_shared>> -> memref<32x128xf32, #tpu.memory_space<vmem_shared>>
      tpu.wait_dma2 semaphore(%run_scoped3A : memref<!tpu.dma_semaphore, #tpu.memory_space<semaphore_mem>>) src(%dma_wait3A_105 : memref<32x128xf32, #tpu.memory_space<vmem_shared>>) dst(%dma_wait3A_103 : memref<32x128xf32, #tpu.memory_space<hbm>>)
      tpu.yield
    }) : () -> ()
    %add3A_72 = arith.constant 224 : i32
    %add3A_73 = arith.addi %mul3A_9, %add3A_72 : i32
    "tpu.region"() ({
      %run_scoped3A = tpu.sem_alloc : memref<!tpu.dma_semaphore, #tpu.memory_space<semaphore_mem>>
      %dma_start3A = arith.constant 0 : i32
      %dma_start3A_98 = tpu.memref_slice %arg4[%arg0, %add3A_73, %dma_start3A] : memref<2x10240x128xf32, #tpu.memory_space<hbm>> -> memref<1x32x128xf32, #tpu.memory_space<hbm>>
      %dma_start3A_99 = tpu.memref_squeeze %dma_start3A_98 : memref<1x32x128xf32, #tpu.memory_space<hbm>> -> memref<32x128xf32, #tpu.memory_space<hbm>>
      %dma_start3A_100 = arith.constant 0 : i32
      %dma_start3A_101 = tpu.memref_slice %arg8[%add3A_73, %dma_start3A_100] : memref<10240x128xf32, #tpu.memory_space<vmem_shared>> -> memref<32x128xf32, #tpu.memory_space<vmem_shared>>
      tpu.enqueue_dma source(%dma_start3A_101 : memref<32x128xf32, #tpu.memory_space<vmem_shared>>) target(%dma_start3A_99 : memref<32x128xf32, #tpu.memory_space<hbm>>) target_semaphore(%run_scoped3A : memref<!tpu.dma_semaphore, #tpu.memory_space<semaphore_mem>>)
      %dma_wait3A = arith.constant 0 : i32
      %dma_wait3A_102 = tpu.memref_slice %arg4[%arg0, %add3A_73, %dma_wait3A] : memref<2x10240x128xf32, #tpu.memory_space<hbm>> -> memref<1x32x128xf32, #tpu.memory_space<hbm>>
      %dma_wait3A_103 = tpu.memref_squeeze %dma_wait3A_102 : memref<1x32x128xf32, #tpu.memory_space<hbm>> -> memref<32x128xf32, #tpu.memory_space<hbm>>
      %dma_wait3A_104 = arith.constant 0 : i32
      %dma_wait3A_105 = tpu.memref_slice %arg8[%add3A_73, %dma_wait3A_104] : memref<10240x128xf32, #tpu.memory_space<vmem_shared>> -> memref<32x128xf32, #tpu.memory_space<vmem_shared>>
      tpu.wait_dma2 semaphore(%run_scoped3A : memref<!tpu.dma_semaphore, #tpu.memory_space<semaphore_mem>>) src(%dma_wait3A_105 : memref<32x128xf32, #tpu.memory_space<vmem_shared>>) dst(%dma_wait3A_103 : memref<32x128xf32, #tpu.memory_space<hbm>>)
      tpu.yield
    }) : () -> ()
    %add3A_74 = arith.constant 256 : i32
    %add3A_75 = arith.addi %mul3A_9, %add3A_74 : i32
    "tpu.region"() ({
      %run_scoped3A = tpu.sem_alloc : memref<!tpu.dma_semaphore, #tpu.memory_space<semaphore_mem>>
      %dma_start3A = arith.constant 0 : i32
      %dma_start3A_98 = tpu.memref_slice %arg4[%arg0, %add3A_75, %dma_start3A] : memref<2x10240x128xf32, #tpu.memory_space<hbm>> -> memref<1x32x128xf32, #tpu.memory_space<hbm>>
      %dma_start3A_99 = tpu.memref_squeeze %dma_start3A_98 : memref<1x32x128xf32, #tpu.memory_space<hbm>> -> memref<32x128xf32, #tpu.memory_space<hbm>>
      %dma_start3A_100 = arith.constant 0 : i32
      %dma_start3A_101 = tpu.memref_slice %arg8[%add3A_75, %dma_start3A_100] : memref<10240x128xf32, #tpu.memory_space<vmem_shared>> -> memref<32x128xf32, #tpu.memory_space<vmem_shared>>
      tpu.enqueue_dma source(%dma_start3A_101 : memref<32x128xf32, #tpu.memory_space<vmem_shared>>) target(%dma_start3A_99 : memref<32x128xf32, #tpu.memory_space<hbm>>) target_semaphore(%run_scoped3A : memref<!tpu.dma_semaphore, #tpu.memory_space<semaphore_mem>>)
      %dma_wait3A = arith.constant 0 : i32
      %dma_wait3A_102 = tpu.memref_slice %arg4[%arg0, %add3A_75, %dma_wait3A] : memref<2x10240x128xf32, #tpu.memory_space<hbm>> -> memref<1x32x128xf32, #tpu.memory_space<hbm>>
      %dma_wait3A_103 = tpu.memref_squeeze %dma_wait3A_102 : memref<1x32x128xf32, #tpu.memory_space<hbm>> -> memref<32x128xf32, #tpu.memory_space<hbm>>
      %dma_wait3A_104 = arith.constant 0 : i32
      %dma_wait3A_105 = tpu.memref_slice %arg8[%add3A_75, %dma_wait3A_104] : memref<10240x128xf32, #tpu.memory_space<vmem_shared>> -> memref<32x128xf32, #tpu.memory_space<vmem_shared>>
      tpu.wait_dma2 semaphore(%run_scoped3A : memref<!tpu.dma_semaphore, #tpu.memory_space<semaphore_mem>>) src(%dma_wait3A_105 : memref<32x128xf32, #tpu.memory_space<vmem_shared>>) dst(%dma_wait3A_103 : memref<32x128xf32, #tpu.memory_space<hbm>>)
      tpu.yield
    }) : () -> ()
    %add3A_76 = arith.constant 288 : i32
    %add3A_77 = arith.addi %mul3A_9, %add3A_76 : i32
    "tpu.region"() ({
      %run_scoped3A = tpu.sem_alloc : memref<!tpu.dma_semaphore, #tpu.memory_space<semaphore_mem>>
      %dma_start3A = arith.constant 0 : i32
      %dma_start3A_98 = tpu.memref_slice %arg4[%arg0, %add3A_77, %dma_start3A] : memref<2x10240x128xf32, #tpu.memory_space<hbm>> -> memref<1x32x128xf32, #tpu.memory_space<hbm>>
      %dma_start3A_99 = tpu.memref_squeeze %dma_start3A_98 : memref<1x32x128xf32, #tpu.memory_space<hbm>> -> memref<32x128xf32, #tpu.memory_space<hbm>>
      %dma_start3A_100 = arith.constant 0 : i32
      %dma_start3A_101 = tpu.memref_slice %arg8[%add3A_77, %dma_start3A_100] : memref<10240x128xf32, #tpu.memory_space<vmem_shared>> -> memref<32x128xf32, #tpu.memory_space<vmem_shared>>
      tpu.enqueue_dma source(%dma_start3A_101 : memref<32x128xf32, #tpu.memory_space<vmem_shared>>) target(%dma_start3A_99 : memref<32x128xf32, #tpu.memory_space<hbm>>) target_semaphore(%run_scoped3A : memref<!tpu.dma_semaphore, #tpu.memory_space<semaphore_mem>>)
      %dma_wait3A = arith.constant 0 : i32
      %dma_wait3A_102 = tpu.memref_slice %arg4[%arg0, %add3A_77, %dma_wait3A] : memref<2x10240x128xf32, #tpu.memory_space<hbm>> -> memref<1x32x128xf32, #tpu.memory_space<hbm>>
      %dma_wait3A_103 = tpu.memref_squeeze %dma_wait3A_102 : memref<1x32x128xf32, #tpu.memory_space<hbm>> -> memref<32x128xf32, #tpu.memory_space<hbm>>
      %dma_wait3A_104 = arith.constant 0 : i32
      %dma_wait3A_105 = tpu.memref_slice %arg8[%add3A_77, %dma_wait3A_104] : memref<10240x128xf32, #tpu.memory_space<vmem_shared>> -> memref<32x128xf32, #tpu.memory_space<vmem_shared>>
      tpu.wait_dma2 semaphore(%run_scoped3A : memref<!tpu.dma_semaphore, #tpu.memory_space<semaphore_mem>>) src(%dma_wait3A_105 : memref<32x128xf32, #tpu.memory_space<vmem_shared>>) dst(%dma_wait3A_103 : memref<32x128xf32, #tpu.memory_space<hbm>>)
      tpu.yield
    }) : () -> ()
    %add3A_78 = arith.constant 320 : i32
    %add3A_79 = arith.addi %mul3A_9, %add3A_78 : i32
    "tpu.region"() ({
      %run_scoped3A = tpu.sem_alloc : memref<!tpu.dma_semaphore, #tpu.memory_space<semaphore_mem>>
      %dma_start3A = arith.constant 0 : i32
      %dma_start3A_98 = tpu.memref_slice %arg4[%arg0, %add3A_79, %dma_start3A] : memref<2x10240x128xf32, #tpu.memory_space<hbm>> -> memref<1x32x128xf32, #tpu.memory_space<hbm>>
      %dma_start3A_99 = tpu.memref_squeeze %dma_start3A_98 : memref<1x32x128xf32, #tpu.memory_space<hbm>> -> memref<32x128xf32, #tpu.memory_space<hbm>>
      %dma_start3A_100 = arith.constant 0 : i32
      %dma_start3A_101 = tpu.memref_slice %arg8[%add3A_79, %dma_start3A_100] : memref<10240x128xf32, #tpu.memory_space<vmem_shared>> -> memref<32x128xf32, #tpu.memory_space<vmem_shared>>
      tpu.enqueue_dma source(%dma_start3A_101 : memref<32x128xf32, #tpu.memory_space<vmem_shared>>) target(%dma_start3A_99 : memref<32x128xf32, #tpu.memory_space<hbm>>) target_semaphore(%run_scoped3A : memref<!tpu.dma_semaphore, #tpu.memory_space<semaphore_mem>>)
      %dma_wait3A = arith.constant 0 : i32
      %dma_wait3A_102 = tpu.memref_slice %arg4[%arg0, %add3A_79, %dma_wait3A] : memref<2x10240x128xf32, #tpu.memory_space<hbm>> -> memref<1x32x128xf32, #tpu.memory_space<hbm>>
      %dma_wait3A_103 = tpu.memref_squeeze %dma_wait3A_102 : memref<1x32x128xf32, #tpu.memory_space<hbm>> -> memref<32x128xf32, #tpu.memory_space<hbm>>
      %dma_wait3A_104 = arith.constant 0 : i32
      %dma_wait3A_105 = tpu.memref_slice %arg8[%add3A_79, %dma_wait3A_104] : memref<10240x128xf32, #tpu.memory_space<vmem_shared>> -> memref<32x128xf32, #tpu.memory_space<vmem_shared>>
      tpu.wait_dma2 semaphore(%run_scoped3A : memref<!tpu.dma_semaphore, #tpu.memory_space<semaphore_mem>>) src(%dma_wait3A_105 : memref<32x128xf32, #tpu.memory_space<vmem_shared>>) dst(%dma_wait3A_103 : memref<32x128xf32, #tpu.memory_space<hbm>>)
      tpu.yield
    }) : () -> ()
    %add3A_80 = arith.constant 352 : i32
    %add3A_81 = arith.addi %mul3A_9, %add3A_80 : i32
    "tpu.region"() ({
      %run_scoped3A = tpu.sem_alloc : memref<!tpu.dma_semaphore, #tpu.memory_space<semaphore_mem>>
      %dma_start3A = arith.constant 0 : i32
      %dma_start3A_98 = tpu.memref_slice %arg4[%arg0, %add3A_81, %dma_start3A] : memref<2x10240x128xf32, #tpu.memory_space<hbm>> -> memref<1x32x128xf32, #tpu.memory_space<hbm>>
      %dma_start3A_99 = tpu.memref_squeeze %dma_start3A_98 : memref<1x32x128xf32, #tpu.memory_space<hbm>> -> memref<32x128xf32, #tpu.memory_space<hbm>>
      %dma_start3A_100 = arith.constant 0 : i32
      %dma_start3A_101 = tpu.memref_slice %arg8[%add3A_81, %dma_start3A_100] : memref<10240x128xf32, #tpu.memory_space<vmem_shared>> -> memref<32x128xf32, #tpu.memory_space<vmem_shared>>
      tpu.enqueue_dma source(%dma_start3A_101 : memref<32x128xf32, #tpu.memory_space<vmem_shared>>) target(%dma_start3A_99 : memref<32x128xf32, #tpu.memory_space<hbm>>) target_semaphore(%run_scoped3A : memref<!tpu.dma_semaphore, #tpu.memory_space<semaphore_mem>>)
      %dma_wait3A = arith.constant 0 : i32
      %dma_wait3A_102 = tpu.memref_slice %arg4[%arg0, %add3A_81, %dma_wait3A] : memref<2x10240x128xf32, #tpu.memory_space<hbm>> -> memref<1x32x128xf32, #tpu.memory_space<hbm>>
      %dma_wait3A_103 = tpu.memref_squeeze %dma_wait3A_102 : memref<1x32x128xf32, #tpu.memory_space<hbm>> -> memref<32x128xf32, #tpu.memory_space<hbm>>
      %dma_wait3A_104 = arith.constant 0 : i32
      %dma_wait3A_105 = tpu.memref_slice %arg8[%add3A_81, %dma_wait3A_104] : memref<10240x128xf32, #tpu.memory_space<vmem_shared>> -> memref<32x128xf32, #tpu.memory_space<vmem_shared>>
      tpu.wait_dma2 semaphore(%run_scoped3A : memref<!tpu.dma_semaphore, #tpu.memory_space<semaphore_mem>>) src(%dma_wait3A_105 : memref<32x128xf32, #tpu.memory_space<vmem_shared>>) dst(%dma_wait3A_103 : memref<32x128xf32, #tpu.memory_space<hbm>>)
      tpu.yield
    }) : () -> ()
    %add3A_82 = arith.constant 384 : i32
    %add3A_83 = arith.addi %mul3A_9, %add3A_82 : i32
    "tpu.region"() ({
      %run_scoped3A = tpu.sem_alloc : memref<!tpu.dma_semaphore, #tpu.memory_space<semaphore_mem>>
      %dma_start3A = arith.constant 0 : i32
      %dma_start3A_98 = tpu.memref_slice %arg4[%arg0, %add3A_83, %dma_start3A] : memref<2x10240x128xf32, #tpu.memory_space<hbm>> -> memref<1x32x128xf32, #tpu.memory_space<hbm>>
      %dma_start3A_99 = tpu.memref_squeeze %dma_start3A_98 : memref<1x32x128xf32, #tpu.memory_space<hbm>> -> memref<32x128xf32, #tpu.memory_space<hbm>>
      %dma_start3A_100 = arith.constant 0 : i32
      %dma_start3A_101 = tpu.memref_slice %arg8[%add3A_83, %dma_start3A_100] : memref<10240x128xf32, #tpu.memory_space<vmem_shared>> -> memref<32x128xf32, #tpu.memory_space<vmem_shared>>
      tpu.enqueue_dma source(%dma_start3A_101 : memref<32x128xf32, #tpu.memory_space<vmem_shared>>) target(%dma_start3A_99 : memref<32x128xf32, #tpu.memory_space<hbm>>) target_semaphore(%run_scoped3A : memref<!tpu.dma_semaphore, #tpu.memory_space<semaphore_mem>>)
      %dma_wait3A = arith.constant 0 : i32
      %dma_wait3A_102 = tpu.memref_slice %arg4[%arg0, %add3A_83, %dma_wait3A] : memref<2x10240x128xf32, #tpu.memory_space<hbm>> -> memref<1x32x128xf32, #tpu.memory_space<hbm>>
      %dma_wait3A_103 = tpu.memref_squeeze %dma_wait3A_102 : memref<1x32x128xf32, #tpu.memory_space<hbm>> -> memref<32x128xf32, #tpu.memory_space<hbm>>
      %dma_wait3A_104 = arith.constant 0 : i32
      %dma_wait3A_105 = tpu.memref_slice %arg8[%add3A_83, %dma_wait3A_104] : memref<10240x128xf32, #tpu.memory_space<vmem_shared>> -> memref<32x128xf32, #tpu.memory_space<vmem_shared>>
      tpu.wait_dma2 semaphore(%run_scoped3A : memref<!tpu.dma_semaphore, #tpu.memory_space<semaphore_mem>>) src(%dma_wait3A_105 : memref<32x128xf32, #tpu.memory_space<vmem_shared>>) dst(%dma_wait3A_103 : memref<32x128xf32, #tpu.memory_space<hbm>>)
      tpu.yield
    }) : () -> ()
    %add3A_84 = arith.constant 416 : i32
    %add3A_85 = arith.addi %mul3A_9, %add3A_84 : i32
    "tpu.region"() ({
      %run_scoped3A = tpu.sem_alloc : memref<!tpu.dma_semaphore, #tpu.memory_space<semaphore_mem>>
      %dma_start3A = arith.constant 0 : i32
      %dma_start3A_98 = tpu.memref_slice %arg4[%arg0, %add3A_85, %dma_start3A] : memref<2x10240x128xf32, #tpu.memory_space<hbm>> -> memref<1x32x128xf32, #tpu.memory_space<hbm>>
      %dma_start3A_99 = tpu.memref_squeeze %dma_start3A_98 : memref<1x32x128xf32, #tpu.memory_space<hbm>> -> memref<32x128xf32, #tpu.memory_space<hbm>>
      %dma_start3A_100 = arith.constant 0 : i32
      %dma_start3A_101 = tpu.memref_slice %arg8[%add3A_85, %dma_start3A_100] : memref<10240x128xf32, #tpu.memory_space<vmem_shared>> -> memref<32x128xf32, #tpu.memory_space<vmem_shared>>
      tpu.enqueue_dma source(%dma_start3A_101 : memref<32x128xf32, #tpu.memory_space<vmem_shared>>) target(%dma_start3A_99 : memref<32x128xf32, #tpu.memory_space<hbm>>) target_semaphore(%run_scoped3A : memref<!tpu.dma_semaphore, #tpu.memory_space<semaphore_mem>>)
      %dma_wait3A = arith.constant 0 : i32
      %dma_wait3A_102 = tpu.memref_slice %arg4[%arg0, %add3A_85, %dma_wait3A] : memref<2x10240x128xf32, #tpu.memory_space<hbm>> -> memref<1x32x128xf32, #tpu.memory_space<hbm>>
      %dma_wait3A_103 = tpu.memref_squeeze %dma_wait3A_102 : memref<1x32x128xf32, #tpu.memory_space<hbm>> -> memref<32x128xf32, #tpu.memory_space<hbm>>
      %dma_wait3A_104 = arith.constant 0 : i32
      %dma_wait3A_105 = tpu.memref_slice %arg8[%add3A_85, %dma_wait3A_104] : memref<10240x128xf32, #tpu.memory_space<vmem_shared>> -> memref<32x128xf32, #tpu.memory_space<vmem_shared>>
      tpu.wait_dma2 semaphore(%run_scoped3A : memref<!tpu.dma_semaphore, #tpu.memory_space<semaphore_mem>>) src(%dma_wait3A_105 : memref<32x128xf32, #tpu.memory_space<vmem_shared>>) dst(%dma_wait3A_103 : memref<32x128xf32, #tpu.memory_space<hbm>>)
      tpu.yield
    }) : () -> ()
    %add3A_86 = arith.constant 448 : i32
    %add3A_87 = arith.addi %mul3A_9, %add3A_86 : i32
    "tpu.region"() ({
      %run_scoped3A = tpu.sem_alloc : memref<!tpu.dma_semaphore, #tpu.memory_space<semaphore_mem>>
      %dma_start3A = arith.constant 0 : i32
      %dma_start3A_98 = tpu.memref_slice %arg4[%arg0, %add3A_87, %dma_start3A] : memref<2x10240x128xf32, #tpu.memory_space<hbm>> -> memref<1x32x128xf32, #tpu.memory_space<hbm>>
      %dma_start3A_99 = tpu.memref_squeeze %dma_start3A_98 : memref<1x32x128xf32, #tpu.memory_space<hbm>> -> memref<32x128xf32, #tpu.memory_space<hbm>>
      %dma_start3A_100 = arith.constant 0 : i32
      %dma_start3A_101 = tpu.memref_slice %arg8[%add3A_87, %dma_start3A_100] : memref<10240x128xf32, #tpu.memory_space<vmem_shared>> -> memref<32x128xf32, #tpu.memory_space<vmem_shared>>
      tpu.enqueue_dma source(%dma_start3A_101 : memref<32x128xf32, #tpu.memory_space<vmem_shared>>) target(%dma_start3A_99 : memref<32x128xf32, #tpu.memory_space<hbm>>) target_semaphore(%run_scoped3A : memref<!tpu.dma_semaphore, #tpu.memory_space<semaphore_mem>>)
      %dma_wait3A = arith.constant 0 : i32
      %dma_wait3A_102 = tpu.memref_slice %arg4[%arg0, %add3A_87, %dma_wait3A] : memref<2x10240x128xf32, #tpu.memory_space<hbm>> -> memref<1x32x128xf32, #tpu.memory_space<hbm>>
      %dma_wait3A_103 = tpu.memref_squeeze %dma_wait3A_102 : memref<1x32x128xf32, #tpu.memory_space<hbm>> -> memref<32x128xf32, #tpu.memory_space<hbm>>
      %dma_wait3A_104 = arith.constant 0 : i32
      %dma_wait3A_105 = tpu.memref_slice %arg8[%add3A_87, %dma_wait3A_104] : memref<10240x128xf32, #tpu.memory_space<vmem_shared>> -> memref<32x128xf32, #tpu.memory_space<vmem_shared>>
      tpu.wait_dma2 semaphore(%run_scoped3A : memref<!tpu.dma_semaphore, #tpu.memory_space<semaphore_mem>>) src(%dma_wait3A_105 : memref<32x128xf32, #tpu.memory_space<vmem_shared>>) dst(%dma_wait3A_103 : memref<32x128xf32, #tpu.memory_space<hbm>>)
      tpu.yield
    }) : () -> ()
    %add3A_88 = arith.constant 480 : i32
    %add3A_89 = arith.addi %mul3A_9, %add3A_88 : i32
    "tpu.region"() ({
      %run_scoped3A = tpu.sem_alloc : memref<!tpu.dma_semaphore, #tpu.memory_space<semaphore_mem>>
      %dma_start3A = arith.constant 0 : i32
      %dma_start3A_98 = tpu.memref_slice %arg4[%arg0, %add3A_89, %dma_start3A] : memref<2x10240x128xf32, #tpu.memory_space<hbm>> -> memref<1x32x128xf32, #tpu.memory_space<hbm>>
      %dma_start3A_99 = tpu.memref_squeeze %dma_start3A_98 : memref<1x32x128xf32, #tpu.memory_space<hbm>> -> memref<32x128xf32, #tpu.memory_space<hbm>>
      %dma_start3A_100 = arith.constant 0 : i32
      %dma_start3A_101 = tpu.memref_slice %arg8[%add3A_89, %dma_start3A_100] : memref<10240x128xf32, #tpu.memory_space<vmem_shared>> -> memref<32x128xf32, #tpu.memory_space<vmem_shared>>
      tpu.enqueue_dma source(%dma_start3A_101 : memref<32x128xf32, #tpu.memory_space<vmem_shared>>) target(%dma_start3A_99 : memref<32x128xf32, #tpu.memory_space<hbm>>) target_semaphore(%run_scoped3A : memref<!tpu.dma_semaphore, #tpu.memory_space<semaphore_mem>>)
      %dma_wait3A = arith.constant 0 : i32
      %dma_wait3A_102 = tpu.memref_slice %arg4[%arg0, %add3A_89, %dma_wait3A] : memref<2x10240x128xf32, #tpu.memory_space<hbm>> -> memref<1x32x128xf32, #tpu.memory_space<hbm>>
      %dma_wait3A_103 = tpu.memref_squeeze %dma_wait3A_102 : memref<1x32x128xf32, #tpu.memory_space<hbm>> -> memref<32x128xf32, #tpu.memory_space<hbm>>
      %dma_wait3A_104 = arith.constant 0 : i32
      %dma_wait3A_105 = tpu.memref_slice %arg8[%add3A_89, %dma_wait3A_104] : memref<10240x128xf32, #tpu.memory_space<vmem_shared>> -> memref<32x128xf32, #tpu.memory_space<vmem_shared>>
      tpu.wait_dma2 semaphore(%run_scoped3A : memref<!tpu.dma_semaphore, #tpu.memory_space<semaphore_mem>>) src(%dma_wait3A_105 : memref<32x128xf32, #tpu.memory_space<vmem_shared>>) dst(%dma_wait3A_103 : memref<32x128xf32, #tpu.memory_space<hbm>>)
      tpu.yield
    }) : () -> ()
    %add3A_90 = arith.constant 512 : i32
    %add3A_91 = arith.addi %mul3A_9, %add3A_90 : i32
    "tpu.region"() ({
      %run_scoped3A = tpu.sem_alloc : memref<!tpu.dma_semaphore, #tpu.memory_space<semaphore_mem>>
      %dma_start3A = arith.constant 0 : i32
      %dma_start3A_98 = tpu.memref_slice %arg4[%arg0, %add3A_91, %dma_start3A] : memref<2x10240x128xf32, #tpu.memory_space<hbm>> -> memref<1x32x128xf32, #tpu.memory_space<hbm>>
      %dma_start3A_99 = tpu.memref_squeeze %dma_start3A_98 : memref<1x32x128xf32, #tpu.memory_space<hbm>> -> memref<32x128xf32, #tpu.memory_space<hbm>>
      %dma_start3A_100 = arith.constant 0 : i32
      %dma_start3A_101 = tpu.memref_slice %arg8[%add3A_91, %dma_start3A_100] : memref<10240x128xf32, #tpu.memory_space<vmem_shared>> -> memref<32x128xf32, #tpu.memory_space<vmem_shared>>
      tpu.enqueue_dma source(%dma_start3A_101 : memref<32x128xf32, #tpu.memory_space<vmem_shared>>) target(%dma_start3A_99 : memref<32x128xf32, #tpu.memory_space<hbm>>) target_semaphore(%run_scoped3A : memref<!tpu.dma_semaphore, #tpu.memory_space<semaphore_mem>>)
      %dma_wait3A = arith.constant 0 : i32
      %dma_wait3A_102 = tpu.memref_slice %arg4[%arg0, %add3A_91, %dma_wait3A] : memref<2x10240x128xf32, #tpu.memory_space<hbm>> -> memref<1x32x128xf32, #tpu.memory_space<hbm>>
      %dma_wait3A_103 = tpu.memref_squeeze %dma_wait3A_102 : memref<1x32x128xf32, #tpu.memory_space<hbm>> -> memref<32x128xf32, #tpu.memory_space<hbm>>
      %dma_wait3A_104 = arith.constant 0 : i32
      %dma_wait3A_105 = tpu.memref_slice %arg8[%add3A_91, %dma_wait3A_104] : memref<10240x128xf32, #tpu.memory_space<vmem_shared>> -> memref<32x128xf32, #tpu.memory_space<vmem_shared>>
      tpu.wait_dma2 semaphore(%run_scoped3A : memref<!tpu.dma_semaphore, #tpu.memory_space<semaphore_mem>>) src(%dma_wait3A_105 : memref<32x128xf32, #tpu.memory_space<vmem_shared>>) dst(%dma_wait3A_103 : memref<32x128xf32, #tpu.memory_space<hbm>>)
      tpu.yield
    }) : () -> ()
    %add3A_92 = arith.constant 544 : i32
    %add3A_93 = arith.addi %mul3A_9, %add3A_92 : i32
    "tpu.region"() ({
      %run_scoped3A = tpu.sem_alloc : memref<!tpu.dma_semaphore, #tpu.memory_space<semaphore_mem>>
      %dma_start3A = arith.constant 0 : i32
      %dma_start3A_98 = tpu.memref_slice %arg4[%arg0, %add3A_93, %dma_start3A] : memref<2x10240x128xf32, #tpu.memory_space<hbm>> -> memref<1x32x128xf32, #tpu.memory_space<hbm>>
      %dma_start3A_99 = tpu.memref_squeeze %dma_start3A_98 : memref<1x32x128xf32, #tpu.memory_space<hbm>> -> memref<32x128xf32, #tpu.memory_space<hbm>>
      %dma_start3A_100 = arith.constant 0 : i32
      %dma_start3A_101 = tpu.memref_slice %arg8[%add3A_93, %dma_start3A_100] : memref<10240x128xf32, #tpu.memory_space<vmem_shared>> -> memref<32x128xf32, #tpu.memory_space<vmem_shared>>
      tpu.enqueue_dma source(%dma_start3A_101 : memref<32x128xf32, #tpu.memory_space<vmem_shared>>) target(%dma_start3A_99 : memref<32x128xf32, #tpu.memory_space<hbm>>) target_semaphore(%run_scoped3A : memref<!tpu.dma_semaphore, #tpu.memory_space<semaphore_mem>>)
      %dma_wait3A = arith.constant 0 : i32
      %dma_wait3A_102 = tpu.memref_slice %arg4[%arg0, %add3A_93, %dma_wait3A] : memref<2x10240x128xf32, #tpu.memory_space<hbm>> -> memref<1x32x128xf32, #tpu.memory_space<hbm>>
      %dma_wait3A_103 = tpu.memref_squeeze %dma_wait3A_102 : memref<1x32x128xf32, #tpu.memory_space<hbm>> -> memref<32x128xf32, #tpu.memory_space<hbm>>
      %dma_wait3A_104 = arith.constant 0 : i32
      %dma_wait3A_105 = tpu.memref_slice %arg8[%add3A_93, %dma_wait3A_104] : memref<10240x128xf32, #tpu.memory_space<vmem_shared>> -> memref<32x128xf32, #tpu.memory_space<vmem_shared>>
      tpu.wait_dma2 semaphore(%run_scoped3A : memref<!tpu.dma_semaphore, #tpu.memory_space<semaphore_mem>>) src(%dma_wait3A_105 : memref<32x128xf32, #tpu.memory_space<vmem_shared>>) dst(%dma_wait3A_103 : memref<32x128xf32, #tpu.memory_space<hbm>>)
      tpu.yield
    }) : () -> ()
    %add3A_94 = arith.constant 576 : i32
    %add3A_95 = arith.addi %mul3A_9, %add3A_94 : i32
    "tpu.region"() ({
      %run_scoped3A = tpu.sem_alloc : memref<!tpu.dma_semaphore, #tpu.memory_space<semaphore_mem>>
      %dma_start3A = arith.constant 0 : i32
      %dma_start3A_98 = tpu.memref_slice %arg4[%arg0, %add3A_95, %dma_start3A] : memref<2x10240x128xf32, #tpu.memory_space<hbm>> -> memref<1x32x128xf32, #tpu.memory_space<hbm>>
      %dma_start3A_99 = tpu.memref_squeeze %dma_start3A_98 : memref<1x32x128xf32, #tpu.memory_space<hbm>> -> memref<32x128xf32, #tpu.memory_space<hbm>>
      %dma_start3A_100 = arith.constant 0 : i32
      %dma_start3A_101 = tpu.memref_slice %arg8[%add3A_95, %dma_start3A_100] : memref<10240x128xf32, #tpu.memory_space<vmem_shared>> -> memref<32x128xf32, #tpu.memory_space<vmem_shared>>
      tpu.enqueue_dma source(%dma_start3A_101 : memref<32x128xf32, #tpu.memory_space<vmem_shared>>) target(%dma_start3A_99 : memref<32x128xf32, #tpu.memory_space<hbm>>) target_semaphore(%run_scoped3A : memref<!tpu.dma_semaphore, #tpu.memory_space<semaphore_mem>>)
      %dma_wait3A = arith.constant 0 : i32
      %dma_wait3A_102 = tpu.memref_slice %arg4[%arg0, %add3A_95, %dma_wait3A] : memref<2x10240x128xf32, #tpu.memory_space<hbm>> -> memref<1x32x128xf32, #tpu.memory_space<hbm>>
      %dma_wait3A_103 = tpu.memref_squeeze %dma_wait3A_102 : memref<1x32x128xf32, #tpu.memory_space<hbm>> -> memref<32x128xf32, #tpu.memory_space<hbm>>
      %dma_wait3A_104 = arith.constant 0 : i32
      %dma_wait3A_105 = tpu.memref_slice %arg8[%add3A_95, %dma_wait3A_104] : memref<10240x128xf32, #tpu.memory_space<vmem_shared>> -> memref<32x128xf32, #tpu.memory_space<vmem_shared>>
      tpu.wait_dma2 semaphore(%run_scoped3A : memref<!tpu.dma_semaphore, #tpu.memory_space<semaphore_mem>>) src(%dma_wait3A_105 : memref<32x128xf32, #tpu.memory_space<vmem_shared>>) dst(%dma_wait3A_103 : memref<32x128xf32, #tpu.memory_space<hbm>>)
      tpu.yield
    }) : () -> ()
    %add3A_96 = arith.constant 608 : i32
    %add3A_97 = arith.addi %mul3A_9, %add3A_96 : i32
    "tpu.region"() ({
      %run_scoped3A = tpu.sem_alloc : memref<!tpu.dma_semaphore, #tpu.memory_space<semaphore_mem>>
      %dma_start3A = arith.constant 0 : i32
      %dma_start3A_98 = tpu.memref_slice %arg4[%arg0, %add3A_97, %dma_start3A] : memref<2x10240x128xf32, #tpu.memory_space<hbm>> -> memref<1x32x128xf32, #tpu.memory_space<hbm>>
      %dma_start3A_99 = tpu.memref_squeeze %dma_start3A_98 : memref<1x32x128xf32, #tpu.memory_space<hbm>> -> memref<32x128xf32, #tpu.memory_space<hbm>>
      %dma_start3A_100 = arith.constant 0 : i32
      %dma_start3A_101 = tpu.memref_slice %arg8[%add3A_97, %dma_start3A_100] : memref<10240x128xf32, #tpu.memory_space<vmem_shared>> -> memref<32x128xf32, #tpu.memory_space<vmem_shared>>
      tpu.enqueue_dma source(%dma_start3A_101 : memref<32x128xf32, #tpu.memory_space<vmem_shared>>) target(%dma_start3A_99 : memref<32x128xf32, #tpu.memory_space<hbm>>) target_semaphore(%run_scoped3A : memref<!tpu.dma_semaphore, #tpu.memory_space<semaphore_mem>>)
      %dma_wait3A = arith.constant 0 : i32
      %dma_wait3A_102 = tpu.memref_slice %arg4[%arg0, %add3A_97, %dma_wait3A] : memref<2x10240x128xf32, #tpu.memory_space<hbm>> -> memref<1x32x128xf32, #tpu.memory_space<hbm>>
      %dma_wait3A_103 = tpu.memref_squeeze %dma_wait3A_102 : memref<1x32x128xf32, #tpu.memory_space<hbm>> -> memref<32x128xf32, #tpu.memory_space<hbm>>
      %dma_wait3A_104 = arith.constant 0 : i32
      %dma_wait3A_105 = tpu.memref_slice %arg8[%add3A_97, %dma_wait3A_104] : memref<10240x128xf32, #tpu.memory_space<vmem_shared>> -> memref<32x128xf32, #tpu.memory_space<vmem_shared>>
      tpu.wait_dma2 semaphore(%run_scoped3A : memref<!tpu.dma_semaphore, #tpu.memory_space<semaphore_mem>>) src(%dma_wait3A_105 : memref<32x128xf32, #tpu.memory_space<vmem_shared>>) dst(%dma_wait3A_103 : memref<32x128xf32, #tpu.memory_space<hbm>>)
      tpu.yield
    }) : () -> ()
    return
  }
}

#map = affine_map<(d0, d1) -> (0, 0)>
#map1 = affine_map<(d0, d1) -> (0)>
module attributes {stable_mosaic.version = 14 : i64} {
  func.func @_sc_gather1_body(%arg0: i32, %arg1: i32, %arg2: memref<10000x128xf32, #tpu.memory_space<hbm>>, %arg3: memref<320000xi32, #tpu.memory_space<hbm>>, %arg4: memref<320000x128xf32, #tpu.memory_space<hbm>>, %arg5: memref<10000xi32, #tpu.memory_space<vmem>>, %arg6: memref<400x128xf32, #tpu.memory_space<vmem>>, %arg7: memref<!tpu.dma_semaphore, #tpu.memory_space<semaphore_mem>>) attributes {dimension_semantics = [#tpu.dimension_semantics<core_parallel>, #tpu.dimension_semantics<subcore_parallel>], iteration_bounds = array<i64: 2, 16>, scalar_prefetch = 0 : i64, scratch_operands = 3 : i64, tpu.core_type = #tpu.core_type<sc_vector_subcore>, window_params = [{transform_indices = #map}, {transform_indices = #map1}, {transform_indices = #map}]} {
    %mul3A = arith.constant 2 : i32
    %mul3A_0 = arith.muli %arg1, %mul3A : i32
    %add3A = arith.addi %mul3A_0, %arg0 : i32
    %mul3A_1 = arith.constant 10000 : i32
    %mul3A_2 = arith.muli %add3A, %mul3A_1 : i32
    "tpu.region"() ({
      %run_scoped3A = tpu.sem_alloc : memref<!tpu.dma_semaphore, #tpu.memory_space<semaphore_mem>>
      %dma_start3A = tpu.memref_slice %arg3[%mul3A_2] : memref<320000xi32, #tpu.memory_space<hbm>> -> memref<10000xi32, #tpu.memory_space<hbm>>
      %dma_start3A_9 = tpu.memref_slice %arg3[%mul3A_2] : memref<320000xi32, #tpu.memory_space<hbm>> -> memref<10000xi32, #tpu.memory_space<hbm>>
      tpu.enqueue_dma source(%dma_start3A_9 : memref<10000xi32, #tpu.memory_space<hbm>>) target(%arg5 : memref<10000xi32, #tpu.memory_space<vmem>>) target_semaphore(%run_scoped3A : memref<!tpu.dma_semaphore, #tpu.memory_space<semaphore_mem>>)
      %dma_wait3A = tpu.memref_slice %arg3[%mul3A_2] : memref<320000xi32, #tpu.memory_space<hbm>> -> memref<10000xi32, #tpu.memory_space<hbm>>
      %dma_wait3A_10 = tpu.memref_slice %arg3[%mul3A_2] : memref<320000xi32, #tpu.memory_space<hbm>> -> memref<10000xi32, #tpu.memory_space<hbm>>
      tpu.wait_dma2 semaphore(%run_scoped3A : memref<!tpu.dma_semaphore, #tpu.memory_space<semaphore_mem>>) src(%dma_wait3A_10 : memref<10000xi32, #tpu.memory_space<hbm>>) dst(%arg5 : memref<10000xi32, #tpu.memory_space<vmem>>)
      tpu.yield
    }) : () -> ()
    %scan3A = arith.constant 0 : i32
    %scan3A_3 = arith.constant 0 : i32
    %scan3A_4 = arith.constant 25 : i32
    %scan3A_5 = arith.addi %scan3A_3, %scan3A_4 : i32
    %scan3A_6 = arith.constant 1 : i32
    %scan3A_7 = scf.for %scan3A_9 = %scan3A_3 to %scan3A_5 step %scan3A_6 iter_args(%scan3A_10 = %scan3A) -> (i32)  : i32 {
      %mul3A_11 = arith.constant 400 : i32
      %mul3A_12 = arith.muli %scan3A_9, %mul3A_11 : i32
      %dma_start3A = tpu.memref_slice %arg5[%mul3A_12] : memref<10000xi32, #tpu.memory_space<vmem>> -> memref<400xi32, #tpu.memory_space<vmem>>
      %dma_start3A_13 = arith.constant 0 : i32
      %dma_start3A_14 = arith.constant 0 : i32
      %dma_start3A_15 = tpu.memref_slice %arg2[%dma_start3A_13, %dma_start3A_14] : memref<10000x128xf32, #tpu.memory_space<hbm>> -> memref<10000x128xf32, #tpu.memory_space<hbm>>
      tpu.enqueue_indirect_dma source(%dma_start3A_15 : memref<10000x128xf32, #tpu.memory_space<hbm>>) target(%arg6 : memref<400x128xf32, #tpu.memory_space<vmem>>) offsets(%dma_start3A : memref<400xi32, #tpu.memory_space<vmem>>) semaphore(%arg7 : memref<!tpu.dma_semaphore, #tpu.memory_space<semaphore_mem>>)
      %dma_wait3A = tpu.memref_slice %arg5[%mul3A_12] : memref<10000xi32, #tpu.memory_space<vmem>> -> memref<400xi32, #tpu.memory_space<vmem>>
      %dma_wait3A_16 = arith.constant 0 : i32
      %dma_wait3A_17 = arith.constant 0 : i32
      %dma_wait3A_18 = tpu.memref_slice %arg2[%dma_wait3A_16, %dma_wait3A_17] : memref<10000x128xf32, #tpu.memory_space<hbm>> -> memref<10000x128xf32, #tpu.memory_space<hbm>>
      tpu.wait_indirect_dma semaphore(%arg7 : memref<!tpu.dma_semaphore, #tpu.memory_space<semaphore_mem>>) src(%dma_wait3A_18 : memref<10000x128xf32, #tpu.memory_space<hbm>>) dst(%arg6 : memref<400x128xf32, #tpu.memory_space<vmem>>)
      %add3A_19 = arith.addi %mul3A_2, %mul3A_12 : i32
      "tpu.region"() ({
        %run_scoped3A = tpu.sem_alloc : memref<!tpu.dma_semaphore, #tpu.memory_space<semaphore_mem>>
        %dma_start3A_21 = arith.constant 0 : i32
        %dma_start3A_22 = tpu.memref_slice %arg4[%add3A_19, %dma_start3A_21] : memref<320000x128xf32, #tpu.memory_space<hbm>> -> memref<400x128xf32, #tpu.memory_space<hbm>>
        %dma_start3A_23 = arith.constant 0 : i32
        %dma_start3A_24 = tpu.memref_slice %arg4[%add3A_19, %dma_start3A_23] : memref<320000x128xf32, #tpu.memory_space<hbm>> -> memref<400x128xf32, #tpu.memory_space<hbm>>
        tpu.enqueue_dma source(%arg6 : memref<400x128xf32, #tpu.memory_space<vmem>>) target(%dma_start3A_24 : memref<400x128xf32, #tpu.memory_space<hbm>>) target_semaphore(%run_scoped3A : memref<!tpu.dma_semaphore, #tpu.memory_space<semaphore_mem>>)
        %dma_wait3A_25 = arith.constant 0 : i32
        %dma_wait3A_26 = tpu.memref_slice %arg4[%add3A_19, %dma_wait3A_25] : memref<320000x128xf32, #tpu.memory_space<hbm>> -> memref<400x128xf32, #tpu.memory_space<hbm>>
        %dma_wait3A_27 = arith.constant 0 : i32
        %dma_wait3A_28 = tpu.memref_slice %arg4[%add3A_19, %dma_wait3A_27] : memref<320000x128xf32, #tpu.memory_space<hbm>> -> memref<400x128xf32, #tpu.memory_space<hbm>>
        tpu.wait_dma2 semaphore(%run_scoped3A : memref<!tpu.dma_semaphore, #tpu.memory_space<semaphore_mem>>) src(%arg6 : memref<400x128xf32, #tpu.memory_space<vmem>>) dst(%dma_wait3A_28 : memref<400x128xf32, #tpu.memory_space<hbm>>)
        tpu.yield
      }) : () -> ()
      %scan3A_20 = arith.constant 0 : i32
      scf.yield %scan3A_20 : i32
    }
    %scan3A_8 = arith.constant 25 : i32
    return
  }
}

#map = affine_map<(d0, d1) -> (0, 0)>
#map1 = affine_map<(d0, d1) -> (0)>
module attributes {stable_mosaic.version = 14 : i64} {
  func.func @_sc_gather_body(%arg0: i32, %arg1: i32, %arg2: memref<10000x256xf32, #tpu.memory_space<hbm>>, %arg3: memref<10000x128xf32, #tpu.memory_space<hbm>>, %arg4: memref<320000xi32, #tpu.memory_space<hbm>>, %arg5: memref<320000xi32, #tpu.memory_space<hbm>>, %arg6: memref<320000x256xf32, #tpu.memory_space<hbm>>, %arg7: memref<320000x128xf32, #tpu.memory_space<hbm>>, %arg8: memref<10000xi32, #tpu.memory_space<vmem>>, %arg9: memref<10000xi32, #tpu.memory_space<vmem>>, %arg10: memref<200x256xf32, #tpu.memory_space<vmem>>, %arg11: memref<200x128xf32, #tpu.memory_space<vmem>>, %arg12: memref<!tpu.dma_semaphore, #tpu.memory_space<semaphore_mem>>, %arg13: memref<!tpu.dma_semaphore, #tpu.memory_space<semaphore_mem>>) attributes {dimension_semantics = [#tpu.dimension_semantics<core_parallel>, #tpu.dimension_semantics<subcore_parallel>], iteration_bounds = array<i64: 2, 16>, scalar_prefetch = 0 : i64, scratch_operands = 6 : i64, tpu.core_type = #tpu.core_type<sc_vector_subcore>, window_params = [{transform_indices = #map}, {transform_indices = #map}, {transform_indices = #map1}, {transform_indices = #map1}, {transform_indices = #map}, {transform_indices = #map}]} {
    %mul3A = arith.constant 2 : i32
    %mul3A_0 = arith.muli %arg1, %mul3A : i32
    %add3A = arith.addi %mul3A_0, %arg0 : i32
    %mul3A_1 = arith.constant 10000 : i32
    %mul3A_2 = arith.muli %add3A, %mul3A_1 : i32
    "tpu.region"() ({
      %run_scoped3A = tpu.sem_alloc : memref<!tpu.dma_semaphore, #tpu.memory_space<semaphore_mem>>
      %dma_start3A = tpu.memref_slice %arg4[%mul3A_2] : memref<320000xi32, #tpu.memory_space<hbm>> -> memref<10000xi32, #tpu.memory_space<hbm>>
      %dma_start3A_9 = tpu.memref_slice %arg4[%mul3A_2] : memref<320000xi32, #tpu.memory_space<hbm>> -> memref<10000xi32, #tpu.memory_space<hbm>>
      tpu.enqueue_dma source(%dma_start3A_9 : memref<10000xi32, #tpu.memory_space<hbm>>) target(%arg8 : memref<10000xi32, #tpu.memory_space<vmem>>) target_semaphore(%run_scoped3A : memref<!tpu.dma_semaphore, #tpu.memory_space<semaphore_mem>>)
      %dma_wait3A = tpu.memref_slice %arg4[%mul3A_2] : memref<320000xi32, #tpu.memory_space<hbm>> -> memref<10000xi32, #tpu.memory_space<hbm>>
      %dma_wait3A_10 = tpu.memref_slice %arg4[%mul3A_2] : memref<320000xi32, #tpu.memory_space<hbm>> -> memref<10000xi32, #tpu.memory_space<hbm>>
      tpu.wait_dma2 semaphore(%run_scoped3A : memref<!tpu.dma_semaphore, #tpu.memory_space<semaphore_mem>>) src(%dma_wait3A_10 : memref<10000xi32, #tpu.memory_space<hbm>>) dst(%arg8 : memref<10000xi32, #tpu.memory_space<vmem>>)
      tpu.yield
    }) : () -> ()
    "tpu.region"() ({
      %run_scoped3A = tpu.sem_alloc : memref<!tpu.dma_semaphore, #tpu.memory_space<semaphore_mem>>
      %dma_start3A = tpu.memref_slice %arg5[%mul3A_2] : memref<320000xi32, #tpu.memory_space<hbm>> -> memref<10000xi32, #tpu.memory_space<hbm>>
      %dma_start3A_9 = tpu.memref_slice %arg5[%mul3A_2] : memref<320000xi32, #tpu.memory_space<hbm>> -> memref<10000xi32, #tpu.memory_space<hbm>>
      tpu.enqueue_dma source(%dma_start3A_9 : memref<10000xi32, #tpu.memory_space<hbm>>) target(%arg9 : memref<10000xi32, #tpu.memory_space<vmem>>) target_semaphore(%run_scoped3A : memref<!tpu.dma_semaphore, #tpu.memory_space<semaphore_mem>>)
      %dma_wait3A = tpu.memref_slice %arg5[%mul3A_2] : memref<320000xi32, #tpu.memory_space<hbm>> -> memref<10000xi32, #tpu.memory_space<hbm>>
      %dma_wait3A_10 = tpu.memref_slice %arg5[%mul3A_2] : memref<320000xi32, #tpu.memory_space<hbm>> -> memref<10000xi32, #tpu.memory_space<hbm>>
      tpu.wait_dma2 semaphore(%run_scoped3A : memref<!tpu.dma_semaphore, #tpu.memory_space<semaphore_mem>>) src(%dma_wait3A_10 : memref<10000xi32, #tpu.memory_space<hbm>>) dst(%arg9 : memref<10000xi32, #tpu.memory_space<vmem>>)
      tpu.yield
    }) : () -> ()
    %scan3A = arith.constant 0 : i32
    %scan3A_3 = arith.constant 0 : i32
    %scan3A_4 = arith.constant 50 : i32
    %scan3A_5 = arith.addi %scan3A_3, %scan3A_4 : i32
    %scan3A_6 = arith.constant 1 : i32
    %scan3A_7 = scf.for %scan3A_9 = %scan3A_3 to %scan3A_5 step %scan3A_6 iter_args(%scan3A_10 = %scan3A) -> (i32)  : i32 {
      %mul3A_11 = arith.constant 200 : i32
      %mul3A_12 = arith.muli %scan3A_9, %mul3A_11 : i32
      %dma_start3A = tpu.memref_slice %arg8[%mul3A_12] : memref<10000xi32, #tpu.memory_space<vmem>> -> memref<200xi32, #tpu.memory_space<vmem>>
      %dma_start3A_13 = arith.constant 0 : i32
      %dma_start3A_14 = arith.constant 0 : i32
      %dma_start3A_15 = tpu.memref_slice %arg2[%dma_start3A_13, %dma_start3A_14] : memref<10000x256xf32, #tpu.memory_space<hbm>> -> memref<10000x256xf32, #tpu.memory_space<hbm>>
      tpu.enqueue_indirect_dma source(%dma_start3A_15 : memref<10000x256xf32, #tpu.memory_space<hbm>>) target(%arg10 : memref<200x256xf32, #tpu.memory_space<vmem>>) offsets(%dma_start3A : memref<200xi32, #tpu.memory_space<vmem>>) semaphore(%arg12 : memref<!tpu.dma_semaphore, #tpu.memory_space<semaphore_mem>>)
      %dma_start3A_16 = tpu.memref_slice %arg9[%mul3A_12] : memref<10000xi32, #tpu.memory_space<vmem>> -> memref<200xi32, #tpu.memory_space<vmem>>
      %dma_start3A_17 = arith.constant 0 : i32
      %dma_start3A_18 = arith.constant 0 : i32
      %dma_start3A_19 = tpu.memref_slice %arg3[%dma_start3A_17, %dma_start3A_18] : memref<10000x128xf32, #tpu.memory_space<hbm>> -> memref<10000x128xf32, #tpu.memory_space<hbm>>
      tpu.enqueue_indirect_dma source(%dma_start3A_19 : memref<10000x128xf32, #tpu.memory_space<hbm>>) target(%arg11 : memref<200x128xf32, #tpu.memory_space<vmem>>) offsets(%dma_start3A_16 : memref<200xi32, #tpu.memory_space<vmem>>) semaphore(%arg13 : memref<!tpu.dma_semaphore, #tpu.memory_space<semaphore_mem>>)
      %dma_wait3A = tpu.memref_slice %arg8[%mul3A_12] : memref<10000xi32, #tpu.memory_space<vmem>> -> memref<200xi32, #tpu.memory_space<vmem>>
      %dma_wait3A_20 = arith.constant 0 : i32
      %dma_wait3A_21 = arith.constant 0 : i32
      %dma_wait3A_22 = tpu.memref_slice %arg2[%dma_wait3A_20, %dma_wait3A_21] : memref<10000x256xf32, #tpu.memory_space<hbm>> -> memref<10000x256xf32, #tpu.memory_space<hbm>>
      tpu.wait_indirect_dma semaphore(%arg12 : memref<!tpu.dma_semaphore, #tpu.memory_space<semaphore_mem>>) src(%dma_wait3A_22 : memref<10000x256xf32, #tpu.memory_space<hbm>>) dst(%arg10 : memref<200x256xf32, #tpu.memory_space<vmem>>)
      %dma_wait3A_23 = tpu.memref_slice %arg9[%mul3A_12] : memref<10000xi32, #tpu.memory_space<vmem>> -> memref<200xi32, #tpu.memory_space<vmem>>
      %dma_wait3A_24 = arith.constant 0 : i32
      %dma_wait3A_25 = arith.constant 0 : i32
      %dma_wait3A_26 = tpu.memref_slice %arg3[%dma_wait3A_24, %dma_wait3A_25] : memref<10000x128xf32, #tpu.memory_space<hbm>> -> memref<10000x128xf32, #tpu.memory_space<hbm>>
      tpu.wait_indirect_dma semaphore(%arg13 : memref<!tpu.dma_semaphore, #tpu.memory_space<semaphore_mem>>) src(%dma_wait3A_26 : memref<10000x128xf32, #tpu.memory_space<hbm>>) dst(%arg11 : memref<200x128xf32, #tpu.memory_space<vmem>>)
      %add3A_27 = arith.addi %mul3A_2, %mul3A_12 : i32
      "tpu.region"() ({
        %run_scoped3A = tpu.sem_alloc : memref<!tpu.dma_semaphore, #tpu.memory_space<semaphore_mem>>
        %dma_start3A_30 = arith.constant 0 : i32
        %dma_start3A_31 = tpu.memref_slice %arg6[%add3A_27, %dma_start3A_30] : memref<320000x256xf32, #tpu.memory_space<hbm>> -> memref<200x256xf32, #tpu.memory_space<hbm>>
        %dma_start3A_32 = arith.constant 0 : i32
        %dma_start3A_33 = tpu.memref_slice %arg6[%add3A_27, %dma_start3A_32] : memref<320000x256xf32, #tpu.memory_space<hbm>> -> memref<200x256xf32, #tpu.memory_space<hbm>>
        tpu.enqueue_dma source(%arg10 : memref<200x256xf32, #tpu.memory_space<vmem>>) target(%dma_start3A_33 : memref<200x256xf32, #tpu.memory_space<hbm>>) target_semaphore(%run_scoped3A : memref<!tpu.dma_semaphore, #tpu.memory_space<semaphore_mem>>)
        %dma_wait3A_34 = arith.constant 0 : i32
        %dma_wait3A_35 = tpu.memref_slice %arg6[%add3A_27, %dma_wait3A_34] : memref<320000x256xf32, #tpu.memory_space<hbm>> -> memref<200x256xf32, #tpu.memory_space<hbm>>
        %dma_wait3A_36 = arith.constant 0 : i32
        %dma_wait3A_37 = tpu.memref_slice %arg6[%add3A_27, %dma_wait3A_36] : memref<320000x256xf32, #tpu.memory_space<hbm>> -> memref<200x256xf32, #tpu.memory_space<hbm>>
        tpu.wait_dma2 semaphore(%run_scoped3A : memref<!tpu.dma_semaphore, #tpu.memory_space<semaphore_mem>>) src(%arg10 : memref<200x256xf32, #tpu.memory_space<vmem>>) dst(%dma_wait3A_37 : memref<200x256xf32, #tpu.memory_space<hbm>>)
        tpu.yield
      }) : () -> ()
      %add3A_28 = arith.addi %mul3A_2, %mul3A_12 : i32
      "tpu.region"() ({
        %run_scoped3A = tpu.sem_alloc : memref<!tpu.dma_semaphore, #tpu.memory_space<semaphore_mem>>
        %dma_start3A_30 = arith.constant 0 : i32
        %dma_start3A_31 = tpu.memref_slice %arg7[%add3A_28, %dma_start3A_30] : memref<320000x128xf32, #tpu.memory_space<hbm>> -> memref<200x128xf32, #tpu.memory_space<hbm>>
        %dma_start3A_32 = arith.constant 0 : i32
        %dma_start3A_33 = tpu.memref_slice %arg7[%add3A_28, %dma_start3A_32] : memref<320000x128xf32, #tpu.memory_space<hbm>> -> memref<200x128xf32, #tpu.memory_space<hbm>>
        tpu.enqueue_dma source(%arg11 : memref<200x128xf32, #tpu.memory_space<vmem>>) target(%dma_start3A_33 : memref<200x128xf32, #tpu.memory_space<hbm>>) target_semaphore(%run_scoped3A : memref<!tpu.dma_semaphore, #tpu.memory_space<semaphore_mem>>)
        %dma_wait3A_34 = arith.constant 0 : i32
        %dma_wait3A_35 = tpu.memref_slice %arg7[%add3A_28, %dma_wait3A_34] : memref<320000x128xf32, #tpu.memory_space<hbm>> -> memref<200x128xf32, #tpu.memory_space<hbm>>
        %dma_wait3A_36 = arith.constant 0 : i32
        %dma_wait3A_37 = tpu.memref_slice %arg7[%add3A_28, %dma_wait3A_36] : memref<320000x128xf32, #tpu.memory_space<hbm>> -> memref<200x128xf32, #tpu.memory_space<hbm>>
        tpu.wait_dma2 semaphore(%run_scoped3A : memref<!tpu.dma_semaphore, #tpu.memory_space<semaphore_mem>>) src(%arg11 : memref<200x128xf32, #tpu.memory_space<vmem>>) dst(%dma_wait3A_37 : memref<200x128xf32, #tpu.memory_space<hbm>>)
        tpu.yield
      }) : () -> ()
      %scan3A_29 = arith.constant 0 : i32
      scf.yield %scan3A_29 : i32
    }
    %scan3A_8 = arith.constant 50 : i32
    return
  }
}

#map = affine_map<(d0, d1) -> (0)>
#map1 = affine_map<(d0, d1) -> (0, 0)>
module attributes {stable_mosaic.version = 14 : i64} {
  func.func @_sc_hist(%arg0: i32, %arg1: i32, %arg2: memref<320000xi32, #tpu.memory_space<hbm>>, %arg3: memref<320000xf32, #tpu.memory_space<hbm>>, %arg4: memref<32x10000xf32, #tpu.memory_space<hbm>>, %arg5: memref<10000xi32, #tpu.memory_space<vmem>>, %arg6: memref<10000xf32, #tpu.memory_space<vmem>>, %arg7: memref<10000xf32, #tpu.memory_space<vmem>>) attributes {dimension_semantics = [#tpu.dimension_semantics<core_parallel>, #tpu.dimension_semantics<subcore_parallel>], iteration_bounds = array<i64: 2, 16>, scalar_prefetch = 0 : i64, scratch_operands = 3 : i64, tpu.core_type = #tpu.core_type<sc_vector_subcore>, window_params = [{transform_indices = #map}, {transform_indices = #map}, {transform_indices = #map1}]} {
    %mul3A = arith.constant 2 : i32
    %mul3A_0 = arith.muli %arg1, %mul3A : i32
    %add3A = arith.addi %mul3A_0, %arg0 : i32
    %mul3A_1 = arith.constant 10000 : i32
    %mul3A_2 = arith.muli %add3A, %mul3A_1 : i32
    "tpu.region"() ({
      %run_scoped3A = tpu.sem_alloc : memref<!tpu.dma_semaphore, #tpu.memory_space<semaphore_mem>>
      %dma_start3A = tpu.memref_slice %arg2[%mul3A_2] : memref<320000xi32, #tpu.memory_space<hbm>> -> memref<10000xi32, #tpu.memory_space<hbm>>
      %dma_start3A_17 = tpu.memref_slice %arg2[%mul3A_2] : memref<320000xi32, #tpu.memory_space<hbm>> -> memref<10000xi32, #tpu.memory_space<hbm>>
      tpu.enqueue_dma source(%dma_start3A_17 : memref<10000xi32, #tpu.memory_space<hbm>>) target(%arg5 : memref<10000xi32, #tpu.memory_space<vmem>>) target_semaphore(%run_scoped3A : memref<!tpu.dma_semaphore, #tpu.memory_space<semaphore_mem>>)
      %dma_wait3A = tpu.memref_slice %arg2[%mul3A_2] : memref<320000xi32, #tpu.memory_space<hbm>> -> memref<10000xi32, #tpu.memory_space<hbm>>
      %dma_wait3A_18 = tpu.memref_slice %arg2[%mul3A_2] : memref<320000xi32, #tpu.memory_space<hbm>> -> memref<10000xi32, #tpu.memory_space<hbm>>
      tpu.wait_dma2 semaphore(%run_scoped3A : memref<!tpu.dma_semaphore, #tpu.memory_space<semaphore_mem>>) src(%dma_wait3A_18 : memref<10000xi32, #tpu.memory_space<hbm>>) dst(%arg5 : memref<10000xi32, #tpu.memory_space<vmem>>)
      tpu.yield
    }) : () -> ()
    "tpu.region"() ({
      %run_scoped3A = tpu.sem_alloc : memref<!tpu.dma_semaphore, #tpu.memory_space<semaphore_mem>>
      %dma_start3A = tpu.memref_slice %arg3[%mul3A_2] : memref<320000xf32, #tpu.memory_space<hbm>> -> memref<10000xf32, #tpu.memory_space<hbm>>
      %dma_start3A_17 = tpu.memref_slice %arg3[%mul3A_2] : memref<320000xf32, #tpu.memory_space<hbm>> -> memref<10000xf32, #tpu.memory_space<hbm>>
      tpu.enqueue_dma source(%dma_start3A_17 : memref<10000xf32, #tpu.memory_space<hbm>>) target(%arg6 : memref<10000xf32, #tpu.memory_space<vmem>>) target_semaphore(%run_scoped3A : memref<!tpu.dma_semaphore, #tpu.memory_space<semaphore_mem>>)
      %dma_wait3A = tpu.memref_slice %arg3[%mul3A_2] : memref<320000xf32, #tpu.memory_space<hbm>> -> memref<10000xf32, #tpu.memory_space<hbm>>
      %dma_wait3A_18 = tpu.memref_slice %arg3[%mul3A_2] : memref<320000xf32, #tpu.memory_space<hbm>> -> memref<10000xf32, #tpu.memory_space<hbm>>
      tpu.wait_dma2 semaphore(%run_scoped3A : memref<!tpu.dma_semaphore, #tpu.memory_space<semaphore_mem>>) src(%dma_wait3A_18 : memref<10000xf32, #tpu.memory_space<hbm>>) dst(%arg6 : memref<10000xf32, #tpu.memory_space<vmem>>)
      tpu.yield
    }) : () -> ()
    %broadcast_in_dim3A = arith.constant 0.000000e+00 : f32
    %broadcast_in_dim3A_3 = vector.broadcast %broadcast_in_dim3A : f32 to vector<16xf32>
    %scan3A = arith.constant 0 : i32
    %scan3A_4 = arith.constant 0 : i32
    %scan3A_5 = arith.constant 625 : i32
    %scan3A_6 = arith.addi %scan3A_4, %scan3A_5 : i32
    %scan3A_7 = arith.constant 1 : i32
    %scan3A_8 = scf.for %scan3A_17 = %scan3A_4 to %scan3A_6 step %scan3A_7 iter_args(%scan3A_18 = %scan3A) -> (i32)  : i32 {
      %mul3A_19 = arith.constant 16 : i32
      %mul3A_20 = arith.muli %scan3A_17, %mul3A_19 : i32
      %swap3A = arith.index_cast %mul3A_20 : i32 to index
      %swap3A_21 = tpu.vector_load %arg7[%swap3A] {strides = array<i32>} : memref<10000xf32, #tpu.memory_space<vmem>>, vector<16xf32>,
      tpu.vector_store %arg7[%swap3A], %broadcast_in_dim3A_3 {strides = array<i32>} : memref<10000xf32, #tpu.memory_space<vmem>>, vector<16xf32>,
      %scan3A_22 = arith.constant 0 : i32
      scf.yield %scan3A_22 : i32
    }
    %scan3A_9 = arith.constant 625 : i32
    %scan3A_10 = arith.constant 0 : i32
    %scan3A_11 = arith.constant 0 : i32
    %scan3A_12 = arith.constant 625 : i32
    %scan3A_13 = arith.addi %scan3A_11, %scan3A_12 : i32
    %scan3A_14 = arith.constant 1 : i32
    %scan3A_15 = scf.for %scan3A_17 = %scan3A_11 to %scan3A_13 step %scan3A_14 iter_args(%scan3A_18 = %scan3A_10) -> (i32)  : i32 {
      %mul3A_19 = arith.constant 16 : i32
      %mul3A_20 = arith.muli %scan3A_17, %mul3A_19 : i32
      %get3A = arith.index_cast %mul3A_20 : i32 to index
      %get3A_21 = tpu.vector_load %arg5[%get3A] {strides = array<i32>} : memref<10000xi32, #tpu.memory_space<vmem>>, vector<16xi32>,
      %mul3A_22 = arith.constant 16 : i32
      %mul3A_23 = arith.muli %scan3A_17, %mul3A_22 : i32
      %get3A_24 = arith.index_cast %mul3A_23 : i32 to index
      %get3A_25 = tpu.vector_load %arg6[%get3A_24] {strides = array<i32>} : memref<10000xf32, #tpu.memory_space<vmem>>, vector<16xf32>,
      tpu.vector_store_idx %arg7[%get3A_21], %get3A_25 {add = true} : memref<10000xf32, #tpu.memory_space<vmem>>[vector<16xi32>], vector<16xf32>,
      %scan3A_26 = arith.constant 0 : i32
      scf.yield %scan3A_26 : i32
    }
    %scan3A_16 = arith.constant 625 : i32
    "tpu.region"() ({
      %run_scoped3A = tpu.sem_alloc : memref<!tpu.dma_semaphore, #tpu.memory_space<semaphore_mem>>
      %dma_start3A = arith.constant 0 : i32
      %dma_start3A_17 = tpu.memref_slice %arg4[%add3A, %dma_start3A] : memref<32x10000xf32, #tpu.memory_space<hbm>> -> memref<1x10000xf32, #tpu.memory_space<hbm>>
      %dma_start3A_18 = tpu.memref_squeeze %dma_start3A_17 : memref<1x10000xf32, #tpu.memory_space<hbm>> -> memref<10000xf32, #tpu.memory_space<hbm>>
      %dma_start3A_19 = arith.constant 0 : i32
      %dma_start3A_20 = tpu.memref_slice %arg4[%add3A, %dma_start3A_19] : memref<32x10000xf32, #tpu.memory_space<hbm>> -> memref<1x10000xf32, #tpu.memory_space<hbm>>
      %dma_start3A_21 = tpu.memref_squeeze %dma_start3A_20 : memref<1x10000xf32, #tpu.memory_space<hbm>> -> memref<10000xf32, #tpu.memory_space<hbm>>
      tpu.enqueue_dma source(%arg7 : memref<10000xf32, #tpu.memory_space<vmem>>) target(%dma_start3A_21 : memref<10000xf32, #tpu.memory_space<hbm>>) target_semaphore(%run_scoped3A : memref<!tpu.dma_semaphore, #tpu.memory_space<semaphore_mem>>)
      %dma_wait3A = arith.constant 0 : i32
      %dma_wait3A_22 = tpu.memref_slice %arg4[%add3A, %dma_wait3A] : memref<32x10000xf32, #tpu.memory_space<hbm>> -> memref<1x10000xf32, #tpu.memory_space<hbm>>
      %dma_wait3A_23 = tpu.memref_squeeze %dma_wait3A_22 : memref<1x10000xf32, #tpu.memory_space<hbm>> -> memref<10000xf32, #tpu.memory_space<hbm>>
      %dma_wait3A_24 = arith.constant 0 : i32
      %dma_wait3A_25 = tpu.memref_slice %arg4[%add3A, %dma_wait3A_24] : memref<32x10000xf32, #tpu.memory_space<hbm>> -> memref<1x10000xf32, #tpu.memory_space<hbm>>
      %dma_wait3A_26 = tpu.memref_squeeze %dma_wait3A_25 : memref<1x10000xf32, #tpu.memory_space<hbm>> -> memref<10000xf32, #tpu.memory_space<hbm>>
      tpu.wait_dma2 semaphore(%run_scoped3A : memref<!tpu.dma_semaphore, #tpu.memory_space<semaphore_mem>>) src(%arg7 : memref<10000xf32, #tpu.memory_space<vmem>>) dst(%dma_wait3A_26 : memref<10000xf32, #tpu.memory_space<hbm>>)
      tpu.yield
    }) : () -> ()
    return
  }
}

#map = affine_map<(d0, d1) -> (0)>
module attributes {stable_mosaic.version = 14 : i64} {
  func.func @_sc_coef_body(%arg0: i32, %arg1: i32, %arg2: memref<10000xf32, #tpu.memory_space<hbm>>, %arg3: memref<320000xi32, #tpu.memory_space<hbm>>, %arg4: memref<320000xf32, #tpu.memory_space<hbm>>, %arg5: memref<320000xf32, #tpu.memory_space<hbm>>, %arg6: memref<10000xi32, #tpu.memory_space<vmem>>, %arg7: memref<10000xf32, #tpu.memory_space<vmem>>, %arg8: memref<10000xf32, #tpu.memory_space<vmem>>, %arg9: memref<10000xf32, #tpu.memory_space<vmem>>) attributes {dimension_semantics = [#tpu.dimension_semantics<core_parallel>, #tpu.dimension_semantics<subcore_parallel>], iteration_bounds = array<i64: 2, 16>, scalar_prefetch = 0 : i64, scratch_operands = 4 : i64, tpu.core_type = #tpu.core_type<sc_vector_subcore>, window_params = [{transform_indices = #map}, {transform_indices = #map}, {transform_indices = #map}, {transform_indices = #map}]} {
    %mul3A = arith.constant 2 : i32
    %mul3A_0 = arith.muli %arg1, %mul3A : i32
    %add3A = arith.addi %mul3A_0, %arg0 : i32
    %mul3A_1 = arith.constant 10000 : i32
    %mul3A_2 = arith.muli %add3A, %mul3A_1 : i32
    "tpu.region"() ({
      %run_scoped3A = tpu.sem_alloc : memref<!tpu.dma_semaphore, #tpu.memory_space<semaphore_mem>>
      %dma_start3A = tpu.memref_slice %arg3[%mul3A_2] : memref<320000xi32, #tpu.memory_space<hbm>> -> memref<10000xi32, #tpu.memory_space<hbm>>
      %dma_start3A_9 = tpu.memref_slice %arg3[%mul3A_2] : memref<320000xi32, #tpu.memory_space<hbm>> -> memref<10000xi32, #tpu.memory_space<hbm>>
      tpu.enqueue_dma source(%dma_start3A_9 : memref<10000xi32, #tpu.memory_space<hbm>>) target(%arg6 : memref<10000xi32, #tpu.memory_space<vmem>>) target_semaphore(%run_scoped3A : memref<!tpu.dma_semaphore, #tpu.memory_space<semaphore_mem>>)
      %dma_wait3A = tpu.memref_slice %arg3[%mul3A_2] : memref<320000xi32, #tpu.memory_space<hbm>> -> memref<10000xi32, #tpu.memory_space<hbm>>
      %dma_wait3A_10 = tpu.memref_slice %arg3[%mul3A_2] : memref<320000xi32, #tpu.memory_space<hbm>> -> memref<10000xi32, #tpu.memory_space<hbm>>
      tpu.wait_dma2 semaphore(%run_scoped3A : memref<!tpu.dma_semaphore, #tpu.memory_space<semaphore_mem>>) src(%dma_wait3A_10 : memref<10000xi32, #tpu.memory_space<hbm>>) dst(%arg6 : memref<10000xi32, #tpu.memory_space<vmem>>)
      tpu.yield
    }) : () -> ()
    "tpu.region"() ({
      %run_scoped3A = tpu.sem_alloc : memref<!tpu.dma_semaphore, #tpu.memory_space<semaphore_mem>>
      %dma_start3A = tpu.memref_slice %arg4[%mul3A_2] : memref<320000xf32, #tpu.memory_space<hbm>> -> memref<10000xf32, #tpu.memory_space<hbm>>
      %dma_start3A_9 = tpu.memref_slice %arg4[%mul3A_2] : memref<320000xf32, #tpu.memory_space<hbm>> -> memref<10000xf32, #tpu.memory_space<hbm>>
      tpu.enqueue_dma source(%dma_start3A_9 : memref<10000xf32, #tpu.memory_space<hbm>>) target(%arg7 : memref<10000xf32, #tpu.memory_space<vmem>>) target_semaphore(%run_scoped3A : memref<!tpu.dma_semaphore, #tpu.memory_space<semaphore_mem>>)
      %dma_wait3A = tpu.memref_slice %arg4[%mul3A_2] : memref<320000xf32, #tpu.memory_space<hbm>> -> memref<10000xf32, #tpu.memory_space<hbm>>
      %dma_wait3A_10 = tpu.memref_slice %arg4[%mul3A_2] : memref<320000xf32, #tpu.memory_space<hbm>> -> memref<10000xf32, #tpu.memory_space<hbm>>
      tpu.wait_dma2 semaphore(%run_scoped3A : memref<!tpu.dma_semaphore, #tpu.memory_space<semaphore_mem>>) src(%dma_wait3A_10 : memref<10000xf32, #tpu.memory_space<hbm>>) dst(%arg7 : memref<10000xf32, #tpu.memory_space<vmem>>)
      tpu.yield
    }) : () -> ()
    "tpu.region"() ({
      %run_scoped3A = tpu.sem_alloc : memref<!tpu.dma_semaphore, #tpu.memory_space<semaphore_mem>>
      tpu.enqueue_dma source(%arg2 : memref<10000xf32, #tpu.memory_space<hbm>>) target(%arg8 : memref<10000xf32, #tpu.memory_space<vmem>>) target_semaphore(%run_scoped3A : memref<!tpu.dma_semaphore, #tpu.memory_space<semaphore_mem>>)
      tpu.wait_dma2 semaphore(%run_scoped3A : memref<!tpu.dma_semaphore, #tpu.memory_space<semaphore_mem>>) src(%arg2 : memref<10000xf32, #tpu.memory_space<hbm>>) dst(%arg8 : memref<10000xf32, #tpu.memory_space<vmem>>)
      tpu.yield
    }) : () -> ()
    %scan3A = arith.constant 0 : i32
    %scan3A_3 = arith.constant 0 : i32
    %scan3A_4 = arith.constant 625 : i32
    %scan3A_5 = arith.addi %scan3A_3, %scan3A_4 : i32
    %scan3A_6 = arith.constant 1 : i32
    %scan3A_7 = scf.for %scan3A_9 = %scan3A_3 to %scan3A_5 step %scan3A_6 iter_args(%scan3A_10 = %scan3A) -> (i32)  : i32 {
      %mul3A_11 = arith.constant 16 : i32
      %mul3A_12 = arith.muli %scan3A_9, %mul3A_11 : i32
      %get3A = arith.index_cast %mul3A_12 : i32 to index
      %get3A_13 = tpu.vector_load %arg6[%get3A] {strides = array<i32>} : memref<10000xi32, #tpu.memory_space<vmem>>, vector<16xi32>,
      %mul3A_14 = arith.constant 16 : i32
      %mul3A_15 = arith.muli %scan3A_9, %mul3A_14 : i32
      %get3A_16 = arith.index_cast %mul3A_15 : i32 to index
      %get3A_17 = tpu.vector_load %arg7[%get3A_16] {strides = array<i32>} : memref<10000xf32, #tpu.memory_space<vmem>>, vector<16xf32>,
      %gather3A = tpu.vector_load_idx %arg8[%get3A_13] : memref<10000xf32, #tpu.memory_space<vmem>>[vector<16xi32>], vector<16xf32>,
      %mul3A_18 = arith.mulf %gather3A, %get3A_17 : vector<16xf32>
      %mul3A_19 = arith.constant 16 : i32
      %mul3A_20 = arith.muli %scan3A_9, %mul3A_19 : i32
      %swap3A = arith.index_cast %mul3A_20 : i32 to index
      %swap3A_21 = tpu.vector_load %arg9[%swap3A] {strides = array<i32>} : memref<10000xf32, #tpu.memory_space<vmem>>, vector<16xf32>,
      tpu.vector_store %arg9[%swap3A], %mul3A_18 {strides = array<i32>} : memref<10000xf32, #tpu.memory_space<vmem>>, vector<16xf32>,
      %scan3A_22 = arith.constant 0 : i32
      scf.yield %scan3A_22 : i32
    }
    %scan3A_8 = arith.constant 625 : i32
    "tpu.region"() ({
      %run_scoped3A = tpu.sem_alloc : memref<!tpu.dma_semaphore, #tpu.memory_space<semaphore_mem>>
      %dma_start3A = tpu.memref_slice %arg5[%mul3A_2] : memref<320000xf32, #tpu.memory_space<hbm>> -> memref<10000xf32, #tpu.memory_space<hbm>>
      %dma_start3A_9 = tpu.memref_slice %arg5[%mul3A_2] : memref<320000xf32, #tpu.memory_space<hbm>> -> memref<10000xf32, #tpu.memory_space<hbm>>
      tpu.enqueue_dma source(%arg9 : memref<10000xf32, #tpu.memory_space<vmem>>) target(%dma_start3A_9 : memref<10000xf32, #tpu.memory_space<hbm>>) target_semaphore(%run_scoped3A : memref<!tpu.dma_semaphore, #tpu.memory_space<semaphore_mem>>)
      %dma_wait3A = tpu.memref_slice %arg5[%mul3A_2] : memref<320000xf32, #tpu.memory_space<hbm>> -> memref<10000xf32, #tpu.memory_space<hbm>>
      %dma_wait3A_10 = tpu.memref_slice %arg5[%mul3A_2] : memref<320000xf32, #tpu.memory_space<hbm>> -> memref<10000xf32, #tpu.memory_space<hbm>>
      tpu.wait_dma2 semaphore(%run_scoped3A : memref<!tpu.dma_semaphore, #tpu.memory_space<semaphore_mem>>) src(%arg9 : memref<10000xf32, #tpu.memory_space<vmem>>) dst(%dma_wait3A_10 : memref<10000xf32, #tpu.memory_space<hbm>>)
      tpu.yield
    }) : () -> ()
    return
  }
}

#map = affine_map<(d0, d1) -> (0)>
#map1 = affine_map<(d0, d1) -> (0, 0)>
#map2 = affine_map<(d0, d1) -> (0, 0, 0)>
module attributes {stable_mosaic.version = 14 : i64} {
  func.func @_sc_scatter(%arg0: i32, %arg1: i32, %arg2: memref<320000xi32, #tpu.memory_space<hbm>>, %arg3: memref<320000x128xf32, #tpu.memory_space<hbm>>, %arg4: memref<2x10240x128xf32, #tpu.memory_space<hbm>>, %arg5: memref<200xi32, #tpu.memory_space<vmem>>, %arg6: memref<200x128xf32, #tpu.memory_space<vmem>>, %arg7: memref<32x128xf32, #tpu.memory_space<vmem>>, %arg8: memref<10240x128xf32, #tpu.memory_space<vmem_shared>>, %arg9: memref<!tpu.dma_semaphore, #tpu.memory_space<semaphore_mem>>) attributes {dimension_semantics = [#tpu.dimension_semantics<core_parallel>, #tpu.dimension_semantics<subcore_parallel>], iteration_bounds = array<i64: 2, 16>, scalar_prefetch = 0 : i64, scratch_operands = 5 : i64, tpu.core_type = #tpu.core_type<sc_vector_subcore>, window_params = [{transform_indices = #map}, {transform_indices = #map1}, {transform_indices = #map2}]} {
    %mul3A = arith.constant 2 : i32
    %mul3A_0 = arith.muli %arg1, %mul3A : i32
    %add3A = arith.addi %mul3A_0, %arg0 : i32
    %broadcast_in_dim3A = arith.constant 0.000000e+00 : f32
    %broadcast_in_dim3A_1 = vector.broadcast %broadcast_in_dim3A : f32 to vector<16xf32>
    %scan3A = arith.constant 0 : i32
    %scan3A_2 = arith.constant 0 : i32
    %scan3A_3 = arith.constant 256 : i32
    %scan3A_4 = arith.addi %scan3A_2, %scan3A_3 : i32
    %scan3A_5 = arith.constant 1 : i32
    %scan3A_6 = scf.for %scan3A_98 = %scan3A_2 to %scan3A_4 step %scan3A_5 iter_args(%scan3A_99 = %scan3A) -> (i32)  : i32 {
      %jit3A = arith.constant 8 : i32
      %div3A = arith.divsi %scan3A_98, %jit3A : i32
      %sign3A = arith.constant 0 : i32
      %sign3A_100 = arith.cmpi sgt, %scan3A_98, %sign3A : i32
      %sign3A_101 = arith.extui %sign3A_100 : i1 to i32
      %sign3A_102 = arith.constant 0 : i32
      %sign3A_103 = arith.cmpi slt, %scan3A_98, %sign3A_102 : i32
      %sign3A_104 = arith.extui %sign3A_103 : i1 to i32
      %sign3A_105 = arith.subi %sign3A_101, %sign3A_104 : i32
      %sign3A_106 = arith.constant 0 : i32
      %sign3A_107 = arith.cmpi sgt, %jit3A, %sign3A_106 : i32
      %sign3A_108 = arith.extui %sign3A_107 : i1 to i32
      %sign3A_109 = arith.constant 0 : i32
      %sign3A_110 = arith.cmpi slt, %jit3A, %sign3A_109 : i32
      %sign3A_111 = arith.extui %sign3A_110 : i1 to i32
      %sign3A_112 = arith.subi %sign3A_108, %sign3A_111 : i32
      %ne3A = arith.cmpi ne, %sign3A_105, %sign3A_112 : i32
      %rem3A = arith.remsi %scan3A_98, %jit3A : i32
      %ne3A_113 = arith.constant 0 : i32
      %ne3A_114 = arith.cmpi ne, %rem3A, %ne3A_113 : i32
      %and3A = arith.andi %ne3A, %ne3A_114 : i1
      %sub3A = arith.constant 1 : i32
      %sub3A_115 = arith.subi %div3A, %sub3A : i32
      %select_n3A = arith.select %and3A, %sub3A_115, %div3A : i32
      %jit3A_116 = arith.constant 8 : i32
      %eq3A = arith.constant 0 : i32
      %eq3A_117 = arith.cmpi eq, %jit3A_116, %eq3A : i32
      %jit3A_118 = arith.constant 1 : i32
      %select_n3A_119 = arith.select %eq3A_117, %jit3A_118, %jit3A_116 : i32
      %rem3A_120 = arith.remsi %scan3A_98, %select_n3A_119 : i32
      %ne3A_121 = arith.constant 0 : i32
      %ne3A_122 = arith.cmpi ne, %rem3A_120, %ne3A_121 : i32
      %lt3A = arith.constant 0 : i32
      %lt3A_123 = arith.cmpi slt, %rem3A_120, %lt3A : i32
      %lt3A_124 = arith.constant 0 : i32
      %lt3A_125 = arith.cmpi slt, %select_n3A_119, %lt3A_124 : i32
      %ne3A_126 = arith.xori %lt3A_123, %lt3A_125 : i1
      %and3A_127 = arith.andi %ne3A_126, %ne3A_122 : i1
      %add3A_128 = arith.addi %rem3A_120, %select_n3A_119 : i32
      %select_n3A_129 = arith.select %and3A_127, %add3A_128, %rem3A_120 : i32
      %mul3A_130 = arith.constant 16 : i32
      %mul3A_131 = arith.muli %select_n3A_129, %mul3A_130 : i32
      %swap3A = arith.index_cast %select_n3A : i32 to index
      %swap3A_132 = arith.index_cast %mul3A_131 : i32 to index
      %swap3A_133 = tpu.vector_load %arg7[%swap3A, %swap3A_132] {strides = array<i32>} : memref<32x128xf32, #tpu.memory_space<vmem>>, vector<16xf32>,
      tpu.vector_store %arg7[%swap3A, %swap3A_132], %broadcast_in_dim3A_1 {strides = array<i32>} : memref<32x128xf32, #tpu.memory_space<vmem>>, vector<16xf32>,
      %scan3A_134 = arith.constant 0 : i32
      scf.yield %scan3A_134 : i32
    }
    %scan3A_7 = arith.constant 256 : i32
    %mul3A_8 = arith.constant 640 : i32
    %mul3A_9 = arith.muli %arg1, %mul3A_8 : i32
    %add3A_10 = arith.constant 0 : i32
    %add3A_11 = arith.addi %mul3A_9, %add3A_10 : i32
    "tpu.region"() ({
      %run_scoped3A = tpu.sem_alloc : memref<!tpu.dma_semaphore, #tpu.memory_space<semaphore_mem>>
      %dma_start3A = arith.constant 0 : i32
      %dma_start3A_98 = tpu.memref_slice %arg8[%add3A_11, %dma_start3A] : memref<10240x128xf32, #tpu.memory_space<vmem_shared>> -> memref<32x128xf32, #tpu.memory_space<vmem_shared>>
      %dma_start3A_99 = arith.constant 0 : i32
      %dma_start3A_100 = tpu.memref_slice %arg8[%add3A_11, %dma_start3A_99] : memref<10240x128xf32, #tpu.memory_space<vmem_shared>> -> memref<32x128xf32, #tpu.memory_space<vmem_shared>>
      tpu.enqueue_dma source(%arg7 : memref<32x128xf32, #tpu.memory_space<vmem>>) target(%dma_start3A_100 : memref<32x128xf32, #tpu.memory_space<vmem_shared>>) target_semaphore(%run_scoped3A : memref<!tpu.dma_semaphore, #tpu.memory_space<semaphore_mem>>)
      %dma_wait3A = arith.constant 0 : i32
      %dma_wait3A_101 = tpu.memref_slice %arg8[%add3A_11, %dma_wait3A] : memref<10240x128xf32, #tpu.memory_space<vmem_shared>> -> memref<32x128xf32, #tpu.memory_space<vmem_shared>>
      %dma_wait3A_102 = arith.constant 0 : i32
      %dma_wait3A_103 = tpu.memref_slice %arg8[%add3A_11, %dma_wait3A_102] : memref<10240x128xf32, #tpu.memory_space<vmem_shared>> -> memref<32x128xf32, #tpu.memory_space<vmem_shared>>
      tpu.wait_dma2 semaphore(%run_scoped3A : memref<!tpu.dma_semaphore, #tpu.memory_space<semaphore_mem>>) src(%arg7 : memref<32x128xf32, #tpu.memory_space<vmem>>) dst(%dma_wait3A_103 : memref<32x128xf32, #tpu.memory_space<vmem_shared>>)
      tpu.yield
    }) : () -> ()
    %add3A_12 = arith.constant 32 : i32
    %add3A_13 = arith.addi %mul3A_9, %add3A_12 : i32
    "tpu.region"() ({
      %run_scoped3A = tpu.sem_alloc : memref<!tpu.dma_semaphore, #tpu.memory_space<semaphore_mem>>
      %dma_start3A = arith.constant 0 : i32
      %dma_start3A_98 = tpu.memref_slice %arg8[%add3A_13, %dma_start3A] : memref<10240x128xf32, #tpu.memory_space<vmem_shared>> -> memref<32x128xf32, #tpu.memory_space<vmem_shared>>
      %dma_start3A_99 = arith.constant 0 : i32
      %dma_start3A_100 = tpu.memref_slice %arg8[%add3A_13, %dma_start3A_99] : memref<10240x128xf32, #tpu.memory_space<vmem_shared>> -> memref<32x128xf32, #tpu.memory_space<vmem_shared>>
      tpu.enqueue_dma source(%arg7 : memref<32x128xf32, #tpu.memory_space<vmem>>) target(%dma_start3A_100 : memref<32x128xf32, #tpu.memory_space<vmem_shared>>) target_semaphore(%run_scoped3A : memref<!tpu.dma_semaphore, #tpu.memory_space<semaphore_mem>>)
      %dma_wait3A = arith.constant 0 : i32
      %dma_wait3A_101 = tpu.memref_slice %arg8[%add3A_13, %dma_wait3A] : memref<10240x128xf32, #tpu.memory_space<vmem_shared>> -> memref<32x128xf32, #tpu.memory_space<vmem_shared>>
      %dma_wait3A_102 = arith.constant 0 : i32
      %dma_wait3A_103 = tpu.memref_slice %arg8[%add3A_13, %dma_wait3A_102] : memref<10240x128xf32, #tpu.memory_space<vmem_shared>> -> memref<32x128xf32, #tpu.memory_space<vmem_shared>>
      tpu.wait_dma2 semaphore(%run_scoped3A : memref<!tpu.dma_semaphore, #tpu.memory_space<semaphore_mem>>) src(%arg7 : memref<32x128xf32, #tpu.memory_space<vmem>>) dst(%dma_wait3A_103 : memref<32x128xf32, #tpu.memory_space<vmem_shared>>)
      tpu.yield
    }) : () -> ()
    %add3A_14 = arith.constant 64 : i32
    %add3A_15 = arith.addi %mul3A_9, %add3A_14 : i32
    "tpu.region"() ({
      %run_scoped3A = tpu.sem_alloc : memref<!tpu.dma_semaphore, #tpu.memory_space<semaphore_mem>>
      %dma_start3A = arith.constant 0 : i32
      %dma_start3A_98 = tpu.memref_slice %arg8[%add3A_15, %dma_start3A] : memref<10240x128xf32, #tpu.memory_space<vmem_shared>> -> memref<32x128xf32, #tpu.memory_space<vmem_shared>>
      %dma_start3A_99 = arith.constant 0 : i32
      %dma_start3A_100 = tpu.memref_slice %arg8[%add3A_15, %dma_start3A_99] : memref<10240x128xf32, #tpu.memory_space<vmem_shared>> -> memref<32x128xf32, #tpu.memory_space<vmem_shared>>
      tpu.enqueue_dma source(%arg7 : memref<32x128xf32, #tpu.memory_space<vmem>>) target(%dma_start3A_100 : memref<32x128xf32, #tpu.memory_space<vmem_shared>>) target_semaphore(%run_scoped3A : memref<!tpu.dma_semaphore, #tpu.memory_space<semaphore_mem>>)
      %dma_wait3A = arith.constant 0 : i32
      %dma_wait3A_101 = tpu.memref_slice %arg8[%add3A_15, %dma_wait3A] : memref<10240x128xf32, #tpu.memory_space<vmem_shared>> -> memref<32x128xf32, #tpu.memory_space<vmem_shared>>
      %dma_wait3A_102 = arith.constant 0 : i32
      %dma_wait3A_103 = tpu.memref_slice %arg8[%add3A_15, %dma_wait3A_102] : memref<10240x128xf32, #tpu.memory_space<vmem_shared>> -> memref<32x128xf32, #tpu.memory_space<vmem_shared>>
      tpu.wait_dma2 semaphore(%run_scoped3A : memref<!tpu.dma_semaphore, #tpu.memory_space<semaphore_mem>>) src(%arg7 : memref<32x128xf32, #tpu.memory_space<vmem>>) dst(%dma_wait3A_103 : memref<32x128xf32, #tpu.memory_space<vmem_shared>>)
      tpu.yield
    }) : () -> ()
    %add3A_16 = arith.constant 96 : i32
    %add3A_17 = arith.addi %mul3A_9, %add3A_16 : i32
    "tpu.region"() ({
      %run_scoped3A = tpu.sem_alloc : memref<!tpu.dma_semaphore, #tpu.memory_space<semaphore_mem>>
      %dma_start3A = arith.constant 0 : i32
      %dma_start3A_98 = tpu.memref_slice %arg8[%add3A_17, %dma_start3A] : memref<10240x128xf32, #tpu.memory_space<vmem_shared>> -> memref<32x128xf32, #tpu.memory_space<vmem_shared>>
      %dma_start3A_99 = arith.constant 0 : i32
      %dma_start3A_100 = tpu.memref_slice %arg8[%add3A_17, %dma_start3A_99] : memref<10240x128xf32, #tpu.memory_space<vmem_shared>> -> memref<32x128xf32, #tpu.memory_space<vmem_shared>>
      tpu.enqueue_dma source(%arg7 : memref<32x128xf32, #tpu.memory_space<vmem>>) target(%dma_start3A_100 : memref<32x128xf32, #tpu.memory_space<vmem_shared>>) target_semaphore(%run_scoped3A : memref<!tpu.dma_semaphore, #tpu.memory_space<semaphore_mem>>)
      %dma_wait3A = arith.constant 0 : i32
      %dma_wait3A_101 = tpu.memref_slice %arg8[%add3A_17, %dma_wait3A] : memref<10240x128xf32, #tpu.memory_space<vmem_shared>> -> memref<32x128xf32, #tpu.memory_space<vmem_shared>>
      %dma_wait3A_102 = arith.constant 0 : i32
      %dma_wait3A_103 = tpu.memref_slice %arg8[%add3A_17, %dma_wait3A_102] : memref<10240x128xf32, #tpu.memory_space<vmem_shared>> -> memref<32x128xf32, #tpu.memory_space<vmem_shared>>
      tpu.wait_dma2 semaphore(%run_scoped3A : memref<!tpu.dma_semaphore, #tpu.memory_space<semaphore_mem>>) src(%arg7 : memref<32x128xf32, #tpu.memory_space<vmem>>) dst(%dma_wait3A_103 : memref<32x128xf32, #tpu.memory_space<vmem_shared>>)
      tpu.yield
    }) : () -> ()
    %add3A_18 = arith.constant 128 : i32
    %add3A_19 = arith.addi %mul3A_9, %add3A_18 : i32
    "tpu.region"() ({
      %run_scoped3A = tpu.sem_alloc : memref<!tpu.dma_semaphore, #tpu.memory_space<semaphore_mem>>
      %dma_start3A = arith.constant 0 : i32
      %dma_start3A_98 = tpu.memref_slice %arg8[%add3A_19, %dma_start3A] : memref<10240x128xf32, #tpu.memory_space<vmem_shared>> -> memref<32x128xf32, #tpu.memory_space<vmem_shared>>
      %dma_start3A_99 = arith.constant 0 : i32
      %dma_start3A_100 = tpu.memref_slice %arg8[%add3A_19, %dma_start3A_99] : memref<10240x128xf32, #tpu.memory_space<vmem_shared>> -> memref<32x128xf32, #tpu.memory_space<vmem_shared>>
      tpu.enqueue_dma source(%arg7 : memref<32x128xf32, #tpu.memory_space<vmem>>) target(%dma_start3A_100 : memref<32x128xf32, #tpu.memory_space<vmem_shared>>) target_semaphore(%run_scoped3A : memref<!tpu.dma_semaphore, #tpu.memory_space<semaphore_mem>>)
      %dma_wait3A = arith.constant 0 : i32
      %dma_wait3A_101 = tpu.memref_slice %arg8[%add3A_19, %dma_wait3A] : memref<10240x128xf32, #tpu.memory_space<vmem_shared>> -> memref<32x128xf32, #tpu.memory_space<vmem_shared>>
      %dma_wait3A_102 = arith.constant 0 : i32
      %dma_wait3A_103 = tpu.memref_slice %arg8[%add3A_19, %dma_wait3A_102] : memref<10240x128xf32, #tpu.memory_space<vmem_shared>> -> memref<32x128xf32, #tpu.memory_space<vmem_shared>>
      tpu.wait_dma2 semaphore(%run_scoped3A : memref<!tpu.dma_semaphore, #tpu.memory_space<semaphore_mem>>) src(%arg7 : memref<32x128xf32, #tpu.memory_space<vmem>>) dst(%dma_wait3A_103 : memref<32x128xf32, #tpu.memory_space<vmem_shared>>)
      tpu.yield
    }) : () -> ()
    %add3A_20 = arith.constant 160 : i32
    %add3A_21 = arith.addi %mul3A_9, %add3A_20 : i32
    "tpu.region"() ({
      %run_scoped3A = tpu.sem_alloc : memref<!tpu.dma_semaphore, #tpu.memory_space<semaphore_mem>>
      %dma_start3A = arith.constant 0 : i32
      %dma_start3A_98 = tpu.memref_slice %arg8[%add3A_21, %dma_start3A] : memref<10240x128xf32, #tpu.memory_space<vmem_shared>> -> memref<32x128xf32, #tpu.memory_space<vmem_shared>>
      %dma_start3A_99 = arith.constant 0 : i32
      %dma_start3A_100 = tpu.memref_slice %arg8[%add3A_21, %dma_start3A_99] : memref<10240x128xf32, #tpu.memory_space<vmem_shared>> -> memref<32x128xf32, #tpu.memory_space<vmem_shared>>
      tpu.enqueue_dma source(%arg7 : memref<32x128xf32, #tpu.memory_space<vmem>>) target(%dma_start3A_100 : memref<32x128xf32, #tpu.memory_space<vmem_shared>>) target_semaphore(%run_scoped3A : memref<!tpu.dma_semaphore, #tpu.memory_space<semaphore_mem>>)
      %dma_wait3A = arith.constant 0 : i32
      %dma_wait3A_101 = tpu.memref_slice %arg8[%add3A_21, %dma_wait3A] : memref<10240x128xf32, #tpu.memory_space<vmem_shared>> -> memref<32x128xf32, #tpu.memory_space<vmem_shared>>
      %dma_wait3A_102 = arith.constant 0 : i32
      %dma_wait3A_103 = tpu.memref_slice %arg8[%add3A_21, %dma_wait3A_102] : memref<10240x128xf32, #tpu.memory_space<vmem_shared>> -> memref<32x128xf32, #tpu.memory_space<vmem_shared>>
      tpu.wait_dma2 semaphore(%run_scoped3A : memref<!tpu.dma_semaphore, #tpu.memory_space<semaphore_mem>>) src(%arg7 : memref<32x128xf32, #tpu.memory_space<vmem>>) dst(%dma_wait3A_103 : memref<32x128xf32, #tpu.memory_space<vmem_shared>>)
      tpu.yield
    }) : () -> ()
    %add3A_22 = arith.constant 192 : i32
    %add3A_23 = arith.addi %mul3A_9, %add3A_22 : i32
    "tpu.region"() ({
      %run_scoped3A = tpu.sem_alloc : memref<!tpu.dma_semaphore, #tpu.memory_space<semaphore_mem>>
      %dma_start3A = arith.constant 0 : i32
      %dma_start3A_98 = tpu.memref_slice %arg8[%add3A_23, %dma_start3A] : memref<10240x128xf32, #tpu.memory_space<vmem_shared>> -> memref<32x128xf32, #tpu.memory_space<vmem_shared>>
      %dma_start3A_99 = arith.constant 0 : i32
      %dma_start3A_100 = tpu.memref_slice %arg8[%add3A_23, %dma_start3A_99] : memref<10240x128xf32, #tpu.memory_space<vmem_shared>> -> memref<32x128xf32, #tpu.memory_space<vmem_shared>>
      tpu.enqueue_dma source(%arg7 : memref<32x128xf32, #tpu.memory_space<vmem>>) target(%dma_start3A_100 : memref<32x128xf32, #tpu.memory_space<vmem_shared>>) target_semaphore(%run_scoped3A : memref<!tpu.dma_semaphore, #tpu.memory_space<semaphore_mem>>)
      %dma_wait3A = arith.constant 0 : i32
      %dma_wait3A_101 = tpu.memref_slice %arg8[%add3A_23, %dma_wait3A] : memref<10240x128xf32, #tpu.memory_space<vmem_shared>> -> memref<32x128xf32, #tpu.memory_space<vmem_shared>>
      %dma_wait3A_102 = arith.constant 0 : i32
      %dma_wait3A_103 = tpu.memref_slice %arg8[%add3A_23, %dma_wait3A_102] : memref<10240x128xf32, #tpu.memory_space<vmem_shared>> -> memref<32x128xf32, #tpu.memory_space<vmem_shared>>
      tpu.wait_dma2 semaphore(%run_scoped3A : memref<!tpu.dma_semaphore, #tpu.memory_space<semaphore_mem>>) src(%arg7 : memref<32x128xf32, #tpu.memory_space<vmem>>) dst(%dma_wait3A_103 : memref<32x128xf32, #tpu.memory_space<vmem_shared>>)
      tpu.yield
    }) : () -> ()
    %add3A_24 = arith.constant 224 : i32
    %add3A_25 = arith.addi %mul3A_9, %add3A_24 : i32
    "tpu.region"() ({
      %run_scoped3A = tpu.sem_alloc : memref<!tpu.dma_semaphore, #tpu.memory_space<semaphore_mem>>
      %dma_start3A = arith.constant 0 : i32
      %dma_start3A_98 = tpu.memref_slice %arg8[%add3A_25, %dma_start3A] : memref<10240x128xf32, #tpu.memory_space<vmem_shared>> -> memref<32x128xf32, #tpu.memory_space<vmem_shared>>
      %dma_start3A_99 = arith.constant 0 : i32
      %dma_start3A_100 = tpu.memref_slice %arg8[%add3A_25, %dma_start3A_99] : memref<10240x128xf32, #tpu.memory_space<vmem_shared>> -> memref<32x128xf32, #tpu.memory_space<vmem_shared>>
      tpu.enqueue_dma source(%arg7 : memref<32x128xf32, #tpu.memory_space<vmem>>) target(%dma_start3A_100 : memref<32x128xf32, #tpu.memory_space<vmem_shared>>) target_semaphore(%run_scoped3A : memref<!tpu.dma_semaphore, #tpu.memory_space<semaphore_mem>>)
      %dma_wait3A = arith.constant 0 : i32
      %dma_wait3A_101 = tpu.memref_slice %arg8[%add3A_25, %dma_wait3A] : memref<10240x128xf32, #tpu.memory_space<vmem_shared>> -> memref<32x128xf32, #tpu.memory_space<vmem_shared>>
      %dma_wait3A_102 = arith.constant 0 : i32
      %dma_wait3A_103 = tpu.memref_slice %arg8[%add3A_25, %dma_wait3A_102] : memref<10240x128xf32, #tpu.memory_space<vmem_shared>> -> memref<32x128xf32, #tpu.memory_space<vmem_shared>>
      tpu.wait_dma2 semaphore(%run_scoped3A : memref<!tpu.dma_semaphore, #tpu.memory_space<semaphore_mem>>) src(%arg7 : memref<32x128xf32, #tpu.memory_space<vmem>>) dst(%dma_wait3A_103 : memref<32x128xf32, #tpu.memory_space<vmem_shared>>)
      tpu.yield
    }) : () -> ()
    %add3A_26 = arith.constant 256 : i32
    %add3A_27 = arith.addi %mul3A_9, %add3A_26 : i32
    "tpu.region"() ({
      %run_scoped3A = tpu.sem_alloc : memref<!tpu.dma_semaphore, #tpu.memory_space<semaphore_mem>>
      %dma_start3A = arith.constant 0 : i32
      %dma_start3A_98 = tpu.memref_slice %arg8[%add3A_27, %dma_start3A] : memref<10240x128xf32, #tpu.memory_space<vmem_shared>> -> memref<32x128xf32, #tpu.memory_space<vmem_shared>>
      %dma_start3A_99 = arith.constant 0 : i32
      %dma_start3A_100 = tpu.memref_slice %arg8[%add3A_27, %dma_start3A_99] : memref<10240x128xf32, #tpu.memory_space<vmem_shared>> -> memref<32x128xf32, #tpu.memory_space<vmem_shared>>
      tpu.enqueue_dma source(%arg7 : memref<32x128xf32, #tpu.memory_space<vmem>>) target(%dma_start3A_100 : memref<32x128xf32, #tpu.memory_space<vmem_shared>>) target_semaphore(%run_scoped3A : memref<!tpu.dma_semaphore, #tpu.memory_space<semaphore_mem>>)
      %dma_wait3A = arith.constant 0 : i32
      %dma_wait3A_101 = tpu.memref_slice %arg8[%add3A_27, %dma_wait3A] : memref<10240x128xf32, #tpu.memory_space<vmem_shared>> -> memref<32x128xf32, #tpu.memory_space<vmem_shared>>
      %dma_wait3A_102 = arith.constant 0 : i32
      %dma_wait3A_103 = tpu.memref_slice %arg8[%add3A_27, %dma_wait3A_102] : memref<10240x128xf32, #tpu.memory_space<vmem_shared>> -> memref<32x128xf32, #tpu.memory_space<vmem_shared>>
      tpu.wait_dma2 semaphore(%run_scoped3A : memref<!tpu.dma_semaphore, #tpu.memory_space<semaphore_mem>>) src(%arg7 : memref<32x128xf32, #tpu.memory_space<vmem>>) dst(%dma_wait3A_103 : memref<32x128xf32, #tpu.memory_space<vmem_shared>>)
      tpu.yield
    }) : () -> ()
    %add3A_28 = arith.constant 288 : i32
    %add3A_29 = arith.addi %mul3A_9, %add3A_28 : i32
    "tpu.region"() ({
      %run_scoped3A = tpu.sem_alloc : memref<!tpu.dma_semaphore, #tpu.memory_space<semaphore_mem>>
      %dma_start3A = arith.constant 0 : i32
      %dma_start3A_98 = tpu.memref_slice %arg8[%add3A_29, %dma_start3A] : memref<10240x128xf32, #tpu.memory_space<vmem_shared>> -> memref<32x128xf32, #tpu.memory_space<vmem_shared>>
      %dma_start3A_99 = arith.constant 0 : i32
      %dma_start3A_100 = tpu.memref_slice %arg8[%add3A_29, %dma_start3A_99] : memref<10240x128xf32, #tpu.memory_space<vmem_shared>> -> memref<32x128xf32, #tpu.memory_space<vmem_shared>>
      tpu.enqueue_dma source(%arg7 : memref<32x128xf32, #tpu.memory_space<vmem>>) target(%dma_start3A_100 : memref<32x128xf32, #tpu.memory_space<vmem_shared>>) target_semaphore(%run_scoped3A : memref<!tpu.dma_semaphore, #tpu.memory_space<semaphore_mem>>)
      %dma_wait3A = arith.constant 0 : i32
      %dma_wait3A_101 = tpu.memref_slice %arg8[%add3A_29, %dma_wait3A] : memref<10240x128xf32, #tpu.memory_space<vmem_shared>> -> memref<32x128xf32, #tpu.memory_space<vmem_shared>>
      %dma_wait3A_102 = arith.constant 0 : i32
      %dma_wait3A_103 = tpu.memref_slice %arg8[%add3A_29, %dma_wait3A_102] : memref<10240x128xf32, #tpu.memory_space<vmem_shared>> -> memref<32x128xf32, #tpu.memory_space<vmem_shared>>
      tpu.wait_dma2 semaphore(%run_scoped3A : memref<!tpu.dma_semaphore, #tpu.memory_space<semaphore_mem>>) src(%arg7 : memref<32x128xf32, #tpu.memory_space<vmem>>) dst(%dma_wait3A_103 : memref<32x128xf32, #tpu.memory_space<vmem_shared>>)
      tpu.yield
    }) : () -> ()
    %add3A_30 = arith.constant 320 : i32
    %add3A_31 = arith.addi %mul3A_9, %add3A_30 : i32
    "tpu.region"() ({
      %run_scoped3A = tpu.sem_alloc : memref<!tpu.dma_semaphore, #tpu.memory_space<semaphore_mem>>
      %dma_start3A = arith.constant 0 : i32
      %dma_start3A_98 = tpu.memref_slice %arg8[%add3A_31, %dma_start3A] : memref<10240x128xf32, #tpu.memory_space<vmem_shared>> -> memref<32x128xf32, #tpu.memory_space<vmem_shared>>
      %dma_start3A_99 = arith.constant 0 : i32
      %dma_start3A_100 = tpu.memref_slice %arg8[%add3A_31, %dma_start3A_99] : memref<10240x128xf32, #tpu.memory_space<vmem_shared>> -> memref<32x128xf32, #tpu.memory_space<vmem_shared>>
      tpu.enqueue_dma source(%arg7 : memref<32x128xf32, #tpu.memory_space<vmem>>) target(%dma_start3A_100 : memref<32x128xf32, #tpu.memory_space<vmem_shared>>) target_semaphore(%run_scoped3A : memref<!tpu.dma_semaphore, #tpu.memory_space<semaphore_mem>>)
      %dma_wait3A = arith.constant 0 : i32
      %dma_wait3A_101 = tpu.memref_slice %arg8[%add3A_31, %dma_wait3A] : memref<10240x128xf32, #tpu.memory_space<vmem_shared>> -> memref<32x128xf32, #tpu.memory_space<vmem_shared>>
      %dma_wait3A_102 = arith.constant 0 : i32
      %dma_wait3A_103 = tpu.memref_slice %arg8[%add3A_31, %dma_wait3A_102] : memref<10240x128xf32, #tpu.memory_space<vmem_shared>> -> memref<32x128xf32, #tpu.memory_space<vmem_shared>>
      tpu.wait_dma2 semaphore(%run_scoped3A : memref<!tpu.dma_semaphore, #tpu.memory_space<semaphore_mem>>) src(%arg7 : memref<32x128xf32, #tpu.memory_space<vmem>>) dst(%dma_wait3A_103 : memref<32x128xf32, #tpu.memory_space<vmem_shared>>)
      tpu.yield
    }) : () -> ()
    %add3A_32 = arith.constant 352 : i32
    %add3A_33 = arith.addi %mul3A_9, %add3A_32 : i32
    "tpu.region"() ({
      %run_scoped3A = tpu.sem_alloc : memref<!tpu.dma_semaphore, #tpu.memory_space<semaphore_mem>>
      %dma_start3A = arith.constant 0 : i32
      %dma_start3A_98 = tpu.memref_slice %arg8[%add3A_33, %dma_start3A] : memref<10240x128xf32, #tpu.memory_space<vmem_shared>> -> memref<32x128xf32, #tpu.memory_space<vmem_shared>>
      %dma_start3A_99 = arith.constant 0 : i32
      %dma_start3A_100 = tpu.memref_slice %arg8[%add3A_33, %dma_start3A_99] : memref<10240x128xf32, #tpu.memory_space<vmem_shared>> -> memref<32x128xf32, #tpu.memory_space<vmem_shared>>
      tpu.enqueue_dma source(%arg7 : memref<32x128xf32, #tpu.memory_space<vmem>>) target(%dma_start3A_100 : memref<32x128xf32, #tpu.memory_space<vmem_shared>>) target_semaphore(%run_scoped3A : memref<!tpu.dma_semaphore, #tpu.memory_space<semaphore_mem>>)
      %dma_wait3A = arith.constant 0 : i32
      %dma_wait3A_101 = tpu.memref_slice %arg8[%add3A_33, %dma_wait3A] : memref<10240x128xf32, #tpu.memory_space<vmem_shared>> -> memref<32x128xf32, #tpu.memory_space<vmem_shared>>
      %dma_wait3A_102 = arith.constant 0 : i32
      %dma_wait3A_103 = tpu.memref_slice %arg8[%add3A_33, %dma_wait3A_102] : memref<10240x128xf32, #tpu.memory_space<vmem_shared>> -> memref<32x128xf32, #tpu.memory_space<vmem_shared>>
      tpu.wait_dma2 semaphore(%run_scoped3A : memref<!tpu.dma_semaphore, #tpu.memory_space<semaphore_mem>>) src(%arg7 : memref<32x128xf32, #tpu.memory_space<vmem>>) dst(%dma_wait3A_103 : memref<32x128xf32, #tpu.memory_space<vmem_shared>>)
      tpu.yield
    }) : () -> ()
    %add3A_34 = arith.constant 384 : i32
    %add3A_35 = arith.addi %mul3A_9, %add3A_34 : i32
    "tpu.region"() ({
      %run_scoped3A = tpu.sem_alloc : memref<!tpu.dma_semaphore, #tpu.memory_space<semaphore_mem>>
      %dma_start3A = arith.constant 0 : i32
      %dma_start3A_98 = tpu.memref_slice %arg8[%add3A_35, %dma_start3A] : memref<10240x128xf32, #tpu.memory_space<vmem_shared>> -> memref<32x128xf32, #tpu.memory_space<vmem_shared>>
      %dma_start3A_99 = arith.constant 0 : i32
      %dma_start3A_100 = tpu.memref_slice %arg8[%add3A_35, %dma_start3A_99] : memref<10240x128xf32, #tpu.memory_space<vmem_shared>> -> memref<32x128xf32, #tpu.memory_space<vmem_shared>>
      tpu.enqueue_dma source(%arg7 : memref<32x128xf32, #tpu.memory_space<vmem>>) target(%dma_start3A_100 : memref<32x128xf32, #tpu.memory_space<vmem_shared>>) target_semaphore(%run_scoped3A : memref<!tpu.dma_semaphore, #tpu.memory_space<semaphore_mem>>)
      %dma_wait3A = arith.constant 0 : i32
      %dma_wait3A_101 = tpu.memref_slice %arg8[%add3A_35, %dma_wait3A] : memref<10240x128xf32, #tpu.memory_space<vmem_shared>> -> memref<32x128xf32, #tpu.memory_space<vmem_shared>>
      %dma_wait3A_102 = arith.constant 0 : i32
      %dma_wait3A_103 = tpu.memref_slice %arg8[%add3A_35, %dma_wait3A_102] : memref<10240x128xf32, #tpu.memory_space<vmem_shared>> -> memref<32x128xf32, #tpu.memory_space<vmem_shared>>
      tpu.wait_dma2 semaphore(%run_scoped3A : memref<!tpu.dma_semaphore, #tpu.memory_space<semaphore_mem>>) src(%arg7 : memref<32x128xf32, #tpu.memory_space<vmem>>) dst(%dma_wait3A_103 : memref<32x128xf32, #tpu.memory_space<vmem_shared>>)
      tpu.yield
    }) : () -> ()
    %add3A_36 = arith.constant 416 : i32
    %add3A_37 = arith.addi %mul3A_9, %add3A_36 : i32
    "tpu.region"() ({
      %run_scoped3A = tpu.sem_alloc : memref<!tpu.dma_semaphore, #tpu.memory_space<semaphore_mem>>
      %dma_start3A = arith.constant 0 : i32
      %dma_start3A_98 = tpu.memref_slice %arg8[%add3A_37, %dma_start3A] : memref<10240x128xf32, #tpu.memory_space<vmem_shared>> -> memref<32x128xf32, #tpu.memory_space<vmem_shared>>
      %dma_start3A_99 = arith.constant 0 : i32
      %dma_start3A_100 = tpu.memref_slice %arg8[%add3A_37, %dma_start3A_99] : memref<10240x128xf32, #tpu.memory_space<vmem_shared>> -> memref<32x128xf32, #tpu.memory_space<vmem_shared>>
      tpu.enqueue_dma source(%arg7 : memref<32x128xf32, #tpu.memory_space<vmem>>) target(%dma_start3A_100 : memref<32x128xf32, #tpu.memory_space<vmem_shared>>) target_semaphore(%run_scoped3A : memref<!tpu.dma_semaphore, #tpu.memory_space<semaphore_mem>>)
      %dma_wait3A = arith.constant 0 : i32
      %dma_wait3A_101 = tpu.memref_slice %arg8[%add3A_37, %dma_wait3A] : memref<10240x128xf32, #tpu.memory_space<vmem_shared>> -> memref<32x128xf32, #tpu.memory_space<vmem_shared>>
      %dma_wait3A_102 = arith.constant 0 : i32
      %dma_wait3A_103 = tpu.memref_slice %arg8[%add3A_37, %dma_wait3A_102] : memref<10240x128xf32, #tpu.memory_space<vmem_shared>> -> memref<32x128xf32, #tpu.memory_space<vmem_shared>>
      tpu.wait_dma2 semaphore(%run_scoped3A : memref<!tpu.dma_semaphore, #tpu.memory_space<semaphore_mem>>) src(%arg7 : memref<32x128xf32, #tpu.memory_space<vmem>>) dst(%dma_wait3A_103 : memref<32x128xf32, #tpu.memory_space<vmem_shared>>)
      tpu.yield
    }) : () -> ()
    %add3A_38 = arith.constant 448 : i32
    %add3A_39 = arith.addi %mul3A_9, %add3A_38 : i32
    "tpu.region"() ({
      %run_scoped3A = tpu.sem_alloc : memref<!tpu.dma_semaphore, #tpu.memory_space<semaphore_mem>>
      %dma_start3A = arith.constant 0 : i32
      %dma_start3A_98 = tpu.memref_slice %arg8[%add3A_39, %dma_start3A] : memref<10240x128xf32, #tpu.memory_space<vmem_shared>> -> memref<32x128xf32, #tpu.memory_space<vmem_shared>>
      %dma_start3A_99 = arith.constant 0 : i32
      %dma_start3A_100 = tpu.memref_slice %arg8[%add3A_39, %dma_start3A_99] : memref<10240x128xf32, #tpu.memory_space<vmem_shared>> -> memref<32x128xf32, #tpu.memory_space<vmem_shared>>
      tpu.enqueue_dma source(%arg7 : memref<32x128xf32, #tpu.memory_space<vmem>>) target(%dma_start3A_100 : memref<32x128xf32, #tpu.memory_space<vmem_shared>>) target_semaphore(%run_scoped3A : memref<!tpu.dma_semaphore, #tpu.memory_space<semaphore_mem>>)
      %dma_wait3A = arith.constant 0 : i32
      %dma_wait3A_101 = tpu.memref_slice %arg8[%add3A_39, %dma_wait3A] : memref<10240x128xf32, #tpu.memory_space<vmem_shared>> -> memref<32x128xf32, #tpu.memory_space<vmem_shared>>
      %dma_wait3A_102 = arith.constant 0 : i32
      %dma_wait3A_103 = tpu.memref_slice %arg8[%add3A_39, %dma_wait3A_102] : memref<10240x128xf32, #tpu.memory_space<vmem_shared>> -> memref<32x128xf32, #tpu.memory_space<vmem_shared>>
      tpu.wait_dma2 semaphore(%run_scoped3A : memref<!tpu.dma_semaphore, #tpu.memory_space<semaphore_mem>>) src(%arg7 : memref<32x128xf32, #tpu.memory_space<vmem>>) dst(%dma_wait3A_103 : memref<32x128xf32, #tpu.memory_space<vmem_shared>>)
      tpu.yield
    }) : () -> ()
    %add3A_40 = arith.constant 480 : i32
    %add3A_41 = arith.addi %mul3A_9, %add3A_40 : i32
    "tpu.region"() ({
      %run_scoped3A = tpu.sem_alloc : memref<!tpu.dma_semaphore, #tpu.memory_space<semaphore_mem>>
      %dma_start3A = arith.constant 0 : i32
      %dma_start3A_98 = tpu.memref_slice %arg8[%add3A_41, %dma_start3A] : memref<10240x128xf32, #tpu.memory_space<vmem_shared>> -> memref<32x128xf32, #tpu.memory_space<vmem_shared>>
      %dma_start3A_99 = arith.constant 0 : i32
      %dma_start3A_100 = tpu.memref_slice %arg8[%add3A_41, %dma_start3A_99] : memref<10240x128xf32, #tpu.memory_space<vmem_shared>> -> memref<32x128xf32, #tpu.memory_space<vmem_shared>>
      tpu.enqueue_dma source(%arg7 : memref<32x128xf32, #tpu.memory_space<vmem>>) target(%dma_start3A_100 : memref<32x128xf32, #tpu.memory_space<vmem_shared>>) target_semaphore(%run_scoped3A : memref<!tpu.dma_semaphore, #tpu.memory_space<semaphore_mem>>)
      %dma_wait3A = arith.constant 0 : i32
      %dma_wait3A_101 = tpu.memref_slice %arg8[%add3A_41, %dma_wait3A] : memref<10240x128xf32, #tpu.memory_space<vmem_shared>> -> memref<32x128xf32, #tpu.memory_space<vmem_shared>>
      %dma_wait3A_102 = arith.constant 0 : i32
      %dma_wait3A_103 = tpu.memref_slice %arg8[%add3A_41, %dma_wait3A_102] : memref<10240x128xf32, #tpu.memory_space<vmem_shared>> -> memref<32x128xf32, #tpu.memory_space<vmem_shared>>
      tpu.wait_dma2 semaphore(%run_scoped3A : memref<!tpu.dma_semaphore, #tpu.memory_space<semaphore_mem>>) src(%arg7 : memref<32x128xf32, #tpu.memory_space<vmem>>) dst(%dma_wait3A_103 : memref<32x128xf32, #tpu.memory_space<vmem_shared>>)
      tpu.yield
    }) : () -> ()
    %add3A_42 = arith.constant 512 : i32
    %add3A_43 = arith.addi %mul3A_9, %add3A_42 : i32
    "tpu.region"() ({
      %run_scoped3A = tpu.sem_alloc : memref<!tpu.dma_semaphore, #tpu.memory_space<semaphore_mem>>
      %dma_start3A = arith.constant 0 : i32
      %dma_start3A_98 = tpu.memref_slice %arg8[%add3A_43, %dma_start3A] : memref<10240x128xf32, #tpu.memory_space<vmem_shared>> -> memref<32x128xf32, #tpu.memory_space<vmem_shared>>
      %dma_start3A_99 = arith.constant 0 : i32
      %dma_start3A_100 = tpu.memref_slice %arg8[%add3A_43, %dma_start3A_99] : memref<10240x128xf32, #tpu.memory_space<vmem_shared>> -> memref<32x128xf32, #tpu.memory_space<vmem_shared>>
      tpu.enqueue_dma source(%arg7 : memref<32x128xf32, #tpu.memory_space<vmem>>) target(%dma_start3A_100 : memref<32x128xf32, #tpu.memory_space<vmem_shared>>) target_semaphore(%run_scoped3A : memref<!tpu.dma_semaphore, #tpu.memory_space<semaphore_mem>>)
      %dma_wait3A = arith.constant 0 : i32
      %dma_wait3A_101 = tpu.memref_slice %arg8[%add3A_43, %dma_wait3A] : memref<10240x128xf32, #tpu.memory_space<vmem_shared>> -> memref<32x128xf32, #tpu.memory_space<vmem_shared>>
      %dma_wait3A_102 = arith.constant 0 : i32
      %dma_wait3A_103 = tpu.memref_slice %arg8[%add3A_43, %dma_wait3A_102] : memref<10240x128xf32, #tpu.memory_space<vmem_shared>> -> memref<32x128xf32, #tpu.memory_space<vmem_shared>>
      tpu.wait_dma2 semaphore(%run_scoped3A : memref<!tpu.dma_semaphore, #tpu.memory_space<semaphore_mem>>) src(%arg7 : memref<32x128xf32, #tpu.memory_space<vmem>>) dst(%dma_wait3A_103 : memref<32x128xf32, #tpu.memory_space<vmem_shared>>)
      tpu.yield
    }) : () -> ()
    %add3A_44 = arith.constant 544 : i32
    %add3A_45 = arith.addi %mul3A_9, %add3A_44 : i32
    "tpu.region"() ({
      %run_scoped3A = tpu.sem_alloc : memref<!tpu.dma_semaphore, #tpu.memory_space<semaphore_mem>>
      %dma_start3A = arith.constant 0 : i32
      %dma_start3A_98 = tpu.memref_slice %arg8[%add3A_45, %dma_start3A] : memref<10240x128xf32, #tpu.memory_space<vmem_shared>> -> memref<32x128xf32, #tpu.memory_space<vmem_shared>>
      %dma_start3A_99 = arith.constant 0 : i32
      %dma_start3A_100 = tpu.memref_slice %arg8[%add3A_45, %dma_start3A_99] : memref<10240x128xf32, #tpu.memory_space<vmem_shared>> -> memref<32x128xf32, #tpu.memory_space<vmem_shared>>
      tpu.enqueue_dma source(%arg7 : memref<32x128xf32, #tpu.memory_space<vmem>>) target(%dma_start3A_100 : memref<32x128xf32, #tpu.memory_space<vmem_shared>>) target_semaphore(%run_scoped3A : memref<!tpu.dma_semaphore, #tpu.memory_space<semaphore_mem>>)
      %dma_wait3A = arith.constant 0 : i32
      %dma_wait3A_101 = tpu.memref_slice %arg8[%add3A_45, %dma_wait3A] : memref<10240x128xf32, #tpu.memory_space<vmem_shared>> -> memref<32x128xf32, #tpu.memory_space<vmem_shared>>
      %dma_wait3A_102 = arith.constant 0 : i32
      %dma_wait3A_103 = tpu.memref_slice %arg8[%add3A_45, %dma_wait3A_102] : memref<10240x128xf32, #tpu.memory_space<vmem_shared>> -> memref<32x128xf32, #tpu.memory_space<vmem_shared>>
      tpu.wait_dma2 semaphore(%run_scoped3A : memref<!tpu.dma_semaphore, #tpu.memory_space<semaphore_mem>>) src(%arg7 : memref<32x128xf32, #tpu.memory_space<vmem>>) dst(%dma_wait3A_103 : memref<32x128xf32, #tpu.memory_space<vmem_shared>>)
      tpu.yield
    }) : () -> ()
    %add3A_46 = arith.constant 576 : i32
    %add3A_47 = arith.addi %mul3A_9, %add3A_46 : i32
    "tpu.region"() ({
      %run_scoped3A = tpu.sem_alloc : memref<!tpu.dma_semaphore, #tpu.memory_space<semaphore_mem>>
      %dma_start3A = arith.constant 0 : i32
      %dma_start3A_98 = tpu.memref_slice %arg8[%add3A_47, %dma_start3A] : memref<10240x128xf32, #tpu.memory_space<vmem_shared>> -> memref<32x128xf32, #tpu.memory_space<vmem_shared>>
      %dma_start3A_99 = arith.constant 0 : i32
      %dma_start3A_100 = tpu.memref_slice %arg8[%add3A_47, %dma_start3A_99] : memref<10240x128xf32, #tpu.memory_space<vmem_shared>> -> memref<32x128xf32, #tpu.memory_space<vmem_shared>>
      tpu.enqueue_dma source(%arg7 : memref<32x128xf32, #tpu.memory_space<vmem>>) target(%dma_start3A_100 : memref<32x128xf32, #tpu.memory_space<vmem_shared>>) target_semaphore(%run_scoped3A : memref<!tpu.dma_semaphore, #tpu.memory_space<semaphore_mem>>)
      %dma_wait3A = arith.constant 0 : i32
      %dma_wait3A_101 = tpu.memref_slice %arg8[%add3A_47, %dma_wait3A] : memref<10240x128xf32, #tpu.memory_space<vmem_shared>> -> memref<32x128xf32, #tpu.memory_space<vmem_shared>>
      %dma_wait3A_102 = arith.constant 0 : i32
      %dma_wait3A_103 = tpu.memref_slice %arg8[%add3A_47, %dma_wait3A_102] : memref<10240x128xf32, #tpu.memory_space<vmem_shared>> -> memref<32x128xf32, #tpu.memory_space<vmem_shared>>
      tpu.wait_dma2 semaphore(%run_scoped3A : memref<!tpu.dma_semaphore, #tpu.memory_space<semaphore_mem>>) src(%arg7 : memref<32x128xf32, #tpu.memory_space<vmem>>) dst(%dma_wait3A_103 : memref<32x128xf32, #tpu.memory_space<vmem_shared>>)
      tpu.yield
    }) : () -> ()
    %add3A_48 = arith.constant 608 : i32
    %add3A_49 = arith.addi %mul3A_9, %add3A_48 : i32
    "tpu.region"() ({
      %run_scoped3A = tpu.sem_alloc : memref<!tpu.dma_semaphore, #tpu.memory_space<semaphore_mem>>
      %dma_start3A = arith.constant 0 : i32
      %dma_start3A_98 = tpu.memref_slice %arg8[%add3A_49, %dma_start3A] : memref<10240x128xf32, #tpu.memory_space<vmem_shared>> -> memref<32x128xf32, #tpu.memory_space<vmem_shared>>
      %dma_start3A_99 = arith.constant 0 : i32
      %dma_start3A_100 = tpu.memref_slice %arg8[%add3A_49, %dma_start3A_99] : memref<10240x128xf32, #tpu.memory_space<vmem_shared>> -> memref<32x128xf32, #tpu.memory_space<vmem_shared>>
      tpu.enqueue_dma source(%arg7 : memref<32x128xf32, #tpu.memory_space<vmem>>) target(%dma_start3A_100 : memref<32x128xf32, #tpu.memory_space<vmem_shared>>) target_semaphore(%run_scoped3A : memref<!tpu.dma_semaphore, #tpu.memory_space<semaphore_mem>>)
      %dma_wait3A = arith.constant 0 : i32
      %dma_wait3A_101 = tpu.memref_slice %arg8[%add3A_49, %dma_wait3A] : memref<10240x128xf32, #tpu.memory_space<vmem_shared>> -> memref<32x128xf32, #tpu.memory_space<vmem_shared>>
      %dma_wait3A_102 = arith.constant 0 : i32
      %dma_wait3A_103 = tpu.memref_slice %arg8[%add3A_49, %dma_wait3A_102] : memref<10240x128xf32, #tpu.memory_space<vmem_shared>> -> memref<32x128xf32, #tpu.memory_space<vmem_shared>>
      tpu.wait_dma2 semaphore(%run_scoped3A : memref<!tpu.dma_semaphore, #tpu.memory_space<semaphore_mem>>) src(%arg7 : memref<32x128xf32, #tpu.memory_space<vmem>>) dst(%dma_wait3A_103 : memref<32x128xf32, #tpu.memory_space<vmem_shared>>)
      tpu.yield
    }) : () -> ()
    %barrier3A = arith.constant 0 : index
    tpu.barrier barrier_id(%barrier3A)
    %scan3A_50 = arith.constant 0 : i32
    %scan3A_51 = arith.constant 0 : i32
    %scan3A_52 = arith.constant 50 : i32
    %scan3A_53 = arith.addi %scan3A_51, %scan3A_52 : i32
    %scan3A_54 = arith.constant 1 : i32
    %scan3A_55 = scf.for %scan3A_98 = %scan3A_51 to %scan3A_53 step %scan3A_54 iter_args(%scan3A_99 = %scan3A_50) -> (i32)  : i32 {
      %mul3A_100 = arith.constant 10000 : i32
      %mul3A_101 = arith.muli %add3A, %mul3A_100 : i32
      %mul3A_102 = arith.constant 200 : i32
      %mul3A_103 = arith.muli %scan3A_98, %mul3A_102 : i32
      %add3A_104 = arith.addi %mul3A_101, %mul3A_103 : i32
      %dma_start3A = arith.constant 0 : i32
      %dma_start3A_105 = tpu.memref_slice %arg3[%add3A_104, %dma_start3A] : memref<320000x128xf32, #tpu.memory_space<hbm>> -> memref<200x128xf32, #tpu.memory_space<hbm>>
      %dma_start3A_106 = arith.constant 0 : i32
      %dma_start3A_107 = tpu.memref_slice %arg3[%add3A_104, %dma_start3A_106] : memref<320000x128xf32, #tpu.memory_space<hbm>> -> memref<200x128xf32, #tpu.memory_space<hbm>>
      tpu.enqueue_dma source(%dma_start3A_107 : memref<200x128xf32, #tpu.memory_space<hbm>>) target(%arg6 : memref<200x128xf32, #tpu.memory_space<vmem>>) target_semaphore(%arg9 : memref<!tpu.dma_semaphore, #tpu.memory_space<semaphore_mem>>)
      "tpu.region"() ({
        %run_scoped3A = tpu.sem_alloc : memref<!tpu.dma_semaphore, #tpu.memory_space<semaphore_mem>>
        %dma_start3A_112 = tpu.memref_slice %arg2[%add3A_104] : memref<320000xi32, #tpu.memory_space<hbm>> -> memref<200xi32, #tpu.memory_space<hbm>>
        %dma_start3A_113 = tpu.memref_slice %arg2[%add3A_104] : memref<320000xi32, #tpu.memory_space<hbm>> -> memref<200xi32, #tpu.memory_space<hbm>>
        tpu.enqueue_dma source(%dma_start3A_113 : memref<200xi32, #tpu.memory_space<hbm>>) target(%arg5 : memref<200xi32, #tpu.memory_space<vmem>>) target_semaphore(%run_scoped3A : memref<!tpu.dma_semaphore, #tpu.memory_space<semaphore_mem>>)
        %dma_wait3A_114 = tpu.memref_slice %arg2[%add3A_104] : memref<320000xi32, #tpu.memory_space<hbm>> -> memref<200xi32, #tpu.memory_space<hbm>>
        %dma_wait3A_115 = tpu.memref_slice %arg2[%add3A_104] : memref<320000xi32, #tpu.memory_space<hbm>> -> memref<200xi32, #tpu.memory_space<hbm>>
        tpu.wait_dma2 semaphore(%run_scoped3A : memref<!tpu.dma_semaphore, #tpu.memory_space<semaphore_mem>>) src(%dma_wait3A_115 : memref<200xi32, #tpu.memory_space<hbm>>) dst(%arg5 : memref<200xi32, #tpu.memory_space<vmem>>)
        tpu.yield
      }) : () -> ()
      %dma_wait3A = arith.constant 0 : i32
      %dma_wait3A_108 = tpu.memref_slice %arg3[%add3A_104, %dma_wait3A] : memref<320000x128xf32, #tpu.memory_space<hbm>> -> memref<200x128xf32, #tpu.memory_space<hbm>>
      %dma_wait3A_109 = arith.constant 0 : i32
      %dma_wait3A_110 = tpu.memref_slice %arg3[%add3A_104, %dma_wait3A_109] : memref<320000x128xf32, #tpu.memory_space<hbm>> -> memref<200x128xf32, #tpu.memory_space<hbm>>
      tpu.wait_dma2 semaphore(%arg9 : memref<!tpu.dma_semaphore, #tpu.memory_space<semaphore_mem>>) src(%dma_wait3A_110 : memref<200x128xf32, #tpu.memory_space<hbm>>) dst(%arg6 : memref<200x128xf32, #tpu.memory_space<vmem>>)
      "tpu.region"() ({
        %run_scoped3A = tpu.sem_alloc : memref<!tpu.dma_semaphore, #tpu.memory_space<semaphore_mem>>
        %dma_start3A_112 = arith.constant 0 : i32
        %dma_start3A_113 = arith.constant 0 : i32
        %dma_start3A_114 = tpu.memref_slice %arg8[%dma_start3A_112, %dma_start3A_113] : memref<10240x128xf32, #tpu.memory_space<vmem_shared>> -> memref<10240x128xf32, #tpu.memory_space<vmem_shared>>
        tpu.enqueue_indirect_dma source(%arg6 : memref<200x128xf32, #tpu.memory_space<vmem>>) target(%dma_start3A_114 : memref<10240x128xf32, #tpu.memory_space<vmem_shared>>) offsets(%arg5 : memref<200xi32, #tpu.memory_space<vmem>>) semaphore(%run_scoped3A : memref<!tpu.dma_semaphore, #tpu.memory_space<semaphore_mem>>) {add = true}
        %dma_wait3A_115 = arith.constant 0 : i32
        %dma_wait3A_116 = arith.constant 0 : i32
        %dma_wait3A_117 = tpu.memref_slice %arg8[%dma_wait3A_115, %dma_wait3A_116] : memref<10240x128xf32, #tpu.memory_space<vmem_shared>> -> memref<10240x128xf32, #tpu.memory_space<vmem_shared>>
        tpu.wait_indirect_dma semaphore(%run_scoped3A : memref<!tpu.dma_semaphore, #tpu.memory_space<semaphore_mem>>) src(%arg6 : memref<200x128xf32, #tpu.memory_space<vmem>>) dst(%dma_wait3A_117 : memref<10240x128xf32, #tpu.memory_space<vmem_shared>>)
        tpu.yield
      }) : () -> ()
      %scan3A_111 = arith.constant 0 : i32
      scf.yield %scan3A_111 : i32
    }
    %scan3A_56 = arith.constant 50 : i32
    %barrier3A_57 = arith.constant 0 : index
    tpu.barrier barrier_id(%barrier3A_57)
    %add3A_58 = arith.constant 0 : i32
    %add3A_59 = arith.addi %mul3A_9, %add3A_58 : i32
    "tpu.region"() ({
      %run_scoped3A = tpu.sem_alloc : memref<!tpu.dma_semaphore, #tpu.memory_space<semaphore_mem>>
      %dma_start3A = arith.constant 0 : i32
      %dma_start3A_98 = tpu.memref_slice %arg4[%arg0, %add3A_59, %dma_start3A] : memref<2x10240x128xf32, #tpu.memory_space<hbm>> -> memref<1x32x128xf32, #tpu.memory_space<hbm>>
      %dma_start3A_99 = tpu.memref_squeeze %dma_start3A_98 : memref<1x32x128xf32, #tpu.memory_space<hbm>> -> memref<32x128xf32, #tpu.memory_space<hbm>>
      %dma_start3A_100 = arith.constant 0 : i32
      %dma_start3A_101 = tpu.memref_slice %arg8[%add3A_59, %dma_start3A_100] : memref<10240x128xf32, #tpu.memory_space<vmem_shared>> -> memref<32x128xf32, #tpu.memory_space<vmem_shared>>
      tpu.enqueue_dma source(%dma_start3A_101 : memref<32x128xf32, #tpu.memory_space<vmem_shared>>) target(%dma_start3A_99 : memref<32x128xf32, #tpu.memory_space<hbm>>) target_semaphore(%run_scoped3A : memref<!tpu.dma_semaphore, #tpu.memory_space<semaphore_mem>>)
      %dma_wait3A = arith.constant 0 : i32
      %dma_wait3A_102 = tpu.memref_slice %arg4[%arg0, %add3A_59, %dma_wait3A] : memref<2x10240x128xf32, #tpu.memory_space<hbm>> -> memref<1x32x128xf32, #tpu.memory_space<hbm>>
      %dma_wait3A_103 = tpu.memref_squeeze %dma_wait3A_102 : memref<1x32x128xf32, #tpu.memory_space<hbm>> -> memref<32x128xf32, #tpu.memory_space<hbm>>
      %dma_wait3A_104 = arith.constant 0 : i32
      %dma_wait3A_105 = tpu.memref_slice %arg8[%add3A_59, %dma_wait3A_104] : memref<10240x128xf32, #tpu.memory_space<vmem_shared>> -> memref<32x128xf32, #tpu.memory_space<vmem_shared>>
      tpu.wait_dma2 semaphore(%run_scoped3A : memref<!tpu.dma_semaphore, #tpu.memory_space<semaphore_mem>>) src(%dma_wait3A_105 : memref<32x128xf32, #tpu.memory_space<vmem_shared>>) dst(%dma_wait3A_103 : memref<32x128xf32, #tpu.memory_space<hbm>>)
      tpu.yield
    }) : () -> ()
    %add3A_60 = arith.constant 32 : i32
    %add3A_61 = arith.addi %mul3A_9, %add3A_60 : i32
    "tpu.region"() ({
      %run_scoped3A = tpu.sem_alloc : memref<!tpu.dma_semaphore, #tpu.memory_space<semaphore_mem>>
      %dma_start3A = arith.constant 0 : i32
      %dma_start3A_98 = tpu.memref_slice %arg4[%arg0, %add3A_61, %dma_start3A] : memref<2x10240x128xf32, #tpu.memory_space<hbm>> -> memref<1x32x128xf32, #tpu.memory_space<hbm>>
      %dma_start3A_99 = tpu.memref_squeeze %dma_start3A_98 : memref<1x32x128xf32, #tpu.memory_space<hbm>> -> memref<32x128xf32, #tpu.memory_space<hbm>>
      %dma_start3A_100 = arith.constant 0 : i32
      %dma_start3A_101 = tpu.memref_slice %arg8[%add3A_61, %dma_start3A_100] : memref<10240x128xf32, #tpu.memory_space<vmem_shared>> -> memref<32x128xf32, #tpu.memory_space<vmem_shared>>
      tpu.enqueue_dma source(%dma_start3A_101 : memref<32x128xf32, #tpu.memory_space<vmem_shared>>) target(%dma_start3A_99 : memref<32x128xf32, #tpu.memory_space<hbm>>) target_semaphore(%run_scoped3A : memref<!tpu.dma_semaphore, #tpu.memory_space<semaphore_mem>>)
      %dma_wait3A = arith.constant 0 : i32
      %dma_wait3A_102 = tpu.memref_slice %arg4[%arg0, %add3A_61, %dma_wait3A] : memref<2x10240x128xf32, #tpu.memory_space<hbm>> -> memref<1x32x128xf32, #tpu.memory_space<hbm>>
      %dma_wait3A_103 = tpu.memref_squeeze %dma_wait3A_102 : memref<1x32x128xf32, #tpu.memory_space<hbm>> -> memref<32x128xf32, #tpu.memory_space<hbm>>
      %dma_wait3A_104 = arith.constant 0 : i32
      %dma_wait3A_105 = tpu.memref_slice %arg8[%add3A_61, %dma_wait3A_104] : memref<10240x128xf32, #tpu.memory_space<vmem_shared>> -> memref<32x128xf32, #tpu.memory_space<vmem_shared>>
      tpu.wait_dma2 semaphore(%run_scoped3A : memref<!tpu.dma_semaphore, #tpu.memory_space<semaphore_mem>>) src(%dma_wait3A_105 : memref<32x128xf32, #tpu.memory_space<vmem_shared>>) dst(%dma_wait3A_103 : memref<32x128xf32, #tpu.memory_space<hbm>>)
      tpu.yield
    }) : () -> ()
    %add3A_62 = arith.constant 64 : i32
    %add3A_63 = arith.addi %mul3A_9, %add3A_62 : i32
    "tpu.region"() ({
      %run_scoped3A = tpu.sem_alloc : memref<!tpu.dma_semaphore, #tpu.memory_space<semaphore_mem>>
      %dma_start3A = arith.constant 0 : i32
      %dma_start3A_98 = tpu.memref_slice %arg4[%arg0, %add3A_63, %dma_start3A] : memref<2x10240x128xf32, #tpu.memory_space<hbm>> -> memref<1x32x128xf32, #tpu.memory_space<hbm>>
      %dma_start3A_99 = tpu.memref_squeeze %dma_start3A_98 : memref<1x32x128xf32, #tpu.memory_space<hbm>> -> memref<32x128xf32, #tpu.memory_space<hbm>>
      %dma_start3A_100 = arith.constant 0 : i32
      %dma_start3A_101 = tpu.memref_slice %arg8[%add3A_63, %dma_start3A_100] : memref<10240x128xf32, #tpu.memory_space<vmem_shared>> -> memref<32x128xf32, #tpu.memory_space<vmem_shared>>
      tpu.enqueue_dma source(%dma_start3A_101 : memref<32x128xf32, #tpu.memory_space<vmem_shared>>) target(%dma_start3A_99 : memref<32x128xf32, #tpu.memory_space<hbm>>) target_semaphore(%run_scoped3A : memref<!tpu.dma_semaphore, #tpu.memory_space<semaphore_mem>>)
      %dma_wait3A = arith.constant 0 : i32
      %dma_wait3A_102 = tpu.memref_slice %arg4[%arg0, %add3A_63, %dma_wait3A] : memref<2x10240x128xf32, #tpu.memory_space<hbm>> -> memref<1x32x128xf32, #tpu.memory_space<hbm>>
      %dma_wait3A_103 = tpu.memref_squeeze %dma_wait3A_102 : memref<1x32x128xf32, #tpu.memory_space<hbm>> -> memref<32x128xf32, #tpu.memory_space<hbm>>
      %dma_wait3A_104 = arith.constant 0 : i32
      %dma_wait3A_105 = tpu.memref_slice %arg8[%add3A_63, %dma_wait3A_104] : memref<10240x128xf32, #tpu.memory_space<vmem_shared>> -> memref<32x128xf32, #tpu.memory_space<vmem_shared>>
      tpu.wait_dma2 semaphore(%run_scoped3A : memref<!tpu.dma_semaphore, #tpu.memory_space<semaphore_mem>>) src(%dma_wait3A_105 : memref<32x128xf32, #tpu.memory_space<vmem_shared>>) dst(%dma_wait3A_103 : memref<32x128xf32, #tpu.memory_space<hbm>>)
      tpu.yield
    }) : () -> ()
    %add3A_64 = arith.constant 96 : i32
    %add3A_65 = arith.addi %mul3A_9, %add3A_64 : i32
    "tpu.region"() ({
      %run_scoped3A = tpu.sem_alloc : memref<!tpu.dma_semaphore, #tpu.memory_space<semaphore_mem>>
      %dma_start3A = arith.constant 0 : i32
      %dma_start3A_98 = tpu.memref_slice %arg4[%arg0, %add3A_65, %dma_start3A] : memref<2x10240x128xf32, #tpu.memory_space<hbm>> -> memref<1x32x128xf32, #tpu.memory_space<hbm>>
      %dma_start3A_99 = tpu.memref_squeeze %dma_start3A_98 : memref<1x32x128xf32, #tpu.memory_space<hbm>> -> memref<32x128xf32, #tpu.memory_space<hbm>>
      %dma_start3A_100 = arith.constant 0 : i32
      %dma_start3A_101 = tpu.memref_slice %arg8[%add3A_65, %dma_start3A_100] : memref<10240x128xf32, #tpu.memory_space<vmem_shared>> -> memref<32x128xf32, #tpu.memory_space<vmem_shared>>
      tpu.enqueue_dma source(%dma_start3A_101 : memref<32x128xf32, #tpu.memory_space<vmem_shared>>) target(%dma_start3A_99 : memref<32x128xf32, #tpu.memory_space<hbm>>) target_semaphore(%run_scoped3A : memref<!tpu.dma_semaphore, #tpu.memory_space<semaphore_mem>>)
      %dma_wait3A = arith.constant 0 : i32
      %dma_wait3A_102 = tpu.memref_slice %arg4[%arg0, %add3A_65, %dma_wait3A] : memref<2x10240x128xf32, #tpu.memory_space<hbm>> -> memref<1x32x128xf32, #tpu.memory_space<hbm>>
      %dma_wait3A_103 = tpu.memref_squeeze %dma_wait3A_102 : memref<1x32x128xf32, #tpu.memory_space<hbm>> -> memref<32x128xf32, #tpu.memory_space<hbm>>
      %dma_wait3A_104 = arith.constant 0 : i32
      %dma_wait3A_105 = tpu.memref_slice %arg8[%add3A_65, %dma_wait3A_104] : memref<10240x128xf32, #tpu.memory_space<vmem_shared>> -> memref<32x128xf32, #tpu.memory_space<vmem_shared>>
      tpu.wait_dma2 semaphore(%run_scoped3A : memref<!tpu.dma_semaphore, #tpu.memory_space<semaphore_mem>>) src(%dma_wait3A_105 : memref<32x128xf32, #tpu.memory_space<vmem_shared>>) dst(%dma_wait3A_103 : memref<32x128xf32, #tpu.memory_space<hbm>>)
      tpu.yield
    }) : () -> ()
    %add3A_66 = arith.constant 128 : i32
    %add3A_67 = arith.addi %mul3A_9, %add3A_66 : i32
    "tpu.region"() ({
      %run_scoped3A = tpu.sem_alloc : memref<!tpu.dma_semaphore, #tpu.memory_space<semaphore_mem>>
      %dma_start3A = arith.constant 0 : i32
      %dma_start3A_98 = tpu.memref_slice %arg4[%arg0, %add3A_67, %dma_start3A] : memref<2x10240x128xf32, #tpu.memory_space<hbm>> -> memref<1x32x128xf32, #tpu.memory_space<hbm>>
      %dma_start3A_99 = tpu.memref_squeeze %dma_start3A_98 : memref<1x32x128xf32, #tpu.memory_space<hbm>> -> memref<32x128xf32, #tpu.memory_space<hbm>>
      %dma_start3A_100 = arith.constant 0 : i32
      %dma_start3A_101 = tpu.memref_slice %arg8[%add3A_67, %dma_start3A_100] : memref<10240x128xf32, #tpu.memory_space<vmem_shared>> -> memref<32x128xf32, #tpu.memory_space<vmem_shared>>
      tpu.enqueue_dma source(%dma_start3A_101 : memref<32x128xf32, #tpu.memory_space<vmem_shared>>) target(%dma_start3A_99 : memref<32x128xf32, #tpu.memory_space<hbm>>) target_semaphore(%run_scoped3A : memref<!tpu.dma_semaphore, #tpu.memory_space<semaphore_mem>>)
      %dma_wait3A = arith.constant 0 : i32
      %dma_wait3A_102 = tpu.memref_slice %arg4[%arg0, %add3A_67, %dma_wait3A] : memref<2x10240x128xf32, #tpu.memory_space<hbm>> -> memref<1x32x128xf32, #tpu.memory_space<hbm>>
      %dma_wait3A_103 = tpu.memref_squeeze %dma_wait3A_102 : memref<1x32x128xf32, #tpu.memory_space<hbm>> -> memref<32x128xf32, #tpu.memory_space<hbm>>
      %dma_wait3A_104 = arith.constant 0 : i32
      %dma_wait3A_105 = tpu.memref_slice %arg8[%add3A_67, %dma_wait3A_104] : memref<10240x128xf32, #tpu.memory_space<vmem_shared>> -> memref<32x128xf32, #tpu.memory_space<vmem_shared>>
      tpu.wait_dma2 semaphore(%run_scoped3A : memref<!tpu.dma_semaphore, #tpu.memory_space<semaphore_mem>>) src(%dma_wait3A_105 : memref<32x128xf32, #tpu.memory_space<vmem_shared>>) dst(%dma_wait3A_103 : memref<32x128xf32, #tpu.memory_space<hbm>>)
      tpu.yield
    }) : () -> ()
    %add3A_68 = arith.constant 160 : i32
    %add3A_69 = arith.addi %mul3A_9, %add3A_68 : i32
    "tpu.region"() ({
      %run_scoped3A = tpu.sem_alloc : memref<!tpu.dma_semaphore, #tpu.memory_space<semaphore_mem>>
      %dma_start3A = arith.constant 0 : i32
      %dma_start3A_98 = tpu.memref_slice %arg4[%arg0, %add3A_69, %dma_start3A] : memref<2x10240x128xf32, #tpu.memory_space<hbm>> -> memref<1x32x128xf32, #tpu.memory_space<hbm>>
      %dma_start3A_99 = tpu.memref_squeeze %dma_start3A_98 : memref<1x32x128xf32, #tpu.memory_space<hbm>> -> memref<32x128xf32, #tpu.memory_space<hbm>>
      %dma_start3A_100 = arith.constant 0 : i32
      %dma_start3A_101 = tpu.memref_slice %arg8[%add3A_69, %dma_start3A_100] : memref<10240x128xf32, #tpu.memory_space<vmem_shared>> -> memref<32x128xf32, #tpu.memory_space<vmem_shared>>
      tpu.enqueue_dma source(%dma_start3A_101 : memref<32x128xf32, #tpu.memory_space<vmem_shared>>) target(%dma_start3A_99 : memref<32x128xf32, #tpu.memory_space<hbm>>) target_semaphore(%run_scoped3A : memref<!tpu.dma_semaphore, #tpu.memory_space<semaphore_mem>>)
      %dma_wait3A = arith.constant 0 : i32
      %dma_wait3A_102 = tpu.memref_slice %arg4[%arg0, %add3A_69, %dma_wait3A] : memref<2x10240x128xf32, #tpu.memory_space<hbm>> -> memref<1x32x128xf32, #tpu.memory_space<hbm>>
      %dma_wait3A_103 = tpu.memref_squeeze %dma_wait3A_102 : memref<1x32x128xf32, #tpu.memory_space<hbm>> -> memref<32x128xf32, #tpu.memory_space<hbm>>
      %dma_wait3A_104 = arith.constant 0 : i32
      %dma_wait3A_105 = tpu.memref_slice %arg8[%add3A_69, %dma_wait3A_104] : memref<10240x128xf32, #tpu.memory_space<vmem_shared>> -> memref<32x128xf32, #tpu.memory_space<vmem_shared>>
      tpu.wait_dma2 semaphore(%run_scoped3A : memref<!tpu.dma_semaphore, #tpu.memory_space<semaphore_mem>>) src(%dma_wait3A_105 : memref<32x128xf32, #tpu.memory_space<vmem_shared>>) dst(%dma_wait3A_103 : memref<32x128xf32, #tpu.memory_space<hbm>>)
      tpu.yield
    }) : () -> ()
    %add3A_70 = arith.constant 192 : i32
    %add3A_71 = arith.addi %mul3A_9, %add3A_70 : i32
    "tpu.region"() ({
      %run_scoped3A = tpu.sem_alloc : memref<!tpu.dma_semaphore, #tpu.memory_space<semaphore_mem>>
      %dma_start3A = arith.constant 0 : i32
      %dma_start3A_98 = tpu.memref_slice %arg4[%arg0, %add3A_71, %dma_start3A] : memref<2x10240x128xf32, #tpu.memory_space<hbm>> -> memref<1x32x128xf32, #tpu.memory_space<hbm>>
      %dma_start3A_99 = tpu.memref_squeeze %dma_start3A_98 : memref<1x32x128xf32, #tpu.memory_space<hbm>> -> memref<32x128xf32, #tpu.memory_space<hbm>>
      %dma_start3A_100 = arith.constant 0 : i32
      %dma_start3A_101 = tpu.memref_slice %arg8[%add3A_71, %dma_start3A_100] : memref<10240x128xf32, #tpu.memory_space<vmem_shared>> -> memref<32x128xf32, #tpu.memory_space<vmem_shared>>
      tpu.enqueue_dma source(%dma_start3A_101 : memref<32x128xf32, #tpu.memory_space<vmem_shared>>) target(%dma_start3A_99 : memref<32x128xf32, #tpu.memory_space<hbm>>) target_semaphore(%run_scoped3A : memref<!tpu.dma_semaphore, #tpu.memory_space<semaphore_mem>>)
      %dma_wait3A = arith.constant 0 : i32
      %dma_wait3A_102 = tpu.memref_slice %arg4[%arg0, %add3A_71, %dma_wait3A] : memref<2x10240x128xf32, #tpu.memory_space<hbm>> -> memref<1x32x128xf32, #tpu.memory_space<hbm>>
      %dma_wait3A_103 = tpu.memref_squeeze %dma_wait3A_102 : memref<1x32x128xf32, #tpu.memory_space<hbm>> -> memref<32x128xf32, #tpu.memory_space<hbm>>
      %dma_wait3A_104 = arith.constant 0 : i32
      %dma_wait3A_105 = tpu.memref_slice %arg8[%add3A_71, %dma_wait3A_104] : memref<10240x128xf32, #tpu.memory_space<vmem_shared>> -> memref<32x128xf32, #tpu.memory_space<vmem_shared>>
      tpu.wait_dma2 semaphore(%run_scoped3A : memref<!tpu.dma_semaphore, #tpu.memory_space<semaphore_mem>>) src(%dma_wait3A_105 : memref<32x128xf32, #tpu.memory_space<vmem_shared>>) dst(%dma_wait3A_103 : memref<32x128xf32, #tpu.memory_space<hbm>>)
      tpu.yield
    }) : () -> ()
    %add3A_72 = arith.constant 224 : i32
    %add3A_73 = arith.addi %mul3A_9, %add3A_72 : i32
    "tpu.region"() ({
      %run_scoped3A = tpu.sem_alloc : memref<!tpu.dma_semaphore, #tpu.memory_space<semaphore_mem>>
      %dma_start3A = arith.constant 0 : i32
      %dma_start3A_98 = tpu.memref_slice %arg4[%arg0, %add3A_73, %dma_start3A] : memref<2x10240x128xf32, #tpu.memory_space<hbm>> -> memref<1x32x128xf32, #tpu.memory_space<hbm>>
      %dma_start3A_99 = tpu.memref_squeeze %dma_start3A_98 : memref<1x32x128xf32, #tpu.memory_space<hbm>> -> memref<32x128xf32, #tpu.memory_space<hbm>>
      %dma_start3A_100 = arith.constant 0 : i32
      %dma_start3A_101 = tpu.memref_slice %arg8[%add3A_73, %dma_start3A_100] : memref<10240x128xf32, #tpu.memory_space<vmem_shared>> -> memref<32x128xf32, #tpu.memory_space<vmem_shared>>
      tpu.enqueue_dma source(%dma_start3A_101 : memref<32x128xf32, #tpu.memory_space<vmem_shared>>) target(%dma_start3A_99 : memref<32x128xf32, #tpu.memory_space<hbm>>) target_semaphore(%run_scoped3A : memref<!tpu.dma_semaphore, #tpu.memory_space<semaphore_mem>>)
      %dma_wait3A = arith.constant 0 : i32
      %dma_wait3A_102 = tpu.memref_slice %arg4[%arg0, %add3A_73, %dma_wait3A] : memref<2x10240x128xf32, #tpu.memory_space<hbm>> -> memref<1x32x128xf32, #tpu.memory_space<hbm>>
      %dma_wait3A_103 = tpu.memref_squeeze %dma_wait3A_102 : memref<1x32x128xf32, #tpu.memory_space<hbm>> -> memref<32x128xf32, #tpu.memory_space<hbm>>
      %dma_wait3A_104 = arith.constant 0 : i32
      %dma_wait3A_105 = tpu.memref_slice %arg8[%add3A_73, %dma_wait3A_104] : memref<10240x128xf32, #tpu.memory_space<vmem_shared>> -> memref<32x128xf32, #tpu.memory_space<vmem_shared>>
      tpu.wait_dma2 semaphore(%run_scoped3A : memref<!tpu.dma_semaphore, #tpu.memory_space<semaphore_mem>>) src(%dma_wait3A_105 : memref<32x128xf32, #tpu.memory_space<vmem_shared>>) dst(%dma_wait3A_103 : memref<32x128xf32, #tpu.memory_space<hbm>>)
      tpu.yield
    }) : () -> ()
    %add3A_74 = arith.constant 256 : i32
    %add3A_75 = arith.addi %mul3A_9, %add3A_74 : i32
    "tpu.region"() ({
      %run_scoped3A = tpu.sem_alloc : memref<!tpu.dma_semaphore, #tpu.memory_space<semaphore_mem>>
      %dma_start3A = arith.constant 0 : i32
      %dma_start3A_98 = tpu.memref_slice %arg4[%arg0, %add3A_75, %dma_start3A] : memref<2x10240x128xf32, #tpu.memory_space<hbm>> -> memref<1x32x128xf32, #tpu.memory_space<hbm>>
      %dma_start3A_99 = tpu.memref_squeeze %dma_start3A_98 : memref<1x32x128xf32, #tpu.memory_space<hbm>> -> memref<32x128xf32, #tpu.memory_space<hbm>>
      %dma_start3A_100 = arith.constant 0 : i32
      %dma_start3A_101 = tpu.memref_slice %arg8[%add3A_75, %dma_start3A_100] : memref<10240x128xf32, #tpu.memory_space<vmem_shared>> -> memref<32x128xf32, #tpu.memory_space<vmem_shared>>
      tpu.enqueue_dma source(%dma_start3A_101 : memref<32x128xf32, #tpu.memory_space<vmem_shared>>) target(%dma_start3A_99 : memref<32x128xf32, #tpu.memory_space<hbm>>) target_semaphore(%run_scoped3A : memref<!tpu.dma_semaphore, #tpu.memory_space<semaphore_mem>>)
      %dma_wait3A = arith.constant 0 : i32
      %dma_wait3A_102 = tpu.memref_slice %arg4[%arg0, %add3A_75, %dma_wait3A] : memref<2x10240x128xf32, #tpu.memory_space<hbm>> -> memref<1x32x128xf32, #tpu.memory_space<hbm>>
      %dma_wait3A_103 = tpu.memref_squeeze %dma_wait3A_102 : memref<1x32x128xf32, #tpu.memory_space<hbm>> -> memref<32x128xf32, #tpu.memory_space<hbm>>
      %dma_wait3A_104 = arith.constant 0 : i32
      %dma_wait3A_105 = tpu.memref_slice %arg8[%add3A_75, %dma_wait3A_104] : memref<10240x128xf32, #tpu.memory_space<vmem_shared>> -> memref<32x128xf32, #tpu.memory_space<vmem_shared>>
      tpu.wait_dma2 semaphore(%run_scoped3A : memref<!tpu.dma_semaphore, #tpu.memory_space<semaphore_mem>>) src(%dma_wait3A_105 : memref<32x128xf32, #tpu.memory_space<vmem_shared>>) dst(%dma_wait3A_103 : memref<32x128xf32, #tpu.memory_space<hbm>>)
      tpu.yield
    }) : () -> ()
    %add3A_76 = arith.constant 288 : i32
    %add3A_77 = arith.addi %mul3A_9, %add3A_76 : i32
    "tpu.region"() ({
      %run_scoped3A = tpu.sem_alloc : memref<!tpu.dma_semaphore, #tpu.memory_space<semaphore_mem>>
      %dma_start3A = arith.constant 0 : i32
      %dma_start3A_98 = tpu.memref_slice %arg4[%arg0, %add3A_77, %dma_start3A] : memref<2x10240x128xf32, #tpu.memory_space<hbm>> -> memref<1x32x128xf32, #tpu.memory_space<hbm>>
      %dma_start3A_99 = tpu.memref_squeeze %dma_start3A_98 : memref<1x32x128xf32, #tpu.memory_space<hbm>> -> memref<32x128xf32, #tpu.memory_space<hbm>>
      %dma_start3A_100 = arith.constant 0 : i32
      %dma_start3A_101 = tpu.memref_slice %arg8[%add3A_77, %dma_start3A_100] : memref<10240x128xf32, #tpu.memory_space<vmem_shared>> -> memref<32x128xf32, #tpu.memory_space<vmem_shared>>
      tpu.enqueue_dma source(%dma_start3A_101 : memref<32x128xf32, #tpu.memory_space<vmem_shared>>) target(%dma_start3A_99 : memref<32x128xf32, #tpu.memory_space<hbm>>) target_semaphore(%run_scoped3A : memref<!tpu.dma_semaphore, #tpu.memory_space<semaphore_mem>>)
      %dma_wait3A = arith.constant 0 : i32
      %dma_wait3A_102 = tpu.memref_slice %arg4[%arg0, %add3A_77, %dma_wait3A] : memref<2x10240x128xf32, #tpu.memory_space<hbm>> -> memref<1x32x128xf32, #tpu.memory_space<hbm>>
      %dma_wait3A_103 = tpu.memref_squeeze %dma_wait3A_102 : memref<1x32x128xf32, #tpu.memory_space<hbm>> -> memref<32x128xf32, #tpu.memory_space<hbm>>
      %dma_wait3A_104 = arith.constant 0 : i32
      %dma_wait3A_105 = tpu.memref_slice %arg8[%add3A_77, %dma_wait3A_104] : memref<10240x128xf32, #tpu.memory_space<vmem_shared>> -> memref<32x128xf32, #tpu.memory_space<vmem_shared>>
      tpu.wait_dma2 semaphore(%run_scoped3A : memref<!tpu.dma_semaphore, #tpu.memory_space<semaphore_mem>>) src(%dma_wait3A_105 : memref<32x128xf32, #tpu.memory_space<vmem_shared>>) dst(%dma_wait3A_103 : memref<32x128xf32, #tpu.memory_space<hbm>>)
      tpu.yield
    }) : () -> ()
    %add3A_78 = arith.constant 320 : i32
    %add3A_79 = arith.addi %mul3A_9, %add3A_78 : i32
    "tpu.region"() ({
      %run_scoped3A = tpu.sem_alloc : memref<!tpu.dma_semaphore, #tpu.memory_space<semaphore_mem>>
      %dma_start3A = arith.constant 0 : i32
      %dma_start3A_98 = tpu.memref_slice %arg4[%arg0, %add3A_79, %dma_start3A] : memref<2x10240x128xf32, #tpu.memory_space<hbm>> -> memref<1x32x128xf32, #tpu.memory_space<hbm>>
      %dma_start3A_99 = tpu.memref_squeeze %dma_start3A_98 : memref<1x32x128xf32, #tpu.memory_space<hbm>> -> memref<32x128xf32, #tpu.memory_space<hbm>>
      %dma_start3A_100 = arith.constant 0 : i32
      %dma_start3A_101 = tpu.memref_slice %arg8[%add3A_79, %dma_start3A_100] : memref<10240x128xf32, #tpu.memory_space<vmem_shared>> -> memref<32x128xf32, #tpu.memory_space<vmem_shared>>
      tpu.enqueue_dma source(%dma_start3A_101 : memref<32x128xf32, #tpu.memory_space<vmem_shared>>) target(%dma_start3A_99 : memref<32x128xf32, #tpu.memory_space<hbm>>) target_semaphore(%run_scoped3A : memref<!tpu.dma_semaphore, #tpu.memory_space<semaphore_mem>>)
      %dma_wait3A = arith.constant 0 : i32
      %dma_wait3A_102 = tpu.memref_slice %arg4[%arg0, %add3A_79, %dma_wait3A] : memref<2x10240x128xf32, #tpu.memory_space<hbm>> -> memref<1x32x128xf32, #tpu.memory_space<hbm>>
      %dma_wait3A_103 = tpu.memref_squeeze %dma_wait3A_102 : memref<1x32x128xf32, #tpu.memory_space<hbm>> -> memref<32x128xf32, #tpu.memory_space<hbm>>
      %dma_wait3A_104 = arith.constant 0 : i32
      %dma_wait3A_105 = tpu.memref_slice %arg8[%add3A_79, %dma_wait3A_104] : memref<10240x128xf32, #tpu.memory_space<vmem_shared>> -> memref<32x128xf32, #tpu.memory_space<vmem_shared>>
      tpu.wait_dma2 semaphore(%run_scoped3A : memref<!tpu.dma_semaphore, #tpu.memory_space<semaphore_mem>>) src(%dma_wait3A_105 : memref<32x128xf32, #tpu.memory_space<vmem_shared>>) dst(%dma_wait3A_103 : memref<32x128xf32, #tpu.memory_space<hbm>>)
      tpu.yield
    }) : () -> ()
    %add3A_80 = arith.constant 352 : i32
    %add3A_81 = arith.addi %mul3A_9, %add3A_80 : i32
    "tpu.region"() ({
      %run_scoped3A = tpu.sem_alloc : memref<!tpu.dma_semaphore, #tpu.memory_space<semaphore_mem>>
      %dma_start3A = arith.constant 0 : i32
      %dma_start3A_98 = tpu.memref_slice %arg4[%arg0, %add3A_81, %dma_start3A] : memref<2x10240x128xf32, #tpu.memory_space<hbm>> -> memref<1x32x128xf32, #tpu.memory_space<hbm>>
      %dma_start3A_99 = tpu.memref_squeeze %dma_start3A_98 : memref<1x32x128xf32, #tpu.memory_space<hbm>> -> memref<32x128xf32, #tpu.memory_space<hbm>>
      %dma_start3A_100 = arith.constant 0 : i32
      %dma_start3A_101 = tpu.memref_slice %arg8[%add3A_81, %dma_start3A_100] : memref<10240x128xf32, #tpu.memory_space<vmem_shared>> -> memref<32x128xf32, #tpu.memory_space<vmem_shared>>
      tpu.enqueue_dma source(%dma_start3A_101 : memref<32x128xf32, #tpu.memory_space<vmem_shared>>) target(%dma_start3A_99 : memref<32x128xf32, #tpu.memory_space<hbm>>) target_semaphore(%run_scoped3A : memref<!tpu.dma_semaphore, #tpu.memory_space<semaphore_mem>>)
      %dma_wait3A = arith.constant 0 : i32
      %dma_wait3A_102 = tpu.memref_slice %arg4[%arg0, %add3A_81, %dma_wait3A] : memref<2x10240x128xf32, #tpu.memory_space<hbm>> -> memref<1x32x128xf32, #tpu.memory_space<hbm>>
      %dma_wait3A_103 = tpu.memref_squeeze %dma_wait3A_102 : memref<1x32x128xf32, #tpu.memory_space<hbm>> -> memref<32x128xf32, #tpu.memory_space<hbm>>
      %dma_wait3A_104 = arith.constant 0 : i32
      %dma_wait3A_105 = tpu.memref_slice %arg8[%add3A_81, %dma_wait3A_104] : memref<10240x128xf32, #tpu.memory_space<vmem_shared>> -> memref<32x128xf32, #tpu.memory_space<vmem_shared>>
      tpu.wait_dma2 semaphore(%run_scoped3A : memref<!tpu.dma_semaphore, #tpu.memory_space<semaphore_mem>>) src(%dma_wait3A_105 : memref<32x128xf32, #tpu.memory_space<vmem_shared>>) dst(%dma_wait3A_103 : memref<32x128xf32, #tpu.memory_space<hbm>>)
      tpu.yield
    }) : () -> ()
    %add3A_82 = arith.constant 384 : i32
    %add3A_83 = arith.addi %mul3A_9, %add3A_82 : i32
    "tpu.region"() ({
      %run_scoped3A = tpu.sem_alloc : memref<!tpu.dma_semaphore, #tpu.memory_space<semaphore_mem>>
      %dma_start3A = arith.constant 0 : i32
      %dma_start3A_98 = tpu.memref_slice %arg4[%arg0, %add3A_83, %dma_start3A] : memref<2x10240x128xf32, #tpu.memory_space<hbm>> -> memref<1x32x128xf32, #tpu.memory_space<hbm>>
      %dma_start3A_99 = tpu.memref_squeeze %dma_start3A_98 : memref<1x32x128xf32, #tpu.memory_space<hbm>> -> memref<32x128xf32, #tpu.memory_space<hbm>>
      %dma_start3A_100 = arith.constant 0 : i32
      %dma_start3A_101 = tpu.memref_slice %arg8[%add3A_83, %dma_start3A_100] : memref<10240x128xf32, #tpu.memory_space<vmem_shared>> -> memref<32x128xf32, #tpu.memory_space<vmem_shared>>
      tpu.enqueue_dma source(%dma_start3A_101 : memref<32x128xf32, #tpu.memory_space<vmem_shared>>) target(%dma_start3A_99 : memref<32x128xf32, #tpu.memory_space<hbm>>) target_semaphore(%run_scoped3A : memref<!tpu.dma_semaphore, #tpu.memory_space<semaphore_mem>>)
      %dma_wait3A = arith.constant 0 : i32
      %dma_wait3A_102 = tpu.memref_slice %arg4[%arg0, %add3A_83, %dma_wait3A] : memref<2x10240x128xf32, #tpu.memory_space<hbm>> -> memref<1x32x128xf32, #tpu.memory_space<hbm>>
      %dma_wait3A_103 = tpu.memref_squeeze %dma_wait3A_102 : memref<1x32x128xf32, #tpu.memory_space<hbm>> -> memref<32x128xf32, #tpu.memory_space<hbm>>
      %dma_wait3A_104 = arith.constant 0 : i32
      %dma_wait3A_105 = tpu.memref_slice %arg8[%add3A_83, %dma_wait3A_104] : memref<10240x128xf32, #tpu.memory_space<vmem_shared>> -> memref<32x128xf32, #tpu.memory_space<vmem_shared>>
      tpu.wait_dma2 semaphore(%run_scoped3A : memref<!tpu.dma_semaphore, #tpu.memory_space<semaphore_mem>>) src(%dma_wait3A_105 : memref<32x128xf32, #tpu.memory_space<vmem_shared>>) dst(%dma_wait3A_103 : memref<32x128xf32, #tpu.memory_space<hbm>>)
      tpu.yield
    }) : () -> ()
    %add3A_84 = arith.constant 416 : i32
    %add3A_85 = arith.addi %mul3A_9, %add3A_84 : i32
    "tpu.region"() ({
      %run_scoped3A = tpu.sem_alloc : memref<!tpu.dma_semaphore, #tpu.memory_space<semaphore_mem>>
      %dma_start3A = arith.constant 0 : i32
      %dma_start3A_98 = tpu.memref_slice %arg4[%arg0, %add3A_85, %dma_start3A] : memref<2x10240x128xf32, #tpu.memory_space<hbm>> -> memref<1x32x128xf32, #tpu.memory_space<hbm>>
      %dma_start3A_99 = tpu.memref_squeeze %dma_start3A_98 : memref<1x32x128xf32, #tpu.memory_space<hbm>> -> memref<32x128xf32, #tpu.memory_space<hbm>>
      %dma_start3A_100 = arith.constant 0 : i32
      %dma_start3A_101 = tpu.memref_slice %arg8[%add3A_85, %dma_start3A_100] : memref<10240x128xf32, #tpu.memory_space<vmem_shared>> -> memref<32x128xf32, #tpu.memory_space<vmem_shared>>
      tpu.enqueue_dma source(%dma_start3A_101 : memref<32x128xf32, #tpu.memory_space<vmem_shared>>) target(%dma_start3A_99 : memref<32x128xf32, #tpu.memory_space<hbm>>) target_semaphore(%run_scoped3A : memref<!tpu.dma_semaphore, #tpu.memory_space<semaphore_mem>>)
      %dma_wait3A = arith.constant 0 : i32
      %dma_wait3A_102 = tpu.memref_slice %arg4[%arg0, %add3A_85, %dma_wait3A] : memref<2x10240x128xf32, #tpu.memory_space<hbm>> -> memref<1x32x128xf32, #tpu.memory_space<hbm>>
      %dma_wait3A_103 = tpu.memref_squeeze %dma_wait3A_102 : memref<1x32x128xf32, #tpu.memory_space<hbm>> -> memref<32x128xf32, #tpu.memory_space<hbm>>
      %dma_wait3A_104 = arith.constant 0 : i32
      %dma_wait3A_105 = tpu.memref_slice %arg8[%add3A_85, %dma_wait3A_104] : memref<10240x128xf32, #tpu.memory_space<vmem_shared>> -> memref<32x128xf32, #tpu.memory_space<vmem_shared>>
      tpu.wait_dma2 semaphore(%run_scoped3A : memref<!tpu.dma_semaphore, #tpu.memory_space<semaphore_mem>>) src(%dma_wait3A_105 : memref<32x128xf32, #tpu.memory_space<vmem_shared>>) dst(%dma_wait3A_103 : memref<32x128xf32, #tpu.memory_space<hbm>>)
      tpu.yield
    }) : () -> ()
    %add3A_86 = arith.constant 448 : i32
    %add3A_87 = arith.addi %mul3A_9, %add3A_86 : i32
    "tpu.region"() ({
      %run_scoped3A = tpu.sem_alloc : memref<!tpu.dma_semaphore, #tpu.memory_space<semaphore_mem>>
      %dma_start3A = arith.constant 0 : i32
      %dma_start3A_98 = tpu.memref_slice %arg4[%arg0, %add3A_87, %dma_start3A] : memref<2x10240x128xf32, #tpu.memory_space<hbm>> -> memref<1x32x128xf32, #tpu.memory_space<hbm>>
      %dma_start3A_99 = tpu.memref_squeeze %dma_start3A_98 : memref<1x32x128xf32, #tpu.memory_space<hbm>> -> memref<32x128xf32, #tpu.memory_space<hbm>>
      %dma_start3A_100 = arith.constant 0 : i32
      %dma_start3A_101 = tpu.memref_slice %arg8[%add3A_87, %dma_start3A_100] : memref<10240x128xf32, #tpu.memory_space<vmem_shared>> -> memref<32x128xf32, #tpu.memory_space<vmem_shared>>
      tpu.enqueue_dma source(%dma_start3A_101 : memref<32x128xf32, #tpu.memory_space<vmem_shared>>) target(%dma_start3A_99 : memref<32x128xf32, #tpu.memory_space<hbm>>) target_semaphore(%run_scoped3A : memref<!tpu.dma_semaphore, #tpu.memory_space<semaphore_mem>>)
      %dma_wait3A = arith.constant 0 : i32
      %dma_wait3A_102 = tpu.memref_slice %arg4[%arg0, %add3A_87, %dma_wait3A] : memref<2x10240x128xf32, #tpu.memory_space<hbm>> -> memref<1x32x128xf32, #tpu.memory_space<hbm>>
      %dma_wait3A_103 = tpu.memref_squeeze %dma_wait3A_102 : memref<1x32x128xf32, #tpu.memory_space<hbm>> -> memref<32x128xf32, #tpu.memory_space<hbm>>
      %dma_wait3A_104 = arith.constant 0 : i32
      %dma_wait3A_105 = tpu.memref_slice %arg8[%add3A_87, %dma_wait3A_104] : memref<10240x128xf32, #tpu.memory_space<vmem_shared>> -> memref<32x128xf32, #tpu.memory_space<vmem_shared>>
      tpu.wait_dma2 semaphore(%run_scoped3A : memref<!tpu.dma_semaphore, #tpu.memory_space<semaphore_mem>>) src(%dma_wait3A_105 : memref<32x128xf32, #tpu.memory_space<vmem_shared>>) dst(%dma_wait3A_103 : memref<32x128xf32, #tpu.memory_space<hbm>>)
      tpu.yield
    }) : () -> ()
    %add3A_88 = arith.constant 480 : i32
    %add3A_89 = arith.addi %mul3A_9, %add3A_88 : i32
    "tpu.region"() ({
      %run_scoped3A = tpu.sem_alloc : memref<!tpu.dma_semaphore, #tpu.memory_space<semaphore_mem>>
      %dma_start3A = arith.constant 0 : i32
      %dma_start3A_98 = tpu.memref_slice %arg4[%arg0, %add3A_89, %dma_start3A] : memref<2x10240x128xf32, #tpu.memory_space<hbm>> -> memref<1x32x128xf32, #tpu.memory_space<hbm>>
      %dma_start3A_99 = tpu.memref_squeeze %dma_start3A_98 : memref<1x32x128xf32, #tpu.memory_space<hbm>> -> memref<32x128xf32, #tpu.memory_space<hbm>>
      %dma_start3A_100 = arith.constant 0 : i32
      %dma_start3A_101 = tpu.memref_slice %arg8[%add3A_89, %dma_start3A_100] : memref<10240x128xf32, #tpu.memory_space<vmem_shared>> -> memref<32x128xf32, #tpu.memory_space<vmem_shared>>
      tpu.enqueue_dma source(%dma_start3A_101 : memref<32x128xf32, #tpu.memory_space<vmem_shared>>) target(%dma_start3A_99 : memref<32x128xf32, #tpu.memory_space<hbm>>) target_semaphore(%run_scoped3A : memref<!tpu.dma_semaphore, #tpu.memory_space<semaphore_mem>>)
      %dma_wait3A = arith.constant 0 : i32
      %dma_wait3A_102 = tpu.memref_slice %arg4[%arg0, %add3A_89, %dma_wait3A] : memref<2x10240x128xf32, #tpu.memory_space<hbm>> -> memref<1x32x128xf32, #tpu.memory_space<hbm>>
      %dma_wait3A_103 = tpu.memref_squeeze %dma_wait3A_102 : memref<1x32x128xf32, #tpu.memory_space<hbm>> -> memref<32x128xf32, #tpu.memory_space<hbm>>
      %dma_wait3A_104 = arith.constant 0 : i32
      %dma_wait3A_105 = tpu.memref_slice %arg8[%add3A_89, %dma_wait3A_104] : memref<10240x128xf32, #tpu.memory_space<vmem_shared>> -> memref<32x128xf32, #tpu.memory_space<vmem_shared>>
      tpu.wait_dma2 semaphore(%run_scoped3A : memref<!tpu.dma_semaphore, #tpu.memory_space<semaphore_mem>>) src(%dma_wait3A_105 : memref<32x128xf32, #tpu.memory_space<vmem_shared>>) dst(%dma_wait3A_103 : memref<32x128xf32, #tpu.memory_space<hbm>>)
      tpu.yield
    }) : () -> ()
    %add3A_90 = arith.constant 512 : i32
    %add3A_91 = arith.addi %mul3A_9, %add3A_90 : i32
    "tpu.region"() ({
      %run_scoped3A = tpu.sem_alloc : memref<!tpu.dma_semaphore, #tpu.memory_space<semaphore_mem>>
      %dma_start3A = arith.constant 0 : i32
      %dma_start3A_98 = tpu.memref_slice %arg4[%arg0, %add3A_91, %dma_start3A] : memref<2x10240x128xf32, #tpu.memory_space<hbm>> -> memref<1x32x128xf32, #tpu.memory_space<hbm>>
      %dma_start3A_99 = tpu.memref_squeeze %dma_start3A_98 : memref<1x32x128xf32, #tpu.memory_space<hbm>> -> memref<32x128xf32, #tpu.memory_space<hbm>>
      %dma_start3A_100 = arith.constant 0 : i32
      %dma_start3A_101 = tpu.memref_slice %arg8[%add3A_91, %dma_start3A_100] : memref<10240x128xf32, #tpu.memory_space<vmem_shared>> -> memref<32x128xf32, #tpu.memory_space<vmem_shared>>
      tpu.enqueue_dma source(%dma_start3A_101 : memref<32x128xf32, #tpu.memory_space<vmem_shared>>) target(%dma_start3A_99 : memref<32x128xf32, #tpu.memory_space<hbm>>) target_semaphore(%run_scoped3A : memref<!tpu.dma_semaphore, #tpu.memory_space<semaphore_mem>>)
      %dma_wait3A = arith.constant 0 : i32
      %dma_wait3A_102 = tpu.memref_slice %arg4[%arg0, %add3A_91, %dma_wait3A] : memref<2x10240x128xf32, #tpu.memory_space<hbm>> -> memref<1x32x128xf32, #tpu.memory_space<hbm>>
      %dma_wait3A_103 = tpu.memref_squeeze %dma_wait3A_102 : memref<1x32x128xf32, #tpu.memory_space<hbm>> -> memref<32x128xf32, #tpu.memory_space<hbm>>
      %dma_wait3A_104 = arith.constant 0 : i32
      %dma_wait3A_105 = tpu.memref_slice %arg8[%add3A_91, %dma_wait3A_104] : memref<10240x128xf32, #tpu.memory_space<vmem_shared>> -> memref<32x128xf32, #tpu.memory_space<vmem_shared>>
      tpu.wait_dma2 semaphore(%run_scoped3A : memref<!tpu.dma_semaphore, #tpu.memory_space<semaphore_mem>>) src(%dma_wait3A_105 : memref<32x128xf32, #tpu.memory_space<vmem_shared>>) dst(%dma_wait3A_103 : memref<32x128xf32, #tpu.memory_space<hbm>>)
      tpu.yield
    }) : () -> ()
    %add3A_92 = arith.constant 544 : i32
    %add3A_93 = arith.addi %mul3A_9, %add3A_92 : i32
    "tpu.region"() ({
      %run_scoped3A = tpu.sem_alloc : memref<!tpu.dma_semaphore, #tpu.memory_space<semaphore_mem>>
      %dma_start3A = arith.constant 0 : i32
      %dma_start3A_98 = tpu.memref_slice %arg4[%arg0, %add3A_93, %dma_start3A] : memref<2x10240x128xf32, #tpu.memory_space<hbm>> -> memref<1x32x128xf32, #tpu.memory_space<hbm>>
      %dma_start3A_99 = tpu.memref_squeeze %dma_start3A_98 : memref<1x32x128xf32, #tpu.memory_space<hbm>> -> memref<32x128xf32, #tpu.memory_space<hbm>>
      %dma_start3A_100 = arith.constant 0 : i32
      %dma_start3A_101 = tpu.memref_slice %arg8[%add3A_93, %dma_start3A_100] : memref<10240x128xf32, #tpu.memory_space<vmem_shared>> -> memref<32x128xf32, #tpu.memory_space<vmem_shared>>
      tpu.enqueue_dma source(%dma_start3A_101 : memref<32x128xf32, #tpu.memory_space<vmem_shared>>) target(%dma_start3A_99 : memref<32x128xf32, #tpu.memory_space<hbm>>) target_semaphore(%run_scoped3A : memref<!tpu.dma_semaphore, #tpu.memory_space<semaphore_mem>>)
      %dma_wait3A = arith.constant 0 : i32
      %dma_wait3A_102 = tpu.memref_slice %arg4[%arg0, %add3A_93, %dma_wait3A] : memref<2x10240x128xf32, #tpu.memory_space<hbm>> -> memref<1x32x128xf32, #tpu.memory_space<hbm>>
      %dma_wait3A_103 = tpu.memref_squeeze %dma_wait3A_102 : memref<1x32x128xf32, #tpu.memory_space<hbm>> -> memref<32x128xf32, #tpu.memory_space<hbm>>
      %dma_wait3A_104 = arith.constant 0 : i32
      %dma_wait3A_105 = tpu.memref_slice %arg8[%add3A_93, %dma_wait3A_104] : memref<10240x128xf32, #tpu.memory_space<vmem_shared>> -> memref<32x128xf32, #tpu.memory_space<vmem_shared>>
      tpu.wait_dma2 semaphore(%run_scoped3A : memref<!tpu.dma_semaphore, #tpu.memory_space<semaphore_mem>>) src(%dma_wait3A_105 : memref<32x128xf32, #tpu.memory_space<vmem_shared>>) dst(%dma_wait3A_103 : memref<32x128xf32, #tpu.memory_space<hbm>>)
      tpu.yield
    }) : () -> ()
    %add3A_94 = arith.constant 576 : i32
    %add3A_95 = arith.addi %mul3A_9, %add3A_94 : i32
    "tpu.region"() ({
      %run_scoped3A = tpu.sem_alloc : memref<!tpu.dma_semaphore, #tpu.memory_space<semaphore_mem>>
      %dma_start3A = arith.constant 0 : i32
      %dma_start3A_98 = tpu.memref_slice %arg4[%arg0, %add3A_95, %dma_start3A] : memref<2x10240x128xf32, #tpu.memory_space<hbm>> -> memref<1x32x128xf32, #tpu.memory_space<hbm>>
      %dma_start3A_99 = tpu.memref_squeeze %dma_start3A_98 : memref<1x32x128xf32, #tpu.memory_space<hbm>> -> memref<32x128xf32, #tpu.memory_space<hbm>>
      %dma_start3A_100 = arith.constant 0 : i32
      %dma_start3A_101 = tpu.memref_slice %arg8[%add3A_95, %dma_start3A_100] : memref<10240x128xf32, #tpu.memory_space<vmem_shared>> -> memref<32x128xf32, #tpu.memory_space<vmem_shared>>
      tpu.enqueue_dma source(%dma_start3A_101 : memref<32x128xf32, #tpu.memory_space<vmem_shared>>) target(%dma_start3A_99 : memref<32x128xf32, #tpu.memory_space<hbm>>) target_semaphore(%run_scoped3A : memref<!tpu.dma_semaphore, #tpu.memory_space<semaphore_mem>>)
      %dma_wait3A = arith.constant 0 : i32
      %dma_wait3A_102 = tpu.memref_slice %arg4[%arg0, %add3A_95, %dma_wait3A] : memref<2x10240x128xf32, #tpu.memory_space<hbm>> -> memref<1x32x128xf32, #tpu.memory_space<hbm>>
      %dma_wait3A_103 = tpu.memref_squeeze %dma_wait3A_102 : memref<1x32x128xf32, #tpu.memory_space<hbm>> -> memref<32x128xf32, #tpu.memory_space<hbm>>
      %dma_wait3A_104 = arith.constant 0 : i32
      %dma_wait3A_105 = tpu.memref_slice %arg8[%add3A_95, %dma_wait3A_104] : memref<10240x128xf32, #tpu.memory_space<vmem_shared>> -> memref<32x128xf32, #tpu.memory_space<vmem_shared>>
      tpu.wait_dma2 semaphore(%run_scoped3A : memref<!tpu.dma_semaphore, #tpu.memory_space<semaphore_mem>>) src(%dma_wait3A_105 : memref<32x128xf32, #tpu.memory_space<vmem_shared>>) dst(%dma_wait3A_103 : memref<32x128xf32, #tpu.memory_space<hbm>>)
      tpu.yield
    }) : () -> ()
    %add3A_96 = arith.constant 608 : i32
    %add3A_97 = arith.addi %mul3A_9, %add3A_96 : i32
    "tpu.region"() ({
      %run_scoped3A = tpu.sem_alloc : memref<!tpu.dma_semaphore, #tpu.memory_space<semaphore_mem>>
      %dma_start3A = arith.constant 0 : i32
      %dma_start3A_98 = tpu.memref_slice %arg4[%arg0, %add3A_97, %dma_start3A] : memref<2x10240x128xf32, #tpu.memory_space<hbm>> -> memref<1x32x128xf32, #tpu.memory_space<hbm>>
      %dma_start3A_99 = tpu.memref_squeeze %dma_start3A_98 : memref<1x32x128xf32, #tpu.memory_space<hbm>> -> memref<32x128xf32, #tpu.memory_space<hbm>>
      %dma_start3A_100 = arith.constant 0 : i32
      %dma_start3A_101 = tpu.memref_slice %arg8[%add3A_97, %dma_start3A_100] : memref<10240x128xf32, #tpu.memory_space<vmem_shared>> -> memref<32x128xf32, #tpu.memory_space<vmem_shared>>
      tpu.enqueue_dma source(%dma_start3A_101 : memref<32x128xf32, #tpu.memory_space<vmem_shared>>) target(%dma_start3A_99 : memref<32x128xf32, #tpu.memory_space<hbm>>) target_semaphore(%run_scoped3A : memref<!tpu.dma_semaphore, #tpu.memory_space<semaphore_mem>>)
      %dma_wait3A = arith.constant 0 : i32
      %dma_wait3A_102 = tpu.memref_slice %arg4[%arg0, %add3A_97, %dma_wait3A] : memref<2x10240x128xf32, #tpu.memory_space<hbm>> -> memref<1x32x128xf32, #tpu.memory_space<hbm>>
      %dma_wait3A_103 = tpu.memref_squeeze %dma_wait3A_102 : memref<1x32x128xf32, #tpu.memory_space<hbm>> -> memref<32x128xf32, #tpu.memory_space<hbm>>
      %dma_wait3A_104 = arith.constant 0 : i32
      %dma_wait3A_105 = tpu.memref_slice %arg8[%add3A_97, %dma_wait3A_104] : memref<10240x128xf32, #tpu.memory_space<vmem_shared>> -> memref<32x128xf32, #tpu.memory_space<vmem_shared>>
      tpu.wait_dma2 semaphore(%run_scoped3A : memref<!tpu.dma_semaphore, #tpu.memory_space<semaphore_mem>>) src(%dma_wait3A_105 : memref<32x128xf32, #tpu.memory_space<vmem_shared>>) dst(%dma_wait3A_103 : memref<32x128xf32, #tpu.memory_space<hbm>>)
      tpu.yield
    }) : () -> ()
    return
  }
}

module attributes {stable_mosaic.version = 14 : i64} {
  func.func @_ka_body(%arg0: i32, %arg1: memref<1000x128xf32, #tpu.memory_space<vmem>>, %arg2: memref<128x256xf32, #tpu.memory_space<vmem>>, %arg3: memref<1000x1xf32, #tpu.memory_space<vmem>>, %arg4: memref<1000x128xf32, #tpu.memory_space<vmem>>, %arg5: memref<1000x128xf32, #tpu.memory_space<vmem>>, %arg6: memref<1000x1xf32, #tpu.memory_space<vmem>>) attributes {dimension_semantics = [#tpu.dimension_semantics<arbitrary>], iteration_bounds = array<i64: 10>, scalar_prefetch = 0 : i64, scratch_operands = 0 : i64, tpu.core_type = #tpu.core_type<tc>, window_params = [{transform_indices = @transform_0, window_bounds = array<i64: 1000, 128>}, {pipeline_mode = #tpu.pipeline_mode<synchronous>, transform_indices = @transform_1, window_bounds = array<i64: 128, 256>}, {transform_indices = @transform_2, window_bounds = array<i64: 1000, 1>}, {transform_indices = @transform_3, window_bounds = array<i64: 1000, 128>}, {transform_indices = @transform_4, window_bounds = array<i64: 1000, 128>}, {transform_indices = @transform_5, window_bounds = array<i64: 1000, 1>}]} {
    %get3A = arith.constant 0 : index
    %get3A_0 = arith.constant 0 : index
    %get3A_1 = vector.load %arg1[%get3A, %get3A_0] : memref<1000x128xf32, #tpu.memory_space<vmem>>, vector<1000x128xf32>
    %get3A_2 = arith.constant 0 : index
    %get3A_3 = arith.constant 0 : index
    %get3A_4 = vector.load %arg2[%get3A_2, %get3A_3] : memref<128x256xf32, #tpu.memory_space<vmem>>, vector<128x256xf32>
    %dot_general3A = arith.constant dense<0.000000e+00> : vector<1000x256xf32>
    %dot_general3A_5 = tpu.matmul %get3A_1, %get3A_4, %dot_general3A {dimension_numbers = #tpu.dot_dimension_numbers<[1], [0], [0], [1], [0, 0, 1, 1], [], []>, transpose_lhs_hint = false} : vector<1000x128xf32>, vector<128x256xf32>, vector<1000x256xf32> -> vector<1000x256xf32>
    %get3A_6 = arith.constant 0 : index
    %get3A_7 = arith.constant 0 : index
    %get3A_8 = vector.load %arg3[%get3A_6, %get3A_7] : memref<1000x1xf32, #tpu.memory_space<vmem>>, vector<1000x1xf32>
    %add3A = arith.constant 1.000000e+00 : f32
    %add3A_9 = vector.broadcast %add3A : f32 to vector<1000x1xf32>
    %add3A_10 = arith.addf %get3A_8, %add3A_9 : vector<1000x1xf32>
    %rsqrt3A = math.rsqrt %add3A_10 : vector<1000x1xf32>
    %slice3A = vector.extract_strided_slice %dot_general3A_5 {offsets = [0, 128], sizes = [1000, 128], strides = [1, 1]} : vector<1000x256xf32> to vector<1000x128xf32>
    %swap3A = arith.constant 0 : index
    %swap3A_11 = arith.constant 0 : index
    %swap3A_12 = vector.load %arg4[%swap3A, %swap3A_11] : memref<1000x128xf32, #tpu.memory_space<vmem>>, vector<1000x128xf32>
    tpu.vector_store %arg4[%swap3A, %swap3A_11], %slice3A {strides = array<i32>} : memref<1000x128xf32, #tpu.memory_space<vmem>>, vector<1000x128xf32>,
    %slice3A_13 = vector.extract_strided_slice %dot_general3A_5 {offsets = [0, 0], sizes = [1000, 128], strides = [1, 1]} : vector<1000x256xf32> to vector<1000x128xf32>
    %mul3A = vector.broadcast %rsqrt3A : vector<1000x1xf32> to vector<1000x128xf32>
    %mul3A_14 = arith.mulf %slice3A_13, %mul3A : vector<1000x128xf32>
    %swap3A_15 = arith.constant 0 : index
    %swap3A_16 = arith.constant 0 : index
    %swap3A_17 = vector.load %arg5[%swap3A_15, %swap3A_16] : memref<1000x128xf32, #tpu.memory_space<vmem>>, vector<1000x128xf32>
    tpu.vector_store %arg5[%swap3A_15, %swap3A_16], %mul3A_14 {strides = array<i32>} : memref<1000x128xf32, #tpu.memory_space<vmem>>, vector<1000x128xf32>,
    %swap3A_18 = arith.constant 0 : index
    %swap3A_19 = arith.constant 0 : index
    %swap3A_20 = vector.load %arg6[%swap3A_18, %swap3A_19] : memref<1000x1xf32, #tpu.memory_space<vmem>>, vector<1000x1xf32>
    tpu.vector_store %arg6[%swap3A_18, %swap3A_19], %rsqrt3A {strides = array<i32>} : memref<1000x1xf32, #tpu.memory_space<vmem>>, vector<1000x1xf32>,
    return
  }
  func.func @transform_0(%arg0: i32) -> (i32, i32) {
    %c0_i32 = arith.constant 0 : i32
    %c0_i32_0 = arith.constant 0 : i32
    return %arg0, %c0_i32 : i32, i32
  }
  func.func @transform_1(%arg0: i32) -> (i32, i32) {
    %c0_i32 = arith.constant 0 : i32
    %c0_i32_0 = arith.constant 0 : i32
    %c0_i32_1 = arith.constant 0 : i32
    return %c0_i32, %c0_i32_0 : i32, i32
  }
  func.func @transform_2(%arg0: i32) -> (i32, i32) {
    %c0_i32 = arith.constant 0 : i32
    %c0_i32_0 = arith.constant 0 : i32
    return %arg0, %c0_i32 : i32, i32
  }
  func.func @transform_3(%arg0: i32) -> (i32, i32) {
    %c0_i32 = arith.constant 0 : i32
    %c0_i32_0 = arith.constant 0 : i32
    return %arg0, %c0_i32 : i32, i32
  }
  func.func @transform_4(%arg0: i32) -> (i32, i32) {
    %c0_i32 = arith.constant 0 : i32
    %c0_i32_0 = arith.constant 0 : i32
    return %arg0, %c0_i32 : i32, i32
  }
  func.func @transform_5(%arg0: i32) -> (i32, i32) {
    %c0_i32 = arith.constant 0 : i32
    %c0_i32_0 = arith.constant 0 : i32
    return %arg0, %c0_i32 : i32, i32
  }
}

module attributes {stable_mosaic.version = 14 : i64} {
  func.func @_kc_body(%arg0: i32, %arg1: memref<2x1000x128xf32, #tpu.memory_space<vmem>>, %arg2: memref<1000x128xf32, #tpu.memory_space<vmem>>, %arg3: memref<1000x1xf32, #tpu.memory_space<vmem>>, %arg4: memref<1x128xf32, #tpu.memory_space<vmem>>, %arg5: memref<1x128xf32, #tpu.memory_space<vmem>>, %arg6: memref<1x128xf32, #tpu.memory_space<vmem>>, %arg7: memref<128x384xf32, #tpu.memory_space<vmem>>, %arg8: memref<1000x256xf32, #tpu.memory_space<vmem>>, %arg9: memref<1000x128xf32, #tpu.memory_space<vmem>>) attributes {dimension_semantics = [#tpu.dimension_semantics<arbitrary>], iteration_bounds = array<i64: 10>, scalar_prefetch = 0 : i64, scratch_operands = 0 : i64, tpu.core_type = #tpu.core_type<tc>, window_params = [{transform_indices = @transform_0, window_bounds = array<i64: 2, 1000, 128>}, {transform_indices = @transform_1, window_bounds = array<i64: 1000, 128>}, {transform_indices = @transform_2, window_bounds = array<i64: 1000, 1>}, {pipeline_mode = #tpu.pipeline_mode<synchronous>, transform_indices = @transform_3, window_bounds = array<i64: 1, 128>}, {pipeline_mode = #tpu.pipeline_mode<synchronous>, transform_indices = @transform_4, window_bounds = array<i64: 1, 128>}, {pipeline_mode = #tpu.pipeline_mode<synchronous>, transform_indices = @transform_5, window_bounds = array<i64: 1, 128>}, {pipeline_mode = #tpu.pipeline_mode<synchronous>, transform_indices = @transform_6, window_bounds = array<i64: 128, 384>}, {transform_indices = @transform_7, window_bounds = array<i64: 1000, 256>}, {transform_indices = @transform_8, window_bounds = array<i64: 1000, 128>}]} {
    %get3A = arith.constant 0 : index
    %get3A_0 = arith.constant 0 : index
    %get3A_1 = vector.load %arg3[%get3A, %get3A_0] : memref<1000x1xf32, #tpu.memory_space<vmem>>, vector<1000x1xf32>
    %get3A_2 = arith.constant 0 : index
    %get3A_3 = arith.constant 0 : index
    %get3A_4 = arith.constant 0 : index
    %get3A_5 = vector.load %arg1[%get3A_2, %get3A_3, %get3A_4] : memref<2x1000x128xf32, #tpu.memory_space<vmem>>, vector<1x1000x128xf32>
    %get3A_6 = vector.shape_cast %get3A_5 : vector<1x1000x128xf32> to vector<1000x128xf32>
    %get3A_7 = arith.constant 1 : index
    %get3A_8 = arith.constant 0 : index
    %get3A_9 = arith.constant 0 : index
    %get3A_10 = vector.load %arg1[%get3A_7, %get3A_8, %get3A_9] : memref<2x1000x128xf32, #tpu.memory_space<vmem>>, vector<1x1000x128xf32>
    %get3A_11 = vector.shape_cast %get3A_10 : vector<1x1000x128xf32> to vector<1000x128xf32>
    %add3A = arith.addf %get3A_6, %get3A_11 : vector<1000x128xf32>
    %get3A_12 = arith.constant 0 : index
    %get3A_13 = arith.constant 0 : index
    %get3A_14 = vector.load %arg2[%get3A_12, %get3A_13] : memref<1000x128xf32, #tpu.memory_space<vmem>>, vector<1000x128xf32>
    %add3A_15 = arith.addf %add3A, %get3A_14 : vector<1000x128xf32>
    %mul3A = vector.broadcast %get3A_1 : vector<1000x1xf32> to vector<1000x128xf32>
    %mul3A_16 = arith.mulf %mul3A, %add3A_15 : vector<1000x128xf32>
    %get3A_17 = arith.constant 0 : index
    %get3A_18 = arith.constant 0 : index
    %get3A_19 = vector.load %arg4[%get3A_17, %get3A_18] : memref<1x128xf32, #tpu.memory_space<vmem>>, vector<1x128xf32>
    %add3A_20 = vector.broadcast %get3A_19 : vector<1x128xf32> to vector<1000x128xf32>
    %add3A_21 = arith.addf %mul3A_16, %add3A_20 : vector<1000x128xf32>
    %mul3A_22 = arith.constant 5.000000e-01 : f32
    %mul3A_23 = vector.broadcast %mul3A_22 : f32 to vector<1000x128xf32>
    %mul3A_24 = arith.mulf %mul3A_23, %add3A_21 : vector<1000x128xf32>
    %mul3A_25 = arith.constant 0.707106769 : f32
    %mul3A_26 = vector.broadcast %mul3A_25 : f32 to vector<1000x128xf32>
    %mul3A_27 = arith.mulf %add3A_21, %mul3A_26 : vector<1000x128xf32>
    %erf3A = math.erf %mul3A_27 : vector<1000x128xf32>
    %add3A_28 = arith.constant 1.000000e+00 : f32
    %add3A_29 = vector.broadcast %add3A_28 : f32 to vector<1000x128xf32>
    %add3A_30 = arith.addf %add3A_29, %erf3A : vector<1000x128xf32>
    %mul3A_31 = arith.mulf %mul3A_24, %add3A_30 : vector<1000x128xf32>
    %get3A_32 = arith.constant 0 : index
    %get3A_33 = arith.constant 0 : index
    %get3A_34 = vector.load %arg5[%get3A_32, %get3A_33] : memref<1x128xf32, #tpu.memory_space<vmem>>, vector<1x128xf32>
    %get3A_35 = arith.constant 0 : index
    %get3A_36 = arith.constant 0 : index
    %get3A_37 = vector.load %arg6[%get3A_35, %get3A_36] : memref<1x128xf32, #tpu.memory_space<vmem>>, vector<1x128xf32>
    %reduce_sum3A = arith.constant dense<0.000000e+00> : vector<1000xf32>
    %reduce_sum3A_38 = vector.multi_reduction <add>, %mul3A_31, %reduce_sum3A [1] : vector<1000x128xf32> to vector<1000xf32>
    %broadcast_in_dim3A = vector.shape_cast %reduce_sum3A_38 : vector<1000xf32> to vector<1000x1xf32>
    %div3A = arith.constant 1.280000e+02 : f32
    %div3A_39 = vector.broadcast %div3A : f32 to vector<1000x1xf32>
    %div3A_40 = arith.divf %broadcast_in_dim3A, %div3A_39 : vector<1000x1xf32>
    %jit3A = arith.constant 0 : i32
    %reduce_sum3A_41 = arith.constant dense<0.000000e+00> : vector<1000xf32>
    %reduce_sum3A_42 = vector.multi_reduction <add>, %mul3A_31, %reduce_sum3A_41 [1] : vector<1000x128xf32> to vector<1000xf32>
    %broadcast_in_dim3A_43 = vector.shape_cast %reduce_sum3A_42 : vector<1000xf32> to vector<1000x1xf32>
    %div3A_44 = arith.constant 1.280000e+02 : f32
    %div3A_45 = vector.broadcast %div3A_44 : f32 to vector<1000x1xf32>
    %div3A_46 = arith.divf %broadcast_in_dim3A_43, %div3A_45 : vector<1000x1xf32>
    %sub3A = vector.broadcast %div3A_46 : vector<1000x1xf32> to vector<1000x128xf32>
    %sub3A_47 = arith.subf %mul3A_31, %sub3A : vector<1000x128xf32>
    %square3A = arith.mulf %sub3A_47, %sub3A_47 : vector<1000x128xf32>
    %convert_element_type3A = arith.sitofp %jit3A : i32 to f32
    %sub3A_48 = arith.constant 1.280000e+02 : f32
    %sub3A_49 = arith.subf %sub3A_48, %convert_element_type3A : f32
    %reduce_sum3A_50 = arith.constant dense<0.000000e+00> : vector<1000xf32>
    %reduce_sum3A_51 = vector.multi_reduction <add>, %square3A, %reduce_sum3A_50 [1] : vector<1000x128xf32> to vector<1000xf32>
    %broadcast_in_dim3A_52 = vector.shape_cast %reduce_sum3A_51 : vector<1000xf32> to vector<1000x1xf32>
    %div3A_53 = vector.broadcast %sub3A_49 : f32 to vector<1000x1xf32>
    %div3A_54 = arith.divf %broadcast_in_dim3A_52, %div3A_53 : vector<1000x1xf32>
    %gt3A = arith.constant 0.000000e+00 : f32
    %gt3A_55 = arith.cmpf ogt, %sub3A_49, %gt3A : f32
    %jit3A_56 = arith.constant 0x7FC00000 : f32
    %broadcast_in_dim3A_57 = vector.broadcast %jit3A_56 : f32 to vector<1000x1xf32>
    %select_n3A = arith.select %gt3A_55, %div3A_54, %broadcast_in_dim3A_57 : vector<1000x1xf32>
    %sub3A_58 = vector.broadcast %div3A_40 : vector<1000x1xf32> to vector<1000x128xf32>
    %sub3A_59 = arith.subf %mul3A_31, %sub3A_58 : vector<1000x128xf32>
    %add3A_60 = arith.constant 9.99999974E-6 : f32
    %add3A_61 = vector.broadcast %add3A_60 : f32 to vector<1000x1xf32>
    %add3A_62 = arith.addf %select_n3A, %add3A_61 : vector<1000x1xf32>
    %sqrt3A = math.sqrt %add3A_62 : vector<1000x1xf32>
    %div3A_63 = vector.broadcast %sqrt3A : vector<1000x1xf32> to vector<1000x128xf32>
    %div3A_64 = arith.divf %sub3A_59, %div3A_63 : vector<1000x128xf32>
    %mul3A_65 = vector.broadcast %get3A_34 : vector<1x128xf32> to vector<1000x128xf32>
    %mul3A_66 = arith.mulf %div3A_64, %mul3A_65 : vector<1000x128xf32>
    %add3A_67 = vector.broadcast %get3A_37 : vector<1x128xf32> to vector<1000x128xf32>
    %add3A_68 = arith.addf %mul3A_66, %add3A_67 : vector<1000x128xf32>
    %get3A_69 = arith.constant 0 : index
    %get3A_70 = arith.constant 0 : index
    %get3A_71 = vector.load %arg7[%get3A_69, %get3A_70] : memref<128x384xf32, #tpu.memory_space<vmem>>, vector<128x384xf32>
    %dot_general3A = arith.constant dense<0.000000e+00> : vector<1000x384xf32>
    %dot_general3A_72 = tpu.matmul %add3A_68, %get3A_71, %dot_general3A {dimension_numbers = #tpu.dot_dimension_numbers<[1], [0], [0], [1], [0, 0, 1, 1], [], []>, transpose_lhs_hint = false} : vector<1000x128xf32>, vector<128x384xf32>, vector<1000x384xf32> -> vector<1000x384xf32>
    %slice3A = vector.extract_strided_slice %dot_general3A_72 {offsets = [0, 0], sizes = [1000, 256], strides = [1, 1]} : vector<1000x384xf32> to vector<1000x256xf32>
    %swap3A = arith.constant 0 : index
    %swap3A_73 = arith.constant 0 : index
    %swap3A_74 = vector.load %arg8[%swap3A, %swap3A_73] : memref<1000x256xf32, #tpu.memory_space<vmem>>, vector<1000x256xf32>
    tpu.vector_store %arg8[%swap3A, %swap3A_73], %slice3A {strides = array<i32>} : memref<1000x256xf32, #tpu.memory_space<vmem>>, vector<1000x256xf32>,
    %slice3A_75 = vector.extract_strided_slice %dot_general3A_72 {offsets = [0, 256], sizes = [1000, 128], strides = [1, 1]} : vector<1000x384xf32> to vector<1000x128xf32>
    %swap3A_76 = arith.constant 0 : index
    %swap3A_77 = arith.constant 0 : index
    %swap3A_78 = vector.load %arg9[%swap3A_76, %swap3A_77] : memref<1000x128xf32, #tpu.memory_space<vmem>>, vector<1000x128xf32>
    tpu.vector_store %arg9[%swap3A_76, %swap3A_77], %slice3A_75 {strides = array<i32>} : memref<1000x128xf32, #tpu.memory_space<vmem>>, vector<1000x128xf32>,
    return
  }
  func.func @transform_0(%arg0: i32) -> (i32, i32, i32) {
    %c0_i32 = arith.constant 0 : i32
    %c0_i32_0 = arith.constant 0 : i32
    %c0_i32_1 = arith.constant 0 : i32
    return %c0_i32, %arg0, %c0_i32_0 : i32, i32, i32
  }
  func.func @transform_1(%arg0: i32) -> (i32, i32) {
    %c0_i32 = arith.constant 0 : i32
    %c0_i32_0 = arith.constant 0 : i32
    return %arg0, %c0_i32 : i32, i32
  }
  func.func @transform_2(%arg0: i32) -> (i32, i32) {
    %c0_i32 = arith.constant 0 : i32
    %c0_i32_0 = arith.constant 0 : i32
    return %arg0, %c0_i32 : i32, i32
  }
  func.func @transform_3(%arg0: i32) -> (i32, i32) {
    %c0_i32 = arith.constant 0 : i32
    %c0_i32_0 = arith.constant 0 : i32
    %c0_i32_1 = arith.constant 0 : i32
    return %c0_i32, %c0_i32_0 : i32, i32
  }
  func.func @transform_4(%arg0: i32) -> (i32, i32) {
    %c0_i32 = arith.constant 0 : i32
    %c0_i32_0 = arith.constant 0 : i32
    %c0_i32_1 = arith.constant 0 : i32
    return %c0_i32, %c0_i32_0 : i32, i32
  }
  func.func @transform_5(%arg0: i32) -> (i32, i32) {
    %c0_i32 = arith.constant 0 : i32
    %c0_i32_0 = arith.constant 0 : i32
    %c0_i32_1 = arith.constant 0 : i32
    return %c0_i32, %c0_i32_0 : i32, i32
  }
  func.func @transform_6(%arg0: i32) -> (i32, i32) {
    %c0_i32 = arith.constant 0 : i32
    %c0_i32_0 = arith.constant 0 : i32
    %c0_i32_1 = arith.constant 0 : i32
    return %c0_i32, %c0_i32_0 : i32, i32
  }
  func.func @transform_7(%arg0: i32) -> (i32, i32) {
    %c0_i32 = arith.constant 0 : i32
    %c0_i32_0 = arith.constant 0 : i32
    return %arg0, %c0_i32 : i32, i32
  }
  func.func @transform_8(%arg0: i32) -> (i32, i32) {
    %c0_i32 = arith.constant 0 : i32
    %c0_i32_0 = arith.constant 0 : i32
    return %arg0, %c0_i32 : i32, i32
  }
}

module attributes {stable_mosaic.version = 14 : i64} {
  func.func @_kb_body(%arg0: i32, %arg1: memref<2560x128xf32, #tpu.memory_space<vmem>>, %arg2: memref<2560x128xf32, #tpu.memory_space<vmem>>, %arg3: memref<64x64xf32, #tpu.memory_space<vmem>>, %arg4: memref<64x128xf32, #tpu.memory_space<vmem>>, %arg5: memref<1x64xf32, #tpu.memory_space<vmem>>, %arg6: memref<1x64xf32, #tpu.memory_space<vmem>>, %arg7: memref<1x128xf32, #tpu.memory_space<vmem>>, %arg8: memref<2560x128xf32, #tpu.memory_space<vmem>>) attributes {dimension_semantics = [#tpu.dimension_semantics<arbitrary>], iteration_bounds = array<i64: 125>, scalar_prefetch = 0 : i64, scratch_operands = 0 : i64, tpu.core_type = #tpu.core_type<tc>, window_params = [{transform_indices = @transform_0, window_bounds = array<i64: 2560, 128>}, {transform_indices = @transform_1, window_bounds = array<i64: 2560, 128>}, {pipeline_mode = #tpu.pipeline_mode<synchronous>, transform_indices = @transform_2, window_bounds = array<i64: 64, 64>}, {pipeline_mode = #tpu.pipeline_mode<synchronous>, transform_indices = @transform_3, window_bounds = array<i64: 64, 128>}, {pipeline_mode = #tpu.pipeline_mode<synchronous>, transform_indices = @transform_4, window_bounds = array<i64: 1, 64>}, {pipeline_mode = #tpu.pipeline_mode<synchronous>, transform_indices = @transform_5, window_bounds = array<i64: 1, 64>}, {pipeline_mode = #tpu.pipeline_mode<synchronous>, transform_indices = @transform_6, window_bounds = array<i64: 1, 128>}, {transform_indices = @transform_7, window_bounds = array<i64: 2560, 128>}]} {
    %get3A = arith.constant 0 : index
    %get3A_0 = arith.constant 0 : index
    %get3A_1 = vector.load %arg1[%get3A, %get3A_0] : memref<2560x128xf32, #tpu.memory_space<vmem>>, vector<2560x64xf32>
    %get3A_2 = arith.constant 0 : index
    %get3A_3 = arith.constant 64 : index
    %get3A_4 = vector.load %arg2[%get3A_2, %get3A_3] : memref<2560x128xf32, #tpu.memory_space<vmem>>, vector<2560x64xf32>
    %add3A = arith.addf %get3A_1, %get3A_4 : vector<2560x64xf32>
    %get3A_5 = arith.constant 0 : index
    %get3A_6 = arith.constant 0 : index
    %get3A_7 = vector.load %arg5[%get3A_5, %get3A_6] : memref<1x64xf32, #tpu.memory_space<vmem>>, vector<1x64xf32>
    %add3A_8 = vector.broadcast %get3A_7 : vector<1x64xf32> to vector<2560x64xf32>
    %add3A_9 = arith.addf %add3A, %add3A_8 : vector<2560x64xf32>
    %max3A = arith.constant 0.000000e+00 : f32
    %max3A_10 = vector.broadcast %max3A : f32 to vector<2560x64xf32>
    %max3A_11 = arith.maximumf %add3A_9, %max3A_10 : vector<2560x64xf32>
    %get3A_12 = arith.constant 0 : index
    %get3A_13 = arith.constant 0 : index
    %get3A_14 = vector.load %arg3[%get3A_12, %get3A_13] : memref<64x64xf32, #tpu.memory_space<vmem>>, vector<64x64xf32>
    %dot_general3A = arith.constant dense<0.000000e+00> : vector<2560x64xf32>
    %dot_general3A_15 = tpu.matmul %max3A_11, %get3A_14, %dot_general3A {dimension_numbers = #tpu.dot_dimension_numbers<[1], [0], [0], [1], [0, 0, 1, 1], [], []>, transpose_lhs_hint = false} : vector<2560x64xf32>, vector<64x64xf32>, vector<2560x64xf32> -> vector<2560x64xf32>
    %get3A_16 = arith.constant 0 : index
    %get3A_17 = arith.constant 0 : index
    %get3A_18 = vector.load %arg6[%get3A_16, %get3A_17] : memref<1x64xf32, #tpu.memory_space<vmem>>, vector<1x64xf32>
    %add3A_19 = vector.broadcast %get3A_18 : vector<1x64xf32> to vector<2560x64xf32>
    %add3A_20 = arith.addf %dot_general3A_15, %add3A_19 : vector<2560x64xf32>
    %get3A_21 = arith.constant 0 : index
    %get3A_22 = arith.constant 0 : index
    %get3A_23 = vector.load %arg4[%get3A_21, %get3A_22] : memref<64x128xf32, #tpu.memory_space<vmem>>, vector<64x128xf32>
    %dot_general3A_24 = arith.constant dense<0.000000e+00> : vector<2560x128xf32>
    %dot_general3A_25 = tpu.matmul %add3A_20, %get3A_23, %dot_general3A_24 {dimension_numbers = #tpu.dot_dimension_numbers<[1], [0], [0], [1], [0, 0, 1, 1], [], []>, transpose_lhs_hint = false} : vector<2560x64xf32>, vector<64x128xf32>, vector<2560x128xf32> -> vector<2560x128xf32>
    %get3A_26 = arith.constant 0 : index
    %get3A_27 = arith.constant 0 : index
    %get3A_28 = vector.load %arg7[%get3A_26, %get3A_27] : memref<1x128xf32, #tpu.memory_space<vmem>>, vector<1x128xf32>
    %add3A_29 = vector.broadcast %get3A_28 : vector<1x128xf32> to vector<2560x128xf32>
    %add3A_30 = arith.addf %dot_general3A_25, %add3A_29 : vector<2560x128xf32>
    %swap3A = arith.constant 0 : index
    %swap3A_31 = arith.constant 0 : index
    %swap3A_32 = vector.load %arg8[%swap3A, %swap3A_31] : memref<2560x128xf32, #tpu.memory_space<vmem>>, vector<2560x128xf32>
    tpu.vector_store %arg8[%swap3A, %swap3A_31], %add3A_30 {strides = array<i32>} : memref<2560x128xf32, #tpu.memory_space<vmem>>, vector<2560x128xf32>,
    return
  }
  func.func @transform_0(%arg0: i32) -> (i32, i32) {
    %c0_i32 = arith.constant 0 : i32
    %c0_i32_0 = arith.constant 0 : i32
    return %arg0, %c0_i32 : i32, i32
  }
  func.func @transform_1(%arg0: i32) -> (i32, i32) {
    %c0_i32 = arith.constant 0 : i32
    %c0_i32_0 = arith.constant 0 : i32
    return %arg0, %c0_i32 : i32, i32
  }
  func.func @transform_2(%arg0: i32) -> (i32, i32) {
    %c0_i32 = arith.constant 0 : i32
    %c0_i32_0 = arith.constant 0 : i32
    %c0_i32_1 = arith.constant 0 : i32
    return %c0_i32, %c0_i32_0 : i32, i32
  }
  func.func @transform_3(%arg0: i32) -> (i32, i32) {
    %c0_i32 = arith.constant 0 : i32
    %c0_i32_0 = arith.constant 0 : i32
    %c0_i32_1 = arith.constant 0 : i32
    return %c0_i32, %c0_i32_0 : i32, i32
  }
  func.func @transform_4(%arg0: i32) -> (i32, i32) {
    %c0_i32 = arith.constant 0 : i32
    %c0_i32_0 = arith.constant 0 : i32
    %c0_i32_1 = arith.constant 0 : i32
    return %c0_i32, %c0_i32_0 : i32, i32
  }
  func.func @transform_5(%arg0: i32) -> (i32, i32) {
    %c0_i32 = arith.constant 0 : i32
    %c0_i32_0 = arith.constant 0 : i32
    %c0_i32_1 = arith.constant 0 : i32
    return %c0_i32, %c0_i32_0 : i32, i32
  }
  func.func @transform_6(%arg0: i32) -> (i32, i32) {
    %c0_i32 = arith.constant 0 : i32
    %c0_i32_0 = arith.constant 0 : i32
    %c0_i32_1 = arith.constant 0 : i32
    return %c0_i32, %c0_i32_0 : i32, i32
  }
  func.func @transform_7(%arg0: i32) -> (i32, i32) {
    %c0_i32 = arith.constant 0 : i32
    %c0_i32_0 = arith.constant 0 : i32
    return %arg0, %c0_i32 : i32, i32
  }
}

module attributes {stable_mosaic.version = 14 : i64} {
  func.func @_kd_body(%arg0: i32, %arg1: memref<2560x128xf32, #tpu.memory_space<vmem>>, %arg2: memref<2560x128xf32, #tpu.memory_space<vmem>>, %arg3: memref<2560x128xf32, #tpu.memory_space<vmem>>, %arg4: memref<128x64xf32, #tpu.memory_space<vmem>>, %arg5: memref<1x64xf32, #tpu.memory_space<vmem>>, %arg6: memref<1x64xf32, #tpu.memory_space<vmem>>, %arg7: memref<1x64xf32, #tpu.memory_space<vmem>>, %arg8: memref<1x64xf32, #tpu.memory_space<vmem>>, %arg9: memref<1x1xf32, #tpu.memory_space<vmem>>, %arg10: memref<2560x1xf32, #tpu.memory_space<vmem>>) attributes {dimension_semantics = [#tpu.dimension_semantics<arbitrary>], iteration_bounds = array<i64: 125>, scalar_prefetch = 0 : i64, scratch_operands = 0 : i64, tpu.core_type = #tpu.core_type<tc>, window_params = [{transform_indices = @transform_0, window_bounds = array<i64: 2560, 128>}, {transform_indices = @transform_1, window_bounds = array<i64: 2560, 128>}, {transform_indices = @transform_2, window_bounds = array<i64: 2560, 128>}, {pipeline_mode = #tpu.pipeline_mode<synchronous>, transform_indices = @transform_3, window_bounds = array<i64: 128, 64>}, {pipeline_mode = #tpu.pipeline_mode<synchronous>, transform_indices = @transform_4, window_bounds = array<i64: 1, 64>}, {pipeline_mode = #tpu.pipeline_mode<synchronous>, transform_indices = @transform_5, window_bounds = array<i64: 1, 64>}, {pipeline_mode = #tpu.pipeline_mode<synchronous>, transform_indices = @transform_6, window_bounds = array<i64: 1, 64>}, {pipeline_mode = #tpu.pipeline_mode<synchronous>, transform_indices = @transform_7, window_bounds = array<i64: 1, 64>}, {pipeline_mode = #tpu.pipeline_mode<synchronous>, transform_indices = @transform_8, window_bounds = array<i64: 1, 1>}, {transform_indices = @transform_9, window_bounds = array<i64: 2560, 1>}]} {
    %get3A = arith.constant 0 : index
    %get3A_0 = arith.constant 0 : index
    %get3A_1 = vector.load %arg1[%get3A, %get3A_0] : memref<2560x128xf32, #tpu.memory_space<vmem>>, vector<2560x128xf32>
    %get3A_2 = arith.constant 0 : index
    %get3A_3 = arith.constant 0 : index
    %get3A_4 = vector.load %arg2[%get3A_2, %get3A_3] : memref<2560x128xf32, #tpu.memory_space<vmem>>, vector<2560x128xf32>
    %add3A = arith.addf %get3A_1, %get3A_4 : vector<2560x128xf32>
    %get3A_5 = arith.constant 0 : index
    %get3A_6 = arith.constant 0 : index
    %get3A_7 = vector.load %arg3[%get3A_5, %get3A_6] : memref<2560x128xf32, #tpu.memory_space<vmem>>, vector<2560x128xf32>
    %add3A_8 = arith.addf %add3A, %get3A_7 : vector<2560x128xf32>
    %max3A = arith.constant 0.000000e+00 : f32
    %max3A_9 = vector.broadcast %max3A : f32 to vector<2560x128xf32>
    %max3A_10 = arith.maximumf %add3A_8, %max3A_9 : vector<2560x128xf32>
    %get3A_11 = arith.constant 0 : index
    %get3A_12 = arith.constant 0 : index
    %get3A_13 = vector.load %arg4[%get3A_11, %get3A_12] : memref<128x64xf32, #tpu.memory_space<vmem>>, vector<128x64xf32>
    %dot_general3A = arith.constant dense<0.000000e+00> : vector<2560x64xf32>
    %dot_general3A_14 = tpu.matmul %max3A_10, %get3A_13, %dot_general3A {dimension_numbers = #tpu.dot_dimension_numbers<[1], [0], [0], [1], [0, 0, 1, 1], [], []>, transpose_lhs_hint = false} : vector<2560x128xf32>, vector<128x64xf32>, vector<2560x64xf32> -> vector<2560x64xf32>
    %get3A_15 = arith.constant 0 : index
    %get3A_16 = arith.constant 0 : index
    %get3A_17 = vector.load %arg5[%get3A_15, %get3A_16] : memref<1x64xf32, #tpu.memory_space<vmem>>, vector<1x64xf32>
    %add3A_18 = vector.broadcast %get3A_17 : vector<1x64xf32> to vector<2560x64xf32>
    %add3A_19 = arith.addf %dot_general3A_14, %add3A_18 : vector<2560x64xf32>
    %get3A_20 = arith.constant 0 : index
    %get3A_21 = arith.constant 0 : index
    %get3A_22 = vector.load %arg6[%get3A_20, %get3A_21] : memref<1x64xf32, #tpu.memory_space<vmem>>, vector<1x64xf32>
    %get3A_23 = arith.constant 0 : index
    %get3A_24 = arith.constant 0 : index
    %get3A_25 = vector.load %arg7[%get3A_23, %get3A_24] : memref<1x64xf32, #tpu.memory_space<vmem>>, vector<1x64xf32>
    %reduce_sum3A = arith.constant dense<0.000000e+00> : vector<2560xf32>
    %reduce_sum3A_26 = vector.multi_reduction <add>, %add3A_19, %reduce_sum3A [1] : vector<2560x64xf32> to vector<2560xf32>
    %broadcast_in_dim3A = vector.shape_cast %reduce_sum3A_26 : vector<2560xf32> to vector<2560x1xf32>
    %div3A = arith.constant 6.400000e+01 : f32
    %div3A_27 = vector.broadcast %div3A : f32 to vector<2560x1xf32>
    %div3A_28 = arith.divf %broadcast_in_dim3A, %div3A_27 : vector<2560x1xf32>
    %jit3A = arith.constant 0 : i32
    %reduce_sum3A_29 = arith.constant dense<0.000000e+00> : vector<2560xf32>
    %reduce_sum3A_30 = vector.multi_reduction <add>, %add3A_19, %reduce_sum3A_29 [1] : vector<2560x64xf32> to vector<2560xf32>
    %broadcast_in_dim3A_31 = vector.shape_cast %reduce_sum3A_30 : vector<2560xf32> to vector<2560x1xf32>
    %div3A_32 = arith.constant 6.400000e+01 : f32
    %div3A_33 = vector.broadcast %div3A_32 : f32 to vector<2560x1xf32>
    %div3A_34 = arith.divf %broadcast_in_dim3A_31, %div3A_33 : vector<2560x1xf32>
    %sub3A = vector.broadcast %div3A_34 : vector<2560x1xf32> to vector<2560x64xf32>
    %sub3A_35 = arith.subf %add3A_19, %sub3A : vector<2560x64xf32>
    %square3A = arith.mulf %sub3A_35, %sub3A_35 : vector<2560x64xf32>
    %convert_element_type3A = arith.sitofp %jit3A : i32 to f32
    %sub3A_36 = arith.constant 6.400000e+01 : f32
    %sub3A_37 = arith.subf %sub3A_36, %convert_element_type3A : f32
    %reduce_sum3A_38 = arith.constant dense<0.000000e+00> : vector<2560xf32>
    %reduce_sum3A_39 = vector.multi_reduction <add>, %square3A, %reduce_sum3A_38 [1] : vector<2560x64xf32> to vector<2560xf32>
    %broadcast_in_dim3A_40 = vector.shape_cast %reduce_sum3A_39 : vector<2560xf32> to vector<2560x1xf32>
    %div3A_41 = vector.broadcast %sub3A_37 : f32 to vector<2560x1xf32>
    %div3A_42 = arith.divf %broadcast_in_dim3A_40, %div3A_41 : vector<2560x1xf32>
    %gt3A = arith.constant 0.000000e+00 : f32
    %gt3A_43 = arith.cmpf ogt, %sub3A_37, %gt3A : f32
    %jit3A_44 = arith.constant 0x7FC00000 : f32
    %broadcast_in_dim3A_45 = vector.broadcast %jit3A_44 : f32 to vector<2560x1xf32>
    %select_n3A = arith.select %gt3A_43, %div3A_42, %broadcast_in_dim3A_45 : vector<2560x1xf32>
    %sub3A_46 = vector.broadcast %div3A_28 : vector<2560x1xf32> to vector<2560x64xf32>
    %sub3A_47 = arith.subf %add3A_19, %sub3A_46 : vector<2560x64xf32>
    %add3A_48 = arith.constant 9.99999974E-6 : f32
    %add3A_49 = vector.broadcast %add3A_48 : f32 to vector<2560x1xf32>
    %add3A_50 = arith.addf %select_n3A, %add3A_49 : vector<2560x1xf32>
    %sqrt3A = math.sqrt %add3A_50 : vector<2560x1xf32>
    %div3A_51 = vector.broadcast %sqrt3A : vector<2560x1xf32> to vector<2560x64xf32>
    %div3A_52 = arith.divf %sub3A_47, %div3A_51 : vector<2560x64xf32>
    %mul3A = vector.broadcast %get3A_22 : vector<1x64xf32> to vector<2560x64xf32>
    %mul3A_53 = arith.mulf %div3A_52, %mul3A : vector<2560x64xf32>
    %add3A_54 = vector.broadcast %get3A_25 : vector<1x64xf32> to vector<2560x64xf32>
    %add3A_55 = arith.addf %mul3A_53, %add3A_54 : vector<2560x64xf32>
    %get3A_56 = arith.constant 0 : index
    %get3A_57 = arith.constant 0 : index
    %get3A_58 = vector.load %arg8[%get3A_56, %get3A_57] : memref<1x64xf32, #tpu.memory_space<vmem>>, vector<1x64xf32>
    %mul3A_59 = vector.broadcast %get3A_58 : vector<1x64xf32> to vector<2560x64xf32>
    %mul3A_60 = arith.mulf %add3A_55, %mul3A_59 : vector<2560x64xf32>
    %reduce_sum3A_61 = arith.constant dense<0.000000e+00> : vector<2560xf32>
    %reduce_sum3A_62 = vector.multi_reduction <add>, %mul3A_60, %reduce_sum3A_61 [1] : vector<2560x64xf32> to vector<2560xf32>
    %broadcast_in_dim3A_63 = vector.shape_cast %reduce_sum3A_62 : vector<2560xf32> to vector<2560x1xf32>
    %get3A_64 = arith.constant 0 : index
    %get3A_65 = arith.constant 0 : index
    %get3A_66 = vector.load %arg9[%get3A_64, %get3A_65] : memref<1x1xf32, #tpu.memory_space<vmem>>, vector<1x1xf32>
    %add3A_67 = vector.broadcast %get3A_66 : vector<1x1xf32> to vector<2560x1xf32>
    %add3A_68 = arith.addf %broadcast_in_dim3A_63, %add3A_67 : vector<2560x1xf32>
    %logistic3A = arith.negf %add3A_68 : vector<2560x1xf32>
    %logistic3A_69 = math.exp %logistic3A : vector<2560x1xf32>
    %logistic3A_70 = arith.constant 1.000000e+00 : f32
    %logistic3A_71 = vector.broadcast %logistic3A_70 : f32 to vector<2560x1xf32>
    %logistic3A_72 = arith.addf %logistic3A_71, %logistic3A_69 : vector<2560x1xf32>
    %logistic3A_73 = arith.divf %logistic3A_71, %logistic3A_72 : vector<2560x1xf32>
    %swap3A = arith.constant 0 : index
    %swap3A_74 = arith.constant 0 : index
    %swap3A_75 = vector.load %arg10[%swap3A, %swap3A_74] : memref<2560x1xf32, #tpu.memory_space<vmem>>, vector<2560x1xf32>
    tpu.vector_store %arg10[%swap3A, %swap3A_74], %logistic3A_73 {strides = array<i32>} : memref<2560x1xf32, #tpu.memory_space<vmem>>, vector<2560x1xf32>,
    return
  }
  func.func @transform_0(%arg0: i32) -> (i32, i32) {
    %c1_i32 = arith.constant 1 : i32
    %c0_i32 = arith.constant 0 : i32
    return %arg0, %c1_i32 : i32, i32
  }
  func.func @transform_1(%arg0: i32) -> (i32, i32) {
    %c0_i32 = arith.constant 0 : i32
    %c0_i32_0 = arith.constant 0 : i32
    return %arg0, %c0_i32 : i32, i32
  }
  func.func @transform_2(%arg0: i32) -> (i32, i32) {
    %c0_i32 = arith.constant 0 : i32
    %c0_i32_0 = arith.constant 0 : i32
    return %arg0, %c0_i32 : i32, i32
  }
  func.func @transform_3(%arg0: i32) -> (i32, i32) {
    %c0_i32 = arith.constant 0 : i32
    %c0_i32_0 = arith.constant 0 : i32
    %c0_i32_1 = arith.constant 0 : i32
    return %c0_i32, %c0_i32_0 : i32, i32
  }
  func.func @transform_4(%arg0: i32) -> (i32, i32) {
    %c0_i32 = arith.constant 0 : i32
    %c0_i32_0 = arith.constant 0 : i32
    %c0_i32_1 = arith.constant 0 : i32
    return %c0_i32, %c0_i32_0 : i32, i32
  }
  func.func @transform_5(%arg0: i32) -> (i32, i32) {
    %c0_i32 = arith.constant 0 : i32
    %c0_i32_0 = arith.constant 0 : i32
    %c0_i32_1 = arith.constant 0 : i32
    return %c0_i32, %c0_i32_0 : i32, i32
  }
  func.func @transform_6(%arg0: i32) -> (i32, i32) {
    %c0_i32 = arith.constant 0 : i32
    %c0_i32_0 = arith.constant 0 : i32
    %c0_i32_1 = arith.constant 0 : i32
    return %c0_i32, %c0_i32_0 : i32, i32
  }
  func.func @transform_7(%arg0: i32) -> (i32, i32) {
    %c0_i32 = arith.constant 0 : i32
    %c0_i32_0 = arith.constant 0 : i32
    %c0_i32_1 = arith.constant 0 : i32
    return %c0_i32, %c0_i32_0 : i32, i32
  }
  func.func @transform_8(%arg0: i32) -> (i32, i32) {
    %c0_i32 = arith.constant 0 : i32
    %c0_i32_0 = arith.constant 0 : i32
    %c0_i32_1 = arith.constant 0 : i32
    return %c0_i32, %c0_i32_0 : i32, i32
  }
  func.func @transform_9(%arg0: i32) -> (i32, i32) {
    %c0_i32 = arith.constant 0 : i32
    %c0_i32_0 = arith.constant 0 : i32
    return %arg0, %c0_i32 : i32, i32
  }
}

module attributes {stable_mosaic.version = 14 : i64} {
  func.func @_kf_body(%arg0: i32, %arg1: memref<1000x1xf32, #tpu.memory_space<vmem>>, %arg2: memref<1000x128xf32, #tpu.memory_space<vmem>>, %arg3: memref<1000x1xf32, #tpu.memory_space<vmem>>, %arg4: memref<1000x128xf32, #tpu.memory_space<vmem>>) attributes {dimension_semantics = [#tpu.dimension_semantics<arbitrary>], iteration_bounds = array<i64: 10>, scalar_prefetch = 0 : i64, scratch_operands = 0 : i64, tpu.core_type = #tpu.core_type<tc>, window_params = [{transform_indices = @transform_0, window_bounds = array<i64: 1000, 1>}, {transform_indices = @transform_1, window_bounds = array<i64: 1000, 128>}, {transform_indices = @transform_2, window_bounds = array<i64: 1000, 1>}, {transform_indices = @transform_3, window_bounds = array<i64: 1000, 128>}]} {
    %get3A = arith.constant 0 : index
    %get3A_0 = arith.constant 0 : index
    %get3A_1 = vector.load %arg1[%get3A, %get3A_0] : memref<1000x1xf32, #tpu.memory_space<vmem>>, vector<1000x1xf32>
    %add3A = arith.constant 1.000000e+00 : f32
    %add3A_2 = vector.broadcast %add3A : f32 to vector<1000x1xf32>
    %add3A_3 = arith.addf %get3A_1, %add3A_2 : vector<1000x1xf32>
    %rsqrt3A = math.rsqrt %add3A_3 : vector<1000x1xf32>
    %swap3A = arith.constant 0 : index
    %swap3A_4 = arith.constant 0 : index
    %swap3A_5 = vector.load %arg3[%swap3A, %swap3A_4] : memref<1000x1xf32, #tpu.memory_space<vmem>>, vector<1000x1xf32>
    tpu.vector_store %arg3[%swap3A, %swap3A_4], %rsqrt3A {strides = array<i32>} : memref<1000x1xf32, #tpu.memory_space<vmem>>, vector<1000x1xf32>,
    %get3A_6 = arith.constant 0 : index
    %get3A_7 = arith.constant 0 : index
    %get3A_8 = vector.load %arg2[%get3A_6, %get3A_7] : memref<1000x128xf32, #tpu.memory_space<vmem>>, vector<1000x128xf32>
    %mul3A = vector.broadcast %rsqrt3A : vector<1000x1xf32> to vector<1000x128xf32>
    %mul3A_9 = arith.mulf %get3A_8, %mul3A : vector<1000x128xf32>
    %swap3A_10 = arith.constant 0 : index
    %swap3A_11 = arith.constant 0 : index
    %swap3A_12 = vector.load %arg4[%swap3A_10, %swap3A_11] : memref<1000x128xf32, #tpu.memory_space<vmem>>, vector<1000x128xf32>
    tpu.vector_store %arg4[%swap3A_10, %swap3A_11], %mul3A_9 {strides = array<i32>} : memref<1000x128xf32, #tpu.memory_space<vmem>>, vector<1000x128xf32>,
    return
  }
  func.func @transform_0(%arg0: i32) -> (i32, i32) {
    %c0_i32 = arith.constant 0 : i32
    %c0_i32_0 = arith.constant 0 : i32
    return %arg0, %c0_i32 : i32, i32
  }
  func.func @transform_1(%arg0: i32) -> (i32, i32) {
    %c0_i32 = arith.constant 0 : i32
    %c0_i32_0 = arith.constant 0 : i32
    return %arg0, %c0_i32 : i32, i32
  }
  func.func @transform_2(%arg0: i32) -> (i32, i32) {
    %c0_i32 = arith.constant 0 : i32
    %c0_i32_0 = arith.constant 0 : i32
    return %arg0, %c0_i32 : i32, i32
  }
  func.func @transform_3(%arg0: i32) -> (i32, i32) {
    %c0_i32 = arith.constant 0 : i32
    %c0_i32_0 = arith.constant 0 : i32
    return %arg0, %c0_i32 : i32, i32
  }
}

module attributes {stable_mosaic.version = 14 : i64} {
  func.func @_kg_body(%arg0: i32, %arg1: memref<2560x128xf32, #tpu.memory_space<vmem>>, %arg2: memref<2560x1xf32, #tpu.memory_space<vmem>>, %arg3: memref<2560x128xf32, #tpu.memory_space<vmem>>) attributes {dimension_semantics = [#tpu.dimension_semantics<arbitrary>], iteration_bounds = array<i64: 125>, scalar_prefetch = 0 : i64, scratch_operands = 0 : i64, tpu.core_type = #tpu.core_type<tc>, window_params = [{transform_indices = @transform_0, window_bounds = array<i64: 2560, 128>}, {transform_indices = @transform_1, window_bounds = array<i64: 2560, 1>}, {transform_indices = @transform_2, window_bounds = array<i64: 2560, 128>}]} {
    %get3A = arith.constant 0 : index
    %get3A_0 = arith.constant 0 : index
    %get3A_1 = vector.load %arg1[%get3A, %get3A_0] : memref<2560x128xf32, #tpu.memory_space<vmem>>, vector<2560x128xf32>
    %get3A_2 = arith.constant 0 : index
    %get3A_3 = arith.constant 0 : index
    %get3A_4 = vector.load %arg2[%get3A_2, %get3A_3] : memref<2560x1xf32, #tpu.memory_space<vmem>>, vector<2560x1xf32>
    %mul3A = vector.broadcast %get3A_4 : vector<2560x1xf32> to vector<2560x128xf32>
    %mul3A_5 = arith.mulf %get3A_1, %mul3A : vector<2560x128xf32>
    %swap3A = arith.constant 0 : index
    %swap3A_6 = arith.constant 0 : index
    %swap3A_7 = vector.load %arg3[%swap3A, %swap3A_6] : memref<2560x128xf32, #tpu.memory_space<vmem>>, vector<2560x128xf32>
    tpu.vector_store %arg3[%swap3A, %swap3A_6], %mul3A_5 {strides = array<i32>} : memref<2560x128xf32, #tpu.memory_space<vmem>>, vector<2560x128xf32>,
    return
  }
  func.func @transform_0(%arg0: i32) -> (i32, i32) {
    %c0_i32 = arith.constant 0 : i32
    %c0_i32_0 = arith.constant 0 : i32
    return %arg0, %c0_i32 : i32, i32
  }
  func.func @transform_1(%arg0: i32) -> (i32, i32) {
    %c0_i32 = arith.constant 0 : i32
    %c0_i32_0 = arith.constant 0 : i32
    return %arg0, %c0_i32 : i32, i32
  }
  func.func @transform_2(%arg0: i32) -> (i32, i32) {
    %c0_i32 = arith.constant 0 : i32
    %c0_i32_0 = arith.constant 0 : i32
    return %arg0, %c0_i32 : i32, i32
  }
}

module attributes {stable_mosaic.version = 14 : i64} {
  func.func @_ke_body(%arg0: i32, %arg1: memref<2x1000x128xf32, #tpu.memory_space<vmem>>, %arg2: memref<1000x128xf32, #tpu.memory_space<vmem>>, %arg3: memref<1000x1xf32, #tpu.memory_space<vmem>>, %arg4: memref<1x128xf32, #tpu.memory_space<vmem>>, %arg5: memref<1x128xf32, #tpu.memory_space<vmem>>, %arg6: memref<1x128xf32, #tpu.memory_space<vmem>>, %arg7: memref<1000x128xf32, #tpu.memory_space<vmem>>) attributes {dimension_semantics = [#tpu.dimension_semantics<arbitrary>], iteration_bounds = array<i64: 10>, scalar_prefetch = 0 : i64, scratch_operands = 0 : i64, tpu.core_type = #tpu.core_type<tc>, window_params = [{transform_indices = @transform_0, window_bounds = array<i64: 2, 1000, 128>}, {transform_indices = @transform_1, window_bounds = array<i64: 1000, 128>}, {transform_indices = @transform_2, window_bounds = array<i64: 1000, 1>}, {pipeline_mode = #tpu.pipeline_mode<synchronous>, transform_indices = @transform_3, window_bounds = array<i64: 1, 128>}, {pipeline_mode = #tpu.pipeline_mode<synchronous>, transform_indices = @transform_4, window_bounds = array<i64: 1, 128>}, {pipeline_mode = #tpu.pipeline_mode<synchronous>, transform_indices = @transform_5, window_bounds = array<i64: 1, 128>}, {transform_indices = @transform_6, window_bounds = array<i64: 1000, 128>}]} {
    %get3A = arith.constant 0 : index
    %get3A_0 = arith.constant 0 : index
    %get3A_1 = vector.load %arg3[%get3A, %get3A_0] : memref<1000x1xf32, #tpu.memory_space<vmem>>, vector<1000x1xf32>
    %get3A_2 = arith.constant 0 : index
    %get3A_3 = arith.constant 0 : index
    %get3A_4 = arith.constant 0 : index
    %get3A_5 = vector.load %arg1[%get3A_2, %get3A_3, %get3A_4] : memref<2x1000x128xf32, #tpu.memory_space<vmem>>, vector<1x1000x128xf32>
    %get3A_6 = vector.shape_cast %get3A_5 : vector<1x1000x128xf32> to vector<1000x128xf32>
    %get3A_7 = arith.constant 1 : index
    %get3A_8 = arith.constant 0 : index
    %get3A_9 = arith.constant 0 : index
    %get3A_10 = vector.load %arg1[%get3A_7, %get3A_8, %get3A_9] : memref<2x1000x128xf32, #tpu.memory_space<vmem>>, vector<1x1000x128xf32>
    %get3A_11 = vector.shape_cast %get3A_10 : vector<1x1000x128xf32> to vector<1000x128xf32>
    %add3A = arith.addf %get3A_6, %get3A_11 : vector<1000x128xf32>
    %get3A_12 = arith.constant 0 : index
    %get3A_13 = arith.constant 0 : index
    %get3A_14 = vector.load %arg2[%get3A_12, %get3A_13] : memref<1000x128xf32, #tpu.memory_space<vmem>>, vector<1000x128xf32>
    %add3A_15 = arith.addf %add3A, %get3A_14 : vector<1000x128xf32>
    %mul3A = vector.broadcast %get3A_1 : vector<1000x1xf32> to vector<1000x128xf32>
    %mul3A_16 = arith.mulf %mul3A, %add3A_15 : vector<1000x128xf32>
    %get3A_17 = arith.constant 0 : index
    %get3A_18 = arith.constant 0 : index
    %get3A_19 = vector.load %arg4[%get3A_17, %get3A_18] : memref<1x128xf32, #tpu.memory_space<vmem>>, vector<1x128xf32>
    %add3A_20 = vector.broadcast %get3A_19 : vector<1x128xf32> to vector<1000x128xf32>
    %add3A_21 = arith.addf %mul3A_16, %add3A_20 : vector<1000x128xf32>
    %mul3A_22 = arith.constant 5.000000e-01 : f32
    %mul3A_23 = vector.broadcast %mul3A_22 : f32 to vector<1000x128xf32>
    %mul3A_24 = arith.mulf %mul3A_23, %add3A_21 : vector<1000x128xf32>
    %mul3A_25 = arith.constant 0.707106769 : f32
    %mul3A_26 = vector.broadcast %mul3A_25 : f32 to vector<1000x128xf32>
    %mul3A_27 = arith.mulf %add3A_21, %mul3A_26 : vector<1000x128xf32>
    %erf3A = math.erf %mul3A_27 : vector<1000x128xf32>
    %add3A_28 = arith.constant 1.000000e+00 : f32
    %add3A_29 = vector.broadcast %add3A_28 : f32 to vector<1000x128xf32>
    %add3A_30 = arith.addf %add3A_29, %erf3A : vector<1000x128xf32>
    %mul3A_31 = arith.mulf %mul3A_24, %add3A_30 : vector<1000x128xf32>
    %get3A_32 = arith.constant 0 : index
    %get3A_33 = arith.constant 0 : index
    %get3A_34 = vector.load %arg5[%get3A_32, %get3A_33] : memref<1x128xf32, #tpu.memory_space<vmem>>, vector<1x128xf32>
    %get3A_35 = arith.constant 0 : index
    %get3A_36 = arith.constant 0 : index
    %get3A_37 = vector.load %arg6[%get3A_35, %get3A_36] : memref<1x128xf32, #tpu.memory_space<vmem>>, vector<1x128xf32>
    %reduce_sum3A = arith.constant dense<0.000000e+00> : vector<1000xf32>
    %reduce_sum3A_38 = vector.multi_reduction <add>, %mul3A_31, %reduce_sum3A [1] : vector<1000x128xf32> to vector<1000xf32>
    %broadcast_in_dim3A = vector.shape_cast %reduce_sum3A_38 : vector<1000xf32> to vector<1000x1xf32>
    %div3A = arith.constant 1.280000e+02 : f32
    %div3A_39 = vector.broadcast %div3A : f32 to vector<1000x1xf32>
    %div3A_40 = arith.divf %broadcast_in_dim3A, %div3A_39 : vector<1000x1xf32>
    %jit3A = arith.constant 0 : i32
    %reduce_sum3A_41 = arith.constant dense<0.000000e+00> : vector<1000xf32>
    %reduce_sum3A_42 = vector.multi_reduction <add>, %mul3A_31, %reduce_sum3A_41 [1] : vector<1000x128xf32> to vector<1000xf32>
    %broadcast_in_dim3A_43 = vector.shape_cast %reduce_sum3A_42 : vector<1000xf32> to vector<1000x1xf32>
    %div3A_44 = arith.constant 1.280000e+02 : f32
    %div3A_45 = vector.broadcast %div3A_44 : f32 to vector<1000x1xf32>
    %div3A_46 = arith.divf %broadcast_in_dim3A_43, %div3A_45 : vector<1000x1xf32>
    %sub3A = vector.broadcast %div3A_46 : vector<1000x1xf32> to vector<1000x128xf32>
    %sub3A_47 = arith.subf %mul3A_31, %sub3A : vector<1000x128xf32>
    %square3A = arith.mulf %sub3A_47, %sub3A_47 : vector<1000x128xf32>
    %convert_element_type3A = arith.sitofp %jit3A : i32 to f32
    %sub3A_48 = arith.constant 1.280000e+02 : f32
    %sub3A_49 = arith.subf %sub3A_48, %convert_element_type3A : f32
    %reduce_sum3A_50 = arith.constant dense<0.000000e+00> : vector<1000xf32>
    %reduce_sum3A_51 = vector.multi_reduction <add>, %square3A, %reduce_sum3A_50 [1] : vector<1000x128xf32> to vector<1000xf32>
    %broadcast_in_dim3A_52 = vector.shape_cast %reduce_sum3A_51 : vector<1000xf32> to vector<1000x1xf32>
    %div3A_53 = vector.broadcast %sub3A_49 : f32 to vector<1000x1xf32>
    %div3A_54 = arith.divf %broadcast_in_dim3A_52, %div3A_53 : vector<1000x1xf32>
    %gt3A = arith.constant 0.000000e+00 : f32
    %gt3A_55 = arith.cmpf ogt, %sub3A_49, %gt3A : f32
    %jit3A_56 = arith.constant 0x7FC00000 : f32
    %broadcast_in_dim3A_57 = vector.broadcast %jit3A_56 : f32 to vector<1000x1xf32>
    %select_n3A = arith.select %gt3A_55, %div3A_54, %broadcast_in_dim3A_57 : vector<1000x1xf32>
    %sub3A_58 = vector.broadcast %div3A_40 : vector<1000x1xf32> to vector<1000x128xf32>
    %sub3A_59 = arith.subf %mul3A_31, %sub3A_58 : vector<1000x128xf32>
    %add3A_60 = arith.constant 9.99999974E-6 : f32
    %add3A_61 = vector.broadcast %add3A_60 : f32 to vector<1000x1xf32>
    %add3A_62 = arith.addf %select_n3A, %add3A_61 : vector<1000x1xf32>
    %sqrt3A = math.sqrt %add3A_62 : vector<1000x1xf32>
    %div3A_63 = vector.broadcast %sqrt3A : vector<1000x1xf32> to vector<1000x128xf32>
    %div3A_64 = arith.divf %sub3A_59, %div3A_63 : vector<1000x128xf32>
    %mul3A_65 = vector.broadcast %get3A_34 : vector<1x128xf32> to vector<1000x128xf32>
    %mul3A_66 = arith.mulf %div3A_64, %mul3A_65 : vector<1000x128xf32>
    %add3A_67 = vector.broadcast %get3A_37 : vector<1x128xf32> to vector<1000x128xf32>
    %add3A_68 = arith.addf %mul3A_66, %add3A_67 : vector<1000x128xf32>
    %swap3A = arith.constant 0 : index
    %swap3A_69 = arith.constant 0 : index
    %swap3A_70 = vector.load %arg7[%swap3A, %swap3A_69] : memref<1000x128xf32, #tpu.memory_space<vmem>>, vector<1000x128xf32>
    tpu.vector_store %arg7[%swap3A, %swap3A_69], %add3A_68 {strides = array<i32>} : memref<1000x128xf32, #tpu.memory_space<vmem>>, vector<1000x128xf32>,
    return
  }
  func.func @transform_0(%arg0: i32) -> (i32, i32, i32) {
    %c0_i32 = arith.constant 0 : i32
    %c0_i32_0 = arith.constant 0 : i32
    %c0_i32_1 = arith.constant 0 : i32
    return %c0_i32, %arg0, %c0_i32_0 : i32, i32, i32
  }
  func.func @transform_1(%arg0: i32) -> (i32, i32) {
    %c0_i32 = arith.constant 0 : i32
    %c0_i32_0 = arith.constant 0 : i32
    return %arg0, %c0_i32 : i32, i32
  }
  func.func @transform_2(%arg0: i32) -> (i32, i32) {
    %c0_i32 = arith.constant 0 : i32
    %c0_i32_0 = arith.constant 0 : i32
    return %arg0, %c0_i32 : i32, i32
  }
  func.func @transform_3(%arg0: i32) -> (i32, i32) {
    %c0_i32 = arith.constant 0 : i32
    %c0_i32_0 = arith.constant 0 : i32
    %c0_i32_1 = arith.constant 0 : i32
    return %c0_i32, %c0_i32_0 : i32, i32
  }
  func.func @transform_4(%arg0: i32) -> (i32, i32) {
    %c0_i32 = arith.constant 0 : i32
    %c0_i32_0 = arith.constant 0 : i32
    %c0_i32_1 = arith.constant 0 : i32
    return %c0_i32, %c0_i32_0 : i32, i32
  }
  func.func @transform_5(%arg0: i32) -> (i32, i32) {
    %c0_i32 = arith.constant 0 : i32
    %c0_i32_0 = arith.constant 0 : i32
    %c0_i32_1 = arith.constant 0 : i32
    return %c0_i32, %c0_i32_0 : i32, i32
  }
  func.func @transform_6(%arg0: i32) -> (i32, i32) {
    %c0_i32 = arith.constant 0 : i32
    %c0_i32_0 = arith.constant 0 : i32
    return %arg0, %c0_i32 : i32, i32
  }
}

</mosaic_0001>

<sc_bundles>
// kernel: kernel.17.cloned.1.call-start
scs
__scs_entry_jumppad:
0x0: {  	(pc) =	sbr.rel $0x88, $3  }
0x1: {  	(tag) =	ssettag $0x0;
	lr =	simm.s32 $0x1  }
0x2: {  	[smem:$0x3F8B] =	sst lr;
	_ =	strace $0xD0000000  }
0x3: {  	_ = 	snop  }
0x4: {  	_ = 	snop  }
0x5: {  	_ = 	snop  }
0x6: {  	_ = 	snop  }
0x7: {  	_ = 	snop  }
__scs_overlays_trampoline_lowered:
0x8: {  	[smem:$0x3F9A] =	sst s0  }
0x9: {  	[smem:$0x3F9B] =	sst s1  }
0xa: {  	[smem:$0x3F9C] =	sst s2  }
0xb: {  	[smem:$0x3F9D] =	sst s3  }
0xc: {  	[smem:$0x3F9E] =	sst s4  }
0xd: {  	[smem:$0x3F9F] =	sst s5  }
0xe: {  	[smem:$0x3FA0] =	sst s6  }
0xf: {  	[smem:$0x3FA1] =	sst s7  }
0x10: {  	[smem:$0x3FA2] =	sst s8  }
0x11: {  	[smem:$0x3FA3] =	sst s9;
	s0 =	simm.s32 @!p0 $0x0  }
0x12: {  	s1 =	sld [smem:$0x3F89];
	s0 =	simm.s32 @p0 $0x1  }
0x13: {  	[smem:$0x3FA4] =	sst s0;
	s0 =	simm.s32 @!p1 $0x0  }
0x14: {  	s2 =	sld [smem:$0x3F88];
	s0 =	simm.s32 @p1 $0x1  }
0x15: {  	[smem:$0x3FA5] =	sst s0;
	s0 =	simm.s32 @!p2 $0x0  }
0x16: {  	s3 =	sld [smem:$0x3FDB];
	s0 =	simm.s32 @p2 $0x1  }
0x17: {  	s4 =	simm.s32 $0x1BF5;
	[smem:$0x3FA7] =	sst s0  }
0x18: {  	s0 =	sld [smem:$0x3F8A];
	_ =	swait.ge [sflag:s4], $0x0  }
0x19: {  	s7 =	sld [smem:$0x3F8B]  }
0x1a: {  	s8 =	sadd.s32 $0xFFFFE003, lr  }
0x1b: {  	s9 =	sadd.s32 $0xFFFFFEF7, lr;
	s5 =	simm.s32 $0xFFFFFFFF;
	p2 =	slt.u32 s8, $0xFFFFF086  }
0x1c: {  	p1 =	slt.u32 s9, $0xF7A;
	s5 =	simm.s32 @!p2 $0x0  }
0x1d: {  	s5 =	simm.s32 @p1 $0x1;
	p0 =	seq.s32 s7, s2  }
0x1e: {  	s7 =	smul.u32 @!p0 $0xF7A, s2;
	p2 =	seq.s32 @!p0 s5, $0x0  }
0x1f: {  	s9 =	smul.u32 $0xF7A, s1;
	s8 =	simm.s32 @!p0 $0x1BF5;
	p2 =	por !p2, p0  }
0x20: {  	[sflag:s8] =	ssyncset.s32 @!p0 $0xFFFFF086;
	s6 =	sadd.s32 @!p0 s3, s7;
	s7 =	simm.s32 @!p0 $0x108  }
0x21: {  	s3 =	sadd.s32 s3, s9;
	s6 =	sadd.s32 @!p0 $0x88, s6;
	s7 =	simm.s32 @p2 $0x1082  }
0x22: {  	[simem:s7], [sflag:s8] =	dma.local @!p0 [hbm:s6], $0xF7A  }
0x23: {  	s9 =	sor.u32 $0xD0000000, s2;
	s6 =	simm.s32 $0x108;
	_ =	swait.ge @!p0 [sflag:s8], $0x0  }
0x24: {  	s3 =	sadd.s32 $0x88, s3;
	s6 =	simm.s32 @!p1 $0x1082;
	[sflag:s4] =	ssyncset.s32 $0xFFFFF086  }
0x25: {  	[simem:s6], [sflag:s4] =	dma.local [hbm:s3], $0xF7A  }
0x26: {  	[smem:$0x3F8B] =	sst s1;
	(tag) =	ssettag s2;
	_ =	strace s9  }
0x27: {  	s1 =	sld [smem:$0x3F9B]  }
0x28: {  	s2 =	sld [smem:$0x3F9C]  }
0x29: {  	s4 =	sld [smem:$0x3F9E]  }
0x2a: {  	p0 =	seq.s32 s5, $0x0;
	s5 =	sld [smem:$0x3F9F]  }
0x2b: {  	s6 =	sld [smem:$0x3FA0]  }
0x2c: {  	s7 =	sld [smem:$0x3FA1]  }
0x2d: {  	s3 =	simm.s32 $0x108;
	s8 =	sld [smem:$0x3FA2]  }
0x2e: {  	s3 =	simm.s32 @!p0 $0x1082;
	s9 =	sld [smem:$0x3FA3]  }
0x2f: {  	lr =	sadd.s32 s0, s3;
	s0 =	sld [smem:$0x3F9A]  }
0x30: {  	s3 =	sld [smem:$0x3F9D]  }
0x31: {  	[smem:$0x3FA6] =	sst s10  }
0x32: {  	s10 =	sld [smem:$0x3FA4];
	_ =	sdelay $0x3  }
0x33: {  	p0 =	seq.s32 s10, $0x1;
	s10 =	sld [smem:$0x3FA6];
	_ =	sdelay $0x3  }
0x34: {  	[smem:$0x3FA6] =	sst s10  }
0x35: {  	s10 =	sld [smem:$0x3FA5];
	_ =	sdelay $0x3  }
0x36: {  	p1 =	seq.s32 s10, $0x1;
	s10 =	sld [smem:$0x3FA6];
	_ =	sdelay $0x3  }
0x37: {  	[smem:$0x3FA6] =	sst s10  }
0x38: {  	s10 =	sld [smem:$0x3FA7]  }
0x39: {  	_ = 	snop;
	(pc) =	sbr.ind lr, $3  }
0x3a: {  	_ = 	snop  }
0x3b: {  	_ = 	snop  }
0x3c: {  	p2 =	seq.s32 s10, $0x1;
	s10 =	sld [smem:$0x3FA6]  }
0x3d: {  	_ =	shalt  }
0x3e: {  	_ =	shalt  }
0x3f: {  	_ =	shalt  }
0x40: {  	_ =	shalt  }
0x41: {  	_ =	shalt  }
0x42: {  	_ =	shalt  }
0x43: {  	_ =	shalt  }
0x44: {  	_ =	shalt  }
0x45: {  	_ =	shalt  }
0x46: {  	_ =	shalt  }
0x47: {  	_ =	shalt  }
0x48: {  	_ =	shalt  }
0x49: {  	_ =	shalt  }
0x4a: {  	_ =	shalt  }
0x4b: {  	_ =	shalt  }
0x4c: {  	_ =	shalt  }
0x4d: {  	_ =	shalt  }
0x4e: {  	_ =	shalt  }
0x4f: {  	_ =	shalt  }
0x50: {  	_ =	shalt  }
0x51: {  	_ =	shalt  }
0x52: {  	_ =	shalt  }
0x53: {  	_ =	shalt  }
0x54: {  	_ =	shalt  }
0x55: {  	_ =	shalt  }
0x56: {  	_ =	shalt  }
0x57: {  	_ =	shalt  }
0x58: {  	_ =	shalt  }
0x59: {  	_ =	shalt  }
0x5a: {  	_ =	shalt  }
0x5b: {  	_ =	shalt  }
0x5c: {  	_ =	shalt  }
0x5d: {  	_ =	shalt  }
0x5e: {  	_ =	shalt  }
0x5f: {  	_ =	shalt  }
0x60: {  	_ =	shalt  }
0x61: {  	_ =	shalt  }
0x62: {  	_ =	shalt  }
0x63: {  	_ =	shalt  }
0x64: {  	_ =	shalt  }
0x65: {  	_ =	shalt  }
0x66: {  	_ =	shalt  }
0x67: {  	_ =	shalt  }
0x68: {  	_ =	shalt  }
0x69: {  	_ =	shalt  }
0x6a: {  	_ =	shalt  }
0x6b: {  	_ =	shalt  }
0x6c: {  	_ =	shalt  }
0x6d: {  	_ =	shalt  }
0x6e: {  	_ =	shalt  }
0x6f: {  	_ =	shalt  }
0x70: {  	_ =	shalt  }
0x71: {  	_ =	shalt  }
0x72: {  	_ =	shalt  }
0x73: {  	_ =	shalt  }
0x74: {  	_ =	shalt  }
0x75: {  	_ =	shalt  }
0x76: {  	_ =	shalt  }
0x77: {  	_ =	shalt  }
0x78: {  	_ =	shalt  }
0x79: {  	_ =	shalt  }
0x7a: {  	_ =	shalt  }
0x7b: {  	_ =	shalt  }
0x7c: {  	_ =	shalt  }
0x7d: {  	_ =	shalt  }
0x7e: {  	_ =	shalt  }
0x7f: {  	_ =	shalt  }
0x80: {  	_ =	shalt  }
0x81: {  	_ =	shalt  }
0x82: {  	_ =	shalt  }
0x83: {  	_ =	shalt  }
0x84: {  	_ =	shalt  }
0x85: {  	_ =	shalt  }
0x86: {  	_ =	shalt  }
0x87: {  	_ =	shalt  }
.Lfunc_end0:
.L_simem_size_0:
called_computation_lowered:
.L_overlay_start_0:
0x88: {  	s2 =	sld [smem:$0x3FD9]  }
0x89: {  	s3 =	sld [smem:$0x3FFE];
	_ =	sdelay $0x1  }
0x8a: {  	s1 =	srdreg.scid  }
0x8b: {  	s0 =	sand.u32 $0x1, s1  }
0x8c: {  	s17 =	sshll.u32 s0, $0xA;
	s2 =	sadd.s32 s3, s2  }
0x8d: {  	s2 =	sadd.s32 s2, s17  }
0x8e: {  	[smem:$0x3FB2] =	sst s2  }
0x8f: {  	_ = 	snop  }
0x90: {  	s2 =	sld [smem:$0x3FD0];
	(tm) =	ssettm $0x1  }
0x91: {  	s18 =	sld [smem:$0x3FFB];
	_ =	sdelay $0x3  }
0x92: {  	_ =	strace s18  }
0x93: {  	s3 =	sld [smem:$0x3FFC];
	_ =	sdelay $0x3  }
0x94: {  	_ =	strace s3  }
0x95: {  	s3 =	sld [smem:$0x3FFD];
	_ =	sdelay $0x3  }
0x96: {  	_ =	strace s3  }
0x97: {  	_ =	strace $0x8FFFFFFF  }
0x98: {  	s19 =	sld [smem:$0x3FDB];
	_ =	sdelay $0x1  }
0x99: {  	s4 =	simm.s32 $_scs_section_size  }
0x9a: {  	s5 =	simm.s32 $_size__tile_overlayer_lowered;
	s6 =	simm.s32 $_tile_overlayer_lowered  }
0x9b: {  	s22 =	simm.s32 $0x1BFF;
	s21 =	sshll.u32 s6, $0x1;
	s3 =	sadd.s32 s4, s19  }
0x9c: {  	s7 =	simm.s32 $0x0;
	s20 =	sshll.u32 s5, $0x1;
	s5 =	sadd.s32 s21, s3  }
0x9d: {  	[timem:s7], [sflag:s22] =	dma.local [hbm:s5], s20  }
0x9e: {  	_ =	swait.ge [sflag:s22], s20  }
0x9f: {  	s4 =	ssub.s32 $0x0, s20;
	[sflag:s22] =	ssyncset.done $0x0  }
0xa0: {  	[sflag:s22] =	ssyncadd.s32 s4;
	_ =	sdelay $0x1  }
0xa1: {  	s23 =	simm.s32 $0x1B8B  }
0xa2: {  	_ =	swait.ge [sflag:s23], $0x1  }
0xa3: {  	[sflag:s23] =	ssyncset.done $0x0  }
0xa4: {  	s25 =	simm.s32 $0x1B8E;
	s24 =	sld [smem:$0x3FFE];
	[sflag:s23] =	ssyncadd.s32 $0xFFFFFFFF  }
0xa5: {  	s26 =	simm.s32 $execute0_lowered;
	[smem:$0x3FD2] =	sst s25  }
0xa6: {  	s5 =	sshll.u32 s26, $0x1;
	_ =	strace $0x80000046;
	[dreg:$0x1] =	wrdreg $0xFFFFFFFF  }
0xa7: {  	s28 =	simm.s32 $_size_execute0_lowered;
	s3 =	sadd.s32 s3, s5;
	[dreg:$0x0] =	wrdreg $0x0  }
0xa8: {  	s5 =	sshll.u32 s28, $0x1;
	[dreg:$0x2] =	wrdreg s3  }
0xa9: {  	[dreg:$0x3] =	wrdreg s5  }
0xaa: {  	[dreg:$0x4] =	wrdreg $0xC0  }
0xab: {  	_ =	task [dreg:s7], $0x5FFFF  }
0xac: {  	[dreg:$0x1] =	wrdreg $0xFFFFFFFF  }
0xad: {  	[dreg:$0x0] =	wrdreg $0x60  }
0xae: {  	[dreg:$0x2] =	wrdreg s24  }
0xaf: {  	[dreg:$0x3] =	wrdreg s2  }
0xb0: {  	[dreg:$0x4] =	wrdreg $0x9  }
0xb1: {  	_ =	task.clear_ibuf [dreg:s7], $0x5FFFF;
	_ =	strace $0x90000046  }
0xb2: {  	s29 =	simm.s32 $0x9;
	_ =	strace $0x80000048  }
0xb3: {  	_ =	swait.ge [sflag:s29], $0x1  }
0xb4: {  	[sflag:s29] =	ssyncadd.s32 $0xFFFFFFFF  }
0xb5: {  	_ =	strace $0x90000048  }
0xb6: {  	_ =	sfence  }
0xb7: {  	s30 =	sld [smem:$0x0];
	_ =	sdelay $0x2  }
0xb8: {  	s31 =	sshll.u32 s1, $0xD;
	s1 =	sshrl.u32 s1, $0x2  }
0xb9: {  	s3 =	sand.u32 $0x4000, s31;
	s1 =	sadd.s32 s1, s30  }
0xba: {  	s0 =	sor.u32 s3, s0;
	s1 =	sshll.u32 s1, $0x11  }
0xbb: {  	s0 =	sor.u32 s1, s0  }
0xbc: {  	s0 =	sadd.s32 $0x8F2B, s0  }
0xbd: {  	[sflag:s0] =	ssyncadd.remote.s32 $0x1  }
0xbe: {  	_ =	sfence.sel $0xFFFF  }
0xbf: {  	[dreg:$0x0] =	wrdreg $0xFFFFFFFF;
	(pc) =	sbr.abs _section_cstart, $3  }
0xc0: {  	[dreg:$0x1] =	wrdreg $0xFFFFFFFF  }
0xc1: {  	_ =	task.clear_ibuf [dreg:s7], $0x2FFFF;
	_ =	strace $0x9FFFFFFF  }
0xc2: {  	(tm) =	ssettm $0x7FFFFFFF  }
0xc3: {  	_ =	shalt  }
tec
execute0_lowered:
.L_overlay_start_1:
0x0: {  	(tag) =	ssettag $0x1  }
0x1: {  	s3 =	rddreg [dreg:$0x0];
	s1 =	srdreg.scid  }
0x2: {  	s0 =	stileid.u32;
	s5 =	rddreg [dreg:$0x1];
	s9 =	simm.s32 $0x4F00  }
0x3: {  	s10 =	simm.s32 $0x80;
	s11 =	simm.s32 $0x400;
	s12 =	simm.s32 $0x0  }
0x4: {  	s4 =	sand.u32 $0x1, s1;
	s2 =	sshll.u32 s0, $0x1;
	s8 =	sshrl.u32 s0, $0x2  }
0x5: {  	s1 =	rddreg [dreg:$0x2];
	s6 =	sor.u32 s4, s2;
	s8 =	smul.u32 $0x13C00, s8  }
0x6: {  	s2 =	simm.s32 $0x0;
	s4 =	ssub.s32 $0x2, s4;
	s7 =	smul.u32 $0x4E2, s6  }
0x7: {  	[smem:$0x7FF] =	sst s2;
	s6 =	sshll.u32 s6, $0x7;
	s30 =	sshrl.u32 s4, $0x1  }
0x8: {  	_ =	strace $0x80000047;
	s6 =	sand.u32 $0x380, s6;
	s31 =	ssub.s32 s4, s30  }
0x9: {  	s7 =	sadd.s32 s7, s3;
	s6 =	sor.u32 s8, s6;
	s8 =	simm.s32 $0x2780  }
0xa: {  	s3 =	sadd.s32 $0xF400, s7;
	s6 =	sshrl.u32 s6, $0x3;
	s4 =	sadd.s32 $0x19200, s7  }
0xb: {  	v0 =	vimm.f32 $0.0e+00;
	s7 =	simm.s32 $0x1;
	s5 =	sadd.s32 s5, s6;
	s6 =	smax.u32 s31, $0x1  }
.LBB2_1:
0xc: {  	[tilespmem:s2], [sflag:$0x1] =	stream.linear.gather [hbm4b:s3+s2], $0x2710, $0x38;
	[tilespmem:$0x7680] =	vst v63  }
0xd: {  	_ =	swait.ge [sflag:s7], $0x2710  }
0xe: {  	[sflag:s7] =	ssyncset.done $0x0  }
0xf: {  	[sflag:s7] =	ssyncadd.s32 $0xFFFFD8F0  }
0x10: {  	[tilespmem:s8], [sflag:$0x1] =	stream.linear.gather [hbm4b:s4+s2], $0x2710, $0x38;
	[tilespmem:$0x7680] =	vst v63  }
0x11: {  	_ =	swait.ge [sflag:s7], $0x2710  }
0x12: {  	[sflag:s7] =	ssyncset.done $0x0  }
0x13: {  	s13 =	simm.s32 $0x0;
	[sflag:s7] =	ssyncadd.s32 $0xFFFFD8F0  }
.LBB2_2:
0x14: {  	p0 =	sne.s32 s13, $0x9C00  }
.Ltmp0:
0x15: {  	_ = 	snop;
	(pc) =	sbr.rel @p0 .LBB2_2-.Ltmp0, $3  }
0x16: {  	_ =	sdelay $0x1  }
0x17: {  	s14 =	sshra.s32 s13, $0x2  }
0x18: {  	s13 =	sadd.s32 $0x40, s13;
	[tilespmem:s14+$0x4F00] =	vst v0  }
0x19: {  	s14 =	simm.s32 $0x0;
	s13 =	simm.s32 $0x40  }
.LBB2_4:
0x1a: {  	p0 =	sne.s32 s13, $0x9C00;
	v1 =	vld [tilespmem:s14+$0x0];
	_ =	sdelay $0x2  }
0x1b: {  	v2 =	vld [tilespmem:s14+$0x2780]  }
.Ltmp1:
0x1c: {  	(pc) =	sbr.rel @p0 .LBB2_4-.Ltmp1, $2  }
0x1d: {  	_ =	sdelay $0x2  }
0x1e: {  	s14 =	sshra.s32 s13, $0x2;
	s13 =	sadd.s32 $0x40, s13;
	[tilespmem:v1+s9+$0x0] =	vst.idx.add.f32.msk $0xffff, v2  }
0x1f: {  	v1 =	vld [tilespmem:s14+$0x0];
	_ =	sdelay $0x2  }
0x20: {  	v2 =	vld [tilespmem:s14+$0x2780];
	_ =	sdelay $0x2  }
0x21: {  	s12 =	sadd.s32 $0x1, s12  }
0x22: {  	p0 =	sne.s32 s12, s6  }
.Ltmp2:
0x23: {  	[tilespmem:v1+s9+$0x0] =	vst.idx.add.f32.msk $0xffff, v2;
	(pc) =	sbr.rel @p0 .LBB2_1-.Ltmp2, $4  }
0x24: {  	[hbm4b:s5+s10] =	stream.strided.scatter [tilespmem:s9], [sflag:$0x1], $0x2780, s11, s10, $0x38;
	[tilespmem:$0x7680] =	vst v63  }
0x25: {  	_ =	swait.ge [sflag:s7], $0x2780  }
0x26: {  	[sflag:s7] =	ssyncset.done $0x0  }
0x27: {  	[sflag:s7] =	ssyncadd.s32 $0xFFFFD880  }
0x28: {  	_ =	sfence.sel $0x180000  }
0x29: {  	[bflag:$0x0] =	sbarrier.arrive $0xFFFF  }
0x2a: {  	p0 =	sne.s32 s0, $0x0;
	_ =	strace $0x90000047  }
0x2b: {  	s0 =	sadd.s32 @!p0 $0x100000, s1;
	[bflag:$0x2] =	sbarrier.arrive $0xFFFF  }
0x2c: {  	[sflag:s0] =	ssyncadd.tile.s32 @!p0 $0x1;
	_ =	shalt  }
.Lfunc_end2:
_tile_overlayer_lowered:
.L_overlay_start_2:
0x2d: {  	(tag) =	ssettag $0x2  }
0x2e: {  	s0 =	rddreg [dreg:$0x0];
	s2 =	stileid.u32  }
0x2f: {  	s1 =	rddreg [dreg:$0x1];
	p0 =	sne.s32 s2, $0x0  }
0x30: {  	s3 =	rddreg [dreg:$0x2];
	[bflag:$0x3] =	sbarrier.arrive $0xFFFF;
	s2 =	simm.s32 @!p0 $0x1C01  }
0x31: {  	[timem:s3], [sflag:s2] =	dma.local @!p0 [hbm:s0], s1  }
0x32: {  	s0 =	simm.s32 @!p0 $0x1  }
0x33: {  	_ =	swait.ge @!p0 [sflag:s0], s1  }
0x34: {  	s1 =	ssub.s32 @!p0 $0x0, s1;
	[sflag:s0] =	ssyncset.done @!p0 $0x0  }
0x35: {  	[sflag:s0] =	ssyncadd.s32 @!p0 s1  }
0x36: {  	[bflag:$0x3] =	sbarrier.arrive $0xFFFF  }
0x37: {  	_ =	shalt  }

// kernel: kernel.20.cloned.1.call-start
scs
__scs_entry_jumppad:
0x0: {  	(pc) =	sbr.rel $0x88, $3  }
0x1: {  	(tag) =	ssettag $0x0;
	lr =	simm.s32 $0x1  }
0x2: {  	[smem:$0x3F8B] =	sst lr;
	_ =	strace $0xD0000000  }
0x3: {  	_ = 	snop  }
0x4: {  	_ = 	snop  }
0x5: {  	_ = 	snop  }
0x6: {  	_ = 	snop  }
0x7: {  	_ = 	snop  }
__scs_overlays_trampoline_lowered:
0x8: {  	[smem:$0x3F9A] =	sst s0  }
0x9: {  	[smem:$0x3F9B] =	sst s1  }
0xa: {  	[smem:$0x3F9C] =	sst s2  }
0xb: {  	[smem:$0x3F9D] =	sst s3  }
0xc: {  	[smem:$0x3F9E] =	sst s4  }
0xd: {  	[smem:$0x3F9F] =	sst s5  }
0xe: {  	[smem:$0x3FA0] =	sst s6  }
0xf: {  	[smem:$0x3FA1] =	sst s7  }
0x10: {  	[smem:$0x3FA2] =	sst s8  }
0x11: {  	[smem:$0x3FA3] =	sst s9;
	s0 =	simm.s32 @!p0 $0x0  }
0x12: {  	s1 =	sld [smem:$0x3F89];
	s0 =	simm.s32 @p0 $0x1  }
0x13: {  	[smem:$0x3FA4] =	sst s0;
	s0 =	simm.s32 @!p1 $0x0  }
0x14: {  	s2 =	sld [smem:$0x3F88];
	s0 =	simm.s32 @p1 $0x1  }
0x15: {  	[smem:$0x3FA5] =	sst s0;
	s0 =	simm.s32 @!p2 $0x0  }
0x16: {  	s3 =	sld [smem:$0x3FDB];
	s0 =	simm.s32 @p2 $0x1  }
0x17: {  	s4 =	simm.s32 $0x1BF5;
	[smem:$0x3FA7] =	sst s0  }
0x18: {  	s0 =	sld [smem:$0x3F8A];
	_ =	swait.ge [sflag:s4], $0x0  }
0x19: {  	s7 =	sld [smem:$0x3F8B]  }
0x1a: {  	s8 =	sadd.s32 $0xFFFFE003, lr  }
0x1b: {  	s9 =	sadd.s32 $0xFFFFFEF7, lr;
	s5 =	simm.s32 $0xFFFFFFFF;
	p2 =	slt.u32 s8, $0xFFFFF086  }
0x1c: {  	p1 =	slt.u32 s9, $0xF7A;
	s5 =	simm.s32 @!p2 $0x0  }
0x1d: {  	s5 =	simm.s32 @p1 $0x1;
	p0 =	seq.s32 s7, s2  }
0x1e: {  	s7 =	smul.u32 @!p0 $0xF7A, s2;
	p2 =	seq.s32 @!p0 s5, $0x0  }
0x1f: {  	s9 =	smul.u32 $0xF7A, s1;
	s8 =	simm.s32 @!p0 $0x1BF5;
	p2 =	por !p2, p0  }
0x20: {  	[sflag:s8] =	ssyncset.s32 @!p0 $0xFFFFF086;
	s6 =	sadd.s32 @!p0 s3, s7;
	s7 =	simm.s32 @!p0 $0x108  }
0x21: {  	s3 =	sadd.s32 s3, s9;
	s6 =	sadd.s32 @!p0 $0x88, s6;
	s7 =	simm.s32 @p2 $0x1082  }
0x22: {  	[simem:s7], [sflag:s8] =	dma.local @!p0 [hbm:s6], $0xF7A  }
0x23: {  	s9 =	sor.u32 $0xD0000000, s2;
	s6 =	simm.s32 $0x108;
	_ =	swait.ge @!p0 [sflag:s8], $0x0  }
0x24: {  	s3 =	sadd.s32 $0x88, s3;
	s6 =	simm.s32 @!p1 $0x1082;
	[sflag:s4] =	ssyncset.s32 $0xFFFFF086  }
0x25: {  	[simem:s6], [sflag:s4] =	dma.local [hbm:s3], $0xF7A  }
0x26: {  	[smem:$0x3F8B] =	sst s1;
	(tag) =	ssettag s2;
	_ =	strace s9  }
0x27: {  	s1 =	sld [smem:$0x3F9B]  }
0x28: {  	s2 =	sld [smem:$0x3F9C]  }
0x29: {  	s4 =	sld [smem:$0x3F9E]  }
0x2a: {  	p0 =	seq.s32 s5, $0x0;
	s5 =	sld [smem:$0x3F9F]  }
0x2b: {  	s6 =	sld [smem:$0x3FA0]  }
0x2c: {  	s7 =	sld [smem:$0x3FA1]  }
0x2d: {  	s3 =	simm.s32 $0x108;
	s8 =	sld [smem:$0x3FA2]  }
0x2e: {  	s3 =	simm.s32 @!p0 $0x1082;
	s9 =	sld [smem:$0x3FA3]  }
0x2f: {  	lr =	sadd.s32 s0, s3;
	s0 =	sld [smem:$0x3F9A]  }
0x30: {  	s3 =	sld [smem:$0x3F9D]  }
0x31: {  	[smem:$0x3FA6] =	sst s10  }
0x32: {  	s10 =	sld [smem:$0x3FA4];
	_ =	sdelay $0x3  }
0x33: {  	p0 =	seq.s32 s10, $0x1;
	s10 =	sld [smem:$0x3FA6];
	_ =	sdelay $0x3  }
0x34: {  	[smem:$0x3FA6] =	sst s10  }
0x35: {  	s10 =	sld [smem:$0x3FA5];
	_ =	sdelay $0x3  }
0x36: {  	p1 =	seq.s32 s10, $0x1;
	s10 =	sld [smem:$0x3FA6];
	_ =	sdelay $0x3  }
0x37: {  	[smem:$0x3FA6] =	sst s10  }
0x38: {  	s10 =	sld [smem:$0x3FA7]  }
0x39: {  	_ = 	snop;
	(pc) =	sbr.ind lr, $3  }
0x3a: {  	_ = 	snop  }
0x3b: {  	_ = 	snop  }
0x3c: {  	p2 =	seq.s32 s10, $0x1;
	s10 =	sld [smem:$0x3FA6]  }
0x3d: {  	_ =	shalt  }
0x3e: {  	_ =	shalt  }
0x3f: {  	_ =	shalt  }
0x40: {  	_ =	shalt  }
0x41: {  	_ =	shalt  }
0x42: {  	_ =	shalt  }
0x43: {  	_ =	shalt  }
0x44: {  	_ =	shalt  }
0x45: {  	_ =	shalt  }
0x46: {  	_ =	shalt  }
0x47: {  	_ =	shalt  }
0x48: {  	_ =	shalt  }
0x49: {  	_ =	shalt  }
0x4a: {  	_ =	shalt  }
0x4b: {  	_ =	shalt  }
0x4c: {  	_ =	shalt  }
0x4d: {  	_ =	shalt  }
0x4e: {  	_ =	shalt  }
0x4f: {  	_ =	shalt  }
0x50: {  	_ =	shalt  }
0x51: {  	_ =	shalt  }
0x52: {  	_ =	shalt  }
0x53: {  	_ =	shalt  }
0x54: {  	_ =	shalt  }
0x55: {  	_ =	shalt  }
0x56: {  	_ =	shalt  }
0x57: {  	_ =	shalt  }
0x58: {  	_ =	shalt  }
0x59: {  	_ =	shalt  }
0x5a: {  	_ =	shalt  }
0x5b: {  	_ =	shalt  }
0x5c: {  	_ =	shalt  }
0x5d: {  	_ =	shalt  }
0x5e: {  	_ =	shalt  }
0x5f: {  	_ =	shalt  }
0x60: {  	_ =	shalt  }
0x61: {  	_ =	shalt  }
0x62: {  	_ =	shalt  }
0x63: {  	_ =	shalt  }
0x64: {  	_ =	shalt  }
0x65: {  	_ =	shalt  }
0x66: {  	_ =	shalt  }
0x67: {  	_ =	shalt  }
0x68: {  	_ =	shalt  }
0x69: {  	_ =	shalt  }
0x6a: {  	_ =	shalt  }
0x6b: {  	_ =	shalt  }
0x6c: {  	_ =	shalt  }
0x6d: {  	_ =	shalt  }
0x6e: {  	_ =	shalt  }
0x6f: {  	_ =	shalt  }
0x70: {  	_ =	shalt  }
0x71: {  	_ =	shalt  }
0x72: {  	_ =	shalt  }
0x73: {  	_ =	shalt  }
0x74: {  	_ =	shalt  }
0x75: {  	_ =	shalt  }
0x76: {  	_ =	shalt  }
0x77: {  	_ =	shalt  }
0x78: {  	_ =	shalt  }
0x79: {  	_ =	shalt  }
0x7a: {  	_ =	shalt  }
0x7b: {  	_ =	shalt  }
0x7c: {  	_ =	shalt  }
0x7d: {  	_ =	shalt  }
0x7e: {  	_ =	shalt  }
0x7f: {  	_ =	shalt  }
0x80: {  	_ =	shalt  }
0x81: {  	_ =	shalt  }
0x82: {  	_ =	shalt  }
0x83: {  	_ =	shalt  }
0x84: {  	_ =	shalt  }
0x85: {  	_ =	shalt  }
0x86: {  	_ =	shalt  }
0x87: {  	_ =	shalt  }
.Lfunc_end0:
.L_simem_size_0:
called_computation.1_lowered:
.L_overlay_start_0:
0x88: {  	s2 =	sld [smem:$0x3FD9]  }
0x89: {  	s3 =	sld [smem:$0x3FFE];
	_ =	sdelay $0x1  }
0x8a: {  	s1 =	srdreg.scid  }
0x8b: {  	s0 =	sand.u32 $0x1, s1  }
0x8c: {  	s17 =	sshll.u32 s0, $0xA;
	s2 =	sadd.s32 s3, s2  }
0x8d: {  	s2 =	sadd.s32 s2, s17  }
0x8e: {  	[smem:$0x3FB2] =	sst s2  }
0x8f: {  	_ = 	snop  }
0x90: {  	s2 =	sld [smem:$0x3FD0];
	(tm) =	ssettm $0x1  }
0x91: {  	s18 =	sld [smem:$0x3FFB];
	_ =	sdelay $0x3  }
0x92: {  	_ =	strace s18  }
0x93: {  	s3 =	sld [smem:$0x3FFC];
	_ =	sdelay $0x3  }
0x94: {  	_ =	strace s3  }
0x95: {  	s3 =	sld [smem:$0x3FFD];
	_ =	sdelay $0x3  }
0x96: {  	_ =	strace s3  }
0x97: {  	_ =	strace $0x8FFFFFFF  }
0x98: {  	s19 =	sld [smem:$0x3FDB];
	_ =	sdelay $0x1  }
0x99: {  	s4 =	simm.s32 $_scs_section_size  }
0x9a: {  	s5 =	simm.s32 $_size__tile_overlayer_lowered;
	s6 =	simm.s32 $_tile_overlayer_lowered  }
0x9b: {  	s22 =	simm.s32 $0x1BFF;
	s21 =	sshll.u32 s6, $0x1;
	s3 =	sadd.s32 s4, s19  }
0x9c: {  	s7 =	simm.s32 $0x0;
	s20 =	sshll.u32 s5, $0x1;
	s5 =	sadd.s32 s21, s3  }
0x9d: {  	[timem:s7], [sflag:s22] =	dma.local [hbm:s5], s20  }
0x9e: {  	_ =	swait.ge [sflag:s22], s20  }
0x9f: {  	s4 =	ssub.s32 $0x0, s20;
	[sflag:s22] =	ssyncset.done $0x0  }
0xa0: {  	[sflag:s22] =	ssyncadd.s32 s4;
	_ =	sdelay $0x1  }
0xa1: {  	s23 =	simm.s32 $0x1B8B  }
0xa2: {  	_ =	swait.ge [sflag:s23], $0x1  }
0xa3: {  	[sflag:s23] =	ssyncset.done $0x0  }
0xa4: {  	s25 =	simm.s32 $0x1B8E;
	s24 =	sld [smem:$0x3FFE];
	[sflag:s23] =	ssyncadd.s32 $0xFFFFFFFF  }
0xa5: {  	s26 =	simm.s32 $execute0_lowered;
	[smem:$0x3FD2] =	sst s25  }
0xa6: {  	s5 =	sshll.u32 s26, $0x1;
	_ =	strace $0x80000049;
	[dreg:$0x1] =	wrdreg $0xFFFFFFFF  }
0xa7: {  	s28 =	simm.s32 $_size_execute0_lowered;
	s3 =	sadd.s32 s3, s5;
	[dreg:$0x0] =	wrdreg $0x0  }
0xa8: {  	s5 =	sshll.u32 s28, $0x1;
	[dreg:$0x2] =	wrdreg s3  }
0xa9: {  	[dreg:$0x3] =	wrdreg s5  }
0xaa: {  	[dreg:$0x4] =	wrdreg $0xC0  }
0xab: {  	_ =	task [dreg:s7], $0x5FFFF  }
0xac: {  	[dreg:$0x1] =	wrdreg $0xFFFFFFFF  }
0xad: {  	[dreg:$0x0] =	wrdreg $0x60  }
0xae: {  	[dreg:$0x2] =	wrdreg s2  }
0xaf: {  	[dreg:$0x3] =	wrdreg s24  }
0xb0: {  	[dreg:$0x4] =	wrdreg $0x9  }
0xb1: {  	_ =	task.clear_ibuf [dreg:s7], $0x5FFFF;
	_ =	strace $0x90000049  }
0xb2: {  	s29 =	simm.s32 $0x9;
	_ =	strace $0x8000004B  }
0xb3: {  	_ =	swait.ge [sflag:s29], $0x1  }
0xb4: {  	[sflag:s29] =	ssyncadd.s32 $0xFFFFFFFF  }
0xb5: {  	_ =	strace $0x9000004B  }
0xb6: {  	_ =	sfence  }
0xb7: {  	s30 =	sld [smem:$0x0];
	_ =	sdelay $0x2  }
0xb8: {  	s31 =	sshll.u32 s1, $0xD;
	s1 =	sshrl.u32 s1, $0x2  }
0xb9: {  	s3 =	sand.u32 $0x4000, s31;
	s1 =	sadd.s32 s1, s30  }
0xba: {  	s0 =	sor.u32 s3, s0;
	s1 =	sshll.u32 s1, $0x11  }
0xbb: {  	s0 =	sor.u32 s1, s0  }
0xbc: {  	s0 =	sadd.s32 $0x8F2B, s0  }
0xbd: {  	[sflag:s0] =	ssyncadd.remote.s32 $0x1  }
0xbe: {  	_ =	sfence.sel $0xFFFF  }
0xbf: {  	[dreg:$0x0] =	wrdreg $0xFFFFFFFF;
	(pc) =	sbr.abs _section_cstart, $3  }
0xc0: {  	[dreg:$0x1] =	wrdreg $0xFFFFFFFF  }
0xc1: {  	_ =	task.clear_ibuf [dreg:s7], $0x2FFFF;
	_ =	strace $0x9FFFFFFF  }
0xc2: {  	(tm) =	ssettm $0x7FFFFFFF  }
0xc3: {  	_ =	shalt  }
tec
execute0_lowered:
.L_overlay_start_1:
0x0: {  	(tag) =	ssettag $0x1  }
0x1: {  	s2 =	rddreg [dreg:$0x0];
	s1 =	srdreg.scid  }
0x2: {  	s0 =	stileid.u32;
	s4 =	rddreg [dreg:$0x1];
	s3 =	simm.s32 $0x0  }
0x3: {  	s11 =	simm.s32 $0x0;
	s5 =	sand.u32 $0x1, s1;
	s1 =	rddreg [dreg:$0x2]  }
0x4: {  	s6 =	sshll.u32 s0, $0x1;
	[smem:$0x7FF] =	sst s3;
	s7 =	smul.u32 $0x4E200, s0  }
0x5: {  	s6 =	sor.u32 s5, s6;
	s8 =	ssub.s32 $0x2, s5;
	s10 =	smul.u32 $0x27100, s5  }
0x6: {  	_ =	strace $0x8000004A;
	s6 =	smul.u32 $0x2710, s6;
	s9 =	sshrl.u32 s8, $0x1  }
0x7: {  	s30 =	sadd.s32 s7, s4;
	s7 =	simm.s32 $0x2;
	s31 =	ssub.s32 s8, s9  }
0x8: {  	s8 =	simm.s32 $0x190;
	s9 =	simm.s32 $0x2780;
	s6 =	sshrl.u32 s6, $0x3  }
0x9: {  	s5 =	smax.u32 s31, $0x1;
	s29 =	sadd.s32 s6, s4;
	s6 =	sadd.s32 s10, s30  }
0xa: {  	s10 =	simm.s32 $0x1;
	s4 =	sadd.s32 $0x5600, s29;
	s6 =	sadd.s32 $0x67600, s6  }
.LBB2_1:
0xb: {  	[tilespmem:s3], [sflag:$0x2] =	stream.linear.gather [hbm4b:s4+s3], $0x2710, $0x38;
	[tilespmem:$0xEF80] =	vst v63  }
0xc: {  	_ =	swait.ge [sflag:s7], $0x2710  }
0xd: {  	[sflag:s7] =	ssyncset.done $0x0  }
0xe: {  	s12 =	simm.s32 $0x0;
	[sflag:s7] =	ssyncadd.s32 $0xFFFFD8F0  }
0xf: {  	[tilespmem:s9], [sflag:$0x1] =	stream.indirect.gather [hbm4b:s2+s8], $0x80, s12, s8, $0xb8;
	[tilespmem:$0xEF80] =	vst v63  }
0x10: {  	_ =	swait.ge [sflag:s10], $0xC800  }
0x11: {  	[sflag:s10] =	ssyncset.done $0x0  }
0x12: {  	[sflag:s10] =	ssyncadd.s32 $0xFFFF3800  }
0x13: {  	[hbm4b:s6+s3] =	stream.linear.scatter [tilespmem:s9], [sflag:$0x2], $0xC800, $0x38;
	[tilespmem:$0xEF80] =	vst v63  }
0x14: {  	s13 =	simm.s32 $0x640;
	_ =	swait.ge [sflag:s7], $0xC800  }
0x15: {  	s14 =	simm.s32 $0xC80;
	s12 =	sadd.s32 $0x1900, s6;
	[sflag:s7] =	ssyncset.done $0x0  }
.LBB2_2:
0x16: {  	s15 =	sshra.s32 s13, $0x2  }
0x17: {  	[sflag:s7] =	ssyncadd.s32 $0xFFFF3800;
	s13 =	smov.u32 s14;
	s16 =	sadd.s32 $0x640, s14  }
0x18: {  	[tilespmem:s9], [sflag:$0x1] =	stream.indirect.gather [hbm4b:s2+s8], $0x80, s15, s8, $0xb8;
	[tilespmem:$0xEF80] =	vst v63  }
0x19: {  	p0 =	sne.s32 s14, $0x9600;
	_ =	swait.ge [sflag:s10], $0xC800  }
.Ltmp0:
0x1a: {  	[sflag:s10] =	ssyncset.done $0x0;
	(pc) =	sbr.rel @p0 .LBB2_2-.Ltmp0, $4  }
0x1b: {  	[sflag:s10] =	ssyncadd.s32 $0xFFFF3800  }
0x1c: {  	[hbm4b:s12+s3] =	stream.linear.scatter [tilespmem:s9], [sflag:$0x2], $0xC800, $0x38;
	[tilespmem:$0xEF80] =	vst v63  }
0x1d: {  	_ =	swait.ge [sflag:s7], $0xC800  }
0x1e: {  	s14 =	smov.u32 s16;
	s12 =	sadd.s32 $0x1900, s12;
	[sflag:s7] =	ssyncset.done $0x0  }
0x1f: {  	s13 =	sshra.s32 s13, $0x2;
	[sflag:s7] =	ssyncadd.s32 $0xFFFF3800  }
0x20: {  	[tilespmem:s9], [sflag:$0x1] =	stream.indirect.gather [hbm4b:s2+s8], $0x80, s13, s8, $0xb8;
	[tilespmem:$0xEF80] =	vst v63  }
0x21: {  	s11 =	sadd.s32 $0x1, s11;
	_ =	swait.ge [sflag:s10], $0xC800  }
0x22: {  	p0 =	sne.s32 s11, s5;
	[sflag:s10] =	ssyncset.done $0x0  }
.Ltmp1:
0x23: {  	[sflag:s10] =	ssyncadd.s32 $0xFFFF3800;
	(pc) =	sbr.rel @p0 .LBB2_1-.Ltmp1, $4  }
0x24: {  	[hbm4b:s12+s3] =	stream.linear.scatter [tilespmem:s9], [sflag:$0x2], $0xC800, $0x38;
	[tilespmem:$0xEF80] =	vst v63  }
0x25: {  	_ =	swait.ge [sflag:s7], $0xC800  }
0x26: {  	[sflag:s7] =	ssyncset.done $0x0  }
0x27: {  	[sflag:s7] =	ssyncadd.s32 $0xFFFF3800  }
0x28: {  	_ =	sfence.sel $0x180000  }
0x29: {  	[bflag:$0x0] =	sbarrier.arrive $0xFFFF  }
0x2a: {  	p0 =	sne.s32 s0, $0x0;
	_ =	strace $0x9000004A  }
0x2b: {  	s0 =	sadd.s32 @!p0 $0x100000, s1;
	[bflag:$0x2] =	sbarrier.arrive $0xFFFF  }
0x2c: {  	[sflag:s0] =	ssyncadd.tile.s32 @!p0 $0x1;
	_ =	shalt  }
.Lfunc_end2:
_tile_overlayer_lowered:
.L_overlay_start_2:
0x2d: {  	(tag) =	ssettag $0x2  }
0x2e: {  	s0 =	rddreg [dreg:$0x0];
	s2 =	stileid.u32  }
0x2f: {  	s1 =	rddreg [dreg:$0x1];
	p0 =	sne.s32 s2, $0x0  }
0x30: {  	s3 =	rddreg [dreg:$0x2];
	[bflag:$0x3] =	sbarrier.arrive $0xFFFF;
	s2 =	simm.s32 @!p0 $0x1C02  }
0x31: {  	[timem:s3], [sflag:s2] =	dma.local @!p0 [hbm:s0], s1  }
0x32: {  	s0 =	simm.s32 @!p0 $0x2  }
0x33: {  	_ =	swait.ge @!p0 [sflag:s0], s1  }
0x34: {  	s1 =	ssub.s32 @!p0 $0x0, s1;
	[sflag:s0] =	ssyncset.done @!p0 $0x0  }
0x35: {  	[sflag:s0] =	ssyncadd.s32 @!p0 s1  }
0x36: {  	[bflag:$0x3] =	sbarrier.arrive $0xFFFF  }
0x37: {  	_ =	shalt  }

// kernel: kernel.23.cloned.1.call-start
scs
__scs_entry_jumppad:
0x0: {  	(pc) =	sbr.rel $0x88, $3  }
0x1: {  	(tag) =	ssettag $0x0;
	lr =	simm.s32 $0x1  }
0x2: {  	[smem:$0x3F8B] =	sst lr;
	_ =	strace $0xD0000000  }
0x3: {  	_ = 	snop  }
0x4: {  	_ = 	snop  }
0x5: {  	_ = 	snop  }
0x6: {  	_ = 	snop  }
0x7: {  	_ = 	snop  }
__scs_overlays_trampoline_lowered:
0x8: {  	[smem:$0x3F9A] =	sst s0  }
0x9: {  	[smem:$0x3F9B] =	sst s1  }
0xa: {  	[smem:$0x3F9C] =	sst s2  }
0xb: {  	[smem:$0x3F9D] =	sst s3  }
0xc: {  	[smem:$0x3F9E] =	sst s4  }
0xd: {  	[smem:$0x3F9F] =	sst s5  }
0xe: {  	[smem:$0x3FA0] =	sst s6  }
0xf: {  	[smem:$0x3FA1] =	sst s7  }
0x10: {  	[smem:$0x3FA2] =	sst s8  }
0x11: {  	[smem:$0x3FA3] =	sst s9;
	s0 =	simm.s32 @!p0 $0x0  }
0x12: {  	s1 =	sld [smem:$0x3F89];
	s0 =	simm.s32 @p0 $0x1  }
0x13: {  	[smem:$0x3FA4] =	sst s0;
	s0 =	simm.s32 @!p1 $0x0  }
0x14: {  	s2 =	sld [smem:$0x3F88];
	s0 =	simm.s32 @p1 $0x1  }
0x15: {  	[smem:$0x3FA5] =	sst s0;
	s0 =	simm.s32 @!p2 $0x0  }
0x16: {  	s3 =	sld [smem:$0x3FDB];
	s0 =	simm.s32 @p2 $0x1  }
0x17: {  	s4 =	simm.s32 $0x1BF5;
	[smem:$0x3FA7] =	sst s0  }
0x18: {  	s0 =	sld [smem:$0x3F8A];
	_ =	swait.ge [sflag:s4], $0x0  }
0x19: {  	s7 =	sld [smem:$0x3F8B]  }
0x1a: {  	s8 =	sadd.s32 $0xFFFFE003, lr  }
0x1b: {  	s9 =	sadd.s32 $0xFFFFFEF7, lr;
	s5 =	simm.s32 $0xFFFFFFFF;
	p2 =	slt.u32 s8, $0xFFFFF086  }
0x1c: {  	p1 =	slt.u32 s9, $0xF7A;
	s5 =	simm.s32 @!p2 $0x0  }
0x1d: {  	s5 =	simm.s32 @p1 $0x1;
	p0 =	seq.s32 s7, s2  }
0x1e: {  	s7 =	smul.u32 @!p0 $0xF7A, s2;
	p2 =	seq.s32 @!p0 s5, $0x0  }
0x1f: {  	s9 =	smul.u32 $0xF7A, s1;
	s8 =	simm.s32 @!p0 $0x1BF5;
	p2 =	por !p2, p0  }
0x20: {  	[sflag:s8] =	ssyncset.s32 @!p0 $0xFFFFF086;
	s6 =	sadd.s32 @!p0 s3, s7;
	s7 =	simm.s32 @!p0 $0x108  }
0x21: {  	s3 =	sadd.s32 s3, s9;
	s6 =	sadd.s32 @!p0 $0x88, s6;
	s7 =	simm.s32 @p2 $0x1082  }
0x22: {  	[simem:s7], [sflag:s8] =	dma.local @!p0 [hbm:s6], $0xF7A  }
0x23: {  	s9 =	sor.u32 $0xD0000000, s2;
	s6 =	simm.s32 $0x108;
	_ =	swait.ge @!p0 [sflag:s8], $0x0  }
0x24: {  	s3 =	sadd.s32 $0x88, s3;
	s6 =	simm.s32 @!p1 $0x1082;
	[sflag:s4] =	ssyncset.s32 $0xFFFFF086  }
0x25: {  	[simem:s6], [sflag:s4] =	dma.local [hbm:s3], $0xF7A  }
0x26: {  	[smem:$0x3F8B] =	sst s1;
	(tag) =	ssettag s2;
	_ =	strace s9  }
0x27: {  	s1 =	sld [smem:$0x3F9B]  }
0x28: {  	s2 =	sld [smem:$0x3F9C]  }
0x29: {  	s4 =	sld [smem:$0x3F9E]  }
0x2a: {  	p0 =	seq.s32 s5, $0x0;
	s5 =	sld [smem:$0x3F9F]  }
0x2b: {  	s6 =	sld [smem:$0x3FA0]  }
0x2c: {  	s7 =	sld [smem:$0x3FA1]  }
0x2d: {  	s3 =	simm.s32 $0x108;
	s8 =	sld [smem:$0x3FA2]  }
0x2e: {  	s3 =	simm.s32 @!p0 $0x1082;
	s9 =	sld [smem:$0x3FA3]  }
0x2f: {  	lr =	sadd.s32 s0, s3;
	s0 =	sld [smem:$0x3F9A]  }
0x30: {  	s3 =	sld [smem:$0x3F9D]  }
0x31: {  	[smem:$0x3FA6] =	sst s10  }
0x32: {  	s10 =	sld [smem:$0x3FA4];
	_ =	sdelay $0x3  }
0x33: {  	p0 =	seq.s32 s10, $0x1;
	s10 =	sld [smem:$0x3FA6];
	_ =	sdelay $0x3  }
0x34: {  	[smem:$0x3FA6] =	sst s10  }
0x35: {  	s10 =	sld [smem:$0x3FA5];
	_ =	sdelay $0x3  }
0x36: {  	p1 =	seq.s32 s10, $0x1;
	s10 =	sld [smem:$0x3FA6];
	_ =	sdelay $0x3  }
0x37: {  	[smem:$0x3FA6] =	sst s10  }
0x38: {  	s10 =	sld [smem:$0x3FA7]  }
0x39: {  	_ = 	snop;
	(pc) =	sbr.ind lr, $3  }
0x3a: {  	_ = 	snop  }
0x3b: {  	_ = 	snop  }
0x3c: {  	p2 =	seq.s32 s10, $0x1;
	s10 =	sld [smem:$0x3FA6]  }
0x3d: {  	_ =	shalt  }
0x3e: {  	_ =	shalt  }
0x3f: {  	_ =	shalt  }
0x40: {  	_ =	shalt  }
0x41: {  	_ =	shalt  }
0x42: {  	_ =	shalt  }
0x43: {  	_ =	shalt  }
0x44: {  	_ =	shalt  }
0x45: {  	_ =	shalt  }
0x46: {  	_ =	shalt  }
0x47: {  	_ =	shalt  }
0x48: {  	_ =	shalt  }
0x49: {  	_ =	shalt  }
0x4a: {  	_ =	shalt  }
0x4b: {  	_ =	shalt  }
0x4c: {  	_ =	shalt  }
0x4d: {  	_ =	shalt  }
0x4e: {  	_ =	shalt  }
0x4f: {  	_ =	shalt  }
0x50: {  	_ =	shalt  }
0x51: {  	_ =	shalt  }
0x52: {  	_ =	shalt  }
0x53: {  	_ =	shalt  }
0x54: {  	_ =	shalt  }
0x55: {  	_ =	shalt  }
0x56: {  	_ =	shalt  }
0x57: {  	_ =	shalt  }
0x58: {  	_ =	shalt  }
0x59: {  	_ =	shalt  }
0x5a: {  	_ =	shalt  }
0x5b: {  	_ =	shalt  }
0x5c: {  	_ =	shalt  }
0x5d: {  	_ =	shalt  }
0x5e: {  	_ =	shalt  }
0x5f: {  	_ =	shalt  }
0x60: {  	_ =	shalt  }
0x61: {  	_ =	shalt  }
0x62: {  	_ =	shalt  }
0x63: {  	_ =	shalt  }
0x64: {  	_ =	shalt  }
0x65: {  	_ =	shalt  }
0x66: {  	_ =	shalt  }
0x67: {  	_ =	shalt  }
0x68: {  	_ =	shalt  }
0x69: {  	_ =	shalt  }
0x6a: {  	_ =	shalt  }
0x6b: {  	_ =	shalt  }
0x6c: {  	_ =	shalt  }
0x6d: {  	_ =	shalt  }
0x6e: {  	_ =	shalt  }
0x6f: {  	_ =	shalt  }
0x70: {  	_ =	shalt  }
0x71: {  	_ =	shalt  }
0x72: {  	_ =	shalt  }
0x73: {  	_ =	shalt  }
0x74: {  	_ =	shalt  }
0x75: {  	_ =	shalt  }
0x76: {  	_ =	shalt  }
0x77: {  	_ =	shalt  }
0x78: {  	_ =	shalt  }
0x79: {  	_ =	shalt  }
0x7a: {  	_ =	shalt  }
0x7b: {  	_ =	shalt  }
0x7c: {  	_ =	shalt  }
0x7d: {  	_ =	shalt  }
0x7e: {  	_ =	shalt  }
0x7f: {  	_ =	shalt  }
0x80: {  	_ =	shalt  }
0x81: {  	_ =	shalt  }
0x82: {  	_ =	shalt  }
0x83: {  	_ =	shalt  }
0x84: {  	_ =	shalt  }
0x85: {  	_ =	shalt  }
0x86: {  	_ =	shalt  }
0x87: {  	_ =	shalt  }
.Lfunc_end0:
.L_simem_size_0:
called_computation.2_lowered:
.L_overlay_start_0:
0x88: {  	s2 =	sld [smem:$0x3FD9]  }
0x89: {  	s3 =	sld [smem:$0x3FFE];
	_ =	sdelay $0x1  }
0x8a: {  	s1 =	srdreg.scid  }
0x8b: {  	s0 =	sand.u32 $0x1, s1  }
0x8c: {  	s16 =	sshll.u32 s0, $0xA;
	s2 =	sadd.s32 s3, s2  }
0x8d: {  	s2 =	sadd.s32 s2, s16  }
0x8e: {  	[smem:$0x3FB2] =	sst s2  }
0x8f: {  	_ = 	snop  }
0x90: {  	(tm) =	ssettm $0x1  }
0x91: {  	s17 =	sld [smem:$0x3FFB];
	_ =	sdelay $0x3  }
0x92: {  	_ =	strace s17  }
0x93: {  	s2 =	sld [smem:$0x3FFC];
	_ =	sdelay $0x3  }
0x94: {  	_ =	strace s2  }
0x95: {  	s2 =	sld [smem:$0x3FFD];
	_ =	sdelay $0x3  }
0x96: {  	_ =	strace s2  }
0x97: {  	_ =	strace $0x8FFFFFFF  }
0x98: {  	s18 =	sld [smem:$0x3FDB];
	_ =	sdelay $0x1  }
0x99: {  	s19 =	simm.s32 $_scs_section_size  }
0x9a: {  	s4 =	simm.s32 $_size__tile_overlayer_lowered;
	s5 =	simm.s32 $_tile_overlayer_lowered  }
0x9b: {  	s22 =	simm.s32 $0x1BFF;
	s21 =	sshll.u32 s5, $0x1;
	s2 =	sadd.s32 s19, s18  }
0x9c: {  	s6 =	simm.s32 $0x0;
	s20 =	sshll.u32 s4, $0x1;
	s4 =	sadd.s32 s21, s2  }
0x9d: {  	[timem:s6], [sflag:s22] =	dma.local [hbm:s4], s20  }
0x9e: {  	_ =	swait.ge [sflag:s22], s20  }
0x9f: {  	s3 =	ssub.s32 $0x0, s20;
	[sflag:s22] =	ssyncset.done $0x0  }
0xa0: {  	[sflag:s22] =	ssyncadd.s32 s3;
	_ =	sdelay $0x1  }
0xa1: {  	s23 =	simm.s32 $0x1B8B  }
0xa2: {  	_ =	swait.ge [sflag:s23], $0x1  }
0xa3: {  	[sflag:s23] =	ssyncset.done $0x0  }
0xa4: {  	s25 =	simm.s32 $0x1B8E;
	s24 =	sld [smem:$0x3FFE];
	[sflag:s23] =	ssyncadd.s32 $0xFFFFFFFF  }
0xa5: {  	s26 =	simm.s32 $execute0_lowered;
	[smem:$0x3FD2] =	sst s25  }
0xa6: {  	s4 =	sshll.u32 s26, $0x1;
	_ =	strace $0x8000004C;
	[dreg:$0x1] =	wrdreg $0xFFFFFFFF  }
0xa7: {  	s28 =	simm.s32 $_size_execute0_lowered;
	s2 =	sadd.s32 s2, s4;
	[dreg:$0x0] =	wrdreg $0x0  }
0xa8: {  	s4 =	sshll.u32 s28, $0x1;
	[dreg:$0x2] =	wrdreg s2  }
0xa9: {  	[dreg:$0x3] =	wrdreg s4  }
0xaa: {  	[dreg:$0x4] =	wrdreg $0xC0  }
0xab: {  	_ =	task [dreg:s6], $0x5FFFF  }
0xac: {  	[dreg:$0x1] =	wrdreg $0xFFFFFFFF  }
0xad: {  	[dreg:$0x0] =	wrdreg $0x60  }
0xae: {  	[dreg:$0x2] =	wrdreg s24  }
0xaf: {  	[dreg:$0x3] =	wrdreg $0x75000  }
0xb0: {  	[dreg:$0x4] =	wrdreg $0xA  }
0xb1: {  	_ =	task.clear_ibuf [dreg:s6], $0x5FFFF;
	_ =	strace $0x9000004C  }
0xb2: {  	s29 =	simm.s32 $0xA;
	_ =	strace $0x8000004E  }
0xb3: {  	_ =	swait.ge [sflag:s29], $0x1  }
0xb4: {  	[sflag:s29] =	ssyncadd.s32 $0xFFFFFFFF  }
0xb5: {  	_ =	strace $0x9000004E  }
0xb6: {  	_ =	sfence  }
0xb7: {  	s30 =	sld [smem:$0x0];
	_ =	sdelay $0x2  }
0xb8: {  	s31 =	sshll.u32 s1, $0xD;
	s1 =	sshrl.u32 s1, $0x2  }
0xb9: {  	s3 =	sand.u32 $0x4000, s31;
	s1 =	sadd.s32 s1, s30  }
0xba: {  	s0 =	sor.u32 s3, s0;
	s1 =	sshll.u32 s1, $0x11  }
0xbb: {  	s0 =	sor.u32 s1, s0  }
0xbc: {  	s0 =	sadd.s32 $0x8F2B, s0  }
0xbd: {  	[sflag:s0] =	ssyncadd.remote.s32 $0x1  }
0xbe: {  	_ =	sfence.sel $0xFFFF  }
0xbf: {  	[dreg:$0x0] =	wrdreg $0xFFFFFFFF;
	(pc) =	sbr.abs _section_cstart, $3  }
0xc0: {  	[dreg:$0x1] =	wrdreg $0xFFFFFFFF  }
0xc1: {  	_ =	task.clear_ibuf [dreg:s6], $0x2FFFF;
	_ =	strace $0x9FFFFFFF  }
0xc2: {  	(tm) =	ssettm $0x7FFFFFFF  }
0xc3: {  	_ =	shalt  }
tec
execute0_lowered:
.L_overlay_start_1:
0x0: {  	(tag) =	ssettag $0x1  }
0x1: {  	s29 =	stileid.u32  }
0x2: {  	s0 =	srdreg.scid;
	s2 =	smul.u32 $0x4E20, s29  }
0x3: {  	s4 =	rddreg [dreg:$0x0];
	s21 =	smul.u32 $0x4E200, s29  }
0x4: {  	s1 =	simm.s32 $0x0;
	s0 =	sand.u32 $0x1, s0;
	s24 =	smul.u32 $0x14000, s29  }
0x5: {  	s23 =	sadd.s32 $0x549600, s4;
	s3 =	smul.u32 $0x2710, s0;
	s22 =	ssub.s32 $0x2, s0  }
0x6: {  	s20 =	sadd.s32 s21, s4;
	s25 =	sshrl.u32 s22, $0x1;
	s5 =	sadd.s32 $0x4000, s24  }
0x7: {  	s6 =	sadd.s32 $0x5000, s24;
	s7 =	sadd.s32 $0x6000, s24;
	s8 =	sadd.s32 $0x7000, s24  }
0x8: {  	s9 =	sadd.s32 $0x8000, s24;
	s10 =	sadd.s32 $0x9000, s24;
	s11 =	sadd.s32 $0xA000, s24  }
0x9: {  	s13 =	sadd.s32 $0xB000, s24;
	s14 =	sadd.s32 $0xC000, s24;
	s16 =	sadd.s32 $0xD000, s24  }
0xa: {  	s17 =	sadd.s32 $0xE000, s24;
	s18 =	sadd.s32 $0xF000, s24;
	s2 =	sadd.s32 s3, s2  }
0xb: {  	s19 =	sadd.s32 $0x10000, s24;
	s21 =	sadd.s32 $0x11000, s24;
	s2 =	sshrl.u32 s2, $0x3  }
0xc: {  	s15 =	ssub.s32 s22, s25;
	s25 =	smul.u32 $0x140000, s0;
	s2 =	sadd.s32 s2, s4  }
0xd: {  	s12 =	sadd.s32 $0x13000, s24;
	[dreg:$0x1b] =	wrdreg s2;
	s2 =	sor.u32 $0x1000, s24  }
0xe: {  	s3 =	sor.u32 $0x2000, s24;
	s22 =	sadd.s32 $0x12000, s24;
	s26 =	sadd.s32 s25, s2  }
0xf: {  	s4 =	sor.u32 $0x3000, s24;
	s28 =	sadd.s32 s25, s3;
	s26 =	sshrl.u32 s26, $0x3  }
0x10: {  	s24 =	sadd.s32 s24, s25;
	s28 =	sshrl.u32 s28, $0x3;
	s26 =	sadd.s32 s23, s26  }
0x11: {  	s24 =	sshrl.u32 s24, $0x3;
	[dreg:$0x4] =	wrdreg s26;
	s26 =	sadd.s32 s23, s28  }
0x12: {  	s24 =	sadd.s32 s23, s24;
	[dreg:$0x5] =	wrdreg s26;
	s26 =	sadd.s32 s25, s5  }
0x13: {  	[dreg:$0x3] =	wrdreg s24;
	s28 =	sadd.s32 s25, s6;
	s26 =	sshrl.u32 s26, $0x3  }
0x14: {  	s24 =	sadd.s32 s25, s4;
	s28 =	sshrl.u32 s28, $0x3;
	s26 =	sadd.s32 s23, s26  }
0x15: {  	s24 =	sshrl.u32 s24, $0x3;
	[dreg:$0x7] =	wrdreg s26;
	s26 =	sadd.s32 s23, s28  }
0x16: {  	s24 =	sadd.s32 s23, s24;
	[dreg:$0x8] =	wrdreg s26;
	s26 =	sadd.s32 s25, s8  }
0x17: {  	[dreg:$0x6] =	wrdreg s24;
	s28 =	sadd.s32 s25, s9;
	s26 =	sshrl.u32 s26, $0x3  }
0x18: {  	s24 =	sadd.s32 s25, s7;
	s28 =	sshrl.u32 s28, $0x3;
	s26 =	sadd.s32 s23, s26  }
0x19: {  	s24 =	sshrl.u32 s24, $0x3;
	[dreg:$0xa] =	wrdreg s26;
	s26 =	sadd.s32 s23, s28  }
0x1a: {  	s24 =	sadd.s32 s23, s24;
	[dreg:$0xb] =	wrdreg s26;
	s26 =	sadd.s32 s25, s11  }
0x1b: {  	[dreg:$0x9] =	wrdreg s24;
	s28 =	sadd.s32 s25, s13;
	s26 =	sshrl.u32 s26, $0x3  }
0x1c: {  	s24 =	sadd.s32 s25, s10;
	s28 =	sshrl.u32 s28, $0x3;
	s26 =	sadd.s32 s23, s26  }
0x1d: {  	s24 =	sshrl.u32 s24, $0x3;
	[dreg:$0xd] =	wrdreg s26;
	s26 =	sadd.s32 s23, s28  }
0x1e: {  	s24 =	sadd.s32 s23, s24;
	[dreg:$0xe] =	wrdreg s26;
	s26 =	sadd.s32 s25, s16  }
0x1f: {  	[dreg:$0xc] =	wrdreg s24;
	s28 =	sadd.s32 s25, s17;
	s26 =	sshrl.u32 s26, $0x3  }
0x20: {  	s24 =	sadd.s32 s25, s14;
	s28 =	sshrl.u32 s28, $0x3;
	s26 =	sadd.s32 s23, s26  }
0x21: {  	s24 =	sshrl.u32 s24, $0x3;
	[dreg:$0x10] =	wrdreg s26;
	s26 =	sadd.s32 s23, s28  }
0x22: {  	s24 =	sadd.s32 s23, s24;
	[dreg:$0x11] =	wrdreg s26;
	s26 =	sadd.s32 s25, s19  }
0x23: {  	[dreg:$0xf] =	wrdreg s24;
	s28 =	sadd.s32 s25, s21;
	s26 =	sshrl.u32 s26, $0x3  }
0x24: {  	s24 =	sadd.s32 s25, s18;
	s28 =	sshrl.u32 s28, $0x3;
	s26 =	sadd.s32 s23, s26  }
0x25: {  	s24 =	sshrl.u32 s24, $0x3;
	[dreg:$0x13] =	wrdreg s26;
	s26 =	sadd.s32 s23, s28  }
0x26: {  	s24 =	sadd.s32 s23, s24;
	[dreg:$0x14] =	wrdreg s26;
	s26 =	sadd.s32 s25, s22  }
0x27: {  	[dreg:$0x12] =	wrdreg s24;
	s25 =	sadd.s32 s25, s12;
	s24 =	sshrl.u32 s26, $0x3  }
0x28: {  	[smem:$0x7FF] =	sst s1;
	s25 =	sshrl.u32 s25, $0x3;
	s24 =	sadd.s32 s23, s24  }
0x29: {  	s0 =	smul.u32 $0x27100, s0;
	s23 =	sadd.s32 s23, s25;
	[dreg:$0x15] =	wrdreg s24  }
0x2a: {  	s26 =	smul.u32 $0x50000, s29;
	[dreg:$0x16] =	wrdreg s23  }
0x2b: {  	s25 =	sadd.s32 s0, s20;
	s23 =	rddreg [dreg:$0x1]  }
0x2c: {  	s26 =	sshrl.u32 s26, $0x2;
	s24 =	sadd.s32 $0x67600, s25;
	_ =	strace $0x8000004D  }
0x2d: {  	s26 =	sadd.s32 s26, s23;
	s28 =	sadd.s32 s2, s23;
	s29 =	sadd.s32 s3, s23  }
0x2e: {  	s30 =	sadd.s32 s4, s23;
	s31 =	sadd.s32 s5, s23;
	s20 =	sadd.s32 s6, s23  }
0x2f: {  	s0 =	sadd.s32 s7, s23;
	s2 =	sadd.s32 s8, s23;
	s3 =	sadd.s32 s9, s23  }
0x30: {  	s4 =	sadd.s32 s10, s23;
	s5 =	sadd.s32 s11, s23;
	s6 =	sadd.s32 s13, s23  }
0x31: {  	s7 =	sadd.s32 s14, s23;
	s11 =	sadd.s32 s19, s23;
	s19 =	sadd.s32 s21, s23  }
0x32: {  	s8 =	sadd.s32 s16, s23;
	s21 =	sadd.s32 s22, s23;
	[dreg:$0x17] =	wrdreg s19  }
0x33: {  	s9 =	sadd.s32 s17, s23;
	s12 =	sadd.s32 s12, s23;
	[dreg:$0x18] =	wrdreg s21  }
0x34: {  	s10 =	sadd.s32 s18, s23;
	s22 =	smax.u32 s15, $0x1;
	[dreg:$0x19] =	wrdreg s12  }
0x35: {  	s16 =	simm.s32 $0x6500;
	s17 =	simm.s32 $0x2;
	[dreg:$0x1a] =	wrdreg s22  }
0x36: {  	s18 =	simm.s32 $0x100;
	s25 =	rddreg [dreg:$0x1b];
	s19 =	simm.s32 $0x1  }
0x37: {  	v0 =	vimm.f32 $0.0e+00;
	s21 =	simm.s32 $0xC8;
	s22 =	simm.s32 $0x0;
	s15 =	sadd.s32 $0xF400, s25  }
.LBB2_1:
0x38: {  	s12 =	smov.u32 s11;
	s11 =	smov.u32 s10  }
0x39: {  	s10 =	smov.u32 s9;
	s9 =	smov.u32 s8;
	s8 =	smov.u32 s7  }
0x3a: {  	s7 =	smov.u32 s6;
	s6 =	smov.u32 s5;
	s5 =	smov.u32 s4  }
0x3b: {  	s4 =	smov.u32 s3;
	s3 =	smov.u32 s2;
	s2 =	smov.u32 s0  }
0x3c: {  	s0 =	smov.u32 s20;
	s20 =	smov.u32 s31;
	s31 =	smov.u32 s30  }
0x3d: {  	s30 =	smov.u32 s29;
	s29 =	smov.u32 s28;
	s13 =	sand.u32 $0x3E00, s1  }
0x3e: {  	s28 =	smov.u32 s26;
	s14 =	sand.u32 $0x70, s1;
	s25 =	sshrl.u32 s13, $0x2  }
0x3f: {  	s13 =	simm.s32 $0x40;
	s25 =	sor.u32 s14, s25;
	s14 =	simm.s32 $0x0  }
.LBB2_2:
0x40: {  	p0 =	sne.s32 s13, $0x3FC0  }
0x41: {  	[tilespmem:s25+$0x6500] =	vst v0;
	s14 =	sadd.s32 $0x10, s14;
	s25 =	smov.u32 s13;
	s13 =	sadd.s32 $0x40, s13  }
.Ltmp0:
0x42: {  	(pc) =	sbr.rel @p0 .LBB2_2-.Ltmp0, $4  }
0x43: {  	_ = 	snop  }
0x44: {  	s25 =	sand.u32 $0x3E00, s25  }
0x45: {  	s26 =	sand.u32 $0x70, s14;
	s25 =	sshrl.u32 s25, $0x2  }
0x46: {  	s25 =	sor.u32 s26, s25  }
0x47: {  	[tilespmem:s25+$0x6500] =	vst v0  }
0x48: {  	[spmem:s28] =	stream.linear.scatter [tilespmem:s16], [sflag:$0x2], $0x1000, $0x38;
	[tilespmem:$0x1B500] =	vst v63  }
0x49: {  	_ =	swait.ge [sflag:s17], $0x1000  }
0x4a: {  	[sflag:s17] =	ssyncset.done $0x0  }
0x4b: {  	[sflag:s17] =	ssyncadd.s32 $0xFFFFF000  }
0x4c: {  	[spmem:s29] =	stream.linear.scatter [tilespmem:s16], [sflag:$0x2], $0x1000, $0x38;
	[tilespmem:$0x1B500] =	vst v63  }
0x4d: {  	_ =	swait.ge [sflag:s17], $0x1000  }
0x4e: {  	[sflag:s17] =	ssyncset.done $0x0  }
0x4f: {  	[sflag:s17] =	ssyncadd.s32 $0xFFFFF000  }
0x50: {  	[spmem:s30] =	stream.linear.scatter [tilespmem:s16], [sflag:$0x2], $0x1000, $0x38;
	[tilespmem:$0x1B500] =	vst v63  }
0x51: {  	_ =	swait.ge [sflag:s17], $0x1000  }
0x52: {  	[sflag:s17] =	ssyncset.done $0x0  }
0x53: {  	[sflag:s17] =	ssyncadd.s32 $0xFFFFF000  }
0x54: {  	[spmem:s31] =	stream.linear.scatter [tilespmem:s16], [sflag:$0x2], $0x1000, $0x38;
	[tilespmem:$0x1B500] =	vst v63  }
0x55: {  	_ =	swait.ge [sflag:s17], $0x1000  }
0x56: {  	[sflag:s17] =	ssyncset.done $0x0  }
0x57: {  	[sflag:s17] =	ssyncadd.s32 $0xFFFFF000  }
0x58: {  	[spmem:s20] =	stream.linear.scatter [tilespmem:s16], [sflag:$0x2], $0x1000, $0x38;
	[tilespmem:$0x1B500] =	vst v63  }
0x59: {  	_ =	swait.ge [sflag:s17], $0x1000  }
0x5a: {  	[sflag:s17] =	ssyncset.done $0x0  }
0x5b: {  	[sflag:s17] =	ssyncadd.s32 $0xFFFFF000  }
0x5c: {  	[spmem:s0] =	stream.linear.scatter [tilespmem:s16], [sflag:$0x2], $0x1000, $0x38;
	[tilespmem:$0x1B500] =	vst v63  }
0x5d: {  	_ =	swait.ge [sflag:s17], $0x1000  }
0x5e: {  	[sflag:s17] =	ssyncset.done $0x0  }
0x5f: {  	[sflag:s17] =	ssyncadd.s32 $0xFFFFF000  }
0x60: {  	[spmem:s2] =	stream.linear.scatter [tilespmem:s16], [sflag:$0x2], $0x1000, $0x38;
	[tilespmem:$0x1B500] =	vst v63  }
0x61: {  	_ =	swait.ge [sflag:s17], $0x1000  }
0x62: {  	[sflag:s17] =	ssyncset.done $0x0  }
0x63: {  	[sflag:s17] =	ssyncadd.s32 $0xFFFFF000  }
0x64: {  	[spmem:s3] =	stream.linear.scatter [tilespmem:s16], [sflag:$0x2], $0x1000, $0x38;
	[tilespmem:$0x1B500] =	vst v63  }
0x65: {  	_ =	swait.ge [sflag:s17], $0x1000  }
0x66: {  	[sflag:s17] =	ssyncset.done $0x0  }
0x67: {  	[sflag:s17] =	ssyncadd.s32 $0xFFFFF000  }
0x68: {  	[spmem:s4] =	stream.linear.scatter [tilespmem:s16], [sflag:$0x2], $0x1000, $0x38;
	[tilespmem:$0x1B500] =	vst v63  }
0x69: {  	_ =	swait.ge [sflag:s17], $0x1000  }
0x6a: {  	[sflag:s17] =	ssyncset.done $0x0  }
0x6b: {  	[sflag:s17] =	ssyncadd.s32 $0xFFFFF000  }
0x6c: {  	[spmem:s5] =	stream.linear.scatter [tilespmem:s16], [sflag:$0x2], $0x1000, $0x38;
	[tilespmem:$0x1B500] =	vst v63  }
0x6d: {  	_ =	swait.ge [sflag:s17], $0x1000  }
0x6e: {  	[sflag:s17] =	ssyncset.done $0x0  }
0x6f: {  	[sflag:s17] =	ssyncadd.s32 $0xFFFFF000  }
0x70: {  	[spmem:s6] =	stream.linear.scatter [tilespmem:s16], [sflag:$0x2], $0x1000, $0x38;
	[tilespmem:$0x1B500] =	vst v63  }
0x71: {  	_ =	swait.ge [sflag:s17], $0x1000  }
0x72: {  	[sflag:s17] =	ssyncset.done $0x0  }
0x73: {  	[sflag:s17] =	ssyncadd.s32 $0xFFFFF000  }
0x74: {  	[spmem:s7] =	stream.linear.scatter [tilespmem:s16], [sflag:$0x2], $0x1000, $0x38;
	[tilespmem:$0x1B500] =	vst v63  }
0x75: {  	_ =	swait.ge [sflag:s17], $0x1000  }
0x76: {  	[sflag:s17] =	ssyncset.done $0x0  }
0x77: {  	[sflag:s17] =	ssyncadd.s32 $0xFFFFF000  }
0x78: {  	[spmem:s8] =	stream.linear.scatter [tilespmem:s16], [sflag:$0x2], $0x1000, $0x38;
	[tilespmem:$0x1B500] =	vst v63  }
0x79: {  	_ =	swait.ge [sflag:s17], $0x1000  }
0x7a: {  	[sflag:s17] =	ssyncset.done $0x0  }
0x7b: {  	[sflag:s17] =	ssyncadd.s32 $0xFFFFF000  }
0x7c: {  	[spmem:s9] =	stream.linear.scatter [tilespmem:s16], [sflag:$0x2], $0x1000, $0x38;
	[tilespmem:$0x1B500] =	vst v63  }
0x7d: {  	_ =	swait.ge [sflag:s17], $0x1000  }
0x7e: {  	[sflag:s17] =	ssyncset.done $0x0  }
0x7f: {  	[sflag:s17] =	ssyncadd.s32 $0xFFFFF000  }
0x80: {  	[spmem:s10] =	stream.linear.scatter [tilespmem:s16], [sflag:$0x2], $0x1000, $0x38;
	[tilespmem:$0x1B500] =	vst v63  }
0x81: {  	_ =	swait.ge [sflag:s17], $0x1000  }
0x82: {  	[sflag:s17] =	ssyncset.done $0x0  }
0x83: {  	[sflag:s17] =	ssyncadd.s32 $0xFFFFF000  }
0x84: {  	[spmem:s11] =	stream.linear.scatter [tilespmem:s16], [sflag:$0x2], $0x1000, $0x38;
	[tilespmem:$0x1B500] =	vst v63  }
0x85: {  	_ =	swait.ge [sflag:s17], $0x1000  }
0x86: {  	[sflag:s17] =	ssyncset.done $0x0  }
0x87: {  	[sflag:s17] =	ssyncadd.s32 $0xFFFFF000  }
0x88: {  	[spmem:s12] =	stream.linear.scatter [tilespmem:s16], [sflag:$0x2], $0x1000, $0x38;
	[tilespmem:$0x1B500] =	vst v63  }
0x89: {  	_ =	swait.ge [sflag:s17], $0x1000  }
0x8a: {  	[sflag:s17] =	ssyncset.done $0x0  }
0x8b: {  	s13 =	rddreg [dreg:$0x17];
	[sflag:s17] =	ssyncadd.s32 $0xFFFFF000  }
0x8c: {  	[spmem:s13] =	stream.linear.scatter [tilespmem:s16], [sflag:$0x2], $0x1000, $0x38;
	[tilespmem:$0x1B500] =	vst v63  }
0x8d: {  	_ =	swait.ge [sflag:s17], $0x1000  }
0x8e: {  	[sflag:s17] =	ssyncset.done $0x0  }
0x8f: {  	s14 =	rddreg [dreg:$0x18];
	[sflag:s17] =	ssyncadd.s32 $0xFFFFF000  }
0x90: {  	[spmem:s14] =	stream.linear.scatter [tilespmem:s16], [sflag:$0x2], $0x1000, $0x38;
	[tilespmem:$0x1B500] =	vst v63  }
0x91: {  	_ =	swait.ge [sflag:s17], $0x1000  }
0x92: {  	[sflag:s17] =	ssyncset.done $0x0  }
0x93: {  	s25 =	rddreg [dreg:$0x19];
	[sflag:s17] =	ssyncadd.s32 $0xFFFFF000  }
0x94: {  	[spmem:s25] =	stream.linear.scatter [tilespmem:s16], [sflag:$0x2], $0x1000, $0x38;
	[tilespmem:$0x1B500] =	vst v63  }
0x95: {  	_ =	swait.ge [sflag:s17], $0x1000  }
0x96: {  	[sflag:s17] =	ssyncset.done $0x0  }
0x97: {  	[sflag:s17] =	ssyncadd.s32 $0xFFFFF000  }
0x98: {  	s26 =	smov.u32 s28;
	[bflag:$0x0] =	sbarrier.arrive $0xFFFF  }
0x99: {  	[tilespmem:s18], [sflag:$0x1] =	stream.linear.gather [hbm4b:s24+s1], $0x6400, $0x38;
	[tilespmem:$0x1B500] =	vst v63  }
0x9a: {  	s28 =	smov.u32 s29;
	s29 =	smov.u32 s30;
	s13 =	sadd.s32 $0x0, s15  }
0x9b: {  	[tilespmem:s1], [sflag:$0x2] =	stream.linear.gather [hbm4b:s13+s1], $0xC8, $0x38;
	[tilespmem:$0x1B500] =	vst v63  }
0x9c: {  	s30 =	smov.u32 s31;
	s31 =	smov.u32 s20;
	_ =	swait.ge [sflag:s17], $0xC8  }
0x9d: {  	s20 =	smov.u32 s0;
	s0 =	smov.u32 s2;
	[sflag:s17] =	ssyncset.done $0x0  }
0x9e: {  	s2 =	smov.u32 s3;
	s3 =	smov.u32 s4;
	[sflag:s17] =	ssyncadd.s32 $0xFFFFFF38  }
0x9f: {  	s4 =	smov.u32 s5;
	s5 =	smov.u32 s6;
	_ =	swait.ge [sflag:s19], $0x6400  }
0xa0: {  	s6 =	smov.u32 s7;
	s7 =	smov.u32 s8;
	[sflag:s19] =	ssyncset.done $0x0  }
0xa1: {  	s8 =	smov.u32 s9;
	s9 =	smov.u32 s10;
	[sflag:s19] =	ssyncadd.s32 $0xFFFF9C00  }
0xa2: {  	[spmem:s23] =	stream.indirect.scatter.add.f32 [tilespmem:s18], [sflag:$0x2], $0x80, s1, s21, $0xb8;
	[tilespmem:$0x1B500] =	vst v63  }
0xa3: {  	s10 =	smov.u32 s11;
	s11 =	smov.u32 s12;
	_ =	swait.ge [sflag:s17], $0x6400  }
0xa4: {  	s14 =	smov.u32 s24;
	s13 =	simm.s32 $0x19;
	[sflag:s17] =	ssyncset.done $0x0  }
.LBB2_4:
0xa5: {  	p0 =	sne.s32 s13, $0x4C9;
	[sflag:s17] =	ssyncadd.s32 $0xFFFF9C00;
	s14 =	sadd.s32 $0xC80, s14  }
0xa6: {  	[tilespmem:s18], [sflag:$0x1] =	stream.linear.gather [hbm4b:s14+s1], $0x6400, $0x38;
	[tilespmem:$0x1B500] =	vst v63  }
0xa7: {  	s25 =	sadd.s32 s13, s15;
	s13 =	sadd.s32 $0x19, s13  }
0xa8: {  	[tilespmem:s1], [sflag:$0x2] =	stream.linear.gather [hbm4b:s25+s1], $0xC8, $0x38;
	[tilespmem:$0x1B500] =	vst v63  }
0xa9: {  	_ =	swait.ge [sflag:s17], $0xC8  }
0xaa: {  	[sflag:s17] =	ssyncset.done $0x0  }
0xab: {  	[sflag:s17] =	ssyncadd.s32 $0xFFFFFF38  }
0xac: {  	_ =	swait.ge [sflag:s19], $0x6400  }
.Ltmp1:
0xad: {  	[sflag:s19] =	ssyncset.done $0x0;
	(pc) =	sbr.rel @p0 .LBB2_4-.Ltmp1, $4  }
0xae: {  	[sflag:s19] =	ssyncadd.s32 $0xFFFF9C00  }
0xaf: {  	[spmem:s23] =	stream.indirect.scatter.add.f32 [tilespmem:s18], [sflag:$0x2], $0x80, s1, s21, $0xb8;
	[tilespmem:$0x1B500] =	vst v63  }
0xb0: {  	_ =	swait.ge [sflag:s17], $0x6400  }
0xb1: {  	[sflag:s17] =	ssyncset.done $0x0  }
0xb2: {  	[sflag:s17] =	ssyncadd.s32 $0xFFFF9C00;
	s13 =	stileid.u32  }
0xb3: {  	s13 =	sshll.u32 s13, $0x6;
	[bflag:$0x0] =	sbarrier.arrive $0xFFFF  }
0xb4: {  	s14 =	sshrl.u32 s26, $0x3;
	s13 =	sor.u32 $0x1C02, s13;
	s25 =	rddreg [dreg:$0x3]  }
0xb5: {  	[hbm:s25], [sflag:s13] =	dma.local [spmem:s14], $0x200  }
0xb6: {  	_ =	swait.ge [sflag:s17], $0x200  }
0xb7: {  	[sflag:s17] =	ssyncset.done $0x0  }
0xb8: {  	s25 =	sshrl.u32 s28, $0x3;
	s12 =	rddreg [dreg:$0x4];
	[sflag:s17] =	ssyncadd.s32 $0xFFFFFE00  }
0xb9: {  	[hbm:s12], [sflag:s13] =	dma.local [spmem:s25], $0x200  }
0xba: {  	_ =	swait.ge [sflag:s17], $0x200  }
0xbb: {  	[sflag:s17] =	ssyncset.done $0x0  }
0xbc: {  	s25 =	sshrl.u32 s29, $0x3;
	s12 =	rddreg [dreg:$0x5];
	[sflag:s17] =	ssyncadd.s32 $0xFFFFFE00  }
0xbd: {  	[hbm:s12], [sflag:s13] =	dma.local [spmem:s25], $0x200  }
0xbe: {  	_ =	swait.ge [sflag:s17], $0x200  }
0xbf: {  	[sflag:s17] =	ssyncset.done $0x0  }
0xc0: {  	s25 =	sshrl.u32 s30, $0x3;
	s12 =	rddreg [dreg:$0x6];
	[sflag:s17] =	ssyncadd.s32 $0xFFFFFE00  }
0xc1: {  	[hbm:s12], [sflag:s13] =	dma.local [spmem:s25], $0x200  }
0xc2: {  	_ =	swait.ge [sflag:s17], $0x200  }
0xc3: {  	[sflag:s17] =	ssyncset.done $0x0  }
0xc4: {  	s25 =	sshrl.u32 s31, $0x3;
	s12 =	rddreg [dreg:$0x7];
	[sflag:s17] =	ssyncadd.s32 $0xFFFFFE00  }
0xc5: {  	[hbm:s12], [sflag:s13] =	dma.local [spmem:s25], $0x200  }
0xc6: {  	_ =	swait.ge [sflag:s17], $0x200  }
0xc7: {  	[sflag:s17] =	ssyncset.done $0x0  }
0xc8: {  	s25 =	sshrl.u32 s20, $0x3;
	s12 =	rddreg [dreg:$0x8];
	[sflag:s17] =	ssyncadd.s32 $0xFFFFFE00  }
0xc9: {  	[hbm:s12], [sflag:s13] =	dma.local [spmem:s25], $0x200  }
0xca: {  	_ =	swait.ge [sflag:s17], $0x200  }
0xcb: {  	[sflag:s17] =	ssyncset.done $0x0  }
0xcc: {  	s25 =	sshrl.u32 s0, $0x3;
	s12 =	rddreg [dreg:$0x9];
	[sflag:s17] =	ssyncadd.s32 $0xFFFFFE00  }
0xcd: {  	[hbm:s12], [sflag:s13] =	dma.local [spmem:s25], $0x200  }
0xce: {  	_ =	swait.ge [sflag:s17], $0x200  }
0xcf: {  	[sflag:s17] =	ssyncset.done $0x0  }
0xd0: {  	s25 =	sshrl.u32 s2, $0x3;
	s12 =	rddreg [dreg:$0xa];
	[sflag:s17] =	ssyncadd.s32 $0xFFFFFE00  }
0xd1: {  	[hbm:s12], [sflag:s13] =	dma.local [spmem:s25], $0x200  }
0xd2: {  	_ =	swait.ge [sflag:s17], $0x200  }
0xd3: {  	[sflag:s17] =	ssyncset.done $0x0  }
0xd4: {  	s25 =	sshrl.u32 s3, $0x3;
	s12 =	rddreg [dreg:$0xb];
	[sflag:s17] =	ssyncadd.s32 $0xFFFFFE00  }
0xd5: {  	[hbm:s12], [sflag:s13] =	dma.local [spmem:s25], $0x200  }
0xd6: {  	_ =	swait.ge [sflag:s17], $0x200  }
0xd7: {  	[sflag:s17] =	ssyncset.done $0x0  }
0xd8: {  	s25 =	sshrl.u32 s4, $0x3;
	s12 =	rddreg [dreg:$0xc];
	[sflag:s17] =	ssyncadd.s32 $0xFFFFFE00  }
0xd9: {  	[hbm:s12], [sflag:s13] =	dma.local [spmem:s25], $0x200  }
0xda: {  	_ =	swait.ge [sflag:s17], $0x200  }
0xdb: {  	[sflag:s17] =	ssyncset.done $0x0  }
0xdc: {  	s25 =	sshrl.u32 s5, $0x3;
	s12 =	rddreg [dreg:$0xd];
	[sflag:s17] =	ssyncadd.s32 $0xFFFFFE00  }
0xdd: {  	[hbm:s12], [sflag:s13] =	dma.local [spmem:s25], $0x200  }
0xde: {  	_ =	swait.ge [sflag:s17], $0x200  }
0xdf: {  	[sflag:s17] =	ssyncset.done $0x0  }
0xe0: {  	s25 =	sshrl.u32 s6, $0x3;
	s12 =	rddreg [dreg:$0xe];
	[sflag:s17] =	ssyncadd.s32 $0xFFFFFE00  }
0xe1: {  	[hbm:s12], [sflag:s13] =	dma.local [spmem:s25], $0x200  }
0xe2: {  	_ =	swait.ge [sflag:s17], $0x200  }
0xe3: {  	[sflag:s17] =	ssyncset.done $0x0  }
0xe4: {  	s25 =	sshrl.u32 s7, $0x3;
	s12 =	rddreg [dreg:$0xf];
	[sflag:s17] =	ssyncadd.s32 $0xFFFFFE00  }
0xe5: {  	[hbm:s12], [sflag:s13] =	dma.local [spmem:s25], $0x200  }
0xe6: {  	_ =	swait.ge [sflag:s17], $0x200  }
0xe7: {  	[sflag:s17] =	ssyncset.done $0x0  }
0xe8: {  	s25 =	sshrl.u32 s8, $0x3;
	s12 =	rddreg [dreg:$0x10];
	[sflag:s17] =	ssyncadd.s32 $0xFFFFFE00  }
0xe9: {  	[hbm:s12], [sflag:s13] =	dma.local [spmem:s25], $0x200  }
0xea: {  	_ =	swait.ge [sflag:s17], $0x200  }
0xeb: {  	[sflag:s17] =	ssyncset.done $0x0  }
0xec: {  	s25 =	sshrl.u32 s9, $0x3;
	s12 =	rddreg [dreg:$0x11];
	[sflag:s17] =	ssyncadd.s32 $0xFFFFFE00  }
0xed: {  	[hbm:s12], [sflag:s13] =	dma.local [spmem:s25], $0x200  }
0xee: {  	_ =	swait.ge [sflag:s17], $0x200  }
0xef: {  	[sflag:s17] =	ssyncset.done $0x0  }
0xf0: {  	s25 =	sshrl.u32 s10, $0x3;
	s12 =	rddreg [dreg:$0x12];
	[sflag:s17] =	ssyncadd.s32 $0xFFFFFE00  }
0xf1: {  	[hbm:s12], [sflag:s13] =	dma.local [spmem:s25], $0x200  }
0xf2: {  	_ =	swait.ge [sflag:s17], $0x200  }
0xf3: {  	[sflag:s17] =	ssyncset.done $0x0  }
0xf4: {  	s25 =	sshrl.u32 s11, $0x3;
	s12 =	rddreg [dreg:$0x13];
	[sflag:s17] =	ssyncadd.s32 $0xFFFFFE00  }
0xf5: {  	[hbm:s12], [sflag:s13] =	dma.local [spmem:s25], $0x200  }
0xf6: {  	_ =	swait.ge [sflag:s17], $0x200  }
0xf7: {  	[sflag:s17] =	ssyncset.done $0x0;
	s12 =	rddreg [dreg:$0x17]  }
0xf8: {  	[sflag:s17] =	ssyncadd.s32 $0xFFFFFE00;
	s25 =	sshrl.u32 s12, $0x3;
	s12 =	rddreg [dreg:$0x14]  }
0xf9: {  	[hbm:s12], [sflag:s13] =	dma.local [spmem:s25], $0x200  }
0xfa: {  	_ =	swait.ge [sflag:s17], $0x200  }
0xfb: {  	[sflag:s17] =	ssyncset.done $0x0;
	s14 =	rddreg [dreg:$0x18]  }
0xfc: {  	s12 =	rddreg [dreg:$0x15];
	[sflag:s17] =	ssyncadd.s32 $0xFFFFFE00;
	s25 =	sshrl.u32 s14, $0x3  }
0xfd: {  	[hbm:s12], [sflag:s13] =	dma.local [spmem:s25], $0x200  }
0xfe: {  	_ =	swait.ge [sflag:s17], $0x200  }
0xff: {  	[sflag:s17] =	ssyncset.done $0x0;
	s14 =	rddreg [dreg:$0x19]  }
0x100: {  	s12 =	rddreg [dreg:$0x16];
	[sflag:s17] =	ssyncadd.s32 $0xFFFFFE00;
	s25 =	sshrl.u32 s14, $0x3  }
0x101: {  	[hbm:s12], [sflag:s13] =	dma.local [spmem:s25], $0x200  }
0x102: {  	_ =	swait.ge [sflag:s17], $0x200  }
0x103: {  	s22 =	sadd.s32 $0x1, s22;
	s25 =	rddreg [dreg:$0x1a]  }
0x104: {  	p0 =	sne.s32 s22, s25  }
.Ltmp2:
0x105: {  	_ = 	snop;
	(pc) =	sbr.rel @p0 .LBB2_1-.Ltmp2, $3  }
0x106: {  	_ =	sdelay $0x1  }
0x107: {  	[sflag:s17] =	ssyncset.done $0x0  }
0x108: {  	[sflag:s17] =	ssyncadd.s32 $0xFFFFFE00  }
0x109: {  	_ =	sfence.sel $0x180000  }
0x10a: {  	[bflag:$0x0] =	sbarrier.arrive $0xFFFF  }
0x10b: {  	_ =	strace $0x9000004D  }
0x10c: {  	s0 =	stileid.u32;
	[bflag:$0x2] =	sbarrier.arrive $0xFFFF  }
0x10d: {  	p0 =	sne.s32 s0, $0x0;
	s0 =	rddreg [dreg:$0x2]  }
0x10e: {  	s0 =	sadd.s32 @!p0 $0x100000, s0  }
0x10f: {  	[sflag:s0] =	ssyncadd.tile.s32 @!p0 $0x1;
	_ =	shalt  }
.Lfunc_end2:
_tile_overlayer_lowered:
.L_overlay_start_2:
0x110: {  	(tag) =	ssettag $0x2  }
0x111: {  	s0 =	rddreg [dreg:$0x0];
	s2 =	stileid.u32  }
0x112: {  	s1 =	rddreg [dreg:$0x1];
	p0 =	sne.s32 s2, $0x0  }
0x113: {  	s3 =	rddreg [dreg:$0x2];
	[bflag:$0x3] =	sbarrier.arrive $0xFFFF;
	s2 =	simm.s32 @!p0 $0x1C02  }
0x114: {  	[timem:s3], [sflag:s2] =	dma.local @!p0 [hbm:s0], s1  }
0x115: {  	s0 =	simm.s32 @!p0 $0x2  }
0x116: {  	_ =	swait.ge @!p0 [sflag:s0], s1  }
0x117: {  	s1 =	ssub.s32 @!p0 $0x0, s1;
	[sflag:s0] =	ssyncset.done @!p0 $0x0  }
0x118: {  	[sflag:s0] =	ssyncadd.s32 @!p0 s1  }
0x119: {  	[bflag:$0x3] =	sbarrier.arrive $0xFFFF  }
0x11a: {  	_ =	shalt  }

// kernel: kernel.26.cloned.1.call-start
scs
__scs_entry_jumppad:
0x0: {  	(pc) =	sbr.rel $0x88, $3  }
0x1: {  	(tag) =	ssettag $0x0;
	lr =	simm.s32 $0x1  }
0x2: {  	[smem:$0x3F8B] =	sst lr;
	_ =	strace $0xD0000000  }
0x3: {  	_ = 	snop  }
0x4: {  	_ = 	snop  }
0x5: {  	_ = 	snop  }
0x6: {  	_ = 	snop  }
0x7: {  	_ = 	snop  }
__scs_overlays_trampoline_lowered:
0x8: {  	[smem:$0x3F9A] =	sst s0  }
0x9: {  	[smem:$0x3F9B] =	sst s1  }
0xa: {  	[smem:$0x3F9C] =	sst s2  }
0xb: {  	[smem:$0x3F9D] =	sst s3  }
0xc: {  	[smem:$0x3F9E] =	sst s4  }
0xd: {  	[smem:$0x3F9F] =	sst s5  }
0xe: {  	[smem:$0x3FA0] =	sst s6  }
0xf: {  	[smem:$0x3FA1] =	sst s7  }
0x10: {  	[smem:$0x3FA2] =	sst s8  }
0x11: {  	[smem:$0x3FA3] =	sst s9;
	s0 =	simm.s32 @!p0 $0x0  }
0x12: {  	s1 =	sld [smem:$0x3F89];
	s0 =	simm.s32 @p0 $0x1  }
0x13: {  	[smem:$0x3FA4] =	sst s0;
	s0 =	simm.s32 @!p1 $0x0  }
0x14: {  	s2 =	sld [smem:$0x3F88];
	s0 =	simm.s32 @p1 $0x1  }
0x15: {  	[smem:$0x3FA5] =	sst s0;
	s0 =	simm.s32 @!p2 $0x0  }
0x16: {  	s3 =	sld [smem:$0x3FDB];
	s0 =	simm.s32 @p2 $0x1  }
0x17: {  	s4 =	simm.s32 $0x1BF5;
	[smem:$0x3FA7] =	sst s0  }
0x18: {  	s0 =	sld [smem:$0x3F8A];
	_ =	swait.ge [sflag:s4], $0x0  }
0x19: {  	s7 =	sld [smem:$0x3F8B]  }
0x1a: {  	s8 =	sadd.s32 $0xFFFFE003, lr  }
0x1b: {  	s9 =	sadd.s32 $0xFFFFFEF7, lr;
	s5 =	simm.s32 $0xFFFFFFFF;
	p2 =	slt.u32 s8, $0xFFFFF086  }
0x1c: {  	p1 =	slt.u32 s9, $0xF7A;
	s5 =	simm.s32 @!p2 $0x0  }
0x1d: {  	s5 =	simm.s32 @p1 $0x1;
	p0 =	seq.s32 s7, s2  }
0x1e: {  	s7 =	smul.u32 @!p0 $0xF7A, s2;
	p2 =	seq.s32 @!p0 s5, $0x0  }
0x1f: {  	s9 =	smul.u32 $0xF7A, s1;
	s8 =	simm.s32 @!p0 $0x1BF5;
	p2 =	por !p2, p0  }
0x20: {  	[sflag:s8] =	ssyncset.s32 @!p0 $0xFFFFF086;
	s6 =	sadd.s32 @!p0 s3, s7;
	s7 =	simm.s32 @!p0 $0x108  }
0x21: {  	s3 =	sadd.s32 s3, s9;
	s6 =	sadd.s32 @!p0 $0x88, s6;
	s7 =	simm.s32 @p2 $0x1082  }
0x22: {  	[simem:s7], [sflag:s8] =	dma.local @!p0 [hbm:s6], $0xF7A  }
0x23: {  	s9 =	sor.u32 $0xD0000000, s2;
	s6 =	simm.s32 $0x108;
	_ =	swait.ge @!p0 [sflag:s8], $0x0  }
0x24: {  	s3 =	sadd.s32 $0x88, s3;
	s6 =	simm.s32 @!p1 $0x1082;
	[sflag:s4] =	ssyncset.s32 $0xFFFFF086  }
0x25: {  	[simem:s6], [sflag:s4] =	dma.local [hbm:s3], $0xF7A  }
0x26: {  	[smem:$0x3F8B] =	sst s1;
	(tag) =	ssettag s2;
	_ =	strace s9  }
0x27: {  	s1 =	sld [smem:$0x3F9B]  }
0x28: {  	s2 =	sld [smem:$0x3F9C]  }
0x29: {  	s4 =	sld [smem:$0x3F9E]  }
0x2a: {  	p0 =	seq.s32 s5, $0x0;
	s5 =	sld [smem:$0x3F9F]  }
0x2b: {  	s6 =	sld [smem:$0x3FA0]  }
0x2c: {  	s7 =	sld [smem:$0x3FA1]  }
0x2d: {  	s3 =	simm.s32 $0x108;
	s8 =	sld [smem:$0x3FA2]  }
0x2e: {  	s3 =	simm.s32 @!p0 $0x1082;
	s9 =	sld [smem:$0x3FA3]  }
0x2f: {  	lr =	sadd.s32 s0, s3;
	s0 =	sld [smem:$0x3F9A]  }
0x30: {  	s3 =	sld [smem:$0x3F9D]  }
0x31: {  	[smem:$0x3FA6] =	sst s10  }
0x32: {  	s10 =	sld [smem:$0x3FA4];
	_ =	sdelay $0x3  }
0x33: {  	p0 =	seq.s32 s10, $0x1;
	s10 =	sld [smem:$0x3FA6];
	_ =	sdelay $0x3  }
0x34: {  	[smem:$0x3FA6] =	sst s10  }
0x35: {  	s10 =	sld [smem:$0x3FA5];
	_ =	sdelay $0x3  }
0x36: {  	p1 =	seq.s32 s10, $0x1;
	s10 =	sld [smem:$0x3FA6];
	_ =	sdelay $0x3  }
0x37: {  	[smem:$0x3FA6] =	sst s10  }
0x38: {  	s10 =	sld [smem:$0x3FA7]  }
0x39: {  	_ = 	snop;
	(pc) =	sbr.ind lr, $3  }
0x3a: {  	_ = 	snop  }
0x3b: {  	_ = 	snop  }
0x3c: {  	p2 =	seq.s32 s10, $0x1;
	s10 =	sld [smem:$0x3FA6]  }
0x3d: {  	_ =	shalt  }
0x3e: {  	_ =	shalt  }
0x3f: {  	_ =	shalt  }
0x40: {  	_ =	shalt  }
0x41: {  	_ =	shalt  }
0x42: {  	_ =	shalt  }
0x43: {  	_ =	shalt  }
0x44: {  	_ =	shalt  }
0x45: {  	_ =	shalt  }
0x46: {  	_ =	shalt  }
0x47: {  	_ =	shalt  }
0x48: {  	_ =	shalt  }
0x49: {  	_ =	shalt  }
0x4a: {  	_ =	shalt  }
0x4b: {  	_ =	shalt  }
0x4c: {  	_ =	shalt  }
0x4d: {  	_ =	shalt  }
0x4e: {  	_ =	shalt  }
0x4f: {  	_ =	shalt  }
0x50: {  	_ =	shalt  }
0x51: {  	_ =	shalt  }
0x52: {  	_ =	shalt  }
0x53: {  	_ =	shalt  }
0x54: {  	_ =	shalt  }
0x55: {  	_ =	shalt  }
0x56: {  	_ =	shalt  }
0x57: {  	_ =	shalt  }
0x58: {  	_ =	shalt  }
0x59: {  	_ =	shalt  }
0x5a: {  	_ =	shalt  }
0x5b: {  	_ =	shalt  }
0x5c: {  	_ =	shalt  }
0x5d: {  	_ =	shalt  }
0x5e: {  	_ =	shalt  }
0x5f: {  	_ =	shalt  }
0x60: {  	_ =	shalt  }
0x61: {  	_ =	shalt  }
0x62: {  	_ =	shalt  }
0x63: {  	_ =	shalt  }
0x64: {  	_ =	shalt  }
0x65: {  	_ =	shalt  }
0x66: {  	_ =	shalt  }
0x67: {  	_ =	shalt  }
0x68: {  	_ =	shalt  }
0x69: {  	_ =	shalt  }
0x6a: {  	_ =	shalt  }
0x6b: {  	_ =	shalt  }
0x6c: {  	_ =	shalt  }
0x6d: {  	_ =	shalt  }
0x6e: {  	_ =	shalt  }
0x6f: {  	_ =	shalt  }
0x70: {  	_ =	shalt  }
0x71: {  	_ =	shalt  }
0x72: {  	_ =	shalt  }
0x73: {  	_ =	shalt  }
0x74: {  	_ =	shalt  }
0x75: {  	_ =	shalt  }
0x76: {  	_ =	shalt  }
0x77: {  	_ =	shalt  }
0x78: {  	_ =	shalt  }
0x79: {  	_ =	shalt  }
0x7a: {  	_ =	shalt  }
0x7b: {  	_ =	shalt  }
0x7c: {  	_ =	shalt  }
0x7d: {  	_ =	shalt  }
0x7e: {  	_ =	shalt  }
0x7f: {  	_ =	shalt  }
0x80: {  	_ =	shalt  }
0x81: {  	_ =	shalt  }
0x82: {  	_ =	shalt  }
0x83: {  	_ =	shalt  }
0x84: {  	_ =	shalt  }
0x85: {  	_ =	shalt  }
0x86: {  	_ =	shalt  }
0x87: {  	_ =	shalt  }
.Lfunc_end0:
.L_simem_size_0:
called_computation.3_lowered:
.L_overlay_start_0:
0x88: {  	s2 =	sld [smem:$0x3FD9]  }
0x89: {  	s3 =	sld [smem:$0x3FFE];
	_ =	sdelay $0x1  }
0x8a: {  	s1 =	srdreg.scid  }
0x8b: {  	s0 =	sand.u32 $0x1, s1  }
0x8c: {  	s17 =	sshll.u32 s0, $0xA;
	s2 =	sadd.s32 s3, s2  }
0x8d: {  	s2 =	sadd.s32 s2, s17  }
0x8e: {  	[smem:$0x3FB2] =	sst s2  }
0x8f: {  	_ = 	snop  }
0x90: {  	(tm) =	ssettm $0x1  }
0x91: {  	s18 =	sld [smem:$0x3FFB];
	_ =	sdelay $0x3  }
0x92: {  	_ =	strace s18  }
0x93: {  	s2 =	sld [smem:$0x3FFC];
	_ =	sdelay $0x3  }
0x94: {  	_ =	strace s2  }
0x95: {  	s2 =	sld [smem:$0x3FFD];
	_ =	sdelay $0x3  }
0x96: {  	_ =	strace s2  }
0x97: {  	_ =	strace $0x8FFFFFFF  }
0x98: {  	s19 =	sld [smem:$0x3FDB];
	_ =	sdelay $0x1  }
0x99: {  	s20 =	simm.s32 $_scs_section_size  }
0x9a: {  	s4 =	simm.s32 $_size__tile_overlayer_lowered;
	s5 =	simm.s32 $_tile_overlayer_lowered  }
0x9b: {  	s6 =	simm.s32 $0x1BFF;
	s21 =	sshll.u32 s5, $0x1;
	s3 =	sadd.s32 s20, s19  }
0x9c: {  	s22 =	simm.s32 $0x0;
	s4 =	sshll.u32 s4, $0x1;
	s5 =	sadd.s32 s21, s3  }
0x9d: {  	[timem:s22], [sflag:s6] =	dma.local [hbm:s5], s4  }
0x9e: {  	_ =	swait.ge [sflag:s6], s4  }
0x9f: {  	s4 =	ssub.s32 $0x0, s4;
	[sflag:s6] =	ssyncset.done $0x0  }
0xa0: {  	[sflag:s6] =	ssyncadd.s32 s4;
	_ =	sdelay $0x1  }
0xa1: {  	s23 =	simm.s32 $0x1B8B  }
0xa2: {  	_ =	swait.ge [sflag:s23], $0x1  }
0xa3: {  	[sflag:s23] =	ssyncset.done $0x0  }
0xa4: {  	[sflag:s23] =	ssyncadd.s32 $0xFFFFFFFF  }
0xa5: {  	s4 =	sld [smem:$0x0]  }
0xa6: {  	s5 =	sand.u32 $0xFFFFFFFE, s1  }
0xa7: {  	p0 =	sne.s32 s1, s5  }
0xa8: {  	s5 =	sshll.u32 @p0 s5, $0xE  }
0xa9: {  	s5 =	sadd.s32 @p0 $0x11B8D, s5;
	s6 =	sshll.u32 @p0 s4, $0x11  }
0xaa: {  	s5 =	sor.u32 @p0 s6, s5  }
0xab: {  	[sflag:s5] =	ssyncadd.remote.s32 @p0 $0x1;
	_ =	sdelay $0x1  }
0xac: {  	s5 =	simm.s32 @p0 $0x1B8D  }
0xad: {  	_ =	swait.eq @p0 [sflag:s5], $0x1  }
0xae: {  	[sflag:s5] =	ssyncadd.s32 @p0 $0xFFFFFFFF  }
0xaf: {  	s6 =	sshll.u32 @!p0 s1, $0xE  }
0xb0: {  	s6 =	sor.u32 @!p0 $0x4000, s6;
	s5 =	simm.s32 @!p0 $0x1B8D  }
0xb1: {  	s4 =	sshll.u32 @!p0 s4, $0x11;
	s6 =	sadd.s32 @!p0 $0x11B8D, s6;
	_ =	swait.eq @!p0 [sflag:s5], $0x1  }
0xb2: {  	s4 =	sor.u32 @!p0 s4, s6;
	[sflag:s5] =	ssyncadd.s32 @!p0 $0xFFFFFFFF  }
0xb3: {  	s25 =	simm.s32 $0x1B8E;
	s24 =	sld [smem:$0x3FFE];
	[sflag:s4] =	ssyncadd.remote.s32 @!p0 $0x1  }
0xb4: {  	s26 =	simm.s32 $execute0_lowered;
	[smem:$0x3FD2] =	sst s25  }
0xb5: {  	s5 =	sshll.u32 s26, $0x1;
	_ =	strace $0x8000004F;
	[dreg:$0x1] =	wrdreg $0xFFFFFFFF  }
0xb6: {  	s28 =	simm.s32 $_size_execute0_lowered;
	s3 =	sadd.s32 s3, s5;
	[dreg:$0x0] =	wrdreg $0x0  }
0xb7: {  	s5 =	sshll.u32 s28, $0x1;
	[dreg:$0x2] =	wrdreg s3  }
0xb8: {  	[dreg:$0x3] =	wrdreg s5  }
0xb9: {  	[dreg:$0x4] =	wrdreg $0xC0  }
0xba: {  	_ =	task [dreg:s22], $0x5FFFF  }
0xbb: {  	[dreg:$0x1] =	wrdreg $0xFFFFFFFF  }
0xbc: {  	[dreg:$0x0] =	wrdreg $0x60  }
0xbd: {  	[dreg:$0x2] =	wrdreg s24  }
0xbe: {  	[dreg:$0x3] =	wrdreg $0x9  }
0xbf: {  	_ =	task.clear_ibuf [dreg:s22], $0x4FFFF;
	_ =	strace $0x9000004F  }
0xc0: {  	s29 =	simm.s32 $0x9;
	_ =	strace $0x80000051  }
0xc1: {  	_ =	swait.ge [sflag:s29], $0x1  }
0xc2: {  	[sflag:s29] =	ssyncadd.s32 $0xFFFFFFFF  }
0xc3: {  	_ =	strace $0x90000051  }
0xc4: {  	_ =	sfence  }
0xc5: {  	s30 =	sld [smem:$0x0];
	_ =	sdelay $0x2  }
0xc6: {  	s31 =	sshll.u32 s1, $0xD;
	s1 =	sshrl.u32 s1, $0x2  }
0xc7: {  	s4 =	sand.u32 $0x4000, s31;
	s1 =	sadd.s32 s1, s30  }
0xc8: {  	s0 =	sor.u32 s4, s0;
	s1 =	sshll.u32 s1, $0x11  }
0xc9: {  	s0 =	sor.u32 s1, s0  }
0xca: {  	s0 =	sadd.s32 $0x8F2B, s0  }
0xcb: {  	[sflag:s0] =	ssyncadd.remote.s32 $0x1  }
0xcc: {  	_ =	sfence.sel $0xFFFF  }
0xcd: {  	[dreg:$0x0] =	wrdreg $0xFFFFFFFF;
	(pc) =	sbr.abs _section_cstart, $3  }
0xce: {  	[dreg:$0x1] =	wrdreg $0xFFFFFFFF  }
0xcf: {  	_ =	task.clear_ibuf [dreg:s22], $0x2FFFF;
	_ =	strace $0x9FFFFFFF  }
0xd0: {  	(tm) =	ssettm $0x7FFFFFFF  }
0xd1: {  	_ =	shalt  }
tec
execute0_lowered:
.L_overlay_start_1:
0x0: {  	(tag) =	ssettag $0x1  }
0x1: {  	s1 =	srdreg.scid  }
0x2: {  	s0 =	stileid.u32;
	s4 =	rddreg [dreg:$0x0];
	s2 =	simm.s32 $0x0  }
0x3: {  	s10 =	simm.s32 $0x2780;
	s11 =	simm.s32 $0x190;
	s12 =	simm.s32 $0x4F00  }
0x4: {  	s13 =	simm.s32 $0x11700;
	s14 =	simm.s32 $0x1;
	s15 =	simm.s32 $0x2  }
0x5: {  	s16 =	simm.s32 $0x0;
	s5 =	sand.u32 $0x1, s1;
	s3 =	sshll.u32 s0, $0x1  }
0x6: {  	[smem:$0x7FF] =	sst s2;
	s7 =	smul.u32 $0x4E200, s0;
	s3 =	sor.u32 s5, s3  }
0x7: {  	s1 =	rddreg [dreg:$0x1];
	_ =	strace $0x80000050;
	s6 =	smul.u32 $0x2710, s3  }
0x8: {  	s8 =	ssub.s32 $0x2, s5;
	s5 =	smul.u32 $0x27100, s5;
	s3 =	sadd.s32 $0x19200, s4  }
0x9: {  	s7 =	sadd.s32 s7, s4;
	s31 =	sshrl.u32 s8, $0x1;
	s6 =	sshrl.u32 s6, $0x3  }
0xa: {  	s8 =	ssub.s32 s8, s31;
	s9 =	sadd.s32 s5, s7;
	s6 =	sadd.s32 s6, s4  }
0xb: {  	s7 =	sadd.s32 $0x599600, s9;
	s4 =	sadd.s32 $0x5600, s6;
	s5 =	sadd.s32 $0xF400, s6  }
0xc: {  	s6 =	smax.u32 s8, $0x1;
	s8 =	sadd.s32 $0xA7B600, s9;
	s9 =	simm.s32 $0x3  }
.LBB2_1:
0xd: {  	[tilespmem:s2], [sflag:$0x3] =	stream.linear.gather [hbm4b:s4+s2], $0x2710, $0x38;
	[tilespmem:$0x1DF00] =	vst v63  }
0xe: {  	_ =	swait.ge [sflag:s9], $0x2710  }
0xf: {  	[sflag:s9] =	ssyncset.done $0x0  }
0x10: {  	[sflag:s9] =	ssyncadd.s32 $0xFFFFD8F0  }
0x11: {  	[tilespmem:s10], [sflag:$0x3] =	stream.linear.gather [hbm4b:s5+s2], $0x2710, $0x38;
	[tilespmem:$0x1DF00] =	vst v63  }
0x12: {  	_ =	swait.ge [sflag:s9], $0x2710  }
0x13: {  	[sflag:s9] =	ssyncset.done $0x0  }
0x14: {  	s17 =	simm.s32 $0x0;
	[sflag:s9] =	ssyncadd.s32 $0xFFFFD8F0  }
0x15: {  	[tilespmem:s12], [sflag:$0x1] =	stream.indirect.gather [hbm4b:s3+s11], $0x80, s17, s11, $0xb8;
	[tilespmem:$0x1DF00] =	vst v63  }
0x16: {  	s31 =	simm.s32 $0x2780  }
0x17: {  	[tilespmem:s13], [sflag:$0x2] =	stream.indirect.gather [hbm4b:s3+s11], $0x80, s31, s11, $0xb8;
	[tilespmem:$0x1DF00] =	vst v63  }
0x18: {  	_ =	swait.ge [sflag:s14], $0xC800  }
0x19: {  	[sflag:s14] =	ssyncset.done $0x0  }
0x1a: {  	[sflag:s14] =	ssyncadd.s32 $0xFFFF3800  }
0x1b: {  	_ =	swait.ge [sflag:s15], $0xC800  }
0x1c: {  	[sflag:s15] =	ssyncset.done $0x0  }
0x1d: {  	[sflag:s15] =	ssyncadd.s32 $0xFFFF3800  }
0x1e: {  	[hbm4b:s7+s2] =	stream.linear.scatter [tilespmem:s12], [sflag:$0x3], $0xC800, $0x38;
	[tilespmem:$0x1DF00] =	vst v63  }
0x1f: {  	_ =	swait.ge [sflag:s9], $0xC800  }
0x20: {  	[sflag:s9] =	ssyncset.done $0x0  }
0x21: {  	[sflag:s9] =	ssyncadd.s32 $0xFFFF3800  }
0x22: {  	[hbm4b:s8+s2] =	stream.linear.scatter [tilespmem:s13], [sflag:$0x3], $0xC800, $0x38;
	[tilespmem:$0x1DF00] =	vst v63  }
0x23: {  	s19 =	simm.s32 $0x640;
	s20 =	simm.s32 $0xC80;
	_ =	swait.ge [sflag:s9], $0xC800  }
0x24: {  	s18 =	sadd.s32 $0x1900, s7;
	s17 =	sadd.s32 $0x1900, s8;
	[sflag:s9] =	ssyncset.done $0x0  }
.LBB2_2:
0x25: {  	s21 =	sshra.s32 s19, $0x2  }
0x26: {  	[sflag:s9] =	ssyncadd.s32 $0xFFFF3800;
	s19 =	smov.u32 s20;
	s22 =	sadd.s32 $0x640, s20  }
0x27: {  	[tilespmem:s12], [sflag:$0x1] =	stream.indirect.gather [hbm4b:s3+s11], $0x80, s21, s11, $0xb8;
	[tilespmem:$0x1DF00] =	vst v63  }
0x28: {  	p0 =	sne.s32 s20, $0x9600;
	s20 =	sadd.s32 $0x2780, s21  }
0x29: {  	[tilespmem:s13], [sflag:$0x2] =	stream.indirect.gather [hbm4b:s3+s11], $0x80, s20, s11, $0xb8;
	[tilespmem:$0x1DF00] =	vst v63  }
0x2a: {  	_ =	swait.ge [sflag:s14], $0xC800  }
0x2b: {  	[sflag:s14] =	ssyncset.done $0x0  }
0x2c: {  	[sflag:s14] =	ssyncadd.s32 $0xFFFF3800  }
0x2d: {  	_ =	swait.ge [sflag:s15], $0xC800  }
0x2e: {  	[sflag:s15] =	ssyncset.done $0x0  }
0x2f: {  	[sflag:s15] =	ssyncadd.s32 $0xFFFF3800  }
0x30: {  	[hbm4b:s18+s2] =	stream.linear.scatter [tilespmem:s12], [sflag:$0x3], $0xC800, $0x38;
	[tilespmem:$0x1DF00] =	vst v63  }
0x31: {  	_ =	swait.ge [sflag:s9], $0xC800  }
.Ltmp0:
0x32: {  	[sflag:s9] =	ssyncset.done $0x0;
	(pc) =	sbr.rel @p0 .LBB2_2-.Ltmp0, $4  }
0x33: {  	[sflag:s9] =	ssyncadd.s32 $0xFFFF3800  }
0x34: {  	[hbm4b:s17+s2] =	stream.linear.scatter [tilespmem:s13], [sflag:$0x3], $0xC800, $0x38;
	[tilespmem:$0x1DF00] =	vst v63  }
0x35: {  	s20 =	smov.u32 s22;
	_ =	swait.ge [sflag:s9], $0xC800  }
0x36: {  	s18 =	sadd.s32 $0x1900, s18;
	s17 =	sadd.s32 $0x1900, s17;
	[sflag:s9] =	ssyncset.done $0x0  }
0x37: {  	s19 =	sshra.s32 s19, $0x2;
	[sflag:s9] =	ssyncadd.s32 $0xFFFF3800  }
0x38: {  	[tilespmem:s12], [sflag:$0x1] =	stream.indirect.gather [hbm4b:s3+s11], $0x80, s19, s11, $0xb8;
	[tilespmem:$0x1DF00] =	vst v63  }
0x39: {  	s19 =	sadd.s32 $0x2780, s19  }
0x3a: {  	[tilespmem:s13], [sflag:$0x2] =	stream.indirect.gather [hbm4b:s3+s11], $0x80, s19, s11, $0xb8;
	[tilespmem:$0x1DF00] =	vst v63  }
0x3b: {  	_ =	swait.ge [sflag:s14], $0xC800  }
0x3c: {  	[sflag:s14] =	ssyncset.done $0x0  }
0x3d: {  	[sflag:s14] =	ssyncadd.s32 $0xFFFF3800  }
0x3e: {  	_ =	swait.ge [sflag:s15], $0xC800  }
0x3f: {  	[sflag:s15] =	ssyncset.done $0x0  }
0x40: {  	[sflag:s15] =	ssyncadd.s32 $0xFFFF3800  }
0x41: {  	[hbm4b:s18+s2] =	stream.linear.scatter [tilespmem:s12], [sflag:$0x3], $0xC800, $0x38;
	[tilespmem:$0x1DF00] =	vst v63  }
0x42: {  	s16 =	sadd.s32 $0x1, s16;
	_ =	swait.ge [sflag:s9], $0xC800  }
0x43: {  	p0 =	sne.s32 s16, s6;
	[sflag:s9] =	ssyncset.done $0x0  }
.Ltmp1:
0x44: {  	[sflag:s9] =	ssyncadd.s32 $0xFFFF3800;
	(pc) =	sbr.rel @p0 .LBB2_1-.Ltmp1, $4  }
0x45: {  	[hbm4b:s17+s2] =	stream.linear.scatter [tilespmem:s13], [sflag:$0x3], $0xC800, $0x38;
	[tilespmem:$0x1DF00] =	vst v63  }
0x46: {  	_ =	swait.ge [sflag:s9], $0xC800  }
0x47: {  	[sflag:s9] =	ssyncset.done $0x0  }
0x48: {  	[sflag:s9] =	ssyncadd.s32 $0xFFFF3800  }
0x49: {  	_ =	sfence.sel $0x180000  }
0x4a: {  	[bflag:$0x0] =	sbarrier.arrive $0xFFFF  }
0x4b: {  	p0 =	sne.s32 s0, $0x0;
	_ =	strace $0x90000050  }
0x4c: {  	s0 =	sadd.s32 @!p0 $0x100000, s1;
	[bflag:$0x2] =	sbarrier.arrive $0xFFFF  }
0x4d: {  	[sflag:s0] =	ssyncadd.tile.s32 @!p0 $0x1;
	_ =	shalt  }
.Lfunc_end2:
_tile_overlayer_lowered:
.L_overlay_start_2:
0x4e: {  	(tag) =	ssettag $0x2  }
0x4f: {  	s0 =	rddreg [dreg:$0x0];
	s2 =	stileid.u32  }
0x50: {  	s1 =	rddreg [dreg:$0x1];
	p0 =	sne.s32 s2, $0x0  }
0x51: {  	s3 =	rddreg [dreg:$0x2];
	[bflag:$0x3] =	sbarrier.arrive $0xFFFF;
	s2 =	simm.s32 @!p0 $0x1C03  }
0x52: {  	[timem:s3], [sflag:s2] =	dma.local @!p0 [hbm:s0], s1  }
0x53: {  	s0 =	simm.s32 @!p0 $0x3  }
0x54: {  	_ =	swait.ge @!p0 [sflag:s0], s1  }
0x55: {  	s1 =	ssub.s32 @!p0 $0x0, s1;
	[sflag:s0] =	ssyncset.done @!p0 $0x0  }
0x56: {  	[sflag:s0] =	ssyncadd.s32 @!p0 s1  }
0x57: {  	[bflag:$0x3] =	sbarrier.arrive $0xFFFF  }
0x58: {  	_ =	shalt  }

// kernel: kernel.29.cloned.1.call-start
scs
__scs_entry_jumppad:
0x0: {  	(pc) =	sbr.rel $0x88, $3  }
0x1: {  	(tag) =	ssettag $0x0;
	lr =	simm.s32 $0x1  }
0x2: {  	[smem:$0x3F8B] =	sst lr;
	_ =	strace $0xD0000000  }
0x3: {  	_ = 	snop  }
0x4: {  	_ = 	snop  }
0x5: {  	_ = 	snop  }
0x6: {  	_ = 	snop  }
0x7: {  	_ = 	snop  }
__scs_overlays_trampoline_lowered:
0x8: {  	[smem:$0x3F9A] =	sst s0  }
0x9: {  	[smem:$0x3F9B] =	sst s1  }
0xa: {  	[smem:$0x3F9C] =	sst s2  }
0xb: {  	[smem:$0x3F9D] =	sst s3  }
0xc: {  	[smem:$0x3F9E] =	sst s4  }
0xd: {  	[smem:$0x3F9F] =	sst s5  }
0xe: {  	[smem:$0x3FA0] =	sst s6  }
0xf: {  	[smem:$0x3FA1] =	sst s7  }
0x10: {  	[smem:$0x3FA2] =	sst s8  }
0x11: {  	[smem:$0x3FA3] =	sst s9;
	s0 =	simm.s32 @!p0 $0x0  }
0x12: {  	s1 =	sld [smem:$0x3F89];
	s0 =	simm.s32 @p0 $0x1  }
0x13: {  	[smem:$0x3FA4] =	sst s0;
	s0 =	simm.s32 @!p1 $0x0  }
0x14: {  	s2 =	sld [smem:$0x3F88];
	s0 =	simm.s32 @p1 $0x1  }
0x15: {  	[smem:$0x3FA5] =	sst s0;
	s0 =	simm.s32 @!p2 $0x0  }
0x16: {  	s3 =	sld [smem:$0x3FDB];
	s0 =	simm.s32 @p2 $0x1  }
0x17: {  	s4 =	simm.s32 $0x1BF5;
	[smem:$0x3FA7] =	sst s0  }
0x18: {  	s0 =	sld [smem:$0x3F8A];
	_ =	swait.ge [sflag:s4], $0x0  }
0x19: {  	s7 =	sld [smem:$0x3F8B]  }
0x1a: {  	s8 =	sadd.s32 $0xFFFFE003, lr  }
0x1b: {  	s9 =	sadd.s32 $0xFFFFFEF7, lr;
	s5 =	simm.s32 $0xFFFFFFFF;
	p2 =	slt.u32 s8, $0xFFFFF086  }
0x1c: {  	p1 =	slt.u32 s9, $0xF7A;
	s5 =	simm.s32 @!p2 $0x0  }
0x1d: {  	s5 =	simm.s32 @p1 $0x1;
	p0 =	seq.s32 s7, s2  }
0x1e: {  	s7 =	smul.u32 @!p0 $0xF7A, s2;
	p2 =	seq.s32 @!p0 s5, $0x0  }
0x1f: {  	s9 =	smul.u32 $0xF7A, s1;
	s8 =	simm.s32 @!p0 $0x1BF5;
	p2 =	por !p2, p0  }
0x20: {  	[sflag:s8] =	ssyncset.s32 @!p0 $0xFFFFF086;
	s6 =	sadd.s32 @!p0 s3, s7;
	s7 =	simm.s32 @!p0 $0x108  }
0x21: {  	s3 =	sadd.s32 s3, s9;
	s6 =	sadd.s32 @!p0 $0x88, s6;
	s7 =	simm.s32 @p2 $0x1082  }
0x22: {  	[simem:s7], [sflag:s8] =	dma.local @!p0 [hbm:s6], $0xF7A  }
0x23: {  	s9 =	sor.u32 $0xD0000000, s2;
	s6 =	simm.s32 $0x108;
	_ =	swait.ge @!p0 [sflag:s8], $0x0  }
0x24: {  	s3 =	sadd.s32 $0x88, s3;
	s6 =	simm.s32 @!p1 $0x1082;
	[sflag:s4] =	ssyncset.s32 $0xFFFFF086  }
0x25: {  	[simem:s6], [sflag:s4] =	dma.local [hbm:s3], $0xF7A  }
0x26: {  	[smem:$0x3F8B] =	sst s1;
	(tag) =	ssettag s2;
	_ =	strace s9  }
0x27: {  	s1 =	sld [smem:$0x3F9B]  }
0x28: {  	s2 =	sld [smem:$0x3F9C]  }
0x29: {  	s4 =	sld [smem:$0x3F9E]  }
0x2a: {  	p0 =	seq.s32 s5, $0x0;
	s5 =	sld [smem:$0x3F9F]  }
0x2b: {  	s6 =	sld [smem:$0x3FA0]  }
0x2c: {  	s7 =	sld [smem:$0x3FA1]  }
0x2d: {  	s3 =	simm.s32 $0x108;
	s8 =	sld [smem:$0x3FA2]  }
0x2e: {  	s3 =	simm.s32 @!p0 $0x1082;
	s9 =	sld [smem:$0x3FA3]  }
0x2f: {  	lr =	sadd.s32 s0, s3;
	s0 =	sld [smem:$0x3F9A]  }
0x30: {  	s3 =	sld [smem:$0x3F9D]  }
0x31: {  	[smem:$0x3FA6] =	sst s10  }
0x32: {  	s10 =	sld [smem:$0x3FA4];
	_ =	sdelay $0x3  }
0x33: {  	p0 =	seq.s32 s10, $0x1;
	s10 =	sld [smem:$0x3FA6];
	_ =	sdelay $0x3  }
0x34: {  	[smem:$0x3FA6] =	sst s10  }
0x35: {  	s10 =	sld [smem:$0x3FA5];
	_ =	sdelay $0x3  }
0x36: {  	p1 =	seq.s32 s10, $0x1;
	s10 =	sld [smem:$0x3FA6];
	_ =	sdelay $0x3  }
0x37: {  	[smem:$0x3FA6] =	sst s10  }
0x38: {  	s10 =	sld [smem:$0x3FA7]  }
0x39: {  	_ = 	snop;
	(pc) =	sbr.ind lr, $3  }
0x3a: {  	_ = 	snop  }
0x3b: {  	_ = 	snop  }
0x3c: {  	p2 =	seq.s32 s10, $0x1;
	s10 =	sld [smem:$0x3FA6]  }
0x3d: {  	_ =	shalt  }
0x3e: {  	_ =	shalt  }
0x3f: {  	_ =	shalt  }
0x40: {  	_ =	shalt  }
0x41: {  	_ =	shalt  }
0x42: {  	_ =	shalt  }
0x43: {  	_ =	shalt  }
0x44: {  	_ =	shalt  }
0x45: {  	_ =	shalt  }
0x46: {  	_ =	shalt  }
0x47: {  	_ =	shalt  }
0x48: {  	_ =	shalt  }
0x49: {  	_ =	shalt  }
0x4a: {  	_ =	shalt  }
0x4b: {  	_ =	shalt  }
0x4c: {  	_ =	shalt  }
0x4d: {  	_ =	shalt  }
0x4e: {  	_ =	shalt  }
0x4f: {  	_ =	shalt  }
0x50: {  	_ =	shalt  }
0x51: {  	_ =	shalt  }
0x52: {  	_ =	shalt  }
0x53: {  	_ =	shalt  }
0x54: {  	_ =	shalt  }
0x55: {  	_ =	shalt  }
0x56: {  	_ =	shalt  }
0x57: {  	_ =	shalt  }
0x58: {  	_ =	shalt  }
0x59: {  	_ =	shalt  }
0x5a: {  	_ =	shalt  }
0x5b: {  	_ =	shalt  }
0x5c: {  	_ =	shalt  }
0x5d: {  	_ =	shalt  }
0x5e: {  	_ =	shalt  }
0x5f: {  	_ =	shalt  }
0x60: {  	_ =	shalt  }
0x61: {  	_ =	shalt  }
0x62: {  	_ =	shalt  }
0x63: {  	_ =	shalt  }
0x64: {  	_ =	shalt  }
0x65: {  	_ =	shalt  }
0x66: {  	_ =	shalt  }
0x67: {  	_ =	shalt  }
0x68: {  	_ =	shalt  }
0x69: {  	_ =	shalt  }
0x6a: {  	_ =	shalt  }
0x6b: {  	_ =	shalt  }
0x6c: {  	_ =	shalt  }
0x6d: {  	_ =	shalt  }
0x6e: {  	_ =	shalt  }
0x6f: {  	_ =	shalt  }
0x70: {  	_ =	shalt  }
0x71: {  	_ =	shalt  }
0x72: {  	_ =	shalt  }
0x73: {  	_ =	shalt  }
0x74: {  	_ =	shalt  }
0x75: {  	_ =	shalt  }
0x76: {  	_ =	shalt  }
0x77: {  	_ =	shalt  }
0x78: {  	_ =	shalt  }
0x79: {  	_ =	shalt  }
0x7a: {  	_ =	shalt  }
0x7b: {  	_ =	shalt  }
0x7c: {  	_ =	shalt  }
0x7d: {  	_ =	shalt  }
0x7e: {  	_ =	shalt  }
0x7f: {  	_ =	shalt  }
0x80: {  	_ =	shalt  }
0x81: {  	_ =	shalt  }
0x82: {  	_ =	shalt  }
0x83: {  	_ =	shalt  }
0x84: {  	_ =	shalt  }
0x85: {  	_ =	shalt  }
0x86: {  	_ =	shalt  }
0x87: {  	_ =	shalt  }
.Lfunc_end0:
.L_simem_size_0:
called_computation.4_lowered:
.L_overlay_start_0:
0x88: {  	s2 =	sld [smem:$0x3FD9]  }
0x89: {  	s3 =	sld [smem:$0x3FFE];
	_ =	sdelay $0x1  }
0x8a: {  	s1 =	srdreg.scid  }
0x8b: {  	s0 =	sand.u32 $0x1, s1  }
0x8c: {  	s17 =	sshll.u32 s0, $0xA;
	s2 =	sadd.s32 s3, s2  }
0x8d: {  	s2 =	sadd.s32 s2, s17  }
0x8e: {  	[smem:$0x3FB2] =	sst s2  }
0x8f: {  	_ = 	snop  }
0x90: {  	s18 =	sld [smem:$0x3FD0];
	(tm) =	ssettm $0x1  }
0x91: {  	s19 =	sld [smem:$0x3FFB];
	_ =	sdelay $0x3  }
0x92: {  	_ =	strace s19  }
0x93: {  	s2 =	sld [smem:$0x3FFC];
	_ =	sdelay $0x3  }
0x94: {  	_ =	strace s2  }
0x95: {  	s2 =	sld [smem:$0x3FFD];
	_ =	sdelay $0x3  }
0x96: {  	_ =	strace s2  }
0x97: {  	_ =	strace $0x8FFFFFFF  }
0x98: {  	s20 =	sld [smem:$0x3FDB];
	_ =	sdelay $0x1  }
0x99: {  	s4 =	simm.s32 $_scs_section_size  }
0x9a: {  	s5 =	simm.s32 $_size__tile_overlayer_lowered;
	s6 =	simm.s32 $_tile_overlayer_lowered  }
0x9b: {  	s7 =	simm.s32 $0x1BFF;
	s21 =	sshll.u32 s6, $0x1;
	s4 =	sadd.s32 s4, s20  }
0x9c: {  	s22 =	simm.s32 $0x0;
	s5 =	sshll.u32 s5, $0x1;
	s6 =	sadd.s32 s21, s4  }
0x9d: {  	[timem:s22], [sflag:s7] =	dma.local [hbm:s6], s5  }
0x9e: {  	_ =	swait.ge [sflag:s7], s5  }
0x9f: {  	s5 =	ssub.s32 $0x0, s5;
	[sflag:s7] =	ssyncset.done $0x0  }
0xa0: {  	[sflag:s7] =	ssyncadd.s32 s5;
	_ =	sdelay $0x1  }
0xa1: {  	s23 =	simm.s32 $0x1B8B  }
0xa2: {  	_ =	swait.ge [sflag:s23], $0x1  }
0xa3: {  	[sflag:s23] =	ssyncset.done $0x0  }
0xa4: {  	[sflag:s23] =	ssyncadd.s32 $0xFFFFFFFF  }
0xa5: {  	s5 =	sld [smem:$0x0]  }
0xa6: {  	s6 =	sand.u32 $0xFFFFFFFE, s1  }
0xa7: {  	p0 =	sne.s32 s1, s6  }
0xa8: {  	s6 =	sshll.u32 @p0 s6, $0xE  }
0xa9: {  	s6 =	sadd.s32 @p0 $0x11B8D, s6;
	s7 =	sshll.u32 @p0 s5, $0x11  }
0xaa: {  	s6 =	sor.u32 @p0 s7, s6  }
0xab: {  	[sflag:s6] =	ssyncadd.remote.s32 @p0 $0x1;
	_ =	sdelay $0x1  }
0xac: {  	s6 =	simm.s32 @p0 $0x1B8D  }
0xad: {  	_ =	swait.eq @p0 [sflag:s6], $0x1  }
0xae: {  	[sflag:s6] =	ssyncadd.s32 @p0 $0xFFFFFFFF  }
0xaf: {  	s7 =	sshll.u32 @!p0 s1, $0xE  }
0xb0: {  	s7 =	sor.u32 @!p0 $0x4000, s7;
	s6 =	simm.s32 @!p0 $0x1B8D  }
0xb1: {  	s5 =	sshll.u32 @!p0 s5, $0x11;
	s7 =	sadd.s32 @!p0 $0x11B8D, s7;
	_ =	swait.eq @!p0 [sflag:s6], $0x1  }
0xb2: {  	s5 =	sor.u32 @!p0 s5, s7;
	[sflag:s6] =	ssyncadd.s32 @!p0 $0xFFFFFFFF  }
0xb3: {  	s25 =	simm.s32 $0x1B8E;
	s24 =	sld [smem:$0x3FFE];
	[sflag:s5] =	ssyncadd.remote.s32 @!p0 $0x1  }
0xb4: {  	s26 =	simm.s32 $execute0_lowered;
	[smem:$0x3FD2] =	sst s25  }
0xb5: {  	s6 =	sshll.u32 s26, $0x1;
	_ =	strace $0x80000052;
	[dreg:$0x1] =	wrdreg $0xFFFFFFFF  }
0xb6: {  	s28 =	simm.s32 $_size_execute0_lowered;
	s4 =	sadd.s32 s4, s6;
	[dreg:$0x0] =	wrdreg $0x0  }
0xb7: {  	s6 =	sshll.u32 s28, $0x1;
	[dreg:$0x2] =	wrdreg s4  }
0xb8: {  	[dreg:$0x3] =	wrdreg s6  }
0xb9: {  	[dreg:$0x4] =	wrdreg $0xC0  }
0xba: {  	_ =	task [dreg:s22], $0x5FFFF  }
0xbb: {  	[dreg:$0x1] =	wrdreg $0xFFFFFFFF  }
0xbc: {  	[dreg:$0x0] =	wrdreg $0x60  }
0xbd: {  	[dreg:$0x2] =	wrdreg s24  }
0xbe: {  	[dreg:$0x3] =	wrdreg s18  }
0xbf: {  	[dreg:$0x4] =	wrdreg $0xA  }
0xc0: {  	_ =	task.clear_ibuf [dreg:s22], $0x5FFFF;
	_ =	strace $0x90000052  }
0xc1: {  	s29 =	simm.s32 $0xA;
	_ =	strace $0x80000054  }
0xc2: {  	_ =	swait.ge [sflag:s29], $0x1  }
0xc3: {  	[sflag:s29] =	ssyncadd.s32 $0xFFFFFFFF  }
0xc4: {  	_ =	strace $0x90000054  }
0xc5: {  	_ =	sfence  }
0xc6: {  	s30 =	sld [smem:$0x0];
	_ =	sdelay $0x2  }
0xc7: {  	s31 =	sshll.u32 s1, $0xD;
	s1 =	sshrl.u32 s1, $0x2  }
0xc8: {  	s4 =	sand.u32 $0x4000, s31;
	s1 =	sadd.s32 s1, s30  }
0xc9: {  	s0 =	sor.u32 s4, s0;
	s1 =	sshll.u32 s1, $0x11  }
0xca: {  	s0 =	sor.u32 s1, s0  }
0xcb: {  	s0 =	sadd.s32 $0x8F2B, s0  }
0xcc: {  	[sflag:s0] =	ssyncadd.remote.s32 $0x1  }
0xcd: {  	_ =	sfence.sel $0xFFFF  }
0xce: {  	[dreg:$0x0] =	wrdreg $0xFFFFFFFF;
	(pc) =	sbr.abs _section_cstart, $3  }
0xcf: {  	[dreg:$0x1] =	wrdreg $0xFFFFFFFF  }
0xd0: {  	_ =	task.clear_ibuf [dreg:s22], $0x2FFFF;
	_ =	strace $0x9FFFFFFF  }
0xd1: {  	(tm) =	ssettm $0x7FFFFFFF  }
tec
execute0_lowered:
.L_overlay_start_1:
0x0: {  	(tag) =	ssettag $0x1  }
0x1: {  	s0 =	rddreg [dreg:$0x0]  }
0x2: {  	s1 =	srdreg.scid;
	s6 =	stileid.u32  }
0x3: {  	s2 =	rddreg [dreg:$0x1];
	s18 =	simm.s32 $0x5700;
	s19 =	simm.s32 $0x5F00  }
0x4: {  	s20 =	simm.s32 $0x6700;
	s21 =	simm.s32 $0x6F00;
	s22 =	simm.s32 $0x7700  }
0x5: {  	s23 =	simm.s32 $0x7F00;
	s9 =	simm.s32 $0x3;
	s24 =	simm.s32 $0x8700  }
0x6: {  	s25 =	simm.s32 $0x8F00;
	[dreg:$0x3] =	wrdreg s2;
	s2 =	simm.s32 $0x0  }
0x7: {  	s11 =	simm.s32 $0x4F00;
	s26 =	simm.s32 $0x9700;
	[smem:$0x7FF] =	sst s2  }
0x8: {  	s12 =	simm.s32 $0x9F00;
	_ =	strace $0x80000053;
	[dreg:$0x4] =	wrdreg s18  }
0x9: {  	s13 =	simm.s32 $0xA700;
	s28 =	simm.s32 $0xC8;
	[dreg:$0x5] =	wrdreg s19  }
0xa: {  	s29 =	simm.s32 $0x11700;
	s30 =	simm.s32 $0x1;
	[dreg:$0x6] =	wrdreg s20  }
0xb: {  	s1 =	sand.u32 $0x1, s1;
	s4 =	smul.u32 $0x9C400, s6;
	[dreg:$0x7] =	wrdreg s21  }
0xc: {  	s3 =	sshll.u32 s6, $0x1;
	s6 =	smul.u32 $0x4E200, s6;
	[dreg:$0x8] =	wrdreg s22  }
0xd: {  	s3 =	sor.u32 s1, s3;
	s16 =	smul.u32 $0x4E200, s1;
	[dreg:$0x9] =	wrdreg s23  }
0xe: {  	s7 =	ssub.s32 $0x2, s1;
	s1 =	smul.u32 $0x27100, s1;
	[dreg:$0xa] =	wrdreg s24  }
0xf: {  	s31 =	simm.s32 $0x2;
	s3 =	smul.u32 $0x2710, s3;
	[dreg:$0xb] =	wrdreg s25  }
0x10: {  	s4 =	sadd.s32 s4, s0;
	s14 =	sshrl.u32 s7, $0x1;
	[dreg:$0xc] =	wrdreg s26  }
0x11: {  	s18 =	simm.s32 $0xCF00;
	s19 =	simm.s32 $0xD700;
	s20 =	simm.s32 $0xDF00  }
0x12: {  	s21 =	simm.s32 $0xE700;
	s22 =	simm.s32 $0xEF00;
	s23 =	simm.s32 $0xF700  }
0x13: {  	s24 =	simm.s32 $0xFF00;
	s25 =	simm.s32 $0x10700;
	s26 =	simm.s32 $0x10F00  }
0x14: {  	s4 =	sadd.s32 s16, s4;
	s16 =	simm.s32 $0xBF00;
	s5 =	sshrl.u32 s3, $0x3  }
0x15: {  	s3 =	sadd.s32 $0x40400, s0;
	s4 =	sadd.s32 $0xF5D600, s4;
	s5 =	sadd.s32 s5, s0  }
0x16: {  	s0 =	sadd.s32 s6, s0;
	[dreg:$0x10] =	wrdreg s4;
	s15 =	sadd.s32 $0x5600, s5  }
0x17: {  	s6 =	ssub.s32 s7, s14;
	s5 =	sadd.s32 $0xF400, s5;
	[dreg:$0xd] =	wrdreg s15  }
0x18: {  	v2 =	vlaneseq.u32;
	s14 =	simm.s32 $0xAF00;
	s17 =	smax.u32 s6, $0x1;
	[dreg:$0xe] =	wrdreg s5  }
0x19: {  	vm0 =	vmmov $0xffff;
	v1 =	vshrl.u32 v2, $0x3;
	s0 =	sadd.s32 s1, s0;
	s1 =	simm.s32 $0x0;
	[dreg:$0xf] =	wrdreg s17  }
0x1a: {  	v0 =	vand.u32 $0x7, v2;
	v2 =	vor.u32 $0x8, v2;
	v1 =	vmul.u32 $0x8, v1;
	s0 =	sadd.s32 $0x8E600, s0;
	s15 =	simm.s32 $0xB700;
	s17 =	simm.s32 $0xC700  }
.LBB2_1:
0x1b: {  	s4 =	rddreg [dreg:$0xd]  }
0x1c: {  	[tilespmem:s2], [sflag:$0x3] =	stream.linear.gather [hbm4b:s4+s2], $0x2710, $0x38;
	[tilespmem:$0x17B00] =	vst v63  }
0x1d: {  	_ =	swait.ge [sflag:s9], $0x2710  }
0x1e: {  	[sflag:s9] =	ssyncset.done $0x0  }
0x1f: {  	s5 =	simm.s32 $0x2780;
	s10 =	rddreg [dreg:$0xe];
	[sflag:s9] =	ssyncadd.s32 $0xFFFFD8F0  }
0x20: {  	[tilespmem:s5], [sflag:$0x3] =	stream.linear.gather [hbm4b:s10+s2], $0x2710, $0x38;
	[tilespmem:$0x17B00] =	vst v63  }
0x21: {  	_ =	swait.ge [sflag:s9], $0x2710  }
0x22: {  	s8 =	smov.u32 s0;
	[sflag:s9] =	ssyncset.done $0x0  }
0x23: {  	s4 =	simm.s32 $0x0;
	s7 =	rddreg [dreg:$0x10];
	[sflag:s9] =	ssyncadd.s32 $0xFFFFD8F0  }
.LBB2_2:
0x24: {  	s5 =	sshra.s32 s4, $0x2  }
0x25: {  	v3 =	vld [tilespmem:s5+$0x0];
	_ =	sdelay $0x4  }
0x26: {  	v4 =	vshll.u32 v3, $0x1  }
0x27: {  	v3 =	vand.u32 $0x7, v3;
	v4 =	vand.u32 $0xFFFFFFF0, v4  }
0x28: {  	v3 =	vor.u32 v3, v4  }
0x29: {  	v4 =	vperm.xlane v3, v0;
	_ =	sdelay $0x1  }
0x2a: {  	v3 =	vperm.xlane v3, v2;
	v4 =	vadd.s32 v1, v4;
	_ =	sdelay $0x1  }
0x2b: {  	v3 =	vadd.s32 v1, v3;
	_ =	sdelay $0x2  }
0x2c: {  	[tilespmem:s11], [sflag:$0x1] =	stream.indirect_vreg.gather [hbm4b:s3+s2], $0x80, v4, vm0, $0xb8;
	[tilespmem:$0x17B00] =	vst v63  }
0x2d: {  	s6 =	rddreg [dreg:$0x4]  }
0x2e: {  	[tilespmem:s6], [sflag:$0x1] =	stream.indirect_vreg.gather [hbm4b:s3+s2], $0x80, v3, vm0, $0xb8;
	[tilespmem:$0x17B00] =	vst v63  }
0x2f: {  	v3 =	vld [tilespmem:s5+$0x10];
	_ =	sdelay $0x4  }
0x30: {  	v52 =	vshll.u32 v3, $0x1  }
0x31: {  	v3 =	vand.u32 $0x7, v3;
	v4 =	vand.u32 $0xFFFFFFF0, v52  }
0x32: {  	v3 =	vor.u32 v3, v4  }
0x33: {  	v4 =	vperm.xlane v3, v0;
	_ =	sdelay $0x1  }
0x34: {  	v3 =	vperm.xlane v3, v2;
	v4 =	vadd.s32 v1, v4;
	_ =	sdelay $0x1  }
0x35: {  	v3 =	vadd.s32 v1, v3;
	_ =	sdelay $0x1  }
0x36: {  	s6 =	rddreg [dreg:$0x5]  }
0x37: {  	[tilespmem:s6], [sflag:$0x1] =	stream.indirect_vreg.gather [hbm4b:s3+s2], $0x80, v4, vm0, $0xb8;
	[tilespmem:$0x17B00] =	vst v63  }
0x38: {  	s10 =	rddreg [dreg:$0x6]  }
0x39: {  	[tilespmem:s10], [sflag:$0x1] =	stream.indirect_vreg.gather [hbm4b:s3+s2], $0x80, v3, vm0, $0xb8;
	[tilespmem:$0x17B00] =	vst v63  }
0x3a: {  	v3 =	vld [tilespmem:s5+$0x20];
	_ =	sdelay $0x4  }
0x3b: {  	v53 =	vshll.u32 v3, $0x1  }
0x3c: {  	v3 =	vand.u32 $0x7, v3;
	v4 =	vand.u32 $0xFFFFFFF0, v53  }
0x3d: {  	v3 =	vor.u32 v3, v4  }
0x3e: {  	v4 =	vperm.xlane v3, v0;
	_ =	sdelay $0x1  }
0x3f: {  	v3 =	vperm.xlane v3, v2;
	v4 =	vadd.s32 v1, v4;
	_ =	sdelay $0x1  }
0x40: {  	v3 =	vadd.s32 v1, v3;
	_ =	sdelay $0x1  }
0x41: {  	s6 =	rddreg [dreg:$0x7]  }
0x42: {  	[tilespmem:s6], [sflag:$0x1] =	stream.indirect_vreg.gather [hbm4b:s3+s2], $0x80, v4, vm0, $0xb8;
	[tilespmem:$0x17B00] =	vst v63  }
0x43: {  	s10 =	rddreg [dreg:$0x8]  }
0x44: {  	[tilespmem:s10], [sflag:$0x1] =	stream.indirect_vreg.gather [hbm4b:s3+s2], $0x80, v3, vm0, $0xb8;
	[tilespmem:$0x17B00] =	vst v63  }
0x45: {  	v3 =	vld [tilespmem:s5+$0x30];
	_ =	sdelay $0x4  }
0x46: {  	v54 =	vshll.u32 v3, $0x1  }
0x47: {  	v3 =	vand.u32 $0x7, v3;
	v4 =	vand.u32 $0xFFFFFFF0, v54  }
0x48: {  	v3 =	vor.u32 v3, v4  }
0x49: {  	v4 =	vperm.xlane v3, v0;
	_ =	sdelay $0x1  }
0x4a: {  	v3 =	vperm.xlane v3, v2;
	v4 =	vadd.s32 v1, v4;
	_ =	sdelay $0x1  }
0x4b: {  	v3 =	vadd.s32 v1, v3;
	_ =	sdelay $0x1  }
0x4c: {  	s6 =	rddreg [dreg:$0x9]  }
0x4d: {  	[tilespmem:s6], [sflag:$0x1] =	stream.indirect_vreg.gather [hbm4b:s3+s2], $0x80, v4, vm0, $0xb8;
	[tilespmem:$0x17B00] =	vst v63  }
0x4e: {  	s10 =	rddreg [dreg:$0xa]  }
0x4f: {  	[tilespmem:s10], [sflag:$0x1] =	stream.indirect_vreg.gather [hbm4b:s3+s2], $0x80, v3, vm0, $0xb8;
	[tilespmem:$0x17B00] =	vst v63  }
0x50: {  	v3 =	vld [tilespmem:s5+$0x40];
	_ =	sdelay $0x4  }
0x51: {  	v55 =	vshll.u32 v3, $0x1  }
0x52: {  	v3 =	vand.u32 $0x7, v3;
	v4 =	vand.u32 $0xFFFFFFF0, v55  }
0x53: {  	v3 =	vor.u32 v3, v4  }
0x54: {  	v4 =	vperm.xlane v3, v0;
	_ =	sdelay $0x1  }
0x55: {  	v3 =	vperm.xlane v3, v2;
	v4 =	vadd.s32 v1, v4;
	_ =	sdelay $0x1  }
0x56: {  	v3 =	vadd.s32 v1, v3;
	_ =	sdelay $0x1  }
0x57: {  	s6 =	rddreg [dreg:$0xb]  }
0x58: {  	[tilespmem:s6], [sflag:$0x1] =	stream.indirect_vreg.gather [hbm4b:s3+s2], $0x80, v4, vm0, $0xb8;
	[tilespmem:$0x17B00] =	vst v63  }
0x59: {  	s10 =	rddreg [dreg:$0xc]  }
0x5a: {  	[tilespmem:s10], [sflag:$0x1] =	stream.indirect_vreg.gather [hbm4b:s3+s2], $0x80, v3, vm0, $0xb8;
	[tilespmem:$0x17B00] =	vst v63  }
0x5b: {  	v3 =	vld [tilespmem:s5+$0x50];
	_ =	sdelay $0x4  }
0x5c: {  	v56 =	vshll.u32 v3, $0x1  }
0x5d: {  	v3 =	vand.u32 $0x7, v3;
	v4 =	vand.u32 $0xFFFFFFF0, v56  }
0x5e: {  	v3 =	vor.u32 v3, v4  }
0x5f: {  	v4 =	vperm.xlane v3, v0;
	_ =	sdelay $0x1  }
0x60: {  	v3 =	vperm.xlane v3, v2;
	v4 =	vadd.s32 v1, v4;
	_ =	sdelay $0x1  }
0x61: {  	v3 =	vadd.s32 v1, v3;
	_ =	sdelay $0x2  }
0x62: {  	[tilespmem:s12], [sflag:$0x1] =	stream.indirect_vreg.gather [hbm4b:s3+s2], $0x80, v4, vm0, $0xb8;
	[tilespmem:$0x17B00] =	vst v63  }
0x63: {  	_ = 	snop  }
0x64: {  	[tilespmem:s13], [sflag:$0x1] =	stream.indirect_vreg.gather [hbm4b:s3+s2], $0x80, v3, vm0, $0xb8;
	[tilespmem:$0x17B00] =	vst v63  }
0x65: {  	v3 =	vld [tilespmem:s5+$0x60];
	_ =	sdelay $0x4  }
0x66: {  	v57 =	vshll.u32 v3, $0x1  }
0x67: {  	v3 =	vand.u32 $0x7, v3;
	v4 =	vand.u32 $0xFFFFFFF0, v57  }
0x68: {  	v3 =	vor.u32 v3, v4  }
0x69: {  	v4 =	vperm.xlane v3, v0;
	_ =	sdelay $0x1  }
0x6a: {  	v3 =	vperm.xlane v3, v2;
	v4 =	vadd.s32 v1, v4;
	_ =	sdelay $0x1  }
0x6b: {  	v3 =	vadd.s32 v1, v3;
	_ =	sdelay $0x2  }
0x6c: {  	[tilespmem:s14], [sflag:$0x1] =	stream.indirect_vreg.gather [hbm4b:s3+s2], $0x80, v4, vm0, $0xb8;
	[tilespmem:$0x17B00] =	vst v63  }
0x6d: {  	_ = 	snop  }
0x6e: {  	[tilespmem:s15], [sflag:$0x1] =	stream.indirect_vreg.gather [hbm4b:s3+s2], $0x80, v3, vm0, $0xb8;
	[tilespmem:$0x17B00] =	vst v63  }
0x6f: {  	v3 =	vld [tilespmem:s5+$0x70];
	_ =	sdelay $0x4  }
0x70: {  	v58 =	vshll.u32 v3, $0x1  }
0x71: {  	v3 =	vand.u32 $0x7, v3;
	v4 =	vand.u32 $0xFFFFFFF0, v58  }
0x72: {  	v3 =	vor.u32 v3, v4  }
0x73: {  	v4 =	vperm.xlane v3, v0;
	_ =	sdelay $0x1  }
0x74: {  	v3 =	vperm.xlane v3, v2;
	v4 =	vadd.s32 v1, v4;
	_ =	sdelay $0x1  }
0x75: {  	v3 =	vadd.s32 v1, v3;
	_ =	sdelay $0x2  }
0x76: {  	[tilespmem:s16], [sflag:$0x1] =	stream.indirect_vreg.gather [hbm4b:s3+s2], $0x80, v4, vm0, $0xb8;
	[tilespmem:$0x17B00] =	vst v63  }
0x77: {  	_ = 	snop  }
0x78: {  	[tilespmem:s17], [sflag:$0x1] =	stream.indirect_vreg.gather [hbm4b:s3+s2], $0x80, v3, vm0, $0xb8;
	[tilespmem:$0x17B00] =	vst v63  }
0x79: {  	v3 =	vld [tilespmem:s5+$0x80];
	_ =	sdelay $0x4  }
0x7a: {  	v59 =	vshll.u32 v3, $0x1  }
0x7b: {  	v3 =	vand.u32 $0x7, v3;
	v4 =	vand.u32 $0xFFFFFFF0, v59  }
0x7c: {  	v3 =	vor.u32 v3, v4  }
0x7d: {  	v4 =	vperm.xlane v3, v0;
	_ =	sdelay $0x1  }
0x7e: {  	v3 =	vperm.xlane v3, v2;
	v4 =	vadd.s32 v1, v4;
	_ =	sdelay $0x1  }
0x7f: {  	v3 =	vadd.s32 v1, v3;
	_ =	sdelay $0x2  }
0x80: {  	[tilespmem:s18], [sflag:$0x1] =	stream.indirect_vreg.gather [hbm4b:s3+s2], $0x80, v4, vm0, $0xb8;
	[tilespmem:$0x17B00] =	vst v63  }
0x81: {  	_ = 	snop  }
0x82: {  	[tilespmem:s19], [sflag:$0x1] =	stream.indirect_vreg.gather [hbm4b:s3+s2], $0x80, v3, vm0, $0xb8;
	[tilespmem:$0x17B00] =	vst v63  }
0x83: {  	v3 =	vld [tilespmem:s5+$0x90];
	_ =	sdelay $0x4  }
0x84: {  	v60 =	vshll.u32 v3, $0x1  }
0x85: {  	v3 =	vand.u32 $0x7, v3;
	v4 =	vand.u32 $0xFFFFFFF0, v60  }
0x86: {  	v3 =	vor.u32 v3, v4  }
0x87: {  	v4 =	vperm.xlane v3, v0;
	_ =	sdelay $0x1  }
0x88: {  	v3 =	vperm.xlane v3, v2;
	v4 =	vadd.s32 v1, v4;
	_ =	sdelay $0x1  }
0x89: {  	v3 =	vadd.s32 v1, v3;
	_ =	sdelay $0x2  }
0x8a: {  	[tilespmem:s20], [sflag:$0x1] =	stream.indirect_vreg.gather [hbm4b:s3+s2], $0x80, v4, vm0, $0xb8;
	[tilespmem:$0x17B00] =	vst v63  }
0x8b: {  	_ = 	snop  }
0x8c: {  	[tilespmem:s21], [sflag:$0x1] =	stream.indirect_vreg.gather [hbm4b:s3+s2], $0x80, v3, vm0, $0xb8;
	[tilespmem:$0x17B00] =	vst v63  }
0x8d: {  	v3 =	vld [tilespmem:s5+$0xA0];
	_ =	sdelay $0x4  }
0x8e: {  	v61 =	vshll.u32 v3, $0x1  }
0x8f: {  	v3 =	vand.u32 $0x7, v3;
	v4 =	vand.u32 $0xFFFFFFF0, v61  }
0x90: {  	v3 =	vor.u32 v3, v4  }
0x91: {  	v4 =	vperm.xlane v3, v0;
	_ =	sdelay $0x1  }
0x92: {  	v3 =	vperm.xlane v3, v2;
	v4 =	vadd.s32 v1, v4;
	_ =	sdelay $0x1  }
0x93: {  	v3 =	vadd.s32 v1, v3;
	_ =	sdelay $0x2  }
0x94: {  	[tilespmem:s22], [sflag:$0x1] =	stream.indirect_vreg.gather [hbm4b:s3+s2], $0x80, v4, vm0, $0xb8;
	[tilespmem:$0x17B00] =	vst v63  }
0x95: {  	_ = 	snop  }
0x96: {  	[tilespmem:s23], [sflag:$0x1] =	stream.indirect_vreg.gather [hbm4b:s3+s2], $0x80, v3, vm0, $0xb8;
	[tilespmem:$0x17B00] =	vst v63  }
0x97: {  	v3 =	vld [tilespmem:s5+$0xB0];
	_ =	sdelay $0x4  }
0x98: {  	v62 =	vshll.u32 v3, $0x1  }
0x99: {  	v3 =	vand.u32 $0x7, v3;
	v4 =	vand.u32 $0xFFFFFFF0, v62  }
0x9a: {  	v3 =	vor.u32 v3, v4  }
0x9b: {  	v4 =	vperm.xlane v3, v0;
	_ =	sdelay $0x1  }
0x9c: {  	v3 =	vperm.xlane v3, v2;
	v4 =	vadd.s32 v1, v4;
	_ =	sdelay $0x1  }
0x9d: {  	v3 =	vadd.s32 v1, v3;
	_ =	sdelay $0x2  }
0x9e: {  	[tilespmem:s24], [sflag:$0x1] =	stream.indirect_vreg.gather [hbm4b:s3+s2], $0x80, v4, vm0, $0xb8;
	[tilespmem:$0x17B00] =	vst v63  }
0x9f: {  	_ = 	snop  }
0xa0: {  	[tilespmem:s25], [sflag:$0x1] =	stream.indirect_vreg.gather [hbm4b:s3+s2], $0x80, v3, vm0, $0xb8;
	[tilespmem:$0x17B00] =	vst v63  }
0xa1: {  	v3 =	vld.msk [tilespmem:s5+$0xC0], $0xff;
	_ =	sdelay $0x4  }
0xa2: {  	v63 =	vshll.u32 v3, $0x1  }
0xa3: {  	v3 =	vand.u32 $0x7, v3;
	v4 =	vand.u32 $0xFFFFFFF0, v63  }
0xa4: {  	v3 =	vor.u32 v3, v4  }
0xa5: {  	v3 =	vperm.xlane v3, v0;
	_ =	sdelay $0x1  }
0xa6: {  	v3 =	vadd.s32 v1, v3;
	_ =	sdelay $0x4  }
0xa7: {  	[tilespmem:s26], [sflag:$0x1] =	stream.indirect_vreg.gather [hbm4b:s3+s2], $0x80, v3, vm0, $0xb8;
	[tilespmem:$0x17B00] =	vst v63  }
0xa8: {  	s10 =	rddreg [dreg:$0x3];
	s5 =	sadd.s32 $0x2780, s5  }
0xa9: {  	[tilespmem:s29], [sflag:$0x2] =	stream.indirect.gather [hbm4b:s10+s28], $0x80, s5, s28, $0xb8;
	[tilespmem:$0x17B00] =	vst v63  }
0xaa: {  	_ =	swait.ge [sflag:s30], $0xC800  }
0xab: {  	[sflag:s30] =	ssyncset.done $0x0  }
0xac: {  	[sflag:s30] =	ssyncadd.s32 $0xFFFF3800  }
0xad: {  	_ =	swait.ge [sflag:s31], $0x6400  }
0xae: {  	[sflag:s31] =	ssyncset.done $0x0  }
0xaf: {  	[sflag:s31] =	ssyncadd.s32 $0xFFFF9C00  }
0xb0: {  	[hbm4b:s7+s2] =	stream.linear.scatter [tilespmem:s11], [sflag:$0x3], $0xC800, $0x38;
	[tilespmem:$0x17B00] =	vst v63  }
0xb1: {  	_ =	swait.ge [sflag:s9], $0xC800  }
0xb2: {  	p0 =	sne.s32 s4, $0x9920;
	[sflag:s9] =	ssyncset.done $0x0  }
.Ltmp0:
0xb3: {  	[sflag:s9] =	ssyncadd.s32 $0xFFFF3800;
	(pc) =	sbr.rel @p0 .LBB2_2-.Ltmp0, $4  }
0xb4: {  	[hbm4b:s8+s2] =	stream.linear.scatter [tilespmem:s29], [sflag:$0x3], $0x6400, $0x38;
	[tilespmem:$0x17B00] =	vst v63  }
0xb5: {  	_ =	swait.ge [sflag:s9], $0x6400  }
0xb6: {  	s4 =	sadd.s32 $0x320, s4;
	[sflag:s9] =	ssyncset.done $0x0  }
0xb7: {  	s7 =	sadd.s32 $0x1900, s7;
	s8 =	sadd.s32 $0xC80, s8;
	[sflag:s9] =	ssyncadd.s32 $0xFFFF9C00  }
0xb8: {  	s1 =	sadd.s32 $0x1, s1;
	s4 =	rddreg [dreg:$0xf]  }
0xb9: {  	p0 =	sne.s32 s1, s4  }
.Ltmp1:
0xba: {  	_ = 	snop;
	(pc) =	sbr.rel @p0 .LBB2_1-.Ltmp1, $1  }
0xbb: {  	_ =	sdelay $0x3  }
0xbc: {  	_ =	sfence.sel $0x180000  }
0xbd: {  	[bflag:$0x0] =	sbarrier.arrive $0xFFFF  }
0xbe: {  	_ =	strace $0x90000053  }
0xbf: {  	s0 =	stileid.u32;
	[bflag:$0x2] =	sbarrier.arrive $0xFFFF  }
0xc0: {  	p0 =	sne.s32 s0, $0x0;
	s0 =	rddreg [dreg:$0x2]  }
0xc1: {  	s0 =	sadd.s32 @!p0 $0x100000, s0  }
0xc2: {  	[sflag:s0] =	ssyncadd.tile.s32 @!p0 $0x1;
	_ =	shalt  }
.Lfunc_end2:
_tile_overlayer_lowered:
.L_overlay_start_2:
0xc3: {  	(tag) =	ssettag $0x2  }
0xc4: {  	s0 =	rddreg [dreg:$0x0];
	s2 =	stileid.u32  }
0xc5: {  	s1 =	rddreg [dreg:$0x1];
	p0 =	sne.s32 s2, $0x0  }
0xc6: {  	s3 =	rddreg [dreg:$0x2];
	[bflag:$0x3] =	sbarrier.arrive $0xFFFF;
	s2 =	simm.s32 @!p0 $0x1C03  }
0xc7: {  	[timem:s3], [sflag:s2] =	dma.local @!p0 [hbm:s0], s1  }
0xc8: {  	s0 =	simm.s32 @!p0 $0x3  }
0xc9: {  	_ =	swait.ge @!p0 [sflag:s0], s1  }
0xca: {  	s1 =	ssub.s32 @!p0 $0x0, s1;
	[sflag:s0] =	ssyncset.done @!p0 $0x0  }
0xcb: {  	[sflag:s0] =	ssyncadd.s32 @!p0 s1  }
0xcc: {  	[bflag:$0x3] =	sbarrier.arrive $0xFFFF  }
0xcd: {  	_ =	shalt  }

// kernel: kernel.32.cloned.1.call-start
scs
__scs_entry_jumppad:
0x0: {  	(pc) =	sbr.rel $0x88, $3  }
0x1: {  	(tag) =	ssettag $0x0;
	lr =	simm.s32 $0x1  }
0x2: {  	[smem:$0x3F8B] =	sst lr;
	_ =	strace $0xD0000000  }
0x3: {  	_ = 	snop  }
0x4: {  	_ = 	snop  }
0x5: {  	_ = 	snop  }
0x6: {  	_ = 	snop  }
0x7: {  	_ = 	snop  }
__scs_overlays_trampoline_lowered:
0x8: {  	[smem:$0x3F9A] =	sst s0  }
0x9: {  	[smem:$0x3F9B] =	sst s1  }
0xa: {  	[smem:$0x3F9C] =	sst s2  }
0xb: {  	[smem:$0x3F9D] =	sst s3  }
0xc: {  	[smem:$0x3F9E] =	sst s4  }
0xd: {  	[smem:$0x3F9F] =	sst s5  }
0xe: {  	[smem:$0x3FA0] =	sst s6  }
0xf: {  	[smem:$0x3FA1] =	sst s7  }
0x10: {  	[smem:$0x3FA2] =	sst s8  }
0x11: {  	[smem:$0x3FA3] =	sst s9;
	s0 =	simm.s32 @!p0 $0x0  }
0x12: {  	s1 =	sld [smem:$0x3F89];
	s0 =	simm.s32 @p0 $0x1  }
0x13: {  	[smem:$0x3FA4] =	sst s0;
	s0 =	simm.s32 @!p1 $0x0  }
0x14: {  	s2 =	sld [smem:$0x3F88];
	s0 =	simm.s32 @p1 $0x1  }
0x15: {  	[smem:$0x3FA5] =	sst s0;
	s0 =	simm.s32 @!p2 $0x0  }
0x16: {  	s3 =	sld [smem:$0x3FDB];
	s0 =	simm.s32 @p2 $0x1  }
0x17: {  	s4 =	simm.s32 $0x1BF5;
	[smem:$0x3FA7] =	sst s0  }
0x18: {  	s0 =	sld [smem:$0x3F8A];
	_ =	swait.ge [sflag:s4], $0x0  }
0x19: {  	s7 =	sld [smem:$0x3F8B]  }
0x1a: {  	s8 =	sadd.s32 $0xFFFFE003, lr  }
0x1b: {  	s9 =	sadd.s32 $0xFFFFFEF7, lr;
	s5 =	simm.s32 $0xFFFFFFFF;
	p2 =	slt.u32 s8, $0xFFFFF086  }
0x1c: {  	p1 =	slt.u32 s9, $0xF7A;
	s5 =	simm.s32 @!p2 $0x0  }
0x1d: {  	s5 =	simm.s32 @p1 $0x1;
	p0 =	seq.s32 s7, s2  }
0x1e: {  	s7 =	smul.u32 @!p0 $0xF7A, s2;
	p2 =	seq.s32 @!p0 s5, $0x0  }
0x1f: {  	s9 =	smul.u32 $0xF7A, s1;
	s8 =	simm.s32 @!p0 $0x1BF5;
	p2 =	por !p2, p0  }
0x20: {  	[sflag:s8] =	ssyncset.s32 @!p0 $0xFFFFF086;
	s6 =	sadd.s32 @!p0 s3, s7;
	s7 =	simm.s32 @!p0 $0x108  }
0x21: {  	s3 =	sadd.s32 s3, s9;
	s6 =	sadd.s32 @!p0 $0x88, s6;
	s7 =	simm.s32 @p2 $0x1082  }
0x22: {  	[simem:s7], [sflag:s8] =	dma.local @!p0 [hbm:s6], $0xF7A  }
0x23: {  	s9 =	sor.u32 $0xD0000000, s2;
	s6 =	simm.s32 $0x108;
	_ =	swait.ge @!p0 [sflag:s8], $0x0  }
0x24: {  	s3 =	sadd.s32 $0x88, s3;
	s6 =	simm.s32 @!p1 $0x1082;
	[sflag:s4] =	ssyncset.s32 $0xFFFFF086  }
0x25: {  	[simem:s6], [sflag:s4] =	dma.local [hbm:s3], $0xF7A  }
0x26: {  	[smem:$0x3F8B] =	sst s1;
	(tag) =	ssettag s2;
	_ =	strace s9  }
0x27: {  	s1 =	sld [smem:$0x3F9B]  }
0x28: {  	s2 =	sld [smem:$0x3F9C]  }
0x29: {  	s4 =	sld [smem:$0x3F9E]  }
0x2a: {  	p0 =	seq.s32 s5, $0x0;
	s5 =	sld [smem:$0x3F9F]  }
0x2b: {  	s6 =	sld [smem:$0x3FA0]  }
0x2c: {  	s7 =	sld [smem:$0x3FA1]  }
0x2d: {  	s3 =	simm.s32 $0x108;
	s8 =	sld [smem:$0x3FA2]  }
0x2e: {  	s3 =	simm.s32 @!p0 $0x1082;
	s9 =	sld [smem:$0x3FA3]  }
0x2f: {  	lr =	sadd.s32 s0, s3;
	s0 =	sld [smem:$0x3F9A]  }
0x30: {  	s3 =	sld [smem:$0x3F9D]  }
0x31: {  	[smem:$0x3FA6] =	sst s10  }
0x32: {  	s10 =	sld [smem:$0x3FA4];
	_ =	sdelay $0x3  }
0x33: {  	p0 =	seq.s32 s10, $0x1;
	s10 =	sld [smem:$0x3FA6];
	_ =	sdelay $0x3  }
0x34: {  	[smem:$0x3FA6] =	sst s10  }
0x35: {  	s10 =	sld [smem:$0x3FA5];
	_ =	sdelay $0x3  }
0x36: {  	p1 =	seq.s32 s10, $0x1;
	s10 =	sld [smem:$0x3FA6];
	_ =	sdelay $0x3  }
0x37: {  	[smem:$0x3FA6] =	sst s10  }
0x38: {  	s10 =	sld [smem:$0x3FA7]  }
0x39: {  	_ = 	snop;
	(pc) =	sbr.ind lr, $3  }
0x3a: {  	_ = 	snop  }
0x3b: {  	_ = 	snop  }
0x3c: {  	p2 =	seq.s32 s10, $0x1;
	s10 =	sld [smem:$0x3FA6]  }
0x3d: {  	_ =	shalt  }
0x3e: {  	_ =	shalt  }
0x3f: {  	_ =	shalt  }
0x40: {  	_ =	shalt  }
0x41: {  	_ =	shalt  }
0x42: {  	_ =	shalt  }
0x43: {  	_ =	shalt  }
0x44: {  	_ =	shalt  }
0x45: {  	_ =	shalt  }
0x46: {  	_ =	shalt  }
0x47: {  	_ =	shalt  }
0x48: {  	_ =	shalt  }
0x49: {  	_ =	shalt  }
0x4a: {  	_ =	shalt  }
0x4b: {  	_ =	shalt  }
0x4c: {  	_ =	shalt  }
0x4d: {  	_ =	shalt  }
0x4e: {  	_ =	shalt  }
0x4f: {  	_ =	shalt  }
0x50: {  	_ =	shalt  }
0x51: {  	_ =	shalt  }
0x52: {  	_ =	shalt  }
0x53: {  	_ =	shalt  }
0x54: {  	_ =	shalt  }
0x55: {  	_ =	shalt  }
0x56: {  	_ =	shalt  }
0x57: {  	_ =	shalt  }
0x58: {  	_ =	shalt  }
0x59: {  	_ =	shalt  }
0x5a: {  	_ =	shalt  }
0x5b: {  	_ =	shalt  }
0x5c: {  	_ =	shalt  }
0x5d: {  	_ =	shalt  }
0x5e: {  	_ =	shalt  }
0x5f: {  	_ =	shalt  }
0x60: {  	_ =	shalt  }
0x61: {  	_ =	shalt  }
0x62: {  	_ =	shalt  }
0x63: {  	_ =	shalt  }
0x64: {  	_ =	shalt  }
0x65: {  	_ =	shalt  }
0x66: {  	_ =	shalt  }
0x67: {  	_ =	shalt  }
0x68: {  	_ =	shalt  }
0x69: {  	_ =	shalt  }
0x6a: {  	_ =	shalt  }
0x6b: {  	_ =	shalt  }
0x6c: {  	_ =	shalt  }
0x6d: {  	_ =	shalt  }
0x6e: {  	_ =	shalt  }
0x6f: {  	_ =	shalt  }
0x70: {  	_ =	shalt  }
0x71: {  	_ =	shalt  }
0x72: {  	_ =	shalt  }
0x73: {  	_ =	shalt  }
0x74: {  	_ =	shalt  }
0x75: {  	_ =	shalt  }
0x76: {  	_ =	shalt  }
0x77: {  	_ =	shalt  }
0x78: {  	_ =	shalt  }
0x79: {  	_ =	shalt  }
0x7a: {  	_ =	shalt  }
0x7b: {  	_ =	shalt  }
0x7c: {  	_ =	shalt  }
0x7d: {  	_ =	shalt  }
0x7e: {  	_ =	shalt  }
0x7f: {  	_ =	shalt  }
0x80: {  	_ =	shalt  }
0x81: {  	_ =	shalt  }
0x82: {  	_ =	shalt  }
0x83: {  	_ =	shalt  }
0x84: {  	_ =	shalt  }
0x85: {  	_ =	shalt  }
0x86: {  	_ =	shalt  }
0x87: {  	_ =	shalt  }
.Lfunc_end0:
.L_simem_size_0:
called_computation.5_lowered:
.L_overlay_start_0:
0x88: {  	s2 =	sld [smem:$0x3FD9]  }
0x89: {  	s3 =	sld [smem:$0x3FFE];
	_ =	sdelay $0x1  }
0x8a: {  	s1 =	srdreg.scid  }
0x8b: {  	s0 =	sand.u32 $0x1, s1  }
0x8c: {  	s17 =	sshll.u32 s0, $0xA;
	s2 =	sadd.s32 s3, s2  }
0x8d: {  	s2 =	sadd.s32 s2, s17  }
0x8e: {  	[smem:$0x3FB2] =	sst s2  }
0x8f: {  	_ = 	snop  }
0x90: {  	s2 =	sld [smem:$0x3FD0];
	(tm) =	ssettm $0x1  }
0x91: {  	s18 =	sld [smem:$0x3FFB];
	_ =	sdelay $0x3  }
0x92: {  	_ =	strace s18  }
0x93: {  	s3 =	sld [smem:$0x3FFC];
	_ =	sdelay $0x3  }
0x94: {  	_ =	strace s3  }
0x95: {  	s3 =	sld [smem:$0x3FFD];
	_ =	sdelay $0x3  }
0x96: {  	_ =	strace s3  }
0x97: {  	_ =	strace $0x8FFFFFFF  }
0x98: {  	s19 =	sld [smem:$0x3FDB];
	_ =	sdelay $0x1  }
0x99: {  	s4 =	simm.s32 $_scs_section_size  }
0x9a: {  	s5 =	simm.s32 $_size__tile_overlayer_lowered;
	s6 =	simm.s32 $_tile_overlayer_lowered  }
0x9b: {  	s22 =	simm.s32 $0x1BFF;
	s21 =	sshll.u32 s6, $0x1;
	s3 =	sadd.s32 s4, s19  }
0x9c: {  	s7 =	simm.s32 $0x0;
	s20 =	sshll.u32 s5, $0x1;
	s5 =	sadd.s32 s21, s3  }
0x9d: {  	[timem:s7], [sflag:s22] =	dma.local [hbm:s5], s20  }
0x9e: {  	_ =	swait.ge [sflag:s22], s20  }
0x9f: {  	s4 =	ssub.s32 $0x0, s20;
	[sflag:s22] =	ssyncset.done $0x0  }
0xa0: {  	[sflag:s22] =	ssyncadd.s32 s4;
	_ =	sdelay $0x1  }
0xa1: {  	s23 =	simm.s32 $0x1B8B  }
0xa2: {  	_ =	swait.ge [sflag:s23], $0x1  }
0xa3: {  	[sflag:s23] =	ssyncset.done $0x0  }
0xa4: {  	s25 =	simm.s32 $0x1B8E;
	s24 =	sld [smem:$0x3FFE];
	[sflag:s23] =	ssyncadd.s32 $0xFFFFFFFF  }
0xa5: {  	s26 =	simm.s32 $execute0_lowered;
	[smem:$0x3FD2] =	sst s25  }
0xa6: {  	s5 =	sshll.u32 s26, $0x1;
	_ =	strace $0x80000055;
	[dreg:$0x1] =	wrdreg $0xFFFFFFFF  }
0xa7: {  	s28 =	simm.s32 $_size_execute0_lowered;
	s3 =	sadd.s32 s3, s5;
	[dreg:$0x0] =	wrdreg $0x0  }
0xa8: {  	s5 =	sshll.u32 s28, $0x1;
	[dreg:$0x2] =	wrdreg s3  }
0xa9: {  	[dreg:$0x3] =	wrdreg s5  }
0xaa: {  	[dreg:$0x4] =	wrdreg $0xC0  }
0xab: {  	_ =	task [dreg:s7], $0x5FFFF  }
0xac: {  	[dreg:$0x1] =	wrdreg $0xFFFFFFFF  }
0xad: {  	[dreg:$0x0] =	wrdreg $0x60  }
0xae: {  	[dreg:$0x2] =	wrdreg s24  }
0xaf: {  	[dreg:$0x3] =	wrdreg s2  }
0xb0: {  	[dreg:$0x4] =	wrdreg $0x9  }
0xb1: {  	_ =	task.clear_ibuf [dreg:s7], $0x5FFFF;
	_ =	strace $0x90000055  }
0xb2: {  	s29 =	simm.s32 $0x9;
	_ =	strace $0x80000057  }
0xb3: {  	_ =	swait.ge [sflag:s29], $0x1  }
0xb4: {  	[sflag:s29] =	ssyncadd.s32 $0xFFFFFFFF  }
0xb5: {  	_ =	strace $0x90000057  }
0xb6: {  	_ =	sfence  }
0xb7: {  	s30 =	sld [smem:$0x0];
	_ =	sdelay $0x2  }
0xb8: {  	s31 =	sshll.u32 s1, $0xD;
	s1 =	sshrl.u32 s1, $0x2  }
0xb9: {  	s3 =	sand.u32 $0x4000, s31;
	s1 =	sadd.s32 s1, s30  }
0xba: {  	s0 =	sor.u32 s3, s0;
	s1 =	sshll.u32 s1, $0x11  }
0xbb: {  	s0 =	sor.u32 s1, s0  }
0xbc: {  	s0 =	sadd.s32 $0x8F2B, s0  }
0xbd: {  	[sflag:s0] =	ssyncadd.remote.s32 $0x1  }
0xbe: {  	_ =	sfence.sel $0xFFFF  }
0xbf: {  	[dreg:$0x0] =	wrdreg $0xFFFFFFFF;
	(pc) =	sbr.abs _section_cstart, $3  }
0xc0: {  	[dreg:$0x1] =	wrdreg $0xFFFFFFFF  }
0xc1: {  	_ =	task.clear_ibuf [dreg:s7], $0x2FFFF;
	_ =	strace $0x9FFFFFFF  }
0xc2: {  	(tm) =	ssettm $0x7FFFFFFF  }
0xc3: {  	_ =	shalt  }
tec
execute0_lowered:
.L_overlay_start_1:
0x0: {  	(tag) =	ssettag $0x1  }
0x1: {  	s3 =	rddreg [dreg:$0x0];
	s1 =	srdreg.scid  }
0x2: {  	s0 =	stileid.u32;
	s5 =	rddreg [dreg:$0x1];
	s9 =	simm.s32 $0x4F00  }
0x3: {  	s10 =	simm.s32 $0x80;
	s11 =	simm.s32 $0x400;
	s12 =	simm.s32 $0x0  }
0x4: {  	s4 =	sand.u32 $0x1, s1;
	s2 =	sshll.u32 s0, $0x1;
	s8 =	sshrl.u32 s0, $0x2  }
0x5: {  	s1 =	rddreg [dreg:$0x2];
	s6 =	sor.u32 s4, s2;
	s8 =	smul.u32 $0x13C00, s8  }
0x6: {  	s2 =	simm.s32 $0x0;
	s4 =	ssub.s32 $0x2, s4;
	s7 =	smul.u32 $0x4E2, s6  }
0x7: {  	[smem:$0x7FF] =	sst s2;
	s6 =	sshll.u32 s6, $0x7;
	s30 =	sshrl.u32 s4, $0x1  }
0x8: {  	_ =	strace $0x80000056;
	s6 =	sand.u32 $0x380, s6;
	s31 =	ssub.s32 s4, s30  }
0x9: {  	s7 =	sadd.s32 s7, s3;
	s6 =	sor.u32 s8, s6;
	s8 =	simm.s32 $0x2780  }
0xa: {  	s3 =	sadd.s32 $0xF400, s7;
	s6 =	sshrl.u32 s6, $0x3;
	s4 =	sadd.s32 $0x19200, s7  }
0xb: {  	v0 =	vimm.f32 $0.0e+00;
	s7 =	simm.s32 $0x1;
	s5 =	sadd.s32 s5, s6;
	s6 =	smax.u32 s31, $0x1  }
.LBB2_1:
0xc: {  	[tilespmem:s2], [sflag:$0x1] =	stream.linear.gather [hbm4b:s3+s2], $0x2710, $0x38;
	[tilespmem:$0x7680] =	vst v63  }
0xd: {  	_ =	swait.ge [sflag:s7], $0x2710  }
0xe: {  	[sflag:s7] =	ssyncset.done $0x0  }
0xf: {  	[sflag:s7] =	ssyncadd.s32 $0xFFFFD8F0  }
0x10: {  	[tilespmem:s8], [sflag:$0x1] =	stream.linear.gather [hbm4b:s4+s2], $0x2710, $0x38;
	[tilespmem:$0x7680] =	vst v63  }
0x11: {  	_ =	swait.ge [sflag:s7], $0x2710  }
0x12: {  	[sflag:s7] =	ssyncset.done $0x0  }
0x13: {  	s13 =	simm.s32 $0x0;
	[sflag:s7] =	ssyncadd.s32 $0xFFFFD8F0  }
.LBB2_2:
0x14: {  	p0 =	sne.s32 s13, $0x9C00  }
.Ltmp0:
0x15: {  	_ = 	snop;
	(pc) =	sbr.rel @p0 .LBB2_2-.Ltmp0, $3  }
0x16: {  	_ =	sdelay $0x1  }
0x17: {  	s14 =	sshra.s32 s13, $0x2  }
0x18: {  	s13 =	sadd.s32 $0x40, s13;
	[tilespmem:s14+$0x4F00] =	vst v0  }
0x19: {  	s14 =	simm.s32 $0x0;
	s13 =	simm.s32 $0x40  }
.LBB2_4:
0x1a: {  	p0 =	sne.s32 s13, $0x9C00;
	v1 =	vld [tilespmem:s14+$0x0];
	_ =	sdelay $0x2  }
0x1b: {  	v2 =	vld [tilespmem:s14+$0x2780]  }
.Ltmp1:
0x1c: {  	(pc) =	sbr.rel @p0 .LBB2_4-.Ltmp1, $2  }
0x1d: {  	_ =	sdelay $0x2  }
0x1e: {  	s14 =	sshra.s32 s13, $0x2;
	s13 =	sadd.s32 $0x40, s13;
	[tilespmem:v1+s9+$0x0] =	vst.idx.add.f32.msk $0xffff, v2  }
0x1f: {  	v1 =	vld [tilespmem:s14+$0x0];
	_ =	sdelay $0x2  }
0x20: {  	v2 =	vld [tilespmem:s14+$0x2780];
	_ =	sdelay $0x2  }
0x21: {  	s12 =	sadd.s32 $0x1, s12  }
0x22: {  	p0 =	sne.s32 s12, s6  }
.Ltmp2:
0x23: {  	[tilespmem:v1+s9+$0x0] =	vst.idx.add.f32.msk $0xffff, v2;
	(pc) =	sbr.rel @p0 .LBB2_1-.Ltmp2, $4  }
0x24: {  	[hbm4b:s5+s10] =	stream.strided.scatter [tilespmem:s9], [sflag:$0x1], $0x2780, s11, s10, $0x38;
	[tilespmem:$0x7680] =	vst v63  }
0x25: {  	_ =	swait.ge [sflag:s7], $0x2780  }
0x26: {  	[sflag:s7] =	ssyncset.done $0x0  }
0x27: {  	[sflag:s7] =	ssyncadd.s32 $0xFFFFD880  }
0x28: {  	_ =	sfence.sel $0x180000  }
0x29: {  	[bflag:$0x0] =	sbarrier.arrive $0xFFFF  }
0x2a: {  	p0 =	sne.s32 s0, $0x0;
	_ =	strace $0x90000056  }
0x2b: {  	s0 =	sadd.s32 @!p0 $0x100000, s1;
	[bflag:$0x2] =	sbarrier.arrive $0xFFFF  }
0x2c: {  	[sflag:s0] =	ssyncadd.tile.s32 @!p0 $0x1;
	_ =	shalt  }
.Lfunc_end2:
_tile_overlayer_lowered:
.L_overlay_start_2:
0x2d: {  	(tag) =	ssettag $0x2  }
0x2e: {  	s0 =	rddreg [dreg:$0x0];
	s2 =	stileid.u32  }
0x2f: {  	s1 =	rddreg [dreg:$0x1];
	p0 =	sne.s32 s2, $0x0  }
0x30: {  	s3 =	rddreg [dreg:$0x2];
	[bflag:$0x3] =	sbarrier.arrive $0xFFFF;
	s2 =	simm.s32 @!p0 $0x1C01  }
0x31: {  	[timem:s3], [sflag:s2] =	dma.local @!p0 [hbm:s0], s1  }
0x32: {  	s0 =	simm.s32 @!p0 $0x1  }
0x33: {  	_ =	swait.ge @!p0 [sflag:s0], s1  }
0x34: {  	s1 =	ssub.s32 @!p0 $0x0, s1;
	[sflag:s0] =	ssyncset.done @!p0 $0x0  }
0x35: {  	[sflag:s0] =	ssyncadd.s32 @!p0 s1  }
0x36: {  	[bflag:$0x3] =	sbarrier.arrive $0xFFFF  }
0x37: {  	_ =	shalt  }

// kernel: kernel.35.cloned.1.call-start
scs
__scs_entry_jumppad:
0x0: {  	(pc) =	sbr.rel $0x88, $3  }
0x1: {  	(tag) =	ssettag $0x0;
	lr =	simm.s32 $0x1  }
0x2: {  	[smem:$0x3F8B] =	sst lr;
	_ =	strace $0xD0000000  }
0x3: {  	_ = 	snop  }
0x4: {  	_ = 	snop  }
0x5: {  	_ = 	snop  }
0x6: {  	_ = 	snop  }
0x7: {  	_ = 	snop  }
__scs_overlays_trampoline_lowered:
0x8: {  	[smem:$0x3F9A] =	sst s0  }
0x9: {  	[smem:$0x3F9B] =	sst s1  }
0xa: {  	[smem:$0x3F9C] =	sst s2  }
0xb: {  	[smem:$0x3F9D] =	sst s3  }
0xc: {  	[smem:$0x3F9E] =	sst s4  }
0xd: {  	[smem:$0x3F9F] =	sst s5  }
0xe: {  	[smem:$0x3FA0] =	sst s6  }
0xf: {  	[smem:$0x3FA1] =	sst s7  }
0x10: {  	[smem:$0x3FA2] =	sst s8  }
0x11: {  	[smem:$0x3FA3] =	sst s9;
	s0 =	simm.s32 @!p0 $0x0  }
0x12: {  	s1 =	sld [smem:$0x3F89];
	s0 =	simm.s32 @p0 $0x1  }
0x13: {  	[smem:$0x3FA4] =	sst s0;
	s0 =	simm.s32 @!p1 $0x0  }
0x14: {  	s2 =	sld [smem:$0x3F88];
	s0 =	simm.s32 @p1 $0x1  }
0x15: {  	[smem:$0x3FA5] =	sst s0;
	s0 =	simm.s32 @!p2 $0x0  }
0x16: {  	s3 =	sld [smem:$0x3FDB];
	s0 =	simm.s32 @p2 $0x1  }
0x17: {  	s4 =	simm.s32 $0x1BF5;
	[smem:$0x3FA7] =	sst s0  }
0x18: {  	s0 =	sld [smem:$0x3F8A];
	_ =	swait.ge [sflag:s4], $0x0  }
0x19: {  	s7 =	sld [smem:$0x3F8B]  }
0x1a: {  	s8 =	sadd.s32 $0xFFFFE003, lr  }
0x1b: {  	s9 =	sadd.s32 $0xFFFFFEF7, lr;
	s5 =	simm.s32 $0xFFFFFFFF;
	p2 =	slt.u32 s8, $0xFFFFF086  }
0x1c: {  	p1 =	slt.u32 s9, $0xF7A;
	s5 =	simm.s32 @!p2 $0x0  }
0x1d: {  	s5 =	simm.s32 @p1 $0x1;
	p0 =	seq.s32 s7, s2  }
0x1e: {  	s7 =	smul.u32 @!p0 $0xF7A, s2;
	p2 =	seq.s32 @!p0 s5, $0x0  }
0x1f: {  	s9 =	smul.u32 $0xF7A, s1;
	s8 =	simm.s32 @!p0 $0x1BF5;
	p2 =	por !p2, p0  }
0x20: {  	[sflag:s8] =	ssyncset.s32 @!p0 $0xFFFFF086;
	s6 =	sadd.s32 @!p0 s3, s7;
	s7 =	simm.s32 @!p0 $0x108  }
0x21: {  	s3 =	sadd.s32 s3, s9;
	s6 =	sadd.s32 @!p0 $0x88, s6;
	s7 =	simm.s32 @p2 $0x1082  }
0x22: {  	[simem:s7], [sflag:s8] =	dma.local @!p0 [hbm:s6], $0xF7A  }
0x23: {  	s9 =	sor.u32 $0xD0000000, s2;
	s6 =	simm.s32 $0x108;
	_ =	swait.ge @!p0 [sflag:s8], $0x0  }
0x24: {  	s3 =	sadd.s32 $0x88, s3;
	s6 =	simm.s32 @!p1 $0x1082;
	[sflag:s4] =	ssyncset.s32 $0xFFFFF086  }
0x25: {  	[simem:s6], [sflag:s4] =	dma.local [hbm:s3], $0xF7A  }
0x26: {  	[smem:$0x3F8B] =	sst s1;
	(tag) =	ssettag s2;
	_ =	strace s9  }
0x27: {  	s1 =	sld [smem:$0x3F9B]  }
0x28: {  	s2 =	sld [smem:$0x3F9C]  }
0x29: {  	s4 =	sld [smem:$0x3F9E]  }
0x2a: {  	p0 =	seq.s32 s5, $0x0;
	s5 =	sld [smem:$0x3F9F]  }
0x2b: {  	s6 =	sld [smem:$0x3FA0]  }
0x2c: {  	s7 =	sld [smem:$0x3FA1]  }
0x2d: {  	s3 =	simm.s32 $0x108;
	s8 =	sld [smem:$0x3FA2]  }
0x2e: {  	s3 =	simm.s32 @!p0 $0x1082;
	s9 =	sld [smem:$0x3FA3]  }
0x2f: {  	lr =	sadd.s32 s0, s3;
	s0 =	sld [smem:$0x3F9A]  }
0x30: {  	s3 =	sld [smem:$0x3F9D]  }
0x31: {  	[smem:$0x3FA6] =	sst s10  }
0x32: {  	s10 =	sld [smem:$0x3FA4];
	_ =	sdelay $0x3  }
0x33: {  	p0 =	seq.s32 s10, $0x1;
	s10 =	sld [smem:$0x3FA6];
	_ =	sdelay $0x3  }
0x34: {  	[smem:$0x3FA6] =	sst s10  }
0x35: {  	s10 =	sld [smem:$0x3FA5];
	_ =	sdelay $0x3  }
0x36: {  	p1 =	seq.s32 s10, $0x1;
	s10 =	sld [smem:$0x3FA6];
	_ =	sdelay $0x3  }
0x37: {  	[smem:$0x3FA6] =	sst s10  }
0x38: {  	s10 =	sld [smem:$0x3FA7]  }
0x39: {  	_ = 	snop;
	(pc) =	sbr.ind lr, $3  }
0x3a: {  	_ = 	snop  }
0x3b: {  	_ = 	snop  }
0x3c: {  	p2 =	seq.s32 s10, $0x1;
	s10 =	sld [smem:$0x3FA6]  }
0x3d: {  	_ =	shalt  }
0x3e: {  	_ =	shalt  }
0x3f: {  	_ =	shalt  }
0x40: {  	_ =	shalt  }
0x41: {  	_ =	shalt  }
0x42: {  	_ =	shalt  }
0x43: {  	_ =	shalt  }
0x44: {  	_ =	shalt  }
0x45: {  	_ =	shalt  }
0x46: {  	_ =	shalt  }
0x47: {  	_ =	shalt  }
0x48: {  	_ =	shalt  }
0x49: {  	_ =	shalt  }
0x4a: {  	_ =	shalt  }
0x4b: {  	_ =	shalt  }
0x4c: {  	_ =	shalt  }
0x4d: {  	_ =	shalt  }
0x4e: {  	_ =	shalt  }
0x4f: {  	_ =	shalt  }
0x50: {  	_ =	shalt  }
0x51: {  	_ =	shalt  }
0x52: {  	_ =	shalt  }
0x53: {  	_ =	shalt  }
0x54: {  	_ =	shalt  }
0x55: {  	_ =	shalt  }
0x56: {  	_ =	shalt  }
0x57: {  	_ =	shalt  }
0x58: {  	_ =	shalt  }
0x59: {  	_ =	shalt  }
0x5a: {  	_ =	shalt  }
0x5b: {  	_ =	shalt  }
0x5c: {  	_ =	shalt  }
0x5d: {  	_ =	shalt  }
0x5e: {  	_ =	shalt  }
0x5f: {  	_ =	shalt  }
0x60: {  	_ =	shalt  }
0x61: {  	_ =	shalt  }
0x62: {  	_ =	shalt  }
0x63: {  	_ =	shalt  }
0x64: {  	_ =	shalt  }
0x65: {  	_ =	shalt  }
0x66: {  	_ =	shalt  }
0x67: {  	_ =	shalt  }
0x68: {  	_ =	shalt  }
0x69: {  	_ =	shalt  }
0x6a: {  	_ =	shalt  }
0x6b: {  	_ =	shalt  }
0x6c: {  	_ =	shalt  }
0x6d: {  	_ =	shalt  }
0x6e: {  	_ =	shalt  }
0x6f: {  	_ =	shalt  }
0x70: {  	_ =	shalt  }
0x71: {  	_ =	shalt  }
0x72: {  	_ =	shalt  }
0x73: {  	_ =	shalt  }
0x74: {  	_ =	shalt  }
0x75: {  	_ =	shalt  }
0x76: {  	_ =	shalt  }
0x77: {  	_ =	shalt  }
0x78: {  	_ =	shalt  }
0x79: {  	_ =	shalt  }
0x7a: {  	_ =	shalt  }
0x7b: {  	_ =	shalt  }
0x7c: {  	_ =	shalt  }
0x7d: {  	_ =	shalt  }
0x7e: {  	_ =	shalt  }
0x7f: {  	_ =	shalt  }
0x80: {  	_ =	shalt  }
0x81: {  	_ =	shalt  }
0x82: {  	_ =	shalt  }
0x83: {  	_ =	shalt  }
0x84: {  	_ =	shalt  }
0x85: {  	_ =	shalt  }
0x86: {  	_ =	shalt  }
0x87: {  	_ =	shalt  }
.Lfunc_end0:
.L_simem_size_0:
called_computation.6_lowered:
.L_overlay_start_0:
0x88: {  	s2 =	sld [smem:$0x3FD9]  }
0x89: {  	s3 =	sld [smem:$0x3FFE];
	_ =	sdelay $0x1  }
0x8a: {  	s1 =	srdreg.scid  }
0x8b: {  	s0 =	sand.u32 $0x1, s1  }
0x8c: {  	s16 =	sshll.u32 s0, $0xA;
	s2 =	sadd.s32 s3, s2  }
0x8d: {  	s2 =	sadd.s32 s2, s16  }
0x8e: {  	[smem:$0x3FB2] =	sst s2  }
0x8f: {  	_ = 	snop  }
0x90: {  	(tm) =	ssettm $0x1  }
0x91: {  	s17 =	sld [smem:$0x3FFB];
	_ =	sdelay $0x3  }
0x92: {  	_ =	strace s17  }
0x93: {  	s2 =	sld [smem:$0x3FFC];
	_ =	sdelay $0x3  }
0x94: {  	_ =	strace s2  }
0x95: {  	s2 =	sld [smem:$0x3FFD];
	_ =	sdelay $0x3  }
0x96: {  	_ =	strace s2  }
0x97: {  	_ =	strace $0x8FFFFFFF  }
0x98: {  	s18 =	sld [smem:$0x3FDB];
	_ =	sdelay $0x1  }
0x99: {  	s19 =	simm.s32 $_scs_section_size  }
0x9a: {  	s4 =	simm.s32 $_size__tile_overlayer_lowered;
	s5 =	simm.s32 $_tile_overlayer_lowered  }
0x9b: {  	s22 =	simm.s32 $0x1BFF;
	s21 =	sshll.u32 s5, $0x1;
	s2 =	sadd.s32 s19, s18  }
0x9c: {  	s6 =	simm.s32 $0x0;
	s20 =	sshll.u32 s4, $0x1;
	s4 =	sadd.s32 s21, s2  }
0x9d: {  	[timem:s6], [sflag:s22] =	dma.local [hbm:s4], s20  }
0x9e: {  	_ =	swait.ge [sflag:s22], s20  }
0x9f: {  	s3 =	ssub.s32 $0x0, s20;
	[sflag:s22] =	ssyncset.done $0x0  }
0xa0: {  	[sflag:s22] =	ssyncadd.s32 s3;
	_ =	sdelay $0x1  }
0xa1: {  	s23 =	simm.s32 $0x1B8B  }
0xa2: {  	_ =	swait.ge [sflag:s23], $0x1  }
0xa3: {  	[sflag:s23] =	ssyncset.done $0x0  }
0xa4: {  	s25 =	simm.s32 $0x1B8E;
	s24 =	sld [smem:$0x3FFE];
	[sflag:s23] =	ssyncadd.s32 $0xFFFFFFFF  }
0xa5: {  	s26 =	simm.s32 $execute0_lowered;
	[smem:$0x3FD2] =	sst s25  }
0xa6: {  	s4 =	sshll.u32 s26, $0x1;
	_ =	strace $0x80000058;
	[dreg:$0x1] =	wrdreg $0xFFFFFFFF  }
0xa7: {  	s28 =	simm.s32 $_size_execute0_lowered;
	s2 =	sadd.s32 s2, s4;
	[dreg:$0x0] =	wrdreg $0x0  }
0xa8: {  	s4 =	sshll.u32 s28, $0x1;
	[dreg:$0x2] =	wrdreg s2  }
0xa9: {  	[dreg:$0x3] =	wrdreg s4  }
0xaa: {  	[dreg:$0x4] =	wrdreg $0xC0  }
0xab: {  	_ =	task [dreg:s6], $0x5FFFF  }
0xac: {  	[dreg:$0x1] =	wrdreg $0xFFFFFFFF  }
0xad: {  	[dreg:$0x0] =	wrdreg $0x60  }
0xae: {  	[dreg:$0x2] =	wrdreg s24  }
0xaf: {  	[dreg:$0x3] =	wrdreg $0x9  }
0xb0: {  	_ =	task.clear_ibuf [dreg:s6], $0x4FFFF;
	_ =	strace $0x90000058  }
0xb1: {  	s29 =	simm.s32 $0x9;
	_ =	strace $0x8000005A  }
0xb2: {  	_ =	swait.ge [sflag:s29], $0x1  }
0xb3: {  	[sflag:s29] =	ssyncadd.s32 $0xFFFFFFFF  }
0xb4: {  	_ =	strace $0x9000005A  }
0xb5: {  	_ =	sfence  }
0xb6: {  	s30 =	sld [smem:$0x0];
	_ =	sdelay $0x2  }
0xb7: {  	s31 =	sshll.u32 s1, $0xD;
	s1 =	sshrl.u32 s1, $0x2  }
0xb8: {  	s3 =	sand.u32 $0x4000, s31;
	s1 =	sadd.s32 s1, s30  }
0xb9: {  	s0 =	sor.u32 s3, s0;
	s1 =	sshll.u32 s1, $0x11  }
0xba: {  	s0 =	sor.u32 s1, s0  }
0xbb: {  	s0 =	sadd.s32 $0x8F2B, s0  }
0xbc: {  	[sflag:s0] =	ssyncadd.remote.s32 $0x1  }
0xbd: {  	_ =	sfence.sel $0xFFFF  }
0xbe: {  	[dreg:$0x0] =	wrdreg $0xFFFFFFFF;
	(pc) =	sbr.abs _section_cstart, $3  }
0xbf: {  	[dreg:$0x1] =	wrdreg $0xFFFFFFFF  }
0xc0: {  	_ =	task.clear_ibuf [dreg:s6], $0x2FFFF;
	_ =	strace $0x9FFFFFFF  }
0xc1: {  	(tm) =	ssettm $0x7FFFFFFF  }
tec
execute0_lowered:
.L_overlay_start_1:
0x0: {  	(tag) =	ssettag $0x1  }
0x1: {  	s1 =	srdreg.scid  }
0x2: {  	s0 =	stileid.u32;
	s4 =	rddreg [dreg:$0x0];
	s2 =	simm.s32 $0x0  }
0x3: {  	s9 =	simm.s32 $0x2780;
	s3 =	sand.u32 $0x1, s1;
	s5 =	sshll.u32 s0, $0x1  }
0x4: {  	s10 =	simm.s32 $0x4F00;
	s11 =	simm.s32 $0x7680;
	s5 =	sor.u32 s3, s5  }
0x5: {  	s1 =	rddreg [dreg:$0x1];
	s6 =	ssub.s32 $0x2, s3;
	s5 =	smul.u32 $0x4E2, s5  }
0x6: {  	s12 =	simm.s32 $0x0;
	[smem:$0x7FF] =	sst s2;
	s7 =	sshrl.u32 s6, $0x1  }
0x7: {  	_ =	strace $0x80000059;
	s7 =	ssub.s32 s6, s7;
	s8 =	sadd.s32 s5, s4  }
0x8: {  	s3 =	sadd.s32 $0x4A200, s4;
	s7 =	smax.u32 s7, $0x1;
	s4 =	sadd.s32 $0x5600, s8  }
0x9: {  	s5 =	sadd.s32 $0x19200, s8;
	s6 =	sadd.s32 $0x4A800, s8;
	s8 =	simm.s32 $0x1  }
.LBB2_1:
0xa: {  	[tilespmem:s2], [sflag:$0x1] =	stream.linear.gather [hbm4b:s4+s2], $0x2710, $0x38;
	[tilespmem:$0x9E00] =	vst v63  }
0xb: {  	_ =	swait.ge [sflag:s8], $0x2710  }
0xc: {  	[sflag:s8] =	ssyncset.done $0x0  }
0xd: {  	[sflag:s8] =	ssyncadd.s32 $0xFFFFD8F0  }
0xe: {  	[tilespmem:s9], [sflag:$0x1] =	stream.linear.gather [hbm4b:s5+s2], $0x2710, $0x38;
	[tilespmem:$0x9E00] =	vst v63  }
0xf: {  	_ =	swait.ge [sflag:s8], $0x2710  }
0x10: {  	[sflag:s8] =	ssyncset.done $0x0  }
0x11: {  	[sflag:s8] =	ssyncadd.s32 $0xFFFFD8F0  }
0x12: {  	[tilespmem:s10], [sflag:$0x1] =	stream.linear.gather [hbm4b:s3+s2], $0x2780, $0x38;
	[tilespmem:$0x9E00] =	vst v63  }
0x13: {  	_ =	swait.ge [sflag:s8], $0x2780  }
0x14: {  	[sflag:s8] =	ssyncset.done $0x0  }
0x15: {  	s13 =	simm.s32 $0x0;
	[sflag:s8] =	ssyncadd.s32 $0xFFFFD880  }
0x16: {  	v1 =	vld [tilespmem:s13+$0x0];
	_ =	sdelay $0x6  }
0x17: {  	v0 =	vld [tilespmem:s13+$0x2780]  }
0x18: {  	s14 =	simm.s32 $0x10;
	s15 =	simm.s32 $0x80;
	v1 =	vld.idx.msk [tilespmem:v1+s10+$0x0], $0xffff  }
.LBB2_2:
0x19: {  	p0 =	sne.s32 s15, $0x9C00;
	v2 =	vld [tilespmem:s14+$0x0];
	_ =	sdelay $0x3  }
.Ltmp0:
0x1a: {  	(pc) =	sbr.rel @p0 .LBB2_2-.Ltmp0, $3  }
0x1b: {  	v1 =	vmul.f32 v1, v0;
	_ =	sdelay $0x1  }
0x1c: {  	v0 =	vld [tilespmem:s14+$0x2780];
	[tilespmem:s13+$0x7680] =	vst v1;
	s13 =	smov.u32 s14  }
0x1d: {  	s14 =	sshra.s32 s15, $0x2;
	s15 =	sadd.s32 $0x40, s15;
	v1 =	vld.idx.msk [tilespmem:v2+s10+$0x0], $0xffff  }
0x1e: {  	v2 =	vld [tilespmem:s14+$0x0];
	_ =	sdelay $0x4  }
0x1f: {  	v0 =	vmul.f32 v1, v0;
	_ =	sdelay $0x1  }
0x20: {  	v63 =	vld [tilespmem:s14+$0x2780];
	[tilespmem:s13+$0x7680] =	vst v0  }
0x21: {  	v0 =	vld.idx.msk [tilespmem:v2+s10+$0x0], $0xffff;
	_ =	sdelay $0x4  }
0x22: {  	s12 =	sadd.s32 $0x1, s12;
	v0 =	vmul.f32 v0, v63  }
0x23: {  	p0 =	sne.s32 s12, s7  }
.Ltmp1:
0x24: {  	[tilespmem:s14+$0x7680] =	vst v0;
	(pc) =	sbr.rel @p0 .LBB2_1-.Ltmp1, $4  }
0x25: {  	[hbm4b:s6+s2] =	stream.linear.scatter [tilespmem:s11], [sflag:$0x1], $0x2710, $0x38;
	[tilespmem:$0x9E00] =	vst v63  }
0x26: {  	_ =	swait.ge [sflag:s8], $0x2710  }
0x27: {  	[sflag:s8] =	ssyncset.done $0x0  }
0x28: {  	[sflag:s8] =	ssyncadd.s32 $0xFFFFD8F0  }
0x29: {  	_ =	sfence.sel $0x180000  }
0x2a: {  	[bflag:$0x0] =	sbarrier.arrive $0xFFFF  }
0x2b: {  	p0 =	sne.s32 s0, $0x0;
	_ =	strace $0x90000059  }
0x2c: {  	s0 =	sadd.s32 @!p0 $0x100000, s1;
	[bflag:$0x2] =	sbarrier.arrive $0xFFFF  }
0x2d: {  	[sflag:s0] =	ssyncadd.tile.s32 @!p0 $0x1;
	_ =	shalt  }
.Lfunc_end2:
_tile_overlayer_lowered:
.L_overlay_start_2:
0x2e: {  	(tag) =	ssettag $0x2  }
0x2f: {  	s0 =	rddreg [dreg:$0x0];
	s2 =	stileid.u32  }
0x30: {  	s1 =	rddreg [dreg:$0x1];
	p0 =	sne.s32 s2, $0x0  }
0x31: {  	s3 =	rddreg [dreg:$0x2];
	[bflag:$0x3] =	sbarrier.arrive $0xFFFF;
	s2 =	simm.s32 @!p0 $0x1C01  }
0x32: {  	[timem:s3], [sflag:s2] =	dma.local @!p0 [hbm:s0], s1  }
0x33: {  	s0 =	simm.s32 @!p0 $0x1  }
0x34: {  	_ =	swait.ge @!p0 [sflag:s0], s1  }
0x35: {  	s1 =	ssub.s32 @!p0 $0x0, s1;
	[sflag:s0] =	ssyncset.done @!p0 $0x0  }
0x36: {  	[sflag:s0] =	ssyncadd.s32 @!p0 s1  }
0x37: {  	[bflag:$0x3] =	sbarrier.arrive $0xFFFF  }
0x38: {  	_ =	shalt  }

// kernel: kernel.38.cloned.1.call-start
scs
__scs_entry_jumppad:
0x0: {  	(pc) =	sbr.rel $0x88, $3  }
0x1: {  	(tag) =	ssettag $0x0;
	lr =	simm.s32 $0x1  }
0x2: {  	[smem:$0x3F8B] =	sst lr;
	_ =	strace $0xD0000000  }
0x3: {  	_ = 	snop  }
0x4: {  	_ = 	snop  }
0x5: {  	_ = 	snop  }
0x6: {  	_ = 	snop  }
0x7: {  	_ = 	snop  }
__scs_overlays_trampoline_lowered:
0x8: {  	[smem:$0x3F9A] =	sst s0  }
0x9: {  	[smem:$0x3F9B] =	sst s1  }
0xa: {  	[smem:$0x3F9C] =	sst s2  }
0xb: {  	[smem:$0x3F9D] =	sst s3  }
0xc: {  	[smem:$0x3F9E] =	sst s4  }
0xd: {  	[smem:$0x3F9F] =	sst s5  }
0xe: {  	[smem:$0x3FA0] =	sst s6  }
0xf: {  	[smem:$0x3FA1] =	sst s7  }
0x10: {  	[smem:$0x3FA2] =	sst s8  }
0x11: {  	[smem:$0x3FA3] =	sst s9;
	s0 =	simm.s32 @!p0 $0x0  }
0x12: {  	s1 =	sld [smem:$0x3F89];
	s0 =	simm.s32 @p0 $0x1  }
0x13: {  	[smem:$0x3FA4] =	sst s0;
	s0 =	simm.s32 @!p1 $0x0  }
0x14: {  	s2 =	sld [smem:$0x3F88];
	s0 =	simm.s32 @p1 $0x1  }
0x15: {  	[smem:$0x3FA5] =	sst s0;
	s0 =	simm.s32 @!p2 $0x0  }
0x16: {  	s3 =	sld [smem:$0x3FDB];
	s0 =	simm.s32 @p2 $0x1  }
0x17: {  	s4 =	simm.s32 $0x1BF5;
	[smem:$0x3FA7] =	sst s0  }
0x18: {  	s0 =	sld [smem:$0x3F8A];
	_ =	swait.ge [sflag:s4], $0x0  }
0x19: {  	s7 =	sld [smem:$0x3F8B]  }
0x1a: {  	s8 =	sadd.s32 $0xFFFFE003, lr  }
0x1b: {  	s9 =	sadd.s32 $0xFFFFFEF7, lr;
	s5 =	simm.s32 $0xFFFFFFFF;
	p2 =	slt.u32 s8, $0xFFFFF086  }
0x1c: {  	p1 =	slt.u32 s9, $0xF7A;
	s5 =	simm.s32 @!p2 $0x0  }
0x1d: {  	s5 =	simm.s32 @p1 $0x1;
	p0 =	seq.s32 s7, s2  }
0x1e: {  	s7 =	smul.u32 @!p0 $0xF7A, s2;
	p2 =	seq.s32 @!p0 s5, $0x0  }
0x1f: {  	s9 =	smul.u32 $0xF7A, s1;
	s8 =	simm.s32 @!p0 $0x1BF5;
	p2 =	por !p2, p0  }
0x20: {  	[sflag:s8] =	ssyncset.s32 @!p0 $0xFFFFF086;
	s6 =	sadd.s32 @!p0 s3, s7;
	s7 =	simm.s32 @!p0 $0x108  }
0x21: {  	s3 =	sadd.s32 s3, s9;
	s6 =	sadd.s32 @!p0 $0x88, s6;
	s7 =	simm.s32 @p2 $0x1082  }
0x22: {  	[simem:s7], [sflag:s8] =	dma.local @!p0 [hbm:s6], $0xF7A  }
0x23: {  	s9 =	sor.u32 $0xD0000000, s2;
	s6 =	simm.s32 $0x108;
	_ =	swait.ge @!p0 [sflag:s8], $0x0  }
0x24: {  	s3 =	sadd.s32 $0x88, s3;
	s6 =	simm.s32 @!p1 $0x1082;
	[sflag:s4] =	ssyncset.s32 $0xFFFFF086  }
0x25: {  	[simem:s6], [sflag:s4] =	dma.local [hbm:s3], $0xF7A  }
0x26: {  	[smem:$0x3F8B] =	sst s1;
	(tag) =	ssettag s2;
	_ =	strace s9  }
0x27: {  	s1 =	sld [smem:$0x3F9B]  }
0x28: {  	s2 =	sld [smem:$0x3F9C]  }
0x29: {  	s4 =	sld [smem:$0x3F9E]  }
0x2a: {  	p0 =	seq.s32 s5, $0x0;
	s5 =	sld [smem:$0x3F9F]  }
0x2b: {  	s6 =	sld [smem:$0x3FA0]  }
0x2c: {  	s7 =	sld [smem:$0x3FA1]  }
0x2d: {  	s3 =	simm.s32 $0x108;
	s8 =	sld [smem:$0x3FA2]  }
0x2e: {  	s3 =	simm.s32 @!p0 $0x1082;
	s9 =	sld [smem:$0x3FA3]  }
0x2f: {  	lr =	sadd.s32 s0, s3;
	s0 =	sld [smem:$0x3F9A]  }
0x30: {  	s3 =	sld [smem:$0x3F9D]  }
0x31: {  	[smem:$0x3FA6] =	sst s10  }
0x32: {  	s10 =	sld [smem:$0x3FA4];
	_ =	sdelay $0x3  }
0x33: {  	p0 =	seq.s32 s10, $0x1;
	s10 =	sld [smem:$0x3FA6];
	_ =	sdelay $0x3  }
0x34: {  	[smem:$0x3FA6] =	sst s10  }
0x35: {  	s10 =	sld [smem:$0x3FA5];
	_ =	sdelay $0x3  }
0x36: {  	p1 =	seq.s32 s10, $0x1;
	s10 =	sld [smem:$0x3FA6];
	_ =	sdelay $0x3  }
0x37: {  	[smem:$0x3FA6] =	sst s10  }
0x38: {  	s10 =	sld [smem:$0x3FA7]  }
0x39: {  	_ = 	snop;
	(pc) =	sbr.ind lr, $3  }
0x3a: {  	_ = 	snop  }
0x3b: {  	_ = 	snop  }
0x3c: {  	p2 =	seq.s32 s10, $0x1;
	s10 =	sld [smem:$0x3FA6]  }
0x3d: {  	_ =	shalt  }
0x3e: {  	_ =	shalt  }
0x3f: {  	_ =	shalt  }
0x40: {  	_ =	shalt  }
0x41: {  	_ =	shalt  }
0x42: {  	_ =	shalt  }
0x43: {  	_ =	shalt  }
0x44: {  	_ =	shalt  }
0x45: {  	_ =	shalt  }
0x46: {  	_ =	shalt  }
0x47: {  	_ =	shalt  }
0x48: {  	_ =	shalt  }
0x49: {  	_ =	shalt  }
0x4a: {  	_ =	shalt  }
0x4b: {  	_ =	shalt  }
0x4c: {  	_ =	shalt  }
0x4d: {  	_ =	shalt  }
0x4e: {  	_ =	shalt  }
0x4f: {  	_ =	shalt  }
0x50: {  	_ =	shalt  }
0x51: {  	_ =	shalt  }
0x52: {  	_ =	shalt  }
0x53: {  	_ =	shalt  }
0x54: {  	_ =	shalt  }
0x55: {  	_ =	shalt  }
0x56: {  	_ =	shalt  }
0x57: {  	_ =	shalt  }
0x58: {  	_ =	shalt  }
0x59: {  	_ =	shalt  }
0x5a: {  	_ =	shalt  }
0x5b: {  	_ =	shalt  }
0x5c: {  	_ =	shalt  }
0x5d: {  	_ =	shalt  }
0x5e: {  	_ =	shalt  }
0x5f: {  	_ =	shalt  }
0x60: {  	_ =	shalt  }
0x61: {  	_ =	shalt  }
0x62: {  	_ =	shalt  }
0x63: {  	_ =	shalt  }
0x64: {  	_ =	shalt  }
0x65: {  	_ =	shalt  }
0x66: {  	_ =	shalt  }
0x67: {  	_ =	shalt  }
0x68: {  	_ =	shalt  }
0x69: {  	_ =	shalt  }
0x6a: {  	_ =	shalt  }
0x6b: {  	_ =	shalt  }
0x6c: {  	_ =	shalt  }
0x6d: {  	_ =	shalt  }
0x6e: {  	_ =	shalt  }
0x6f: {  	_ =	shalt  }
0x70: {  	_ =	shalt  }
0x71: {  	_ =	shalt  }
0x72: {  	_ =	shalt  }
0x73: {  	_ =	shalt  }
0x74: {  	_ =	shalt  }
0x75: {  	_ =	shalt  }
0x76: {  	_ =	shalt  }
0x77: {  	_ =	shalt  }
0x78: {  	_ =	shalt  }
0x79: {  	_ =	shalt  }
0x7a: {  	_ =	shalt  }
0x7b: {  	_ =	shalt  }
0x7c: {  	_ =	shalt  }
0x7d: {  	_ =	shalt  }
0x7e: {  	_ =	shalt  }
0x7f: {  	_ =	shalt  }
0x80: {  	_ =	shalt  }
0x81: {  	_ =	shalt  }
0x82: {  	_ =	shalt  }
0x83: {  	_ =	shalt  }
0x84: {  	_ =	shalt  }
0x85: {  	_ =	shalt  }
0x86: {  	_ =	shalt  }
0x87: {  	_ =	shalt  }
.Lfunc_end0:
.L_simem_size_0:
called_computation.7_lowered:
.L_overlay_start_0:
0x88: {  	s2 =	sld [smem:$0x3FD9]  }
0x89: {  	s3 =	sld [smem:$0x3FFE];
	_ =	sdelay $0x1  }
0x8a: {  	s1 =	srdreg.scid  }
0x8b: {  	s0 =	sand.u32 $0x1, s1  }
0x8c: {  	s16 =	sshll.u32 s0, $0xA;
	s2 =	sadd.s32 s3, s2  }
0x8d: {  	s2 =	sadd.s32 s2, s16  }
0x8e: {  	[smem:$0x3FB2] =	sst s2  }
0x8f: {  	_ = 	snop  }
0x90: {  	(tm) =	ssettm $0x1  }
0x91: {  	s17 =	sld [smem:$0x3FFB];
	_ =	sdelay $0x3  }
0x92: {  	_ =	strace s17  }
0x93: {  	s2 =	sld [smem:$0x3FFC];
	_ =	sdelay $0x3  }
0x94: {  	_ =	strace s2  }
0x95: {  	s2 =	sld [smem:$0x3FFD];
	_ =	sdelay $0x3  }
0x96: {  	_ =	strace s2  }
0x97: {  	_ =	strace $0x8FFFFFFF  }
0x98: {  	s18 =	sld [smem:$0x3FDB];
	_ =	sdelay $0x1  }
0x99: {  	s19 =	simm.s32 $_scs_section_size  }
0x9a: {  	s4 =	simm.s32 $_size__tile_overlayer_lowered;
	s5 =	simm.s32 $_tile_overlayer_lowered  }
0x9b: {  	s22 =	simm.s32 $0x1BFF;
	s21 =	sshll.u32 s5, $0x1;
	s2 =	sadd.s32 s19, s18  }
0x9c: {  	s6 =	simm.s32 $0x0;
	s20 =	sshll.u32 s4, $0x1;
	s4 =	sadd.s32 s21, s2  }
0x9d: {  	[timem:s6], [sflag:s22] =	dma.local [hbm:s4], s20  }
0x9e: {  	_ =	swait.ge [sflag:s22], s20  }
0x9f: {  	s3 =	ssub.s32 $0x0, s20;
	[sflag:s22] =	ssyncset.done $0x0  }
0xa0: {  	[sflag:s22] =	ssyncadd.s32 s3;
	_ =	sdelay $0x1  }
0xa1: {  	s23 =	simm.s32 $0x1B8B  }
0xa2: {  	_ =	swait.ge [sflag:s23], $0x1  }
0xa3: {  	[sflag:s23] =	ssyncset.done $0x0  }
0xa4: {  	s25 =	simm.s32 $0x1B8E;
	s24 =	sld [smem:$0x3FFE];
	[sflag:s23] =	ssyncadd.s32 $0xFFFFFFFF  }
0xa5: {  	s26 =	simm.s32 $execute0_lowered;
	[smem:$0x3FD2] =	sst s25  }
0xa6: {  	s4 =	sshll.u32 s26, $0x1;
	_ =	strace $0x8000005B;
	[dreg:$0x1] =	wrdreg $0xFFFFFFFF  }
0xa7: {  	s28 =	simm.s32 $_size_execute0_lowered;
	s2 =	sadd.s32 s2, s4;
	[dreg:$0x0] =	wrdreg $0x0  }
0xa8: {  	s4 =	sshll.u32 s28, $0x1;
	[dreg:$0x2] =	wrdreg s2  }
0xa9: {  	[dreg:$0x3] =	wrdreg s4  }
0xaa: {  	[dreg:$0x4] =	wrdreg $0xC0  }
0xab: {  	_ =	task [dreg:s6], $0x5FFFF  }
0xac: {  	[dreg:$0x1] =	wrdreg $0xFFFFFFFF  }
0xad: {  	[dreg:$0x0] =	wrdreg $0x60  }
0xae: {  	[dreg:$0x2] =	wrdreg s24  }
0xaf: {  	[dreg:$0x3] =	wrdreg $0x75000  }
0xb0: {  	[dreg:$0x4] =	wrdreg $0x9  }
0xb1: {  	_ =	task.clear_ibuf [dreg:s6], $0x5FFFF;
	_ =	strace $0x9000005B  }
0xb2: {  	s29 =	simm.s32 $0x9;
	_ =	strace $0x8000005D  }
0xb3: {  	_ =	swait.ge [sflag:s29], $0x1  }
0xb4: {  	[sflag:s29] =	ssyncadd.s32 $0xFFFFFFFF  }
0xb5: {  	_ =	strace $0x9000005D  }
0xb6: {  	_ =	sfence  }
0xb7: {  	s30 =	sld [smem:$0x0];
	_ =	sdelay $0x2  }
0xb8: {  	s31 =	sshll.u32 s1, $0xD;
	s1 =	sshrl.u32 s1, $0x2  }
0xb9: {  	s3 =	sand.u32 $0x4000, s31;
	s1 =	sadd.s32 s1, s30  }
0xba: {  	s0 =	sor.u32 s3, s0;
	s1 =	sshll.u32 s1, $0x11  }
0xbb: {  	s0 =	sor.u32 s1, s0  }
0xbc: {  	s0 =	sadd.s32 $0x8F2B, s0  }
0xbd: {  	[sflag:s0] =	ssyncadd.remote.s32 $0x1  }
0xbe: {  	_ =	sfence.sel $0xFFFF  }
0xbf: {  	[dreg:$0x0] =	wrdreg $0xFFFFFFFF;
	(pc) =	sbr.abs _section_cstart, $3  }
0xc0: {  	[dreg:$0x1] =	wrdreg $0xFFFFFFFF  }
0xc1: {  	_ =	task.clear_ibuf [dreg:s6], $0x2FFFF;
	_ =	strace $0x9FFFFFFF  }
0xc2: {  	(tm) =	ssettm $0x7FFFFFFF  }
0xc3: {  	_ =	shalt  }
tec
execute0_lowered:
.L_overlay_start_1:
0x0: {  	(tag) =	ssettag $0x1  }
0x1: {  	s29 =	stileid.u32  }
0x2: {  	s0 =	srdreg.scid;
	s2 =	smul.u32 $0x4E20, s29  }
0x3: {  	s4 =	rddreg [dreg:$0x0];
	s21 =	smul.u32 $0x4E200, s29  }
0x4: {  	s1 =	simm.s32 $0x0;
	s0 =	sand.u32 $0x1, s0;
	s24 =	smul.u32 $0x14000, s29  }
0x5: {  	s23 =	sadd.s32 $0x4A200, s4;
	s3 =	smul.u32 $0x2710, s0;
	s22 =	ssub.s32 $0x2, s0  }
0x6: {  	s20 =	sadd.s32 s21, s4;
	s25 =	sshrl.u32 s22, $0x1;
	s5 =	sadd.s32 $0x4000, s24  }
0x7: {  	s6 =	sadd.s32 $0x5000, s24;
	s7 =	sadd.s32 $0x6000, s24;
	s8 =	sadd.s32 $0x7000, s24  }
0x8: {  	s9 =	sadd.s32 $0x8000, s24;
	s10 =	sadd.s32 $0x9000, s24;
	s11 =	sadd.s32 $0xA000, s24  }
0x9: {  	s13 =	sadd.s32 $0xB000, s24;
	s14 =	sadd.s32 $0xC000, s24;
	s16 =	sadd.s32 $0xD000, s24  }
0xa: {  	s17 =	sadd.s32 $0xE000, s24;
	s18 =	sadd.s32 $0xF000, s24;
	s2 =	sadd.s32 s3, s2  }
0xb: {  	s19 =	sadd.s32 $0x10000, s24;
	s21 =	sadd.s32 $0x11000, s24;
	s2 =	sshrl.u32 s2, $0x3  }
0xc: {  	s15 =	ssub.s32 s22, s25;
	s25 =	smul.u32 $0x140000, s0;
	s2 =	sadd.s32 s2, s4  }
0xd: {  	s12 =	sadd.s32 $0x13000, s24;
	[dreg:$0x1b] =	wrdreg s2;
	s2 =	sor.u32 $0x1000, s24  }
0xe: {  	s3 =	sor.u32 $0x2000, s24;
	s22 =	sadd.s32 $0x12000, s24;
	s26 =	sadd.s32 s25, s2  }
0xf: {  	s4 =	sor.u32 $0x3000, s24;
	s28 =	sadd.s32 s25, s3;
	s26 =	sshrl.u32 s26, $0x3  }
0x10: {  	s24 =	sadd.s32 s24, s25;
	s28 =	sshrl.u32 s28, $0x3;
	s26 =	sadd.s32 s23, s26  }
0x11: {  	s24 =	sshrl.u32 s24, $0x3;
	[dreg:$0x4] =	wrdreg s26;
	s26 =	sadd.s32 s23, s28  }
0x12: {  	s24 =	sadd.s32 s23, s24;
	[dreg:$0x5] =	wrdreg s26;
	s26 =	sadd.s32 s25, s5  }
0x13: {  	[dreg:$0x3] =	wrdreg s24;
	s28 =	sadd.s32 s25, s6;
	s26 =	sshrl.u32 s26, $0x3  }
0x14: {  	s24 =	sadd.s32 s25, s4;
	s28 =	sshrl.u32 s28, $0x3;
	s26 =	sadd.s32 s23, s26  }
0x15: {  	s24 =	sshrl.u32 s24, $0x3;
	[dreg:$0x7] =	wrdreg s26;
	s26 =	sadd.s32 s23, s28  }
0x16: {  	s24 =	sadd.s32 s23, s24;
	[dreg:$0x8] =	wrdreg s26;
	s26 =	sadd.s32 s25, s8  }
0x17: {  	[dreg:$0x6] =	wrdreg s24;
	s28 =	sadd.s32 s25, s9;
	s26 =	sshrl.u32 s26, $0x3  }
0x18: {  	s24 =	sadd.s32 s25, s7;
	s28 =	sshrl.u32 s28, $0x3;
	s26 =	sadd.s32 s23, s26  }
0x19: {  	s24 =	sshrl.u32 s24, $0x3;
	[dreg:$0xa] =	wrdreg s26;
	s26 =	sadd.s32 s23, s28  }
0x1a: {  	s24 =	sadd.s32 s23, s24;
	[dreg:$0xb] =	wrdreg s26;
	s26 =	sadd.s32 s25, s11  }
0x1b: {  	[dreg:$0x9] =	wrdreg s24;
	s28 =	sadd.s32 s25, s13;
	s26 =	sshrl.u32 s26, $0x3  }
0x1c: {  	s24 =	sadd.s32 s25, s10;
	s28 =	sshrl.u32 s28, $0x3;
	s26 =	sadd.s32 s23, s26  }
0x1d: {  	s24 =	sshrl.u32 s24, $0x3;
	[dreg:$0xd] =	wrdreg s26;
	s26 =	sadd.s32 s23, s28  }
0x1e: {  	s24 =	sadd.s32 s23, s24;
	[dreg:$0xe] =	wrdreg s26;
	s26 =	sadd.s32 s25, s16  }
0x1f: {  	[dreg:$0xc] =	wrdreg s24;
	s28 =	sadd.s32 s25, s17;
	s26 =	sshrl.u32 s26, $0x3  }
0x20: {  	s24 =	sadd.s32 s25, s14;
	s28 =	sshrl.u32 s28, $0x3;
	s26 =	sadd.s32 s23, s26  }
0x21: {  	s24 =	sshrl.u32 s24, $0x3;
	[dreg:$0x10] =	wrdreg s26;
	s26 =	sadd.s32 s23, s28  }
0x22: {  	s24 =	sadd.s32 s23, s24;
	[dreg:$0x11] =	wrdreg s26;
	s26 =	sadd.s32 s25, s19  }
0x23: {  	[dreg:$0xf] =	wrdreg s24;
	s28 =	sadd.s32 s25, s21;
	s26 =	sshrl.u32 s26, $0x3  }
0x24: {  	s24 =	sadd.s32 s25, s18;
	s28 =	sshrl.u32 s28, $0x3;
	s26 =	sadd.s32 s23, s26  }
0x25: {  	s24 =	sshrl.u32 s24, $0x3;
	[dreg:$0x13] =	wrdreg s26;
	s26 =	sadd.s32 s23, s28  }
0x26: {  	s24 =	sadd.s32 s23, s24;
	[dreg:$0x14] =	wrdreg s26;
	s26 =	sadd.s32 s25, s22  }
0x27: {  	[dreg:$0x12] =	wrdreg s24;
	s25 =	sadd.s32 s25, s12;
	s24 =	sshrl.u32 s26, $0x3  }
0x28: {  	[smem:$0x7FF] =	sst s1;
	s25 =	sshrl.u32 s25, $0x3;
	s24 =	sadd.s32 s23, s24  }
0x29: {  	s0 =	smul.u32 $0x27100, s0;
	s23 =	sadd.s32 s23, s25;
	[dreg:$0x15] =	wrdreg s24  }
0x2a: {  	s26 =	smul.u32 $0x50000, s29;
	[dreg:$0x16] =	wrdreg s23  }
0x2b: {  	s25 =	sadd.s32 s0, s20;
	s23 =	rddreg [dreg:$0x1]  }
0x2c: {  	s26 =	sshrl.u32 s26, $0x2;
	s24 =	sadd.s32 $0x536600, s25;
	_ =	strace $0x8000005C  }
0x2d: {  	s26 =	sadd.s32 s26, s23;
	s28 =	sadd.s32 s2, s23;
	s29 =	sadd.s32 s3, s23  }
0x2e: {  	s30 =	sadd.s32 s4, s23;
	s31 =	sadd.s32 s5, s23;
	s20 =	sadd.s32 s6, s23  }
0x2f: {  	s0 =	sadd.s32 s7, s23;
	s2 =	sadd.s32 s8, s23;
	s3 =	sadd.s32 s9, s23  }
0x30: {  	s4 =	sadd.s32 s10, s23;
	s5 =	sadd.s32 s11, s23;
	s6 =	sadd.s32 s13, s23  }
0x31: {  	s7 =	sadd.s32 s14, s23;
	s11 =	sadd.s32 s19, s23;
	s19 =	sadd.s32 s21, s23  }
0x32: {  	s8 =	sadd.s32 s16, s23;
	s21 =	sadd.s32 s22, s23;
	[dreg:$0x17] =	wrdreg s19  }
0x33: {  	s9 =	sadd.s32 s17, s23;
	s12 =	sadd.s32 s12, s23;
	[dreg:$0x18] =	wrdreg s21  }
0x34: {  	s10 =	sadd.s32 s18, s23;
	s22 =	smax.u32 s15, $0x1;
	[dreg:$0x19] =	wrdreg s12  }
0x35: {  	s16 =	simm.s32 $0x6500;
	s17 =	simm.s32 $0x2;
	[dreg:$0x1a] =	wrdreg s22  }
0x36: {  	s18 =	simm.s32 $0x100;
	s25 =	rddreg [dreg:$0x1b];
	s19 =	simm.s32 $0x1  }
0x37: {  	v0 =	vimm.f32 $0.0e+00;
	s21 =	simm.s32 $0xC8;
	s22 =	simm.s32 $0x0;
	s15 =	sadd.s32 $0xF400, s25  }
.LBB2_1:
0x38: {  	s12 =	smov.u32 s11;
	s11 =	smov.u32 s10  }
0x39: {  	s10 =	smov.u32 s9;
	s9 =	smov.u32 s8;
	s8 =	smov.u32 s7  }
0x3a: {  	s7 =	smov.u32 s6;
	s6 =	smov.u32 s5;
	s5 =	smov.u32 s4  }
0x3b: {  	s4 =	smov.u32 s3;
	s3 =	smov.u32 s2;
	s2 =	smov.u32 s0  }
0x3c: {  	s0 =	smov.u32 s20;
	s20 =	smov.u32 s31;
	s31 =	smov.u32 s30  }
0x3d: {  	s30 =	smov.u32 s29;
	s29 =	smov.u32 s28;
	s13 =	sand.u32 $0x3E00, s1  }
0x3e: {  	s28 =	smov.u32 s26;
	s14 =	sand.u32 $0x70, s1;
	s25 =	sshrl.u32 s13, $0x2  }
0x3f: {  	s13 =	simm.s32 $0x40;
	s25 =	sor.u32 s14, s25;
	s14 =	simm.s32 $0x0  }
.LBB2_2:
0x40: {  	p0 =	sne.s32 s13, $0x3FC0  }
0x41: {  	[tilespmem:s25+$0x6500] =	vst v0;
	s14 =	sadd.s32 $0x10, s14;
	s25 =	smov.u32 s13;
	s13 =	sadd.s32 $0x40, s13  }
.Ltmp0:
0x42: {  	(pc) =	sbr.rel @p0 .LBB2_2-.Ltmp0, $4  }
0x43: {  	_ = 	snop  }
0x44: {  	s25 =	sand.u32 $0x3E00, s25  }
0x45: {  	s26 =	sand.u32 $0x70, s14;
	s25 =	sshrl.u32 s25, $0x2  }
0x46: {  	s25 =	sor.u32 s26, s25  }
0x47: {  	[tilespmem:s25+$0x6500] =	vst v0  }
0x48: {  	[spmem:s28] =	stream.linear.scatter [tilespmem:s16], [sflag:$0x2], $0x1000, $0x38;
	[tilespmem:$0x1B500] =	vst v63  }
0x49: {  	_ =	swait.ge [sflag:s17], $0x1000  }
0x4a: {  	[sflag:s17] =	ssyncset.done $0x0  }
0x4b: {  	[sflag:s17] =	ssyncadd.s32 $0xFFFFF000  }
0x4c: {  	[spmem:s29] =	stream.linear.scatter [tilespmem:s16], [sflag:$0x2], $0x1000, $0x38;
	[tilespmem:$0x1B500] =	vst v63  }
0x4d: {  	_ =	swait.ge [sflag:s17], $0x1000  }
0x4e: {  	[sflag:s17] =	ssyncset.done $0x0  }
0x4f: {  	[sflag:s17] =	ssyncadd.s32 $0xFFFFF000  }
0x50: {  	[spmem:s30] =	stream.linear.scatter [tilespmem:s16], [sflag:$0x2], $0x1000, $0x38;
	[tilespmem:$0x1B500] =	vst v63  }
0x51: {  	_ =	swait.ge [sflag:s17], $0x1000  }
0x52: {  	[sflag:s17] =	ssyncset.done $0x0  }
0x53: {  	[sflag:s17] =	ssyncadd.s32 $0xFFFFF000  }
0x54: {  	[spmem:s31] =	stream.linear.scatter [tilespmem:s16], [sflag:$0x2], $0x1000, $0x38;
	[tilespmem:$0x1B500] =	vst v63  }
0x55: {  	_ =	swait.ge [sflag:s17], $0x1000  }
0x56: {  	[sflag:s17] =	ssyncset.done $0x0  }
0x57: {  	[sflag:s17] =	ssyncadd.s32 $0xFFFFF000  }
0x58: {  	[spmem:s20] =	stream.linear.scatter [tilespmem:s16], [sflag:$0x2], $0x1000, $0x38;
	[tilespmem:$0x1B500] =	vst v63  }
0x59: {  	_ =	swait.ge [sflag:s17], $0x1000  }
0x5a: {  	[sflag:s17] =	ssyncset.done $0x0  }
0x5b: {  	[sflag:s17] =	ssyncadd.s32 $0xFFFFF000  }
0x5c: {  	[spmem:s0] =	stream.linear.scatter [tilespmem:s16], [sflag:$0x2], $0x1000, $0x38;
	[tilespmem:$0x1B500] =	vst v63  }
0x5d: {  	_ =	swait.ge [sflag:s17], $0x1000  }
0x5e: {  	[sflag:s17] =	ssyncset.done $0x0  }
0x5f: {  	[sflag:s17] =	ssyncadd.s32 $0xFFFFF000  }
0x60: {  	[spmem:s2] =	stream.linear.scatter [tilespmem:s16], [sflag:$0x2], $0x1000, $0x38;
	[tilespmem:$0x1B500] =	vst v63  }
0x61: {  	_ =	swait.ge [sflag:s17], $0x1000  }
0x62: {  	[sflag:s17] =	ssyncset.done $0x0  }
0x63: {  	[sflag:s17] =	ssyncadd.s32 $0xFFFFF000  }
0x64: {  	[spmem:s3] =	stream.linear.scatter [tilespmem:s16], [sflag:$0x2], $0x1000, $0x38;
	[tilespmem:$0x1B500] =	vst v63  }
0x65: {  	_ =	swait.ge [sflag:s17], $0x1000  }
0x66: {  	[sflag:s17] =	ssyncset.done $0x0  }
0x67: {  	[sflag:s17] =	ssyncadd.s32 $0xFFFFF000  }
0x68: {  	[spmem:s4] =	stream.linear.scatter [tilespmem:s16], [sflag:$0x2], $0x1000, $0x38;
	[tilespmem:$0x1B500] =	vst v63  }
0x69: {  	_ =	swait.ge [sflag:s17], $0x1000  }
0x6a: {  	[sflag:s17] =	ssyncset.done $0x0  }
0x6b: {  	[sflag:s17] =	ssyncadd.s32 $0xFFFFF000  }
0x6c: {  	[spmem:s5] =	stream.linear.scatter [tilespmem:s16], [sflag:$0x2], $0x1000, $0x38;
	[tilespmem:$0x1B500] =	vst v63  }
0x6d: {  	_ =	swait.ge [sflag:s17], $0x1000  }
0x6e: {  	[sflag:s17] =	ssyncset.done $0x0  }
0x6f: {  	[sflag:s17] =	ssyncadd.s32 $0xFFFFF000  }
0x70: {  	[spmem:s6] =	stream.linear.scatter [tilespmem:s16], [sflag:$0x2], $0x1000, $0x38;
	[tilespmem:$0x1B500] =	vst v63  }
0x71: {  	_ =	swait.ge [sflag:s17], $0x1000  }
0x72: {  	[sflag:s17] =	ssyncset.done $0x0  }
0x73: {  	[sflag:s17] =	ssyncadd.s32 $0xFFFFF000  }
0x74: {  	[spmem:s7] =	stream.linear.scatter [tilespmem:s16], [sflag:$0x2], $0x1000, $0x38;
	[tilespmem:$0x1B500] =	vst v63  }
0x75: {  	_ =	swait.ge [sflag:s17], $0x1000  }
0x76: {  	[sflag:s17] =	ssyncset.done $0x0  }
0x77: {  	[sflag:s17] =	ssyncadd.s32 $0xFFFFF000  }
0x78: {  	[spmem:s8] =	stream.linear.scatter [tilespmem:s16], [sflag:$0x2], $0x1000, $0x38;
	[tilespmem:$0x1B500] =	vst v63  }
0x79: {  	_ =	swait.ge [sflag:s17], $0x1000  }
0x7a: {  	[sflag:s17] =	ssyncset.done $0x0  }
0x7b: {  	[sflag:s17] =	ssyncadd.s32 $0xFFFFF000  }
0x7c: {  	[spmem:s9] =	stream.linear.scatter [tilespmem:s16], [sflag:$0x2], $0x1000, $0x38;
	[tilespmem:$0x1B500] =	vst v63  }
0x7d: {  	_ =	swait.ge [sflag:s17], $0x1000  }
0x7e: {  	[sflag:s17] =	ssyncset.done $0x0  }
0x7f: {  	[sflag:s17] =	ssyncadd.s32 $0xFFFFF000  }
0x80: {  	[spmem:s10] =	stream.linear.scatter [tilespmem:s16], [sflag:$0x2], $0x1000, $0x38;
	[tilespmem:$0x1B500] =	vst v63  }
0x81: {  	_ =	swait.ge [sflag:s17], $0x1000  }
0x82: {  	[sflag:s17] =	ssyncset.done $0x0  }
0x83: {  	[sflag:s17] =	ssyncadd.s32 $0xFFFFF000  }
0x84: {  	[spmem:s11] =	stream.linear.scatter [tilespmem:s16], [sflag:$0x2], $0x1000, $0x38;
	[tilespmem:$0x1B500] =	vst v63  }
0x85: {  	_ =	swait.ge [sflag:s17], $0x1000  }
0x86: {  	[sflag:s17] =	ssyncset.done $0x0  }
0x87: {  	[sflag:s17] =	ssyncadd.s32 $0xFFFFF000  }
0x88: {  	[spmem:s12] =	stream.linear.scatter [tilespmem:s16], [sflag:$0x2], $0x1000, $0x38;
	[tilespmem:$0x1B500] =	vst v63  }
0x89: {  	_ =	swait.ge [sflag:s17], $0x1000  }
0x8a: {  	[sflag:s17] =	ssyncset.done $0x0  }
0x8b: {  	s13 =	rddreg [dreg:$0x17];
	[sflag:s17] =	ssyncadd.s32 $0xFFFFF000  }
0x8c: {  	[spmem:s13] =	stream.linear.scatter [tilespmem:s16], [sflag:$0x2], $0x1000, $0x38;
	[tilespmem:$0x1B500] =	vst v63  }
0x8d: {  	_ =	swait.ge [sflag:s17], $0x1000  }
0x8e: {  	[sflag:s17] =	ssyncset.done $0x0  }
0x8f: {  	s14 =	rddreg [dreg:$0x18];
	[sflag:s17] =	ssyncadd.s32 $0xFFFFF000  }
0x90: {  	[spmem:s14] =	stream.linear.scatter [tilespmem:s16], [sflag:$0x2], $0x1000, $0x38;
	[tilespmem:$0x1B500] =	vst v63  }
0x91: {  	_ =	swait.ge [sflag:s17], $0x1000  }
0x92: {  	[sflag:s17] =	ssyncset.done $0x0  }
0x93: {  	s25 =	rddreg [dreg:$0x19];
	[sflag:s17] =	ssyncadd.s32 $0xFFFFF000  }
0x94: {  	[spmem:s25] =	stream.linear.scatter [tilespmem:s16], [sflag:$0x2], $0x1000, $0x38;
	[tilespmem:$0x1B500] =	vst v63  }
0x95: {  	_ =	swait.ge [sflag:s17], $0x1000  }
0x96: {  	[sflag:s17] =	ssyncset.done $0x0  }
0x97: {  	[sflag:s17] =	ssyncadd.s32 $0xFFFFF000  }
0x98: {  	s26 =	smov.u32 s28;
	[bflag:$0x0] =	sbarrier.arrive $0xFFFF  }
0x99: {  	[tilespmem:s18], [sflag:$0x1] =	stream.linear.gather [hbm4b:s24+s1], $0x6400, $0x38;
	[tilespmem:$0x1B500] =	vst v63  }
0x9a: {  	s28 =	smov.u32 s29;
	s29 =	smov.u32 s30;
	s13 =	sadd.s32 $0x0, s15  }
0x9b: {  	[tilespmem:s1], [sflag:$0x2] =	stream.linear.gather [hbm4b:s13+s1], $0xC8, $0x38;
	[tilespmem:$0x1B500] =	vst v63  }
0x9c: {  	s30 =	smov.u32 s31;
	s31 =	smov.u32 s20;
	_ =	swait.ge [sflag:s17], $0xC8  }
0x9d: {  	s20 =	smov.u32 s0;
	s0 =	smov.u32 s2;
	[sflag:s17] =	ssyncset.done $0x0  }
0x9e: {  	s2 =	smov.u32 s3;
	s3 =	smov.u32 s4;
	[sflag:s17] =	ssyncadd.s32 $0xFFFFFF38  }
0x9f: {  	s4 =	smov.u32 s5;
	s5 =	smov.u32 s6;
	_ =	swait.ge [sflag:s19], $0x6400  }
0xa0: {  	s6 =	smov.u32 s7;
	s7 =	smov.u32 s8;
	[sflag:s19] =	ssyncset.done $0x0  }
0xa1: {  	s8 =	smov.u32 s9;
	s9 =	smov.u32 s10;
	[sflag:s19] =	ssyncadd.s32 $0xFFFF9C00  }
0xa2: {  	[spmem:s23] =	stream.indirect.scatter.add.f32 [tilespmem:s18], [sflag:$0x2], $0x80, s1, s21, $0xb8;
	[tilespmem:$0x1B500] =	vst v63  }
0xa3: {  	s10 =	smov.u32 s11;
	s11 =	smov.u32 s12;
	_ =	swait.ge [sflag:s17], $0x6400  }
0xa4: {  	s14 =	smov.u32 s24;
	s13 =	simm.s32 $0x19;
	[sflag:s17] =	ssyncset.done $0x0  }
.LBB2_4:
0xa5: {  	p0 =	sne.s32 s13, $0x4C9;
	[sflag:s17] =	ssyncadd.s32 $0xFFFF9C00;
	s14 =	sadd.s32 $0xC80, s14  }
0xa6: {  	[tilespmem:s18], [sflag:$0x1] =	stream.linear.gather [hbm4b:s14+s1], $0x6400, $0x38;
	[tilespmem:$0x1B500] =	vst v63  }
0xa7: {  	s25 =	sadd.s32 s13, s15;
	s13 =	sadd.s32 $0x19, s13  }
0xa8: {  	[tilespmem:s1], [sflag:$0x2] =	stream.linear.gather [hbm4b:s25+s1], $0xC8, $0x38;
	[tilespmem:$0x1B500] =	vst v63  }
0xa9: {  	_ =	swait.ge [sflag:s17], $0xC8  }
0xaa: {  	[sflag:s17] =	ssyncset.done $0x0  }
0xab: {  	[sflag:s17] =	ssyncadd.s32 $0xFFFFFF38  }
0xac: {  	_ =	swait.ge [sflag:s19], $0x6400  }
.Ltmp1:
0xad: {  	[sflag:s19] =	ssyncset.done $0x0;
	(pc) =	sbr.rel @p0 .LBB2_4-.Ltmp1, $4  }
0xae: {  	[sflag:s19] =	ssyncadd.s32 $0xFFFF9C00  }
0xaf: {  	[spmem:s23] =	stream.indirect.scatter.add.f32 [tilespmem:s18], [sflag:$0x2], $0x80, s1, s21, $0xb8;
	[tilespmem:$0x1B500] =	vst v63  }
0xb0: {  	_ =	swait.ge [sflag:s17], $0x6400  }
0xb1: {  	[sflag:s17] =	ssyncset.done $0x0  }
0xb2: {  	[sflag:s17] =	ssyncadd.s32 $0xFFFF9C00;
	s13 =	stileid.u32  }
0xb3: {  	s13 =	sshll.u32 s13, $0x6;
	[bflag:$0x0] =	sbarrier.arrive $0xFFFF  }
0xb4: {  	s14 =	sshrl.u32 s26, $0x3;
	s13 =	sor.u32 $0x1C02, s13;
	s25 =	rddreg [dreg:$0x3]  }
0xb5: {  	[hbm:s25], [sflag:s13] =	dma.local [spmem:s14], $0x200  }
0xb6: {  	_ =	swait.ge [sflag:s17], $0x200  }
0xb7: {  	[sflag:s17] =	ssyncset.done $0x0  }
0xb8: {  	s25 =	sshrl.u32 s28, $0x3;
	s12 =	rddreg [dreg:$0x4];
	[sflag:s17] =	ssyncadd.s32 $0xFFFFFE00  }
0xb9: {  	[hbm:s12], [sflag:s13] =	dma.local [spmem:s25], $0x200  }
0xba: {  	_ =	swait.ge [sflag:s17], $0x200  }
0xbb: {  	[sflag:s17] =	ssyncset.done $0x0  }
0xbc: {  	s25 =	sshrl.u32 s29, $0x3;
	s12 =	rddreg [dreg:$0x5];
	[sflag:s17] =	ssyncadd.s32 $0xFFFFFE00  }
0xbd: {  	[hbm:s12], [sflag:s13] =	dma.local [spmem:s25], $0x200  }
0xbe: {  	_ =	swait.ge [sflag:s17], $0x200  }
0xbf: {  	[sflag:s17] =	ssyncset.done $0x0  }
0xc0: {  	s25 =	sshrl.u32 s30, $0x3;
	s12 =	rddreg [dreg:$0x6];
	[sflag:s17] =	ssyncadd.s32 $0xFFFFFE00  }
0xc1: {  	[hbm:s12], [sflag:s13] =	dma.local [spmem:s25], $0x200  }
0xc2: {  	_ =	swait.ge [sflag:s17], $0x200  }
0xc3: {  	[sflag:s17] =	ssyncset.done $0x0  }
0xc4: {  	s25 =	sshrl.u32 s31, $0x3;
	s12 =	rddreg [dreg:$0x7];
	[sflag:s17] =	ssyncadd.s32 $0xFFFFFE00  }
0xc5: {  	[hbm:s12], [sflag:s13] =	dma.local [spmem:s25], $0x200  }
0xc6: {  	_ =	swait.ge [sflag:s17], $0x200  }
0xc7: {  	[sflag:s17] =	ssyncset.done $0x0  }
0xc8: {  	s25 =	sshrl.u32 s20, $0x3;
	s12 =	rddreg [dreg:$0x8];
	[sflag:s17] =	ssyncadd.s32 $0xFFFFFE00  }
0xc9: {  	[hbm:s12], [sflag:s13] =	dma.local [spmem:s25], $0x200  }
0xca: {  	_ =	swait.ge [sflag:s17], $0x200  }
0xcb: {  	[sflag:s17] =	ssyncset.done $0x0  }
0xcc: {  	s25 =	sshrl.u32 s0, $0x3;
	s12 =	rddreg [dreg:$0x9];
	[sflag:s17] =	ssyncadd.s32 $0xFFFFFE00  }
0xcd: {  	[hbm:s12], [sflag:s13] =	dma.local [spmem:s25], $0x200  }
0xce: {  	_ =	swait.ge [sflag:s17], $0x200  }
0xcf: {  	[sflag:s17] =	ssyncset.done $0x0  }
0xd0: {  	s25 =	sshrl.u32 s2, $0x3;
	s12 =	rddreg [dreg:$0xa];
	[sflag:s17] =	ssyncadd.s32 $0xFFFFFE00  }
0xd1: {  	[hbm:s12], [sflag:s13] =	dma.local [spmem:s25], $0x200  }
0xd2: {  	_ =	swait.ge [sflag:s17], $0x200  }
0xd3: {  	[sflag:s17] =	ssyncset.done $0x0  }
0xd4: {  	s25 =	sshrl.u32 s3, $0x3;
	s12 =	rddreg [dreg:$0xb];
	[sflag:s17] =	ssyncadd.s32 $0xFFFFFE00  }
0xd5: {  	[hbm:s12], [sflag:s13] =	dma.local [spmem:s25], $0x200  }
0xd6: {  	_ =	swait.ge [sflag:s17], $0x200  }
0xd7: {  	[sflag:s17] =	ssyncset.done $0x0  }
0xd8: {  	s25 =	sshrl.u32 s4, $0x3;
	s12 =	rddreg [dreg:$0xc];
	[sflag:s17] =	ssyncadd.s32 $0xFFFFFE00  }
0xd9: {  	[hbm:s12], [sflag:s13] =	dma.local [spmem:s25], $0x200  }
0xda: {  	_ =	swait.ge [sflag:s17], $0x200  }
0xdb: {  	[sflag:s17] =	ssyncset.done $0x0  }
0xdc: {  	s25 =	sshrl.u32 s5, $0x3;
	s12 =	rddreg [dreg:$0xd];
	[sflag:s17] =	ssyncadd.s32 $0xFFFFFE00  }
0xdd: {  	[hbm:s12], [sflag:s13] =	dma.local [spmem:s25], $0x200  }
0xde: {  	_ =	swait.ge [sflag:s17], $0x200  }
0xdf: {  	[sflag:s17] =	ssyncset.done $0x0  }
0xe0: {  	s25 =	sshrl.u32 s6, $0x3;
	s12 =	rddreg [dreg:$0xe];
	[sflag:s17] =	ssyncadd.s32 $0xFFFFFE00  }
0xe1: {  	[hbm:s12], [sflag:s13] =	dma.local [spmem:s25], $0x200  }
0xe2: {  	_ =	swait.ge [sflag:s17], $0x200  }
0xe3: {  	[sflag:s17] =	ssyncset.done $0x0  }
0xe4: {  	s25 =	sshrl.u32 s7, $0x3;
	s12 =	rddreg [dreg:$0xf];
	[sflag:s17] =	ssyncadd.s32 $0xFFFFFE00  }
0xe5: {  	[hbm:s12], [sflag:s13] =	dma.local [spmem:s25], $0x200  }
0xe6: {  	_ =	swait.ge [sflag:s17], $0x200  }
0xe7: {  	[sflag:s17] =	ssyncset.done $0x0  }
0xe8: {  	s25 =	sshrl.u32 s8, $0x3;
	s12 =	rddreg [dreg:$0x10];
	[sflag:s17] =	ssyncadd.s32 $0xFFFFFE00  }
0xe9: {  	[hbm:s12], [sflag:s13] =	dma.local [spmem:s25], $0x200  }
0xea: {  	_ =	swait.ge [sflag:s17], $0x200  }
0xeb: {  	[sflag:s17] =	ssyncset.done $0x0  }
0xec: {  	s25 =	sshrl.u32 s9, $0x3;
	s12 =	rddreg [dreg:$0x11];
	[sflag:s17] =	ssyncadd.s32 $0xFFFFFE00  }
0xed: {  	[hbm:s12], [sflag:s13] =	dma.local [spmem:s25], $0x200  }
0xee: {  	_ =	swait.ge [sflag:s17], $0x200  }
0xef: {  	[sflag:s17] =	ssyncset.done $0x0  }
0xf0: {  	s25 =	sshrl.u32 s10, $0x3;
	s12 =	rddreg [dreg:$0x12];
	[sflag:s17] =	ssyncadd.s32 $0xFFFFFE00  }
0xf1: {  	[hbm:s12], [sflag:s13] =	dma.local [spmem:s25], $0x200  }
0xf2: {  	_ =	swait.ge [sflag:s17], $0x200  }
0xf3: {  	[sflag:s17] =	ssyncset.done $0x0  }
0xf4: {  	s25 =	sshrl.u32 s11, $0x3;
	s12 =	rddreg [dreg:$0x13];
	[sflag:s17] =	ssyncadd.s32 $0xFFFFFE00  }
0xf5: {  	[hbm:s12], [sflag:s13] =	dma.local [spmem:s25], $0x200  }
0xf6: {  	_ =	swait.ge [sflag:s17], $0x200  }
0xf7: {  	[sflag:s17] =	ssyncset.done $0x0;
	s12 =	rddreg [dreg:$0x17]  }
0xf8: {  	[sflag:s17] =	ssyncadd.s32 $0xFFFFFE00;
	s25 =	sshrl.u32 s12, $0x3;
	s12 =	rddreg [dreg:$0x14]  }
0xf9: {  	[hbm:s12], [sflag:s13] =	dma.local [spmem:s25], $0x200  }
0xfa: {  	_ =	swait.ge [sflag:s17], $0x200  }
0xfb: {  	[sflag:s17] =	ssyncset.done $0x0;
	s14 =	rddreg [dreg:$0x18]  }
0xfc: {  	s12 =	rddreg [dreg:$0x15];
	[sflag:s17] =	ssyncadd.s32 $0xFFFFFE00;
	s25 =	sshrl.u32 s14, $0x3  }
0xfd: {  	[hbm:s12], [sflag:s13] =	dma.local [spmem:s25], $0x200  }
0xfe: {  	_ =	swait.ge [sflag:s17], $0x200  }
0xff: {  	[sflag:s17] =	ssyncset.done $0x0;
	s14 =	rddreg [dreg:$0x19]  }
0x100: {  	s12 =	rddreg [dreg:$0x16];
	[sflag:s17] =	ssyncadd.s32 $0xFFFFFE00;
	s25 =	sshrl.u32 s14, $0x3  }
0x101: {  	[hbm:s12], [sflag:s13] =	dma.local [spmem:s25], $0x200  }
0x102: {  	_ =	swait.ge [sflag:s17], $0x200  }
0x103: {  	s22 =	sadd.s32 $0x1, s22;
	s25 =	rddreg [dreg:$0x1a]  }
0x104: {  	p0 =	sne.s32 s22, s25  }
.Ltmp2:
0x105: {  	_ = 	snop;
	(pc) =	sbr.rel @p0 .LBB2_1-.Ltmp2, $3  }
0x106: {  	_ =	sdelay $0x1  }
0x107: {  	[sflag:s17] =	ssyncset.done $0x0  }
0x108: {  	[sflag:s17] =	ssyncadd.s32 $0xFFFFFE00  }
0x109: {  	_ =	sfence.sel $0x180000  }
0x10a: {  	[bflag:$0x0] =	sbarrier.arrive $0xFFFF  }
0x10b: {  	_ =	strace $0x9000005C  }
0x10c: {  	s0 =	stileid.u32;
	[bflag:$0x2] =	sbarrier.arrive $0xFFFF  }
0x10d: {  	p0 =	sne.s32 s0, $0x0;
	s0 =	rddreg [dreg:$0x2]  }
0x10e: {  	s0 =	sadd.s32 @!p0 $0x100000, s0  }
0x10f: {  	[sflag:s0] =	ssyncadd.tile.s32 @!p0 $0x1;
	_ =	shalt  }
.Lfunc_end2:
_tile_overlayer_lowered:
.L_overlay_start_2:
0x110: {  	(tag) =	ssettag $0x2  }
0x111: {  	s0 =	rddreg [dreg:$0x0];
	s2 =	stileid.u32  }
0x112: {  	s1 =	rddreg [dreg:$0x1];
	p0 =	sne.s32 s2, $0x0  }
0x113: {  	s3 =	rddreg [dreg:$0x2];
	[bflag:$0x3] =	sbarrier.arrive $0xFFFF;
	s2 =	simm.s32 @!p0 $0x1C02  }
0x114: {  	[timem:s3], [sflag:s2] =	dma.local @!p0 [hbm:s0], s1  }
0x115: {  	s0 =	simm.s32 @!p0 $0x2  }
0x116: {  	_ =	swait.ge @!p0 [sflag:s0], s1  }
0x117: {  	s1 =	ssub.s32 @!p0 $0x0, s1;
	[sflag:s0] =	ssyncset.done @!p0 $0x0  }
0x118: {  	[sflag:s0] =	ssyncadd.s32 @!p0 s1  }
0x119: {  	[bflag:$0x3] =	sbarrier.arrive $0xFFFF  }
0x11a: {  	_ =	shalt  }

</sc_bundles>
